<compile_context>
chip_gen: v7x
topology: tpu7x:2x2x1
jax: 0.10.2.dev20260603
libtpu: 0.0.44.dev20260713+nightly
codegen_flags: <defaults>
</compile_context>

<pallas_src>
import math

import jax
import jax.numpy as jnp
from jax import lax
from jax.experimental import pallas as pl
from jax.experimental.pallas import tpu as pltpu
from jax.experimental.pallas import tpu_sc as plsc

_D = 32
_SCALE = math.sqrt(float(_D))
_NC, _NS = 2, 16
_NW = _NC * _NS
_G = 128
_CB = 256
_GU = _CB // _G
_L = 16
_NBUF = 5
_PT = _CB + 8


def _worker(table_hbm, idx_hbm, out_hbm, *scratch):
  idx_v = scratch[0]
  bufs = scratch[1:1 + _NBUF]
  bufTs = scratch[1 + _NBUF:1 + 2 * _NBUF]
  gsems = scratch[1 + 2 * _NBUF:1 + 3 * _NBUF]
  ssems = scratch[1 + 3 * _NBUF:1 + 4 * _NBUF]

  batch = out_hbm.shape[2]
  jb_per_s = batch // _CB
  n_units = idx_v.shape[0] // _GU
  wid = lax.axis_index("s") * _NC + lax.axis_index("c")
  u0 = wid * n_units
  iota = lax.iota(jnp.int32, _L)

  pltpu.sync_copy(idx_hbm.at[wid], idx_v)

  def issue_gathers(t, j):
    for g in range(_GU):
      pltpu.async_copy(table_hbm.at[idx_v.at[t * _GU + g]],
                       bufs[j].at[pl.ds(g * _G, _G)], gsems[j])

  def drain_gathers(j):
    for g in range(_GU):
      pltpu.make_async_copy(table_hbm.at[idx_v.at[0]],
                            bufs[j].at[pl.ds(g * _G, _G)], gsems[j]).wait()

  iota2 = iota + _L

  def transpose_scale(j):
    buf, bufT = bufs[j], bufTs[j]

    @pl.loop(0, _CB // _L)
    def _(k):
      b0 = k * _L
      for bb in range(_L):
        cols = jnp.full((_L,), bb, jnp.int32) + b0
        plsc.store_scatter(bufT, [iota, cols],
                           buf[b0 + bb, pl.ds(0, _L)] * _SCALE)
        plsc.store_scatter(bufT, [iota2, cols],
                           buf[b0 + bb, pl.ds(_L, _L)] * _SCALE)

  def issue_write(t, j):
    u = u0 + t
    s = u // jb_per_s
    jb = u % jb_per_s
    pltpu.async_copy(bufTs[j].at[:, pl.ds(0, _CB)],
                     out_hbm.at[s, :, pl.ds(jb * _CB, _CB)], ssems[j])

  def wait_write(j):
    pltpu.make_async_copy(bufTs[j].at[:, pl.ds(0, _CB)],
                          out_hbm.at[0, :, pl.ds(0, _CB)], ssems[j]).wait()

  for j in range(_NBUF - 1):
    issue_gathers(j, j)

  @pl.loop(0, n_units, step=_NBUF)
  def _(q):
    for j in range(_NBUF):
      t = q + j
      drain_gathers(j)
      transpose_scale(j)
      issue_write(t, j)
      jn = (j + _NBUF - 1) % _NBUF

      @pl.when(t + _NBUF - 1 < n_units)
      def _():
        @pl.when(t > 0)
        def _():
          wait_write(jn)

        issue_gathers(t + _NBUF - 1, jn)

  for j in range(_NBUF):
    wait_write(j)


@jax.jit
def kernel(token_tensor, table):
  batch, seq = token_tensor.shape
  n_tok = batch * seq
  n_idx_rows = n_tok // (_NW * _G)
  idx3 = (token_tensor.T.astype(jnp.int32) * 4).reshape(_NW, n_idx_rows, _G)
  table_p = jnp.pad(table, ((0, 0), (0, 96))).reshape(4 * table.shape[0], _D)

  mesh = plsc.VectorSubcoreMesh(core_axis_name="c", subcore_axis_name="s")
  scratch = [pltpu.VMEM((n_idx_rows, _G), jnp.int32)]
  scratch += [pltpu.VMEM((_CB, _D), jnp.float32) for _ in range(_NBUF)]
  scratch += [pltpu.VMEM((_D, _PT), jnp.float32) for _ in range(_NBUF)]
  scratch += [pltpu.SemaphoreType.DMA for _ in range(2 * _NBUF)]
  run = pl.kernel(
      _worker,
      out_type=jax.ShapeDtypeStruct((seq, _D, batch), jnp.float32),
      mesh=mesh,
      compiler_params=pltpu.CompilerParams(use_tc_tiling_on_sc=False,
                                           needs_layout_passes=False),
      scratch_types=scratch,
  )
  out = run(table_p, idx3)
  return out.transpose(2, 0, 1)

# --- scband reference (transcript-rebuilt; emitter-appended) ---
"""Pipeline reference for scband-token-embedding-sub-layer-18794776887522 (READ-ONLY COPY).

The authoritative reference and input builder live on the scoring server;
editing this copy changes nothing except your own understanding.
"""

import jax, jax.numpy as jnp
import numpy as np

VOCAB = 1000000
EMBED_DIM = 32
PAD_ID = 0
BATCH = 16384
SEQ = 50
SCALE = float(np.sqrt(EMBED_DIM))


def setup_inputs(seed: int = 0) -> dict:
    key = jax.random.key(seed)
    k1, k2 = jax.random.split(key)
    token_tensor = jax.random.randint(k1, (BATCH, SEQ), 0, VOCAB)
    table = jax.random.normal(k2, (VOCAB, EMBED_DIM), dtype=jnp.float32)
    # nn.Embedding with padding_idx initializes the pad row to zeros
    table = table.at[PAD_ID].set(0.0)
    return {"token_tensor": token_tensor, "table": table}


def reference(token_tensor, table):
    # output = Embedding(token_tensor) * sqrt(embedding_dim)
    out = jnp.take(table, token_tensor, axis=0)
    out = out * SCALE
    return out

if __name__ == "__main__":
    import jax
    _d = setup_inputs()
    print(jax.jit(kernel)(*tuple(_d.values())))

</pallas_src>

<mosaic_0001>
#map = affine_map<(d0, d1) -> (0, 0)>
#map1 = affine_map<(d0, d1) -> (0, 0, 0)>
module attributes {stable_mosaic.version = 14 : i64} {
  func.func @_worker(%arg0: i32, %arg1: i32, %arg2: memref<4000000x32xf32, #tpu.memory_space<hbm>>, %arg3: memref<32x200x128xi32, #tpu.memory_space<hbm>>, %arg4: memref<50x32x16384xf32, #tpu.memory_space<hbm>>, %arg5: memref<200x128xi32, #tpu.memory_space<vmem>>, %arg6: memref<256x32xf32, #tpu.memory_space<vmem>>, %arg7: memref<256x32xf32, #tpu.memory_space<vmem>>, %arg8: memref<256x32xf32, #tpu.memory_space<vmem>>, %arg9: memref<256x32xf32, #tpu.memory_space<vmem>>, %arg10: memref<256x32xf32, #tpu.memory_space<vmem>>, %arg11: memref<32x264xf32, #tpu.memory_space<vmem>>, %arg12: memref<32x264xf32, #tpu.memory_space<vmem>>, %arg13: memref<32x264xf32, #tpu.memory_space<vmem>>, %arg14: memref<32x264xf32, #tpu.memory_space<vmem>>, %arg15: memref<32x264xf32, #tpu.memory_space<vmem>>, %arg16: memref<!tpu.dma_semaphore, #tpu.memory_space<semaphore_mem>>, %arg17: memref<!tpu.dma_semaphore, #tpu.memory_space<semaphore_mem>>, %arg18: memref<!tpu.dma_semaphore, #tpu.memory_space<semaphore_mem>>, %arg19: memref<!tpu.dma_semaphore, #tpu.memory_space<semaphore_mem>>, %arg20: memref<!tpu.dma_semaphore, #tpu.memory_space<semaphore_mem>>, %arg21: memref<!tpu.dma_semaphore, #tpu.memory_space<semaphore_mem>>, %arg22: memref<!tpu.dma_semaphore, #tpu.memory_space<semaphore_mem>>, %arg23: memref<!tpu.dma_semaphore, #tpu.memory_space<semaphore_mem>>, %arg24: memref<!tpu.dma_semaphore, #tpu.memory_space<semaphore_mem>>, %arg25: memref<!tpu.dma_semaphore, #tpu.memory_space<semaphore_mem>>) attributes {dimension_semantics = [#tpu.dimension_semantics<core_parallel>, #tpu.dimension_semantics<subcore_parallel>], iteration_bounds = array<i64: 2, 16>, scalar_prefetch = 0 : i64, scratch_operands = 21 : i64, tpu.core_type = #tpu.core_type<sc_vector_subcore>, window_params = [{transform_indices = #map}, {transform_indices = #map1}, {transform_indices = #map1}]} {
    %mul3A = arith.constant 2 : i32
    %mul3A_0 = arith.muli %arg1, %mul3A : i32
    %add3A = arith.addi %mul3A_0, %arg0 : i32
    %mul3A_1 = arith.constant 100 : i32
    %mul3A_2 = arith.muli %add3A, %mul3A_1 : i32
    %iota3A = tpu.iota {dimensions = array<i32: 0>} : vector<16xi32>
    "tpu.region"() ({
      %run_scoped3A = tpu.sem_alloc : memref<!tpu.dma_semaphore, #tpu.memory_space<semaphore_mem>>
      %dma_start3A_163 = arith.constant 0 : i32
      %dma_start3A_164 = arith.constant 0 : i32
      %dma_start3A_165 = tpu.memref_slice %arg3[%add3A, %dma_start3A_163, %dma_start3A_164] : memref<32x200x128xi32, #tpu.memory_space<hbm>> -> memref<1x200x128xi32, #tpu.memory_space<hbm>>
      %dma_start3A_166 = tpu.memref_squeeze %dma_start3A_165 : memref<1x200x128xi32, #tpu.memory_space<hbm>> -> memref<200x128xi32, #tpu.memory_space<hbm>>
      %dma_start3A_167 = arith.constant 0 : i32
      %dma_start3A_168 = arith.constant 0 : i32
      %dma_start3A_169 = tpu.memref_slice %arg3[%add3A, %dma_start3A_167, %dma_start3A_168] : memref<32x200x128xi32, #tpu.memory_space<hbm>> -> memref<1x200x128xi32, #tpu.memory_space<hbm>>
      %dma_start3A_170 = tpu.memref_squeeze %dma_start3A_169 : memref<1x200x128xi32, #tpu.memory_space<hbm>> -> memref<200x128xi32, #tpu.memory_space<hbm>>
      tpu.enqueue_dma source(%dma_start3A_170 : memref<200x128xi32, #tpu.memory_space<hbm>>) target(%arg5 : memref<200x128xi32, #tpu.memory_space<vmem>>) target_semaphore(%run_scoped3A : memref<!tpu.dma_semaphore, #tpu.memory_space<semaphore_mem>>)
      %dma_wait3A_171 = arith.constant 0 : i32
      %dma_wait3A_172 = arith.constant 0 : i32
      %dma_wait3A_173 = tpu.memref_slice %arg3[%add3A, %dma_wait3A_171, %dma_wait3A_172] : memref<32x200x128xi32, #tpu.memory_space<hbm>> -> memref<1x200x128xi32, #tpu.memory_space<hbm>>
      %dma_wait3A_174 = tpu.memref_squeeze %dma_wait3A_173 : memref<1x200x128xi32, #tpu.memory_space<hbm>> -> memref<200x128xi32, #tpu.memory_space<hbm>>
      %dma_wait3A_175 = arith.constant 0 : i32
      %dma_wait3A_176 = arith.constant 0 : i32
      %dma_wait3A_177 = tpu.memref_slice %arg3[%add3A, %dma_wait3A_175, %dma_wait3A_176] : memref<32x200x128xi32, #tpu.memory_space<hbm>> -> memref<1x200x128xi32, #tpu.memory_space<hbm>>
      %dma_wait3A_178 = tpu.memref_squeeze %dma_wait3A_177 : memref<1x200x128xi32, #tpu.memory_space<hbm>> -> memref<200x128xi32, #tpu.memory_space<hbm>>
      tpu.wait_dma2 semaphore(%run_scoped3A : memref<!tpu.dma_semaphore, #tpu.memory_space<semaphore_mem>>) src(%dma_wait3A_178 : memref<200x128xi32, #tpu.memory_space<hbm>>) dst(%arg5 : memref<200x128xi32, #tpu.memory_space<vmem>>)
      tpu.yield
    }) : () -> ()
    %add3A_3 = arith.constant 16 : i32
    %add3A_4 = vector.broadcast %add3A_3 : i32 to vector<16xi32>
    %add3A_5 = arith.addi %iota3A, %add3A_4 : vector<16xi32>
    %dma_start3A = arith.constant 0 : i32
    %dma_start3A_6 = arith.constant 0 : i32
    %dma_start3A_7 = arith.constant 0 : i32
    %dma_start3A_8 = tpu.memref_slice %arg6[%dma_start3A_6, %dma_start3A_7] : memref<256x32xf32, #tpu.memory_space<vmem>> -> memref<128x32xf32, #tpu.memory_space<vmem>>
    %dma_start3A_9 = arith.constant 0 : i32
    %dma_start3A_10 = tpu.memref_slice %arg5[%dma_start3A, %dma_start3A_9] : memref<200x128xi32, #tpu.memory_space<vmem>> -> memref<1x128xi32, #tpu.memory_space<vmem>>
    %dma_start3A_11 = tpu.memref_squeeze %dma_start3A_10 : memref<1x128xi32, #tpu.memory_space<vmem>> -> memref<128xi32, #tpu.memory_space<vmem>>
    %dma_start3A_12 = arith.constant 0 : i32
    %dma_start3A_13 = arith.constant 0 : i32
    %dma_start3A_14 = tpu.memref_slice %arg2[%dma_start3A_12, %dma_start3A_13] : memref<4000000x32xf32, #tpu.memory_space<hbm>> -> memref<4000000x32xf32, #tpu.memory_space<hbm>>
    tpu.enqueue_indirect_dma source(%dma_start3A_14 : memref<4000000x32xf32, #tpu.memory_space<hbm>>) target(%dma_start3A_8 : memref<128x32xf32, #tpu.memory_space<vmem>>) offsets(%dma_start3A_11 : memref<128xi32, #tpu.memory_space<vmem>>) semaphore(%arg16 : memref<!tpu.dma_semaphore, #tpu.memory_space<semaphore_mem>>)
    %dma_start3A_15 = arith.constant 1 : i32
    %dma_start3A_16 = arith.constant 128 : i32
    %dma_start3A_17 = arith.constant 0 : i32
    %dma_start3A_18 = tpu.memref_slice %arg6[%dma_start3A_16, %dma_start3A_17] : memref<256x32xf32, #tpu.memory_space<vmem>> -> memref<128x32xf32, #tpu.memory_space<vmem>>
    %dma_start3A_19 = arith.constant 0 : i32
    %dma_start3A_20 = tpu.memref_slice %arg5[%dma_start3A_15, %dma_start3A_19] : memref<200x128xi32, #tpu.memory_space<vmem>> -> memref<1x128xi32, #tpu.memory_space<vmem>>
    %dma_start3A_21 = tpu.memref_squeeze %dma_start3A_20 : memref<1x128xi32, #tpu.memory_space<vmem>> -> memref<128xi32, #tpu.memory_space<vmem>>
    %dma_start3A_22 = arith.constant 0 : i32
    %dma_start3A_23 = arith.constant 0 : i32
    %dma_start3A_24 = tpu.memref_slice %arg2[%dma_start3A_22, %dma_start3A_23] : memref<4000000x32xf32, #tpu.memory_space<hbm>> -> memref<4000000x32xf32, #tpu.memory_space<hbm>>
    tpu.enqueue_indirect_dma source(%dma_start3A_24 : memref<4000000x32xf32, #tpu.memory_space<hbm>>) target(%dma_start3A_18 : memref<128x32xf32, #tpu.memory_space<vmem>>) offsets(%dma_start3A_21 : memref<128xi32, #tpu.memory_space<vmem>>) semaphore(%arg16 : memref<!tpu.dma_semaphore, #tpu.memory_space<semaphore_mem>>)
    %dma_start3A_25 = arith.constant 2 : i32
    %dma_start3A_26 = arith.constant 0 : i32
    %dma_start3A_27 = arith.constant 0 : i32
    %dma_start3A_28 = tpu.memref_slice %arg7[%dma_start3A_26, %dma_start3A_27] : memref<256x32xf32, #tpu.memory_space<vmem>> -> memref<128x32xf32, #tpu.memory_space<vmem>>
    %dma_start3A_29 = arith.constant 0 : i32
    %dma_start3A_30 = tpu.memref_slice %arg5[%dma_start3A_25, %dma_start3A_29] : memref<200x128xi32, #tpu.memory_space<vmem>> -> memref<1x128xi32, #tpu.memory_space<vmem>>
    %dma_start3A_31 = tpu.memref_squeeze %dma_start3A_30 : memref<1x128xi32, #tpu.memory_space<vmem>> -> memref<128xi32, #tpu.memory_space<vmem>>
    %dma_start3A_32 = arith.constant 0 : i32
    %dma_start3A_33 = arith.constant 0 : i32
    %dma_start3A_34 = tpu.memref_slice %arg2[%dma_start3A_32, %dma_start3A_33] : memref<4000000x32xf32, #tpu.memory_space<hbm>> -> memref<4000000x32xf32, #tpu.memory_space<hbm>>
    tpu.enqueue_indirect_dma source(%dma_start3A_34 : memref<4000000x32xf32, #tpu.memory_space<hbm>>) target(%dma_start3A_28 : memref<128x32xf32, #tpu.memory_space<vmem>>) offsets(%dma_start3A_31 : memref<128xi32, #tpu.memory_space<vmem>>) semaphore(%arg17 : memref<!tpu.dma_semaphore, #tpu.memory_space<semaphore_mem>>)
    %dma_start3A_35 = arith.constant 3 : i32
    %dma_start3A_36 = arith.constant 128 : i32
    %dma_start3A_37 = arith.constant 0 : i32
    %dma_start3A_38 = tpu.memref_slice %arg7[%dma_start3A_36, %dma_start3A_37] : memref<256x32xf32, #tpu.memory_space<vmem>> -> memref<128x32xf32, #tpu.memory_space<vmem>>
    %dma_start3A_39 = arith.constant 0 : i32
    %dma_start3A_40 = tpu.memref_slice %arg5[%dma_start3A_35, %dma_start3A_39] : memref<200x128xi32, #tpu.memory_space<vmem>> -> memref<1x128xi32, #tpu.memory_space<vmem>>
    %dma_start3A_41 = tpu.memref_squeeze %dma_start3A_40 : memref<1x128xi32, #tpu.memory_space<vmem>> -> memref<128xi32, #tpu.memory_space<vmem>>
    %dma_start3A_42 = arith.constant 0 : i32
    %dma_start3A_43 = arith.constant 0 : i32
    %dma_start3A_44 = tpu.memref_slice %arg2[%dma_start3A_42, %dma_start3A_43] : memref<4000000x32xf32, #tpu.memory_space<hbm>> -> memref<4000000x32xf32, #tpu.memory_space<hbm>>
    tpu.enqueue_indirect_dma source(%dma_start3A_44 : memref<4000000x32xf32, #tpu.memory_space<hbm>>) target(%dma_start3A_38 : memref<128x32xf32, #tpu.memory_space<vmem>>) offsets(%dma_start3A_41 : memref<128xi32, #tpu.memory_space<vmem>>) semaphore(%arg17 : memref<!tpu.dma_semaphore, #tpu.memory_space<semaphore_mem>>)
    %dma_start3A_45 = arith.constant 4 : i32
    %dma_start3A_46 = arith.constant 0 : i32
    %dma_start3A_47 = arith.constant 0 : i32
    %dma_start3A_48 = tpu.memref_slice %arg8[%dma_start3A_46, %dma_start3A_47] : memref<256x32xf32, #tpu.memory_space<vmem>> -> memref<128x32xf32, #tpu.memory_space<vmem>>
    %dma_start3A_49 = arith.constant 0 : i32
    %dma_start3A_50 = tpu.memref_slice %arg5[%dma_start3A_45, %dma_start3A_49] : memref<200x128xi32, #tpu.memory_space<vmem>> -> memref<1x128xi32, #tpu.memory_space<vmem>>
    %dma_start3A_51 = tpu.memref_squeeze %dma_start3A_50 : memref<1x128xi32, #tpu.memory_space<vmem>> -> memref<128xi32, #tpu.memory_space<vmem>>
    %dma_start3A_52 = arith.constant 0 : i32
    %dma_start3A_53 = arith.constant 0 : i32
    %dma_start3A_54 = tpu.memref_slice %arg2[%dma_start3A_52, %dma_start3A_53] : memref<4000000x32xf32, #tpu.memory_space<hbm>> -> memref<4000000x32xf32, #tpu.memory_space<hbm>>
    tpu.enqueue_indirect_dma source(%dma_start3A_54 : memref<4000000x32xf32, #tpu.memory_space<hbm>>) target(%dma_start3A_48 : memref<128x32xf32, #tpu.memory_space<vmem>>) offsets(%dma_start3A_51 : memref<128xi32, #tpu.memory_space<vmem>>) semaphore(%arg18 : memref<!tpu.dma_semaphore, #tpu.memory_space<semaphore_mem>>)
    %dma_start3A_55 = arith.constant 5 : i32
    %dma_start3A_56 = arith.constant 128 : i32
    %dma_start3A_57 = arith.constant 0 : i32
    %dma_start3A_58 = tpu.memref_slice %arg8[%dma_start3A_56, %dma_start3A_57] : memref<256x32xf32, #tpu.memory_space<vmem>> -> memref<128x32xf32, #tpu.memory_space<vmem>>
    %dma_start3A_59 = arith.constant 0 : i32
    %dma_start3A_60 = tpu.memref_slice %arg5[%dma_start3A_55, %dma_start3A_59] : memref<200x128xi32, #tpu.memory_space<vmem>> -> memref<1x128xi32, #tpu.memory_space<vmem>>
    %dma_start3A_61 = tpu.memref_squeeze %dma_start3A_60 : memref<1x128xi32, #tpu.memory_space<vmem>> -> memref<128xi32, #tpu.memory_space<vmem>>
    %dma_start3A_62 = arith.constant 0 : i32
    %dma_start3A_63 = arith.constant 0 : i32
    %dma_start3A_64 = tpu.memref_slice %arg2[%dma_start3A_62, %dma_start3A_63] : memref<4000000x32xf32, #tpu.memory_space<hbm>> -> memref<4000000x32xf32, #tpu.memory_space<hbm>>
    tpu.enqueue_indirect_dma source(%dma_start3A_64 : memref<4000000x32xf32, #tpu.memory_space<hbm>>) target(%dma_start3A_58 : memref<128x32xf32, #tpu.memory_space<vmem>>) offsets(%dma_start3A_61 : memref<128xi32, #tpu.memory_space<vmem>>) semaphore(%arg18 : memref<!tpu.dma_semaphore, #tpu.memory_space<semaphore_mem>>)
    %dma_start3A_65 = arith.constant 6 : i32
    %dma_start3A_66 = arith.constant 0 : i32
    %dma_start3A_67 = arith.constant 0 : i32
    %dma_start3A_68 = tpu.memref_slice %arg9[%dma_start3A_66, %dma_start3A_67] : memref<256x32xf32, #tpu.memory_space<vmem>> -> memref<128x32xf32, #tpu.memory_space<vmem>>
    %dma_start3A_69 = arith.constant 0 : i32
    %dma_start3A_70 = tpu.memref_slice %arg5[%dma_start3A_65, %dma_start3A_69] : memref<200x128xi32, #tpu.memory_space<vmem>> -> memref<1x128xi32, #tpu.memory_space<vmem>>
    %dma_start3A_71 = tpu.memref_squeeze %dma_start3A_70 : memref<1x128xi32, #tpu.memory_space<vmem>> -> memref<128xi32, #tpu.memory_space<vmem>>
    %dma_start3A_72 = arith.constant 0 : i32
    %dma_start3A_73 = arith.constant 0 : i32
    %dma_start3A_74 = tpu.memref_slice %arg2[%dma_start3A_72, %dma_start3A_73] : memref<4000000x32xf32, #tpu.memory_space<hbm>> -> memref<4000000x32xf32, #tpu.memory_space<hbm>>
    tpu.enqueue_indirect_dma source(%dma_start3A_74 : memref<4000000x32xf32, #tpu.memory_space<hbm>>) target(%dma_start3A_68 : memref<128x32xf32, #tpu.memory_space<vmem>>) offsets(%dma_start3A_71 : memref<128xi32, #tpu.memory_space<vmem>>) semaphore(%arg19 : memref<!tpu.dma_semaphore, #tpu.memory_space<semaphore_mem>>)
    %dma_start3A_75 = arith.constant 7 : i32
    %dma_start3A_76 = arith.constant 128 : i32
    %dma_start3A_77 = arith.constant 0 : i32
    %dma_start3A_78 = tpu.memref_slice %arg9[%dma_start3A_76, %dma_start3A_77] : memref<256x32xf32, #tpu.memory_space<vmem>> -> memref<128x32xf32, #tpu.memory_space<vmem>>
    %dma_start3A_79 = arith.constant 0 : i32
    %dma_start3A_80 = tpu.memref_slice %arg5[%dma_start3A_75, %dma_start3A_79] : memref<200x128xi32, #tpu.memory_space<vmem>> -> memref<1x128xi32, #tpu.memory_space<vmem>>
    %dma_start3A_81 = tpu.memref_squeeze %dma_start3A_80 : memref<1x128xi32, #tpu.memory_space<vmem>> -> memref<128xi32, #tpu.memory_space<vmem>>
    %dma_start3A_82 = arith.constant 0 : i32
    %dma_start3A_83 = arith.constant 0 : i32
    %dma_start3A_84 = tpu.memref_slice %arg2[%dma_start3A_82, %dma_start3A_83] : memref<4000000x32xf32, #tpu.memory_space<hbm>> -> memref<4000000x32xf32, #tpu.memory_space<hbm>>
    tpu.enqueue_indirect_dma source(%dma_start3A_84 : memref<4000000x32xf32, #tpu.memory_space<hbm>>) target(%dma_start3A_78 : memref<128x32xf32, #tpu.memory_space<vmem>>) offsets(%dma_start3A_81 : memref<128xi32, #tpu.memory_space<vmem>>) semaphore(%arg19 : memref<!tpu.dma_semaphore, #tpu.memory_space<semaphore_mem>>)
    %scan3A = arith.constant 0 : i32
    %scan3A_85 = arith.constant 20 : i32
    %scan3A_86 = arith.addi %scan3A, %scan3A_85 : i32
    %scan3A_87 = arith.constant 1 : i32
    scf.for %scan3A_163 = %scan3A to %scan3A_86 step %scan3A_87  : i32 {
      %mul3A_164 = arith.constant 5 : i32
      %mul3A_165 = arith.muli %scan3A_163, %mul3A_164 : i32
      %add3A_166 = arith.constant 0 : i32
      %add3A_167 = arith.addi %add3A_166, %mul3A_165 : i32
      %add3A_168 = arith.constant 0 : i32
      %add3A_169 = arith.addi %add3A_167, %add3A_168 : i32
      %dma_wait3A_170 = arith.constant 0 : i32
      %dma_wait3A_171 = arith.constant 0 : i32
      %dma_wait3A_172 = arith.constant 0 : i32
      %dma_wait3A_173 = tpu.memref_slice %arg6[%dma_wait3A_171, %dma_wait3A_172] : memref<256x32xf32, #tpu.memory_space<vmem>> -> memref<128x32xf32, #tpu.memory_space<vmem>>
      %dma_wait3A_174 = arith.constant 0 : i32
      %dma_wait3A_175 = tpu.memref_slice %arg5[%dma_wait3A_170, %dma_wait3A_174] : memref<200x128xi32, #tpu.memory_space<vmem>> -> memref<1x128xi32, #tpu.memory_space<vmem>>
      %dma_wait3A_176 = tpu.memref_squeeze %dma_wait3A_175 : memref<1x128xi32, #tpu.memory_space<vmem>> -> memref<128xi32, #tpu.memory_space<vmem>>
      %dma_wait3A_177 = arith.constant 0 : i32
      %dma_wait3A_178 = arith.constant 0 : i32
      %dma_wait3A_179 = tpu.memref_slice %arg2[%dma_wait3A_177, %dma_wait3A_178] : memref<4000000x32xf32, #tpu.memory_space<hbm>> -> memref<4000000x32xf32, #tpu.memory_space<hbm>>
      tpu.wait_indirect_dma semaphore(%arg16 : memref<!tpu.dma_semaphore, #tpu.memory_space<semaphore_mem>>) src(%dma_wait3A_179 : memref<4000000x32xf32, #tpu.memory_space<hbm>>) dst(%dma_wait3A_173 : memref<128x32xf32, #tpu.memory_space<vmem>>)
      %dma_wait3A_180 = arith.constant 0 : i32
      %dma_wait3A_181 = arith.constant 128 : i32
      %dma_wait3A_182 = arith.constant 0 : i32
      %dma_wait3A_183 = tpu.memref_slice %arg6[%dma_wait3A_181, %dma_wait3A_182] : memref<256x32xf32, #tpu.memory_space<vmem>> -> memref<128x32xf32, #tpu.memory_space<vmem>>
      %dma_wait3A_184 = arith.constant 0 : i32
      %dma_wait3A_185 = tpu.memref_slice %arg5[%dma_wait3A_180, %dma_wait3A_184] : memref<200x128xi32, #tpu.memory_space<vmem>> -> memref<1x128xi32, #tpu.memory_space<vmem>>
      %dma_wait3A_186 = tpu.memref_squeeze %dma_wait3A_185 : memref<1x128xi32, #tpu.memory_space<vmem>> -> memref<128xi32, #tpu.memory_space<vmem>>
      %dma_wait3A_187 = arith.constant 0 : i32
      %dma_wait3A_188 = arith.constant 0 : i32
      %dma_wait3A_189 = tpu.memref_slice %arg2[%dma_wait3A_187, %dma_wait3A_188] : memref<4000000x32xf32, #tpu.memory_space<hbm>> -> memref<4000000x32xf32, #tpu.memory_space<hbm>>
      tpu.wait_indirect_dma semaphore(%arg16 : memref<!tpu.dma_semaphore, #tpu.memory_space<semaphore_mem>>) src(%dma_wait3A_189 : memref<4000000x32xf32, #tpu.memory_space<hbm>>) dst(%dma_wait3A_183 : memref<128x32xf32, #tpu.memory_space<vmem>>)
      %scan3A_190 = arith.constant 0 : i32
      %scan3A_191 = arith.constant 16 : i32
      %scan3A_192 = arith.addi %scan3A_190, %scan3A_191 : i32
      %scan3A_193 = arith.constant 1 : i32
      scf.for %scan3A_611 = %scan3A_190 to %scan3A_192 step %scan3A_193  : i32 {
        %mul3A_612 = arith.constant 1 : i32
        %mul3A_613 = arith.muli %scan3A_611, %mul3A_612 : i32
        %add3A_614 = arith.constant 0 : i32
        %add3A_615 = arith.addi %add3A_614, %mul3A_613 : i32
        %mul3A_616 = arith.constant 16 : i32
        %mul3A_617 = arith.muli %add3A_615, %mul3A_616 : i32
        %broadcast_in_dim3A = arith.constant 0 : i32
        %broadcast_in_dim3A_618 = vector.broadcast %broadcast_in_dim3A : i32 to vector<16xi32>
        %add3A_619 = vector.broadcast %mul3A_617 : i32 to vector<16xi32>
        %add3A_620 = arith.addi %broadcast_in_dim3A_618, %add3A_619 : vector<16xi32>
        %add3A_621 = arith.constant 0 : i32
        %add3A_622 = arith.addi %mul3A_617, %add3A_621 : i32
        %get3A = arith.index_cast %add3A_622 : i32 to index
        %get3A_623 = arith.constant 0 : index
        %get3A_624 = tpu.vector_load %arg6[%get3A, %get3A_623] {strides = array<i32>} : memref<256x32xf32, #tpu.memory_space<vmem>>, vector<16xf32>,
        %mul3A_625 = arith.constant 5.65685415 : f32
        %mul3A_626 = vector.broadcast %mul3A_625 : f32 to vector<16xf32>
        %mul3A_627 = arith.mulf %get3A_624, %mul3A_626 : vector<16xf32>
        tpu.vector_store_idx %arg11[%iota3A, %add3A_620], %mul3A_627 : memref<32x264xf32, #tpu.memory_space<vmem>>[vector<16xi32>, vector<16xi32>], vector<16xf32>,
        %add3A_628 = arith.constant 0 : i32
        %add3A_629 = arith.addi %mul3A_617, %add3A_628 : i32
        %get3A_630 = arith.index_cast %add3A_629 : i32 to index
        %get3A_631 = arith.constant 16 : index
        %get3A_632 = tpu.vector_load %arg6[%get3A_630, %get3A_631] {strides = array<i32>} : memref<256x32xf32, #tpu.memory_space<vmem>>, vector<16xf32>,
        %mul3A_633 = arith.constant 5.65685415 : f32
        %mul3A_634 = vector.broadcast %mul3A_633 : f32 to vector<16xf32>
        %mul3A_635 = arith.mulf %get3A_632, %mul3A_634 : vector<16xf32>
        tpu.vector_store_idx %arg11[%add3A_5, %add3A_620], %mul3A_635 : memref<32x264xf32, #tpu.memory_space<vmem>>[vector<16xi32>, vector<16xi32>], vector<16xf32>,
        %broadcast_in_dim3A_636 = arith.constant 1 : i32
        %broadcast_in_dim3A_637 = vector.broadcast %broadcast_in_dim3A_636 : i32 to vector<16xi32>
        %add3A_638 = vector.broadcast %mul3A_617 : i32 to vector<16xi32>
        %add3A_639 = arith.addi %broadcast_in_dim3A_637, %add3A_638 : vector<16xi32>
        %add3A_640 = arith.constant 1 : i32
        %add3A_641 = arith.addi %mul3A_617, %add3A_640 : i32
        %get3A_642 = arith.index_cast %add3A_641 : i32 to index
        %get3A_643 = arith.constant 0 : index
        %get3A_644 = tpu.vector_load %arg6[%get3A_642, %get3A_643] {strides = array<i32>} : memref<256x32xf32, #tpu.memory_space<vmem>>, vector<16xf32>,
        %mul3A_645 = arith.constant 5.65685415 : f32
        %mul3A_646 = vector.broadcast %mul3A_645 : f32 to vector<16xf32>
        %mul3A_647 = arith.mulf %get3A_644, %mul3A_646 : vector<16xf32>
        tpu.vector_store_idx %arg11[%iota3A, %add3A_639], %mul3A_647 : memref<32x264xf32, #tpu.memory_space<vmem>>[vector<16xi32>, vector<16xi32>], vector<16xf32>,
        %add3A_648 = arith.constant 1 : i32
        %add3A_649 = arith.addi %mul3A_617, %add3A_648 : i32
        %get3A_650 = arith.index_cast %add3A_649 : i32 to index
        %get3A_651 = arith.constant 16 : index
        %get3A_652 = tpu.vector_load %arg6[%get3A_650, %get3A_651] {strides = array<i32>} : memref<256x32xf32, #tpu.memory_space<vmem>>, vector<16xf32>,
        %mul3A_653 = arith.constant 5.65685415 : f32
        %mul3A_654 = vector.broadcast %mul3A_653 : f32 to vector<16xf32>
        %mul3A_655 = arith.mulf %get3A_652, %mul3A_654 : vector<16xf32>
        tpu.vector_store_idx %arg11[%add3A_5, %add3A_639], %mul3A_655 : memref<32x264xf32, #tpu.memory_space<vmem>>[vector<16xi32>, vector<16xi32>], vector<16xf32>,
        %broadcast_in_dim3A_656 = arith.constant 2 : i32
        %broadcast_in_dim3A_657 = vector.broadcast %broadcast_in_dim3A_656 : i32 to vector<16xi32>
        %add3A_658 = vector.broadcast %mul3A_617 : i32 to vector<16xi32>
        %add3A_659 = arith.addi %broadcast_in_dim3A_657, %add3A_658 : vector<16xi32>
        %add3A_660 = arith.constant 2 : i32
        %add3A_661 = arith.addi %mul3A_617, %add3A_660 : i32
        %get3A_662 = arith.index_cast %add3A_661 : i32 to index
        %get3A_663 = arith.constant 0 : index
        %get3A_664 = tpu.vector_load %arg6[%get3A_662, %get3A_663] {strides = array<i32>} : memref<256x32xf32, #tpu.memory_space<vmem>>, vector<16xf32>,
        %mul3A_665 = arith.constant 5.65685415 : f32
        %mul3A_666 = vector.broadcast %mul3A_665 : f32 to vector<16xf32>
        %mul3A_667 = arith.mulf %get3A_664, %mul3A_666 : vector<16xf32>
        tpu.vector_store_idx %arg11[%iota3A, %add3A_659], %mul3A_667 : memref<32x264xf32, #tpu.memory_space<vmem>>[vector<16xi32>, vector<16xi32>], vector<16xf32>,
        %add3A_668 = arith.constant 2 : i32
        %add3A_669 = arith.addi %mul3A_617, %add3A_668 : i32
        %get3A_670 = arith.index_cast %add3A_669 : i32 to index
        %get3A_671 = arith.constant 16 : index
        %get3A_672 = tpu.vector_load %arg6[%get3A_670, %get3A_671] {strides = array<i32>} : memref<256x32xf32, #tpu.memory_space<vmem>>, vector<16xf32>,
        %mul3A_673 = arith.constant 5.65685415 : f32
        %mul3A_674 = vector.broadcast %mul3A_673 : f32 to vector<16xf32>
        %mul3A_675 = arith.mulf %get3A_672, %mul3A_674 : vector<16xf32>
        tpu.vector_store_idx %arg11[%add3A_5, %add3A_659], %mul3A_675 : memref<32x264xf32, #tpu.memory_space<vmem>>[vector<16xi32>, vector<16xi32>], vector<16xf32>,
        %broadcast_in_dim3A_676 = arith.constant 3 : i32
        %broadcast_in_dim3A_677 = vector.broadcast %broadcast_in_dim3A_676 : i32 to vector<16xi32>
        %add3A_678 = vector.broadcast %mul3A_617 : i32 to vector<16xi32>
        %add3A_679 = arith.addi %broadcast_in_dim3A_677, %add3A_678 : vector<16xi32>
        %add3A_680 = arith.constant 3 : i32
        %add3A_681 = arith.addi %mul3A_617, %add3A_680 : i32
        %get3A_682 = arith.index_cast %add3A_681 : i32 to index
        %get3A_683 = arith.constant 0 : index
        %get3A_684 = tpu.vector_load %arg6[%get3A_682, %get3A_683] {strides = array<i32>} : memref<256x32xf32, #tpu.memory_space<vmem>>, vector<16xf32>,
        %mul3A_685 = arith.constant 5.65685415 : f32
        %mul3A_686 = vector.broadcast %mul3A_685 : f32 to vector<16xf32>
        %mul3A_687 = arith.mulf %get3A_684, %mul3A_686 : vector<16xf32>
        tpu.vector_store_idx %arg11[%iota3A, %add3A_679], %mul3A_687 : memref<32x264xf32, #tpu.memory_space<vmem>>[vector<16xi32>, vector<16xi32>], vector<16xf32>,
        %add3A_688 = arith.constant 3 : i32
        %add3A_689 = arith.addi %mul3A_617, %add3A_688 : i32
        %get3A_690 = arith.index_cast %add3A_689 : i32 to index
        %get3A_691 = arith.constant 16 : index
        %get3A_692 = tpu.vector_load %arg6[%get3A_690, %get3A_691] {strides = array<i32>} : memref<256x32xf32, #tpu.memory_space<vmem>>, vector<16xf32>,
        %mul3A_693 = arith.constant 5.65685415 : f32
        %mul3A_694 = vector.broadcast %mul3A_693 : f32 to vector<16xf32>
        %mul3A_695 = arith.mulf %get3A_692, %mul3A_694 : vector<16xf32>
        tpu.vector_store_idx %arg11[%add3A_5, %add3A_679], %mul3A_695 : memref<32x264xf32, #tpu.memory_space<vmem>>[vector<16xi32>, vector<16xi32>], vector<16xf32>,
        %broadcast_in_dim3A_696 = arith.constant 4 : i32
        %broadcast_in_dim3A_697 = vector.broadcast %broadcast_in_dim3A_696 : i32 to vector<16xi32>
        %add3A_698 = vector.broadcast %mul3A_617 : i32 to vector<16xi32>
        %add3A_699 = arith.addi %broadcast_in_dim3A_697, %add3A_698 : vector<16xi32>
        %add3A_700 = arith.constant 4 : i32
        %add3A_701 = arith.addi %mul3A_617, %add3A_700 : i32
        %get3A_702 = arith.index_cast %add3A_701 : i32 to index
        %get3A_703 = arith.constant 0 : index
        %get3A_704 = tpu.vector_load %arg6[%get3A_702, %get3A_703] {strides = array<i32>} : memref<256x32xf32, #tpu.memory_space<vmem>>, vector<16xf32>,
        %mul3A_705 = arith.constant 5.65685415 : f32
        %mul3A_706 = vector.broadcast %mul3A_705 : f32 to vector<16xf32>
        %mul3A_707 = arith.mulf %get3A_704, %mul3A_706 : vector<16xf32>
        tpu.vector_store_idx %arg11[%iota3A, %add3A_699], %mul3A_707 : memref<32x264xf32, #tpu.memory_space<vmem>>[vector<16xi32>, vector<16xi32>], vector<16xf32>,
        %add3A_708 = arith.constant 4 : i32
        %add3A_709 = arith.addi %mul3A_617, %add3A_708 : i32
        %get3A_710 = arith.index_cast %add3A_709 : i32 to index
        %get3A_711 = arith.constant 16 : index
        %get3A_712 = tpu.vector_load %arg6[%get3A_710, %get3A_711] {strides = array<i32>} : memref<256x32xf32, #tpu.memory_space<vmem>>, vector<16xf32>,
        %mul3A_713 = arith.constant 5.65685415 : f32
        %mul3A_714 = vector.broadcast %mul3A_713 : f32 to vector<16xf32>
        %mul3A_715 = arith.mulf %get3A_712, %mul3A_714 : vector<16xf32>
        tpu.vector_store_idx %arg11[%add3A_5, %add3A_699], %mul3A_715 : memref<32x264xf32, #tpu.memory_space<vmem>>[vector<16xi32>, vector<16xi32>], vector<16xf32>,
        %broadcast_in_dim3A_716 = arith.constant 5 : i32
        %broadcast_in_dim3A_717 = vector.broadcast %broadcast_in_dim3A_716 : i32 to vector<16xi32>
        %add3A_718 = vector.broadcast %mul3A_617 : i32 to vector<16xi32>
        %add3A_719 = arith.addi %broadcast_in_dim3A_717, %add3A_718 : vector<16xi32>
        %add3A_720 = arith.constant 5 : i32
        %add3A_721 = arith.addi %mul3A_617, %add3A_720 : i32
        %get3A_722 = arith.index_cast %add3A_721 : i32 to index
        %get3A_723 = arith.constant 0 : index
        %get3A_724 = tpu.vector_load %arg6[%get3A_722, %get3A_723] {strides = array<i32>} : memref<256x32xf32, #tpu.memory_space<vmem>>, vector<16xf32>,
        %mul3A_725 = arith.constant 5.65685415 : f32
        %mul3A_726 = vector.broadcast %mul3A_725 : f32 to vector<16xf32>
        %mul3A_727 = arith.mulf %get3A_724, %mul3A_726 : vector<16xf32>
        tpu.vector_store_idx %arg11[%iota3A, %add3A_719], %mul3A_727 : memref<32x264xf32, #tpu.memory_space<vmem>>[vector<16xi32>, vector<16xi32>], vector<16xf32>,
        %add3A_728 = arith.constant 5 : i32
        %add3A_729 = arith.addi %mul3A_617, %add3A_728 : i32
        %get3A_730 = arith.index_cast %add3A_729 : i32 to index
        %get3A_731 = arith.constant 16 : index
        %get3A_732 = tpu.vector_load %arg6[%get3A_730, %get3A_731] {strides = array<i32>} : memref<256x32xf32, #tpu.memory_space<vmem>>, vector<16xf32>,
        %mul3A_733 = arith.constant 5.65685415 : f32
        %mul3A_734 = vector.broadcast %mul3A_733 : f32 to vector<16xf32>
        %mul3A_735 = arith.mulf %get3A_732, %mul3A_734 : vector<16xf32>
        tpu.vector_store_idx %arg11[%add3A_5, %add3A_719], %mul3A_735 : memref<32x264xf32, #tpu.memory_space<vmem>>[vector<16xi32>, vector<16xi32>], vector<16xf32>,
        %broadcast_in_dim3A_736 = arith.constant 6 : i32
        %broadcast_in_dim3A_737 = vector.broadcast %broadcast_in_dim3A_736 : i32 to vector<16xi32>
        %add3A_738 = vector.broadcast %mul3A_617 : i32 to vector<16xi32>
        %add3A_739 = arith.addi %broadcast_in_dim3A_737, %add3A_738 : vector<16xi32>
        %add3A_740 = arith.constant 6 : i32
        %add3A_741 = arith.addi %mul3A_617, %add3A_740 : i32
        %get3A_742 = arith.index_cast %add3A_741 : i32 to index
        %get3A_743 = arith.constant 0 : index
        %get3A_744 = tpu.vector_load %arg6[%get3A_742, %get3A_743] {strides = array<i32>} : memref<256x32xf32, #tpu.memory_space<vmem>>, vector<16xf32>,
        %mul3A_745 = arith.constant 5.65685415 : f32
        %mul3A_746 = vector.broadcast %mul3A_745 : f32 to vector<16xf32>
        %mul3A_747 = arith.mulf %get3A_744, %mul3A_746 : vector<16xf32>
        tpu.vector_store_idx %arg11[%iota3A, %add3A_739], %mul3A_747 : memref<32x264xf32, #tpu.memory_space<vmem>>[vector<16xi32>, vector<16xi32>], vector<16xf32>,
        %add3A_748 = arith.constant 6 : i32
        %add3A_749 = arith.addi %mul3A_617, %add3A_748 : i32
        %get3A_750 = arith.index_cast %add3A_749 : i32 to index
        %get3A_751 = arith.constant 16 : index
        %get3A_752 = tpu.vector_load %arg6[%get3A_750, %get3A_751] {strides = array<i32>} : memref<256x32xf32, #tpu.memory_space<vmem>>, vector<16xf32>,
        %mul3A_753 = arith.constant 5.65685415 : f32
        %mul3A_754 = vector.broadcast %mul3A_753 : f32 to vector<16xf32>
        %mul3A_755 = arith.mulf %get3A_752, %mul3A_754 : vector<16xf32>
        tpu.vector_store_idx %arg11[%add3A_5, %add3A_739], %mul3A_755 : memref<32x264xf32, #tpu.memory_space<vmem>>[vector<16xi32>, vector<16xi32>], vector<16xf32>,
        %broadcast_in_dim3A_756 = arith.constant 7 : i32
        %broadcast_in_dim3A_757 = vector.broadcast %broadcast_in_dim3A_756 : i32 to vector<16xi32>
        %add3A_758 = vector.broadcast %mul3A_617 : i32 to vector<16xi32>
        %add3A_759 = arith.addi %broadcast_in_dim3A_757, %add3A_758 : vector<16xi32>
        %add3A_760 = arith.constant 7 : i32
        %add3A_761 = arith.addi %mul3A_617, %add3A_760 : i32
        %get3A_762 = arith.index_cast %add3A_761 : i32 to index
        %get3A_763 = arith.constant 0 : index
        %get3A_764 = tpu.vector_load %arg6[%get3A_762, %get3A_763] {strides = array<i32>} : memref<256x32xf32, #tpu.memory_space<vmem>>, vector<16xf32>,
        %mul3A_765 = arith.constant 5.65685415 : f32
        %mul3A_766 = vector.broadcast %mul3A_765 : f32 to vector<16xf32>
        %mul3A_767 = arith.mulf %get3A_764, %mul3A_766 : vector<16xf32>
        tpu.vector_store_idx %arg11[%iota3A, %add3A_759], %mul3A_767 : memref<32x264xf32, #tpu.memory_space<vmem>>[vector<16xi32>, vector<16xi32>], vector<16xf32>,
        %add3A_768 = arith.constant 7 : i32
        %add3A_769 = arith.addi %mul3A_617, %add3A_768 : i32
        %get3A_770 = arith.index_cast %add3A_769 : i32 to index
        %get3A_771 = arith.constant 16 : index
        %get3A_772 = tpu.vector_load %arg6[%get3A_770, %get3A_771] {strides = array<i32>} : memref<256x32xf32, #tpu.memory_space<vmem>>, vector<16xf32>,
        %mul3A_773 = arith.constant 5.65685415 : f32
        %mul3A_774 = vector.broadcast %mul3A_773 : f32 to vector<16xf32>
        %mul3A_775 = arith.mulf %get3A_772, %mul3A_774 : vector<16xf32>
        tpu.vector_store_idx %arg11[%add3A_5, %add3A_759], %mul3A_775 : memref<32x264xf32, #tpu.memory_space<vmem>>[vector<16xi32>, vector<16xi32>], vector<16xf32>,
        %broadcast_in_dim3A_776 = arith.constant 8 : i32
        %broadcast_in_dim3A_777 = vector.broadcast %broadcast_in_dim3A_776 : i32 to vector<16xi32>
        %add3A_778 = vector.broadcast %mul3A_617 : i32 to vector<16xi32>
        %add3A_779 = arith.addi %broadcast_in_dim3A_777, %add3A_778 : vector<16xi32>
        %add3A_780 = arith.constant 8 : i32
        %add3A_781 = arith.addi %mul3A_617, %add3A_780 : i32
        %get3A_782 = arith.index_cast %add3A_781 : i32 to index
        %get3A_783 = arith.constant 0 : index
        %get3A_784 = tpu.vector_load %arg6[%get3A_782, %get3A_783] {strides = array<i32>} : memref<256x32xf32, #tpu.memory_space<vmem>>, vector<16xf32>,
        %mul3A_785 = arith.constant 5.65685415 : f32
        %mul3A_786 = vector.broadcast %mul3A_785 : f32 to vector<16xf32>
        %mul3A_787 = arith.mulf %get3A_784, %mul3A_786 : vector<16xf32>
        tpu.vector_store_idx %arg11[%iota3A, %add3A_779], %mul3A_787 : memref<32x264xf32, #tpu.memory_space<vmem>>[vector<16xi32>, vector<16xi32>], vector<16xf32>,
        %add3A_788 = arith.constant 8 : i32
        %add3A_789 = arith.addi %mul3A_617, %add3A_788 : i32
        %get3A_790 = arith.index_cast %add3A_789 : i32 to index
        %get3A_791 = arith.constant 16 : index
        %get3A_792 = tpu.vector_load %arg6[%get3A_790, %get3A_791] {strides = array<i32>} : memref<256x32xf32, #tpu.memory_space<vmem>>, vector<16xf32>,
        %mul3A_793 = arith.constant 5.65685415 : f32
        %mul3A_794 = vector.broadcast %mul3A_793 : f32 to vector<16xf32>
        %mul3A_795 = arith.mulf %get3A_792, %mul3A_794 : vector<16xf32>
        tpu.vector_store_idx %arg11[%add3A_5, %add3A_779], %mul3A_795 : memref<32x264xf32, #tpu.memory_space<vmem>>[vector<16xi32>, vector<16xi32>], vector<16xf32>,
        %broadcast_in_dim3A_796 = arith.constant 9 : i32
        %broadcast_in_dim3A_797 = vector.broadcast %broadcast_in_dim3A_796 : i32 to vector<16xi32>
        %add3A_798 = vector.broadcast %mul3A_617 : i32 to vector<16xi32>
        %add3A_799 = arith.addi %broadcast_in_dim3A_797, %add3A_798 : vector<16xi32>
        %add3A_800 = arith.constant 9 : i32
        %add3A_801 = arith.addi %mul3A_617, %add3A_800 : i32
        %get3A_802 = arith.index_cast %add3A_801 : i32 to index
        %get3A_803 = arith.constant 0 : index
        %get3A_804 = tpu.vector_load %arg6[%get3A_802, %get3A_803] {strides = array<i32>} : memref<256x32xf32, #tpu.memory_space<vmem>>, vector<16xf32>,
        %mul3A_805 = arith.constant 5.65685415 : f32
        %mul3A_806 = vector.broadcast %mul3A_805 : f32 to vector<16xf32>
        %mul3A_807 = arith.mulf %get3A_804, %mul3A_806 : vector<16xf32>
        tpu.vector_store_idx %arg11[%iota3A, %add3A_799], %mul3A_807 : memref<32x264xf32, #tpu.memory_space<vmem>>[vector<16xi32>, vector<16xi32>], vector<16xf32>,
        %add3A_808 = arith.constant 9 : i32
        %add3A_809 = arith.addi %mul3A_617, %add3A_808 : i32
        %get3A_810 = arith.index_cast %add3A_809 : i32 to index
        %get3A_811 = arith.constant 16 : index
        %get3A_812 = tpu.vector_load %arg6[%get3A_810, %get3A_811] {strides = array<i32>} : memref<256x32xf32, #tpu.memory_space<vmem>>, vector<16xf32>,
        %mul3A_813 = arith.constant 5.65685415 : f32
        %mul3A_814 = vector.broadcast %mul3A_813 : f32 to vector<16xf32>
        %mul3A_815 = arith.mulf %get3A_812, %mul3A_814 : vector<16xf32>
        tpu.vector_store_idx %arg11[%add3A_5, %add3A_799], %mul3A_815 : memref<32x264xf32, #tpu.memory_space<vmem>>[vector<16xi32>, vector<16xi32>], vector<16xf32>,
        %broadcast_in_dim3A_816 = arith.constant 10 : i32
        %broadcast_in_dim3A_817 = vector.broadcast %broadcast_in_dim3A_816 : i32 to vector<16xi32>
        %add3A_818 = vector.broadcast %mul3A_617 : i32 to vector<16xi32>
        %add3A_819 = arith.addi %broadcast_in_dim3A_817, %add3A_818 : vector<16xi32>
        %add3A_820 = arith.constant 10 : i32
        %add3A_821 = arith.addi %mul3A_617, %add3A_820 : i32
        %get3A_822 = arith.index_cast %add3A_821 : i32 to index
        %get3A_823 = arith.constant 0 : index
        %get3A_824 = tpu.vector_load %arg6[%get3A_822, %get3A_823] {strides = array<i32>} : memref<256x32xf32, #tpu.memory_space<vmem>>, vector<16xf32>,
        %mul3A_825 = arith.constant 5.65685415 : f32
        %mul3A_826 = vector.broadcast %mul3A_825 : f32 to vector<16xf32>
        %mul3A_827 = arith.mulf %get3A_824, %mul3A_826 : vector<16xf32>
        tpu.vector_store_idx %arg11[%iota3A, %add3A_819], %mul3A_827 : memref<32x264xf32, #tpu.memory_space<vmem>>[vector<16xi32>, vector<16xi32>], vector<16xf32>,
        %add3A_828 = arith.constant 10 : i32
        %add3A_829 = arith.addi %mul3A_617, %add3A_828 : i32
        %get3A_830 = arith.index_cast %add3A_829 : i32 to index
        %get3A_831 = arith.constant 16 : index
        %get3A_832 = tpu.vector_load %arg6[%get3A_830, %get3A_831] {strides = array<i32>} : memref<256x32xf32, #tpu.memory_space<vmem>>, vector<16xf32>,
        %mul3A_833 = arith.constant 5.65685415 : f32
        %mul3A_834 = vector.broadcast %mul3A_833 : f32 to vector<16xf32>
        %mul3A_835 = arith.mulf %get3A_832, %mul3A_834 : vector<16xf32>
        tpu.vector_store_idx %arg11[%add3A_5, %add3A_819], %mul3A_835 : memref<32x264xf32, #tpu.memory_space<vmem>>[vector<16xi32>, vector<16xi32>], vector<16xf32>,
        %broadcast_in_dim3A_836 = arith.constant 11 : i32
        %broadcast_in_dim3A_837 = vector.broadcast %broadcast_in_dim3A_836 : i32 to vector<16xi32>
        %add3A_838 = vector.broadcast %mul3A_617 : i32 to vector<16xi32>
        %add3A_839 = arith.addi %broadcast_in_dim3A_837, %add3A_838 : vector<16xi32>
        %add3A_840 = arith.constant 11 : i32
        %add3A_841 = arith.addi %mul3A_617, %add3A_840 : i32
        %get3A_842 = arith.index_cast %add3A_841 : i32 to index
        %get3A_843 = arith.constant 0 : index
        %get3A_844 = tpu.vector_load %arg6[%get3A_842, %get3A_843] {strides = array<i32>} : memref<256x32xf32, #tpu.memory_space<vmem>>, vector<16xf32>,
        %mul3A_845 = arith.constant 5.65685415 : f32
        %mul3A_846 = vector.broadcast %mul3A_845 : f32 to vector<16xf32>
        %mul3A_847 = arith.mulf %get3A_844, %mul3A_846 : vector<16xf32>
        tpu.vector_store_idx %arg11[%iota3A, %add3A_839], %mul3A_847 : memref<32x264xf32, #tpu.memory_space<vmem>>[vector<16xi32>, vector<16xi32>], vector<16xf32>,
        %add3A_848 = arith.constant 11 : i32
        %add3A_849 = arith.addi %mul3A_617, %add3A_848 : i32
        %get3A_850 = arith.index_cast %add3A_849 : i32 to index
        %get3A_851 = arith.constant 16 : index
        %get3A_852 = tpu.vector_load %arg6[%get3A_850, %get3A_851] {strides = array<i32>} : memref<256x32xf32, #tpu.memory_space<vmem>>, vector<16xf32>,
        %mul3A_853 = arith.constant 5.65685415 : f32
        %mul3A_854 = vector.broadcast %mul3A_853 : f32 to vector<16xf32>
        %mul3A_855 = arith.mulf %get3A_852, %mul3A_854 : vector<16xf32>
        tpu.vector_store_idx %arg11[%add3A_5, %add3A_839], %mul3A_855 : memref<32x264xf32, #tpu.memory_space<vmem>>[vector<16xi32>, vector<16xi32>], vector<16xf32>,
        %broadcast_in_dim3A_856 = arith.constant 12 : i32
        %broadcast_in_dim3A_857 = vector.broadcast %broadcast_in_dim3A_856 : i32 to vector<16xi32>
        %add3A_858 = vector.broadcast %mul3A_617 : i32 to vector<16xi32>
        %add3A_859 = arith.addi %broadcast_in_dim3A_857, %add3A_858 : vector<16xi32>
        %add3A_860 = arith.constant 12 : i32
        %add3A_861 = arith.addi %mul3A_617, %add3A_860 : i32
        %get3A_862 = arith.index_cast %add3A_861 : i32 to index
        %get3A_863 = arith.constant 0 : index
        %get3A_864 = tpu.vector_load %arg6[%get3A_862, %get3A_863] {strides = array<i32>} : memref<256x32xf32, #tpu.memory_space<vmem>>, vector<16xf32>,
        %mul3A_865 = arith.constant 5.65685415 : f32
        %mul3A_866 = vector.broadcast %mul3A_865 : f32 to vector<16xf32>
        %mul3A_867 = arith.mulf %get3A_864, %mul3A_866 : vector<16xf32>
        tpu.vector_store_idx %arg11[%iota3A, %add3A_859], %mul3A_867 : memref<32x264xf32, #tpu.memory_space<vmem>>[vector<16xi32>, vector<16xi32>], vector<16xf32>,
        %add3A_868 = arith.constant 12 : i32
        %add3A_869 = arith.addi %mul3A_617, %add3A_868 : i32
        %get3A_870 = arith.index_cast %add3A_869 : i32 to index
        %get3A_871 = arith.constant 16 : index
        %get3A_872 = tpu.vector_load %arg6[%get3A_870, %get3A_871] {strides = array<i32>} : memref<256x32xf32, #tpu.memory_space<vmem>>, vector<16xf32>,
        %mul3A_873 = arith.constant 5.65685415 : f32
        %mul3A_874 = vector.broadcast %mul3A_873 : f32 to vector<16xf32>
        %mul3A_875 = arith.mulf %get3A_872, %mul3A_874 : vector<16xf32>
        tpu.vector_store_idx %arg11[%add3A_5, %add3A_859], %mul3A_875 : memref<32x264xf32, #tpu.memory_space<vmem>>[vector<16xi32>, vector<16xi32>], vector<16xf32>,
        %broadcast_in_dim3A_876 = arith.constant 13 : i32
        %broadcast_in_dim3A_877 = vector.broadcast %broadcast_in_dim3A_876 : i32 to vector<16xi32>
        %add3A_878 = vector.broadcast %mul3A_617 : i32 to vector<16xi32>
        %add3A_879 = arith.addi %broadcast_in_dim3A_877, %add3A_878 : vector<16xi32>
        %add3A_880 = arith.constant 13 : i32
        %add3A_881 = arith.addi %mul3A_617, %add3A_880 : i32
        %get3A_882 = arith.index_cast %add3A_881 : i32 to index
        %get3A_883 = arith.constant 0 : index
        %get3A_884 = tpu.vector_load %arg6[%get3A_882, %get3A_883] {strides = array<i32>} : memref<256x32xf32, #tpu.memory_space<vmem>>, vector<16xf32>,
        %mul3A_885 = arith.constant 5.65685415 : f32
        %mul3A_886 = vector.broadcast %mul3A_885 : f32 to vector<16xf32>
        %mul3A_887 = arith.mulf %get3A_884, %mul3A_886 : vector<16xf32>
        tpu.vector_store_idx %arg11[%iota3A, %add3A_879], %mul3A_887 : memref<32x264xf32, #tpu.memory_space<vmem>>[vector<16xi32>, vector<16xi32>], vector<16xf32>,
        %add3A_888 = arith.constant 13 : i32
        %add3A_889 = arith.addi %mul3A_617, %add3A_888 : i32
        %get3A_890 = arith.index_cast %add3A_889 : i32 to index
        %get3A_891 = arith.constant 16 : index
        %get3A_892 = tpu.vector_load %arg6[%get3A_890, %get3A_891] {strides = array<i32>} : memref<256x32xf32, #tpu.memory_space<vmem>>, vector<16xf32>,
        %mul3A_893 = arith.constant 5.65685415 : f32
        %mul3A_894 = vector.broadcast %mul3A_893 : f32 to vector<16xf32>
        %mul3A_895 = arith.mulf %get3A_892, %mul3A_894 : vector<16xf32>
        tpu.vector_store_idx %arg11[%add3A_5, %add3A_879], %mul3A_895 : memref<32x264xf32, #tpu.memory_space<vmem>>[vector<16xi32>, vector<16xi32>], vector<16xf32>,
        %broadcast_in_dim3A_896 = arith.constant 14 : i32
        %broadcast_in_dim3A_897 = vector.broadcast %broadcast_in_dim3A_896 : i32 to vector<16xi32>
        %add3A_898 = vector.broadcast %mul3A_617 : i32 to vector<16xi32>
        %add3A_899 = arith.addi %broadcast_in_dim3A_897, %add3A_898 : vector<16xi32>
        %add3A_900 = arith.constant 14 : i32
        %add3A_901 = arith.addi %mul3A_617, %add3A_900 : i32
        %get3A_902 = arith.index_cast %add3A_901 : i32 to index
        %get3A_903 = arith.constant 0 : index
        %get3A_904 = tpu.vector_load %arg6[%get3A_902, %get3A_903] {strides = array<i32>} : memref<256x32xf32, #tpu.memory_space<vmem>>, vector<16xf32>,
        %mul3A_905 = arith.constant 5.65685415 : f32
        %mul3A_906 = vector.broadcast %mul3A_905 : f32 to vector<16xf32>
        %mul3A_907 = arith.mulf %get3A_904, %mul3A_906 : vector<16xf32>
        tpu.vector_store_idx %arg11[%iota3A, %add3A_899], %mul3A_907 : memref<32x264xf32, #tpu.memory_space<vmem>>[vector<16xi32>, vector<16xi32>], vector<16xf32>,
        %add3A_908 = arith.constant 14 : i32
        %add3A_909 = arith.addi %mul3A_617, %add3A_908 : i32
        %get3A_910 = arith.index_cast %add3A_909 : i32 to index
        %get3A_911 = arith.constant 16 : index
        %get3A_912 = tpu.vector_load %arg6[%get3A_910, %get3A_911] {strides = array<i32>} : memref<256x32xf32, #tpu.memory_space<vmem>>, vector<16xf32>,
        %mul3A_913 = arith.constant 5.65685415 : f32
        %mul3A_914 = vector.broadcast %mul3A_913 : f32 to vector<16xf32>
        %mul3A_915 = arith.mulf %get3A_912, %mul3A_914 : vector<16xf32>
        tpu.vector_store_idx %arg11[%add3A_5, %add3A_899], %mul3A_915 : memref<32x264xf32, #tpu.memory_space<vmem>>[vector<16xi32>, vector<16xi32>], vector<16xf32>,
        %broadcast_in_dim3A_916 = arith.constant 15 : i32
        %broadcast_in_dim3A_917 = vector.broadcast %broadcast_in_dim3A_916 : i32 to vector<16xi32>
        %add3A_918 = vector.broadcast %mul3A_617 : i32 to vector<16xi32>
        %add3A_919 = arith.addi %broadcast_in_dim3A_917, %add3A_918 : vector<16xi32>
        %add3A_920 = arith.constant 15 : i32
        %add3A_921 = arith.addi %mul3A_617, %add3A_920 : i32
        %get3A_922 = arith.index_cast %add3A_921 : i32 to index
        %get3A_923 = arith.constant 0 : index
        %get3A_924 = tpu.vector_load %arg6[%get3A_922, %get3A_923] {strides = array<i32>} : memref<256x32xf32, #tpu.memory_space<vmem>>, vector<16xf32>,
        %mul3A_925 = arith.constant 5.65685415 : f32
        %mul3A_926 = vector.broadcast %mul3A_925 : f32 to vector<16xf32>
        %mul3A_927 = arith.mulf %get3A_924, %mul3A_926 : vector<16xf32>
        tpu.vector_store_idx %arg11[%iota3A, %add3A_919], %mul3A_927 : memref<32x264xf32, #tpu.memory_space<vmem>>[vector<16xi32>, vector<16xi32>], vector<16xf32>,
        %add3A_928 = arith.constant 15 : i32
        %add3A_929 = arith.addi %mul3A_617, %add3A_928 : i32
        %get3A_930 = arith.index_cast %add3A_929 : i32 to index
        %get3A_931 = arith.constant 16 : index
        %get3A_932 = tpu.vector_load %arg6[%get3A_930, %get3A_931] {strides = array<i32>} : memref<256x32xf32, #tpu.memory_space<vmem>>, vector<16xf32>,
        %mul3A_933 = arith.constant 5.65685415 : f32
        %mul3A_934 = vector.broadcast %mul3A_933 : f32 to vector<16xf32>
        %mul3A_935 = arith.mulf %get3A_932, %mul3A_934 : vector<16xf32>
        tpu.vector_store_idx %arg11[%add3A_5, %add3A_919], %mul3A_935 : memref<32x264xf32, #tpu.memory_space<vmem>>[vector<16xi32>, vector<16xi32>], vector<16xf32>,
      }
      %scan3A_194 = arith.constant 16 : i32
      %add3A_195 = arith.addi %mul3A_2, %add3A_169 : i32
      %jit3A = arith.constant 64 : i32
      %div3A = arith.divsi %add3A_195, %jit3A : i32
      %sign3A = arith.constant 0 : i32
      %sign3A_196 = arith.cmpi sgt, %add3A_195, %sign3A : i32
      %sign3A_197 = arith.extui %sign3A_196 : i1 to i32
      %sign3A_198 = arith.constant 0 : i32
      %sign3A_199 = arith.cmpi slt, %add3A_195, %sign3A_198 : i32
      %sign3A_200 = arith.extui %sign3A_199 : i1 to i32
      %sign3A_201 = arith.subi %sign3A_197, %sign3A_200 : i32
      %sign3A_202 = arith.constant 0 : i32
      %sign3A_203 = arith.cmpi sgt, %jit3A, %sign3A_202 : i32
      %sign3A_204 = arith.extui %sign3A_203 : i1 to i32
      %sign3A_205 = arith.constant 0 : i32
      %sign3A_206 = arith.cmpi slt, %jit3A, %sign3A_205 : i32
      %sign3A_207 = arith.extui %sign3A_206 : i1 to i32
      %sign3A_208 = arith.subi %sign3A_204, %sign3A_207 : i32
      %ne3A = arith.cmpi ne, %sign3A_201, %sign3A_208 : i32
      %rem3A = arith.remsi %add3A_195, %jit3A : i32
      %ne3A_209 = arith.constant 0 : i32
      %ne3A_210 = arith.cmpi ne, %rem3A, %ne3A_209 : i32
      %and3A = arith.andi %ne3A, %ne3A_210 : i1
      %sub3A = arith.constant 1 : i32
      %sub3A_211 = arith.subi %div3A, %sub3A : i32
      %select_n3A = arith.select %and3A, %sub3A_211, %div3A : i32
      %jit3A_212 = arith.constant 64 : i32
      %eq3A = arith.constant 0 : i32
      %eq3A_213 = arith.cmpi eq, %jit3A_212, %eq3A : i32
      %jit3A_214 = arith.constant 1 : i32
      %select_n3A_215 = arith.select %eq3A_213, %jit3A_214, %jit3A_212 : i32
      %rem3A_216 = arith.remsi %add3A_195, %select_n3A_215 : i32
      %ne3A_217 = arith.constant 0 : i32
      %ne3A_218 = arith.cmpi ne, %rem3A_216, %ne3A_217 : i32
      %lt3A = arith.constant 0 : i32
      %lt3A_219 = arith.cmpi slt, %rem3A_216, %lt3A : i32
      %lt3A_220 = arith.constant 0 : i32
      %lt3A_221 = arith.cmpi slt, %select_n3A_215, %lt3A_220 : i32
      %ne3A_222 = arith.xori %lt3A_219, %lt3A_221 : i1
      %and3A_223 = arith.andi %ne3A_222, %ne3A_218 : i1
      %add3A_224 = arith.addi %rem3A_216, %select_n3A_215 : i32
      %select_n3A_225 = arith.select %and3A_223, %add3A_224, %rem3A_216 : i32
      %mul3A_226 = arith.constant 256 : i32
      %mul3A_227 = arith.muli %select_n3A_225, %mul3A_226 : i32
      %dma_start3A_228 = arith.constant 0 : i32
      %dma_start3A_229 = arith.constant 0 : i32
      %dma_start3A_230 = tpu.memref_slice %arg11[%dma_start3A_228, %dma_start3A_229] : memref<32x264xf32, #tpu.memory_space<vmem>> -> memref<32x256xf32, #tpu.memory_space<vmem>>
      %dma_start3A_231 = arith.constant 0 : i32
      %dma_start3A_232 = tpu.memref_slice %arg4[%select_n3A, %dma_start3A_231, %mul3A_227] : memref<50x32x16384xf32, #tpu.memory_space<hbm>> -> memref<1x32x256xf32, #tpu.memory_space<hbm>>
      %dma_start3A_233 = tpu.memref_squeeze %dma_start3A_232 : memref<1x32x256xf32, #tpu.memory_space<hbm>> -> memref<32x256xf32, #tpu.memory_space<hbm>>
      %dma_start3A_234 = arith.constant 0 : i32
      %dma_start3A_235 = tpu.memref_slice %arg4[%select_n3A, %dma_start3A_234, %mul3A_227] : memref<50x32x16384xf32, #tpu.memory_space<hbm>> -> memref<1x32x256xf32, #tpu.memory_space<hbm>>
      %dma_start3A_236 = tpu.memref_squeeze %dma_start3A_235 : memref<1x32x256xf32, #tpu.memory_space<hbm>> -> memref<32x256xf32, #tpu.memory_space<hbm>>
      %dma_start3A_237 = arith.constant 0 : i32
      %dma_start3A_238 = arith.constant 0 : i32
      %dma_start3A_239 = tpu.memref_slice %arg11[%dma_start3A_237, %dma_start3A_238] : memref<32x264xf32, #tpu.memory_space<vmem>> -> memref<32x256xf32, #tpu.memory_space<vmem>>
      tpu.enqueue_dma source(%dma_start3A_239 : memref<32x256xf32, #tpu.memory_space<vmem>>) target(%dma_start3A_236 : memref<32x256xf32, #tpu.memory_space<hbm>>) target_semaphore(%arg21 : memref<!tpu.dma_semaphore, #tpu.memory_space<semaphore_mem>>)
      %add3A_240 = arith.constant 5 : i32
      %add3A_241 = arith.addi %add3A_169, %add3A_240 : i32
      %sub3A_242 = arith.constant 1 : i32
      %sub3A_243 = arith.subi %add3A_241, %sub3A_242 : i32
      %lt3A_244 = arith.constant 100 : i32
      %lt3A_245 = arith.cmpi slt, %sub3A_243, %lt3A_244 : i32
      %convert_element_type3A = arith.extui %lt3A_245 : i1 to i32
      %cond3A = arith.constant 0 : i32
      %cond3A_246 = arith.cmpi ne, %convert_element_type3A, %cond3A : i32
      scf.if %cond3A_246 {
        %gt3A = arith.constant 0 : i32
        %gt3A_611 = arith.cmpi sgt, %add3A_169, %gt3A : i32
        %convert_element_type3A_612 = arith.extui %gt3A_611 : i1 to i32
        %cond3A_613 = arith.constant 0 : i32
        %cond3A_614 = arith.cmpi ne, %convert_element_type3A_612, %cond3A_613 : i32
        scf.if %cond3A_614 {
          %dma_wait3A_645 = arith.constant 0 : i32
          %dma_wait3A_646 = arith.constant 0 : i32
          %dma_wait3A_647 = arith.constant 0 : i32
          %dma_wait3A_648 = tpu.memref_slice %arg15[%dma_wait3A_646, %dma_wait3A_647] : memref<32x264xf32, #tpu.memory_space<vmem>> -> memref<32x256xf32, #tpu.memory_space<vmem>>
          %dma_wait3A_649 = arith.constant 0 : i32
          %dma_wait3A_650 = arith.constant 0 : i32
          %dma_wait3A_651 = tpu.memref_slice %arg4[%dma_wait3A_645, %dma_wait3A_649, %dma_wait3A_650] : memref<50x32x16384xf32, #tpu.memory_space<hbm>> -> memref<1x32x256xf32, #tpu.memory_space<hbm>>
          %dma_wait3A_652 = tpu.memref_squeeze %dma_wait3A_651 : memref<1x32x256xf32, #tpu.memory_space<hbm>> -> memref<32x256xf32, #tpu.memory_space<hbm>>
          %dma_wait3A_653 = arith.constant 0 : i32
          %dma_wait3A_654 = arith.constant 0 : i32
          %dma_wait3A_655 = tpu.memref_slice %arg4[%dma_wait3A_645, %dma_wait3A_653, %dma_wait3A_654] : memref<50x32x16384xf32, #tpu.memory_space<hbm>> -> memref<1x32x256xf32, #tpu.memory_space<hbm>>
          %dma_wait3A_656 = tpu.memref_squeeze %dma_wait3A_655 : memref<1x32x256xf32, #tpu.memory_space<hbm>> -> memref<32x256xf32, #tpu.memory_space<hbm>>
          %dma_wait3A_657 = arith.constant 0 : i32
          %dma_wait3A_658 = arith.constant 0 : i32
          %dma_wait3A_659 = tpu.memref_slice %arg15[%dma_wait3A_657, %dma_wait3A_658] : memref<32x264xf32, #tpu.memory_space<vmem>> -> memref<32x256xf32, #tpu.memory_space<vmem>>
          tpu.wait_dma2 semaphore(%arg25 : memref<!tpu.dma_semaphore, #tpu.memory_space<semaphore_mem>>) src(%dma_wait3A_659 : memref<32x256xf32, #tpu.memory_space<vmem>>) dst(%dma_wait3A_656 : memref<32x256xf32, #tpu.memory_space<hbm>>)
        } else {
        }
        %add3A_615 = arith.constant 5 : i32
        %add3A_616 = arith.addi %add3A_169, %add3A_615 : i32
        %sub3A_617 = arith.constant 1 : i32
        %sub3A_618 = arith.subi %add3A_616, %sub3A_617 : i32
        %mul3A_619 = arith.constant 2 : i32
        %mul3A_620 = arith.muli %sub3A_618, %mul3A_619 : i32
        %add3A_621 = arith.constant 0 : i32
        %add3A_622 = arith.addi %mul3A_620, %add3A_621 : i32
        %dma_start3A_623 = arith.constant 0 : i32
        %dma_start3A_624 = arith.constant 0 : i32
        %dma_start3A_625 = tpu.memref_slice %arg10[%dma_start3A_623, %dma_start3A_624] : memref<256x32xf32, #tpu.memory_space<vmem>> -> memref<128x32xf32, #tpu.memory_space<vmem>>
        %dma_start3A_626 = arith.constant 0 : i32
        %dma_start3A_627 = tpu.memref_slice %arg5[%add3A_622, %dma_start3A_626] : memref<200x128xi32, #tpu.memory_space<vmem>> -> memref<1x128xi32, #tpu.memory_space<vmem>>
        %dma_start3A_628 = tpu.memref_squeeze %dma_start3A_627 : memref<1x128xi32, #tpu.memory_space<vmem>> -> memref<128xi32, #tpu.memory_space<vmem>>
        %dma_start3A_629 = arith.constant 0 : i32
        %dma_start3A_630 = arith.constant 0 : i32
        %dma_start3A_631 = tpu.memref_slice %arg2[%dma_start3A_629, %dma_start3A_630] : memref<4000000x32xf32, #tpu.memory_space<hbm>> -> memref<4000000x32xf32, #tpu.memory_space<hbm>>
        tpu.enqueue_indirect_dma source(%dma_start3A_631 : memref<4000000x32xf32, #tpu.memory_space<hbm>>) target(%dma_start3A_625 : memref<128x32xf32, #tpu.memory_space<vmem>>) offsets(%dma_start3A_628 : memref<128xi32, #tpu.memory_space<vmem>>) semaphore(%arg20 : memref<!tpu.dma_semaphore, #tpu.memory_space<semaphore_mem>>)
        %mul3A_632 = arith.constant 2 : i32
        %mul3A_633 = arith.muli %sub3A_618, %mul3A_632 : i32
        %add3A_634 = arith.constant 1 : i32
        %add3A_635 = arith.addi %mul3A_633, %add3A_634 : i32
        %dma_start3A_636 = arith.constant 128 : i32
        %dma_start3A_637 = arith.constant 0 : i32
        %dma_start3A_638 = tpu.memref_slice %arg10[%dma_start3A_636, %dma_start3A_637] : memref<256x32xf32, #tpu.memory_space<vmem>> -> memref<128x32xf32, #tpu.memory_space<vmem>>
        %dma_start3A_639 = arith.constant 0 : i32
        %dma_start3A_640 = tpu.memref_slice %arg5[%add3A_635, %dma_start3A_639] : memref<200x128xi32, #tpu.memory_space<vmem>> -> memref<1x128xi32, #tpu.memory_space<vmem>>
        %dma_start3A_641 = tpu.memref_squeeze %dma_start3A_640 : memref<1x128xi32, #tpu.memory_space<vmem>> -> memref<128xi32, #tpu.memory_space<vmem>>
        %dma_start3A_642 = arith.constant 0 : i32
        %dma_start3A_643 = arith.constant 0 : i32
        %dma_start3A_644 = tpu.memref_slice %arg2[%dma_start3A_642, %dma_start3A_643] : memref<4000000x32xf32, #tpu.memory_space<hbm>> -> memref<4000000x32xf32, #tpu.memory_space<hbm>>
        tpu.enqueue_indirect_dma source(%dma_start3A_644 : memref<4000000x32xf32, #tpu.memory_space<hbm>>) target(%dma_start3A_638 : memref<128x32xf32, #tpu.memory_space<vmem>>) offsets(%dma_start3A_641 : memref<128xi32, #tpu.memory_space<vmem>>) semaphore(%arg20 : memref<!tpu.dma_semaphore, #tpu.memory_space<semaphore_mem>>)
      } else {
      }
      %add3A_247 = arith.constant 1 : i32
      %add3A_248 = arith.addi %add3A_167, %add3A_247 : i32
      %dma_wait3A_249 = arith.constant 0 : i32
      %dma_wait3A_250 = arith.constant 0 : i32
      %dma_wait3A_251 = arith.constant 0 : i32
      %dma_wait3A_252 = tpu.memref_slice %arg7[%dma_wait3A_250, %dma_wait3A_251] : memref<256x32xf32, #tpu.memory_space<vmem>> -> memref<128x32xf32, #tpu.memory_space<vmem>>
      %dma_wait3A_253 = arith.constant 0 : i32
      %dma_wait3A_254 = tpu.memref_slice %arg5[%dma_wait3A_249, %dma_wait3A_253] : memref<200x128xi32, #tpu.memory_space<vmem>> -> memref<1x128xi32, #tpu.memory_space<vmem>>
      %dma_wait3A_255 = tpu.memref_squeeze %dma_wait3A_254 : memref<1x128xi32, #tpu.memory_space<vmem>> -> memref<128xi32, #tpu.memory_space<vmem>>
      %dma_wait3A_256 = arith.constant 0 : i32
      %dma_wait3A_257 = arith.constant 0 : i32
      %dma_wait3A_258 = tpu.memref_slice %arg2[%dma_wait3A_256, %dma_wait3A_257] : memref<4000000x32xf32, #tpu.memory_space<hbm>> -> memref<4000000x32xf32, #tpu.memory_space<hbm>>
      tpu.wait_indirect_dma semaphore(%arg17 : memref<!tpu.dma_semaphore, #tpu.memory_space<semaphore_mem>>) src(%dma_wait3A_258 : memref<4000000x32xf32, #tpu.memory_space<hbm>>) dst(%dma_wait3A_252 : memref<128x32xf32, #tpu.memory_space<vmem>>)
      %dma_wait3A_259 = arith.constant 0 : i32
      %dma_wait3A_260 = arith.constant 128 : i32
      %dma_wait3A_261 = arith.constant 0 : i32
      %dma_wait3A_262 = tpu.memref_slice %arg7[%dma_wait3A_260, %dma_wait3A_261] : memref<256x32xf32, #tpu.memory_space<vmem>> -> memref<128x32xf32, #tpu.memory_space<vmem>>
      %dma_wait3A_263 = arith.constant 0 : i32
      %dma_wait3A_264 = tpu.memref_slice %arg5[%dma_wait3A_259, %dma_wait3A_263] : memref<200x128xi32, #tpu.memory_space<vmem>> -> memref<1x128xi32, #tpu.memory_space<vmem>>
      %dma_wait3A_265 = tpu.memref_squeeze %dma_wait3A_264 : memref<1x128xi32, #tpu.memory_space<vmem>> -> memref<128xi32, #tpu.memory_space<vmem>>
      %dma_wait3A_266 = arith.constant 0 : i32
      %dma_wait3A_267 = arith.constant 0 : i32
      %dma_wait3A_268 = tpu.memref_slice %arg2[%dma_wait3A_266, %dma_wait3A_267] : memref<4000000x32xf32, #tpu.memory_space<hbm>> -> memref<4000000x32xf32, #tpu.memory_space<hbm>>
      tpu.wait_indirect_dma semaphore(%arg17 : memref<!tpu.dma_semaphore, #tpu.memory_space<semaphore_mem>>) src(%dma_wait3A_268 : memref<4000000x32xf32, #tpu.memory_space<hbm>>) dst(%dma_wait3A_262 : memref<128x32xf32, #tpu.memory_space<vmem>>)
      %scan3A_269 = arith.constant 0 : i32
      %scan3A_270 = arith.constant 16 : i32
      %scan3A_271 = arith.addi %scan3A_269, %scan3A_270 : i32
      %scan3A_272 = arith.constant 1 : i32
      scf.for %scan3A_611 = %scan3A_269 to %scan3A_271 step %scan3A_272  : i32 {
        %mul3A_612 = arith.constant 1 : i32
        %mul3A_613 = arith.muli %scan3A_611, %mul3A_612 : i32
        %add3A_614 = arith.constant 0 : i32
        %add3A_615 = arith.addi %add3A_614, %mul3A_613 : i32
        %mul3A_616 = arith.constant 16 : i32
        %mul3A_617 = arith.muli %add3A_615, %mul3A_616 : i32
        %broadcast_in_dim3A = arith.constant 0 : i32
        %broadcast_in_dim3A_618 = vector.broadcast %broadcast_in_dim3A : i32 to vector<16xi32>
        %add3A_619 = vector.broadcast %mul3A_617 : i32 to vector<16xi32>
        %add3A_620 = arith.addi %broadcast_in_dim3A_618, %add3A_619 : vector<16xi32>
        %add3A_621 = arith.constant 0 : i32
        %add3A_622 = arith.addi %mul3A_617, %add3A_621 : i32
        %get3A = arith.index_cast %add3A_622 : i32 to index
        %get3A_623 = arith.constant 0 : index
        %get3A_624 = tpu.vector_load %arg7[%get3A, %get3A_623] {strides = array<i32>} : memref<256x32xf32, #tpu.memory_space<vmem>>, vector<16xf32>,
        %mul3A_625 = arith.constant 5.65685415 : f32
        %mul3A_626 = vector.broadcast %mul3A_625 : f32 to vector<16xf32>
        %mul3A_627 = arith.mulf %get3A_624, %mul3A_626 : vector<16xf32>
        tpu.vector_store_idx %arg12[%iota3A, %add3A_620], %mul3A_627 : memref<32x264xf32, #tpu.memory_space<vmem>>[vector<16xi32>, vector<16xi32>], vector<16xf32>,
        %add3A_628 = arith.constant 0 : i32
        %add3A_629 = arith.addi %mul3A_617, %add3A_628 : i32
        %get3A_630 = arith.index_cast %add3A_629 : i32 to index
        %get3A_631 = arith.constant 16 : index
        %get3A_632 = tpu.vector_load %arg7[%get3A_630, %get3A_631] {strides = array<i32>} : memref<256x32xf32, #tpu.memory_space<vmem>>, vector<16xf32>,
        %mul3A_633 = arith.constant 5.65685415 : f32
        %mul3A_634 = vector.broadcast %mul3A_633 : f32 to vector<16xf32>
        %mul3A_635 = arith.mulf %get3A_632, %mul3A_634 : vector<16xf32>
        tpu.vector_store_idx %arg12[%add3A_5, %add3A_620], %mul3A_635 : memref<32x264xf32, #tpu.memory_space<vmem>>[vector<16xi32>, vector<16xi32>], vector<16xf32>,
        %broadcast_in_dim3A_636 = arith.constant 1 : i32
        %broadcast_in_dim3A_637 = vector.broadcast %broadcast_in_dim3A_636 : i32 to vector<16xi32>
        %add3A_638 = vector.broadcast %mul3A_617 : i32 to vector<16xi32>
        %add3A_639 = arith.addi %broadcast_in_dim3A_637, %add3A_638 : vector<16xi32>
        %add3A_640 = arith.constant 1 : i32
        %add3A_641 = arith.addi %mul3A_617, %add3A_640 : i32
        %get3A_642 = arith.index_cast %add3A_641 : i32 to index
        %get3A_643 = arith.constant 0 : index
        %get3A_644 = tpu.vector_load %arg7[%get3A_642, %get3A_643] {strides = array<i32>} : memref<256x32xf32, #tpu.memory_space<vmem>>, vector<16xf32>,
        %mul3A_645 = arith.constant 5.65685415 : f32
        %mul3A_646 = vector.broadcast %mul3A_645 : f32 to vector<16xf32>
        %mul3A_647 = arith.mulf %get3A_644, %mul3A_646 : vector<16xf32>
        tpu.vector_store_idx %arg12[%iota3A, %add3A_639], %mul3A_647 : memref<32x264xf32, #tpu.memory_space<vmem>>[vector<16xi32>, vector<16xi32>], vector<16xf32>,
        %add3A_648 = arith.constant 1 : i32
        %add3A_649 = arith.addi %mul3A_617, %add3A_648 : i32
        %get3A_650 = arith.index_cast %add3A_649 : i32 to index
        %get3A_651 = arith.constant 16 : index
        %get3A_652 = tpu.vector_load %arg7[%get3A_650, %get3A_651] {strides = array<i32>} : memref<256x32xf32, #tpu.memory_space<vmem>>, vector<16xf32>,
        %mul3A_653 = arith.constant 5.65685415 : f32
        %mul3A_654 = vector.broadcast %mul3A_653 : f32 to vector<16xf32>
        %mul3A_655 = arith.mulf %get3A_652, %mul3A_654 : vector<16xf32>
        tpu.vector_store_idx %arg12[%add3A_5, %add3A_639], %mul3A_655 : memref<32x264xf32, #tpu.memory_space<vmem>>[vector<16xi32>, vector<16xi32>], vector<16xf32>,
        %broadcast_in_dim3A_656 = arith.constant 2 : i32
        %broadcast_in_dim3A_657 = vector.broadcast %broadcast_in_dim3A_656 : i32 to vector<16xi32>
        %add3A_658 = vector.broadcast %mul3A_617 : i32 to vector<16xi32>
        %add3A_659 = arith.addi %broadcast_in_dim3A_657, %add3A_658 : vector<16xi32>
        %add3A_660 = arith.constant 2 : i32
        %add3A_661 = arith.addi %mul3A_617, %add3A_660 : i32
        %get3A_662 = arith.index_cast %add3A_661 : i32 to index
        %get3A_663 = arith.constant 0 : index
        %get3A_664 = tpu.vector_load %arg7[%get3A_662, %get3A_663] {strides = array<i32>} : memref<256x32xf32, #tpu.memory_space<vmem>>, vector<16xf32>,
        %mul3A_665 = arith.constant 5.65685415 : f32
        %mul3A_666 = vector.broadcast %mul3A_665 : f32 to vector<16xf32>
        %mul3A_667 = arith.mulf %get3A_664, %mul3A_666 : vector<16xf32>
        tpu.vector_store_idx %arg12[%iota3A, %add3A_659], %mul3A_667 : memref<32x264xf32, #tpu.memory_space<vmem>>[vector<16xi32>, vector<16xi32>], vector<16xf32>,
        %add3A_668 = arith.constant 2 : i32
        %add3A_669 = arith.addi %mul3A_617, %add3A_668 : i32
        %get3A_670 = arith.index_cast %add3A_669 : i32 to index
        %get3A_671 = arith.constant 16 : index
        %get3A_672 = tpu.vector_load %arg7[%get3A_670, %get3A_671] {strides = array<i32>} : memref<256x32xf32, #tpu.memory_space<vmem>>, vector<16xf32>,
        %mul3A_673 = arith.constant 5.65685415 : f32
        %mul3A_674 = vector.broadcast %mul3A_673 : f32 to vector<16xf32>
        %mul3A_675 = arith.mulf %get3A_672, %mul3A_674 : vector<16xf32>
        tpu.vector_store_idx %arg12[%add3A_5, %add3A_659], %mul3A_675 : memref<32x264xf32, #tpu.memory_space<vmem>>[vector<16xi32>, vector<16xi32>], vector<16xf32>,
        %broadcast_in_dim3A_676 = arith.constant 3 : i32
        %broadcast_in_dim3A_677 = vector.broadcast %broadcast_in_dim3A_676 : i32 to vector<16xi32>
        %add3A_678 = vector.broadcast %mul3A_617 : i32 to vector<16xi32>
        %add3A_679 = arith.addi %broadcast_in_dim3A_677, %add3A_678 : vector<16xi32>
        %add3A_680 = arith.constant 3 : i32
        %add3A_681 = arith.addi %mul3A_617, %add3A_680 : i32
        %get3A_682 = arith.index_cast %add3A_681 : i32 to index
        %get3A_683 = arith.constant 0 : index
        %get3A_684 = tpu.vector_load %arg7[%get3A_682, %get3A_683] {strides = array<i32>} : memref<256x32xf32, #tpu.memory_space<vmem>>, vector<16xf32>,
        %mul3A_685 = arith.constant 5.65685415 : f32
        %mul3A_686 = vector.broadcast %mul3A_685 : f32 to vector<16xf32>
        %mul3A_687 = arith.mulf %get3A_684, %mul3A_686 : vector<16xf32>
        tpu.vector_store_idx %arg12[%iota3A, %add3A_679], %mul3A_687 : memref<32x264xf32, #tpu.memory_space<vmem>>[vector<16xi32>, vector<16xi32>], vector<16xf32>,
        %add3A_688 = arith.constant 3 : i32
        %add3A_689 = arith.addi %mul3A_617, %add3A_688 : i32
        %get3A_690 = arith.index_cast %add3A_689 : i32 to index
        %get3A_691 = arith.constant 16 : index
        %get3A_692 = tpu.vector_load %arg7[%get3A_690, %get3A_691] {strides = array<i32>} : memref<256x32xf32, #tpu.memory_space<vmem>>, vector<16xf32>,
        %mul3A_693 = arith.constant 5.65685415 : f32
        %mul3A_694 = vector.broadcast %mul3A_693 : f32 to vector<16xf32>
        %mul3A_695 = arith.mulf %get3A_692, %mul3A_694 : vector<16xf32>
        tpu.vector_store_idx %arg12[%add3A_5, %add3A_679], %mul3A_695 : memref<32x264xf32, #tpu.memory_space<vmem>>[vector<16xi32>, vector<16xi32>], vector<16xf32>,
        %broadcast_in_dim3A_696 = arith.constant 4 : i32
        %broadcast_in_dim3A_697 = vector.broadcast %broadcast_in_dim3A_696 : i32 to vector<16xi32>
        %add3A_698 = vector.broadcast %mul3A_617 : i32 to vector<16xi32>
        %add3A_699 = arith.addi %broadcast_in_dim3A_697, %add3A_698 : vector<16xi32>
        %add3A_700 = arith.constant 4 : i32
        %add3A_701 = arith.addi %mul3A_617, %add3A_700 : i32
        %get3A_702 = arith.index_cast %add3A_701 : i32 to index
        %get3A_703 = arith.constant 0 : index
        %get3A_704 = tpu.vector_load %arg7[%get3A_702, %get3A_703] {strides = array<i32>} : memref<256x32xf32, #tpu.memory_space<vmem>>, vector<16xf32>,
        %mul3A_705 = arith.constant 5.65685415 : f32
        %mul3A_706 = vector.broadcast %mul3A_705 : f32 to vector<16xf32>
        %mul3A_707 = arith.mulf %get3A_704, %mul3A_706 : vector<16xf32>
        tpu.vector_store_idx %arg12[%iota3A, %add3A_699], %mul3A_707 : memref<32x264xf32, #tpu.memory_space<vmem>>[vector<16xi32>, vector<16xi32>], vector<16xf32>,
        %add3A_708 = arith.constant 4 : i32
        %add3A_709 = arith.addi %mul3A_617, %add3A_708 : i32
        %get3A_710 = arith.index_cast %add3A_709 : i32 to index
        %get3A_711 = arith.constant 16 : index
        %get3A_712 = tpu.vector_load %arg7[%get3A_710, %get3A_711] {strides = array<i32>} : memref<256x32xf32, #tpu.memory_space<vmem>>, vector<16xf32>,
        %mul3A_713 = arith.constant 5.65685415 : f32
        %mul3A_714 = vector.broadcast %mul3A_713 : f32 to vector<16xf32>
        %mul3A_715 = arith.mulf %get3A_712, %mul3A_714 : vector<16xf32>
        tpu.vector_store_idx %arg12[%add3A_5, %add3A_699], %mul3A_715 : memref<32x264xf32, #tpu.memory_space<vmem>>[vector<16xi32>, vector<16xi32>], vector<16xf32>,
        %broadcast_in_dim3A_716 = arith.constant 5 : i32
        %broadcast_in_dim3A_717 = vector.broadcast %broadcast_in_dim3A_716 : i32 to vector<16xi32>
        %add3A_718 = vector.broadcast %mul3A_617 : i32 to vector<16xi32>
        %add3A_719 = arith.addi %broadcast_in_dim3A_717, %add3A_718 : vector<16xi32>
        %add3A_720 = arith.constant 5 : i32
        %add3A_721 = arith.addi %mul3A_617, %add3A_720 : i32
        %get3A_722 = arith.index_cast %add3A_721 : i32 to index
        %get3A_723 = arith.constant 0 : index
        %get3A_724 = tpu.vector_load %arg7[%get3A_722, %get3A_723] {strides = array<i32>} : memref<256x32xf32, #tpu.memory_space<vmem>>, vector<16xf32>,
        %mul3A_725 = arith.constant 5.65685415 : f32
        %mul3A_726 = vector.broadcast %mul3A_725 : f32 to vector<16xf32>
        %mul3A_727 = arith.mulf %get3A_724, %mul3A_726 : vector<16xf32>
        tpu.vector_store_idx %arg12[%iota3A, %add3A_719], %mul3A_727 : memref<32x264xf32, #tpu.memory_space<vmem>>[vector<16xi32>, vector<16xi32>], vector<16xf32>,
        %add3A_728 = arith.constant 5 : i32
        %add3A_729 = arith.addi %mul3A_617, %add3A_728 : i32
        %get3A_730 = arith.index_cast %add3A_729 : i32 to index
        %get3A_731 = arith.constant 16 : index
        %get3A_732 = tpu.vector_load %arg7[%get3A_730, %get3A_731] {strides = array<i32>} : memref<256x32xf32, #tpu.memory_space<vmem>>, vector<16xf32>,
        %mul3A_733 = arith.constant 5.65685415 : f32
        %mul3A_734 = vector.broadcast %mul3A_733 : f32 to vector<16xf32>
        %mul3A_735 = arith.mulf %get3A_732, %mul3A_734 : vector<16xf32>
        tpu.vector_store_idx %arg12[%add3A_5, %add3A_719], %mul3A_735 : memref<32x264xf32, #tpu.memory_space<vmem>>[vector<16xi32>, vector<16xi32>], vector<16xf32>,
        %broadcast_in_dim3A_736 = arith.constant 6 : i32
        %broadcast_in_dim3A_737 = vector.broadcast %broadcast_in_dim3A_736 : i32 to vector<16xi32>
        %add3A_738 = vector.broadcast %mul3A_617 : i32 to vector<16xi32>
        %add3A_739 = arith.addi %broadcast_in_dim3A_737, %add3A_738 : vector<16xi32>
        %add3A_740 = arith.constant 6 : i32
        %add3A_741 = arith.addi %mul3A_617, %add3A_740 : i32
        %get3A_742 = arith.index_cast %add3A_741 : i32 to index
        %get3A_743 = arith.constant 0 : index
        %get3A_744 = tpu.vector_load %arg7[%get3A_742, %get3A_743] {strides = array<i32>} : memref<256x32xf32, #tpu.memory_space<vmem>>, vector<16xf32>,
        %mul3A_745 = arith.constant 5.65685415 : f32
        %mul3A_746 = vector.broadcast %mul3A_745 : f32 to vector<16xf32>
        %mul3A_747 = arith.mulf %get3A_744, %mul3A_746 : vector<16xf32>
        tpu.vector_store_idx %arg12[%iota3A, %add3A_739], %mul3A_747 : memref<32x264xf32, #tpu.memory_space<vmem>>[vector<16xi32>, vector<16xi32>], vector<16xf32>,
        %add3A_748 = arith.constant 6 : i32
        %add3A_749 = arith.addi %mul3A_617, %add3A_748 : i32
        %get3A_750 = arith.index_cast %add3A_749 : i32 to index
        %get3A_751 = arith.constant 16 : index
        %get3A_752 = tpu.vector_load %arg7[%get3A_750, %get3A_751] {strides = array<i32>} : memref<256x32xf32, #tpu.memory_space<vmem>>, vector<16xf32>,
        %mul3A_753 = arith.constant 5.65685415 : f32
        %mul3A_754 = vector.broadcast %mul3A_753 : f32 to vector<16xf32>
        %mul3A_755 = arith.mulf %get3A_752, %mul3A_754 : vector<16xf32>
        tpu.vector_store_idx %arg12[%add3A_5, %add3A_739], %mul3A_755 : memref<32x264xf32, #tpu.memory_space<vmem>>[vector<16xi32>, vector<16xi32>], vector<16xf32>,
        %broadcast_in_dim3A_756 = arith.constant 7 : i32
        %broadcast_in_dim3A_757 = vector.broadcast %broadcast_in_dim3A_756 : i32 to vector<16xi32>
        %add3A_758 = vector.broadcast %mul3A_617 : i32 to vector<16xi32>
        %add3A_759 = arith.addi %broadcast_in_dim3A_757, %add3A_758 : vector<16xi32>
        %add3A_760 = arith.constant 7 : i32
        %add3A_761 = arith.addi %mul3A_617, %add3A_760 : i32
        %get3A_762 = arith.index_cast %add3A_761 : i32 to index
        %get3A_763 = arith.constant 0 : index
        %get3A_764 = tpu.vector_load %arg7[%get3A_762, %get3A_763] {strides = array<i32>} : memref<256x32xf32, #tpu.memory_space<vmem>>, vector<16xf32>,
        %mul3A_765 = arith.constant 5.65685415 : f32
        %mul3A_766 = vector.broadcast %mul3A_765 : f32 to vector<16xf32>
        %mul3A_767 = arith.mulf %get3A_764, %mul3A_766 : vector<16xf32>
        tpu.vector_store_idx %arg12[%iota3A, %add3A_759], %mul3A_767 : memref<32x264xf32, #tpu.memory_space<vmem>>[vector<16xi32>, vector<16xi32>], vector<16xf32>,
        %add3A_768 = arith.constant 7 : i32
        %add3A_769 = arith.addi %mul3A_617, %add3A_768 : i32
        %get3A_770 = arith.index_cast %add3A_769 : i32 to index
        %get3A_771 = arith.constant 16 : index
        %get3A_772 = tpu.vector_load %arg7[%get3A_770, %get3A_771] {strides = array<i32>} : memref<256x32xf32, #tpu.memory_space<vmem>>, vector<16xf32>,
        %mul3A_773 = arith.constant 5.65685415 : f32
        %mul3A_774 = vector.broadcast %mul3A_773 : f32 to vector<16xf32>
        %mul3A_775 = arith.mulf %get3A_772, %mul3A_774 : vector<16xf32>
        tpu.vector_store_idx %arg12[%add3A_5, %add3A_759], %mul3A_775 : memref<32x264xf32, #tpu.memory_space<vmem>>[vector<16xi32>, vector<16xi32>], vector<16xf32>,
        %broadcast_in_dim3A_776 = arith.constant 8 : i32
        %broadcast_in_dim3A_777 = vector.broadcast %broadcast_in_dim3A_776 : i32 to vector<16xi32>
        %add3A_778 = vector.broadcast %mul3A_617 : i32 to vector<16xi32>
        %add3A_779 = arith.addi %broadcast_in_dim3A_777, %add3A_778 : vector<16xi32>
        %add3A_780 = arith.constant 8 : i32
        %add3A_781 = arith.addi %mul3A_617, %add3A_780 : i32
        %get3A_782 = arith.index_cast %add3A_781 : i32 to index
        %get3A_783 = arith.constant 0 : index
        %get3A_784 = tpu.vector_load %arg7[%get3A_782, %get3A_783] {strides = array<i32>} : memref<256x32xf32, #tpu.memory_space<vmem>>, vector<16xf32>,
        %mul3A_785 = arith.constant 5.65685415 : f32
        %mul3A_786 = vector.broadcast %mul3A_785 : f32 to vector<16xf32>
        %mul3A_787 = arith.mulf %get3A_784, %mul3A_786 : vector<16xf32>
        tpu.vector_store_idx %arg12[%iota3A, %add3A_779], %mul3A_787 : memref<32x264xf32, #tpu.memory_space<vmem>>[vector<16xi32>, vector<16xi32>], vector<16xf32>,
        %add3A_788 = arith.constant 8 : i32
        %add3A_789 = arith.addi %mul3A_617, %add3A_788 : i32
        %get3A_790 = arith.index_cast %add3A_789 : i32 to index
        %get3A_791 = arith.constant 16 : index
        %get3A_792 = tpu.vector_load %arg7[%get3A_790, %get3A_791] {strides = array<i32>} : memref<256x32xf32, #tpu.memory_space<vmem>>, vector<16xf32>,
        %mul3A_793 = arith.constant 5.65685415 : f32
        %mul3A_794 = vector.broadcast %mul3A_793 : f32 to vector<16xf32>
        %mul3A_795 = arith.mulf %get3A_792, %mul3A_794 : vector<16xf32>
        tpu.vector_store_idx %arg12[%add3A_5, %add3A_779], %mul3A_795 : memref<32x264xf32, #tpu.memory_space<vmem>>[vector<16xi32>, vector<16xi32>], vector<16xf32>,
        %broadcast_in_dim3A_796 = arith.constant 9 : i32
        %broadcast_in_dim3A_797 = vector.broadcast %broadcast_in_dim3A_796 : i32 to vector<16xi32>
        %add3A_798 = vector.broadcast %mul3A_617 : i32 to vector<16xi32>
        %add3A_799 = arith.addi %broadcast_in_dim3A_797, %add3A_798 : vector<16xi32>
        %add3A_800 = arith.constant 9 : i32
        %add3A_801 = arith.addi %mul3A_617, %add3A_800 : i32
        %get3A_802 = arith.index_cast %add3A_801 : i32 to index
        %get3A_803 = arith.constant 0 : index
        %get3A_804 = tpu.vector_load %arg7[%get3A_802, %get3A_803] {strides = array<i32>} : memref<256x32xf32, #tpu.memory_space<vmem>>, vector<16xf32>,
        %mul3A_805 = arith.constant 5.65685415 : f32
        %mul3A_806 = vector.broadcast %mul3A_805 : f32 to vector<16xf32>
        %mul3A_807 = arith.mulf %get3A_804, %mul3A_806 : vector<16xf32>
        tpu.vector_store_idx %arg12[%iota3A, %add3A_799], %mul3A_807 : memref<32x264xf32, #tpu.memory_space<vmem>>[vector<16xi32>, vector<16xi32>], vector<16xf32>,
        %add3A_808 = arith.constant 9 : i32
        %add3A_809 = arith.addi %mul3A_617, %add3A_808 : i32
        %get3A_810 = arith.index_cast %add3A_809 : i32 to index
        %get3A_811 = arith.constant 16 : index
        %get3A_812 = tpu.vector_load %arg7[%get3A_810, %get3A_811] {strides = array<i32>} : memref<256x32xf32, #tpu.memory_space<vmem>>, vector<16xf32>,
        %mul3A_813 = arith.constant 5.65685415 : f32
        %mul3A_814 = vector.broadcast %mul3A_813 : f32 to vector<16xf32>
        %mul3A_815 = arith.mulf %get3A_812, %mul3A_814 : vector<16xf32>
        tpu.vector_store_idx %arg12[%add3A_5, %add3A_799], %mul3A_815 : memref<32x264xf32, #tpu.memory_space<vmem>>[vector<16xi32>, vector<16xi32>], vector<16xf32>,
        %broadcast_in_dim3A_816 = arith.constant 10 : i32
        %broadcast_in_dim3A_817 = vector.broadcast %broadcast_in_dim3A_816 : i32 to vector<16xi32>
        %add3A_818 = vector.broadcast %mul3A_617 : i32 to vector<16xi32>
        %add3A_819 = arith.addi %broadcast_in_dim3A_817, %add3A_818 : vector<16xi32>
        %add3A_820 = arith.constant 10 : i32
        %add3A_821 = arith.addi %mul3A_617, %add3A_820 : i32
        %get3A_822 = arith.index_cast %add3A_821 : i32 to index
        %get3A_823 = arith.constant 0 : index
        %get3A_824 = tpu.vector_load %arg7[%get3A_822, %get3A_823] {strides = array<i32>} : memref<256x32xf32, #tpu.memory_space<vmem>>, vector<16xf32>,
        %mul3A_825 = arith.constant 5.65685415 : f32
        %mul3A_826 = vector.broadcast %mul3A_825 : f32 to vector<16xf32>
        %mul3A_827 = arith.mulf %get3A_824, %mul3A_826 : vector<16xf32>
        tpu.vector_store_idx %arg12[%iota3A, %add3A_819], %mul3A_827 : memref<32x264xf32, #tpu.memory_space<vmem>>[vector<16xi32>, vector<16xi32>], vector<16xf32>,
        %add3A_828 = arith.constant 10 : i32
        %add3A_829 = arith.addi %mul3A_617, %add3A_828 : i32
        %get3A_830 = arith.index_cast %add3A_829 : i32 to index
        %get3A_831 = arith.constant 16 : index
        %get3A_832 = tpu.vector_load %arg7[%get3A_830, %get3A_831] {strides = array<i32>} : memref<256x32xf32, #tpu.memory_space<vmem>>, vector<16xf32>,
        %mul3A_833 = arith.constant 5.65685415 : f32
        %mul3A_834 = vector.broadcast %mul3A_833 : f32 to vector<16xf32>
        %mul3A_835 = arith.mulf %get3A_832, %mul3A_834 : vector<16xf32>
        tpu.vector_store_idx %arg12[%add3A_5, %add3A_819], %mul3A_835 : memref<32x264xf32, #tpu.memory_space<vmem>>[vector<16xi32>, vector<16xi32>], vector<16xf32>,
        %broadcast_in_dim3A_836 = arith.constant 11 : i32
        %broadcast_in_dim3A_837 = vector.broadcast %broadcast_in_dim3A_836 : i32 to vector<16xi32>
        %add3A_838 = vector.broadcast %mul3A_617 : i32 to vector<16xi32>
        %add3A_839 = arith.addi %broadcast_in_dim3A_837, %add3A_838 : vector<16xi32>
        %add3A_840 = arith.constant 11 : i32
        %add3A_841 = arith.addi %mul3A_617, %add3A_840 : i32
        %get3A_842 = arith.index_cast %add3A_841 : i32 to index
        %get3A_843 = arith.constant 0 : index
        %get3A_844 = tpu.vector_load %arg7[%get3A_842, %get3A_843] {strides = array<i32>} : memref<256x32xf32, #tpu.memory_space<vmem>>, vector<16xf32>,
        %mul3A_845 = arith.constant 5.65685415 : f32
        %mul3A_846 = vector.broadcast %mul3A_845 : f32 to vector<16xf32>
        %mul3A_847 = arith.mulf %get3A_844, %mul3A_846 : vector<16xf32>
        tpu.vector_store_idx %arg12[%iota3A, %add3A_839], %mul3A_847 : memref<32x264xf32, #tpu.memory_space<vmem>>[vector<16xi32>, vector<16xi32>], vector<16xf32>,
        %add3A_848 = arith.constant 11 : i32
        %add3A_849 = arith.addi %mul3A_617, %add3A_848 : i32
        %get3A_850 = arith.index_cast %add3A_849 : i32 to index
        %get3A_851 = arith.constant 16 : index
        %get3A_852 = tpu.vector_load %arg7[%get3A_850, %get3A_851] {strides = array<i32>} : memref<256x32xf32, #tpu.memory_space<vmem>>, vector<16xf32>,
        %mul3A_853 = arith.constant 5.65685415 : f32
        %mul3A_854 = vector.broadcast %mul3A_853 : f32 to vector<16xf32>
        %mul3A_855 = arith.mulf %get3A_852, %mul3A_854 : vector<16xf32>
        tpu.vector_store_idx %arg12[%add3A_5, %add3A_839], %mul3A_855 : memref<32x264xf32, #tpu.memory_space<vmem>>[vector<16xi32>, vector<16xi32>], vector<16xf32>,
        %broadcast_in_dim3A_856 = arith.constant 12 : i32
        %broadcast_in_dim3A_857 = vector.broadcast %broadcast_in_dim3A_856 : i32 to vector<16xi32>
        %add3A_858 = vector.broadcast %mul3A_617 : i32 to vector<16xi32>
        %add3A_859 = arith.addi %broadcast_in_dim3A_857, %add3A_858 : vector<16xi32>
        %add3A_860 = arith.constant 12 : i32
        %add3A_861 = arith.addi %mul3A_617, %add3A_860 : i32
        %get3A_862 = arith.index_cast %add3A_861 : i32 to index
        %get3A_863 = arith.constant 0 : index
        %get3A_864 = tpu.vector_load %arg7[%get3A_862, %get3A_863] {strides = array<i32>} : memref<256x32xf32, #tpu.memory_space<vmem>>, vector<16xf32>,
        %mul3A_865 = arith.constant 5.65685415 : f32
        %mul3A_866 = vector.broadcast %mul3A_865 : f32 to vector<16xf32>
        %mul3A_867 = arith.mulf %get3A_864, %mul3A_866 : vector<16xf32>
        tpu.vector_store_idx %arg12[%iota3A, %add3A_859], %mul3A_867 : memref<32x264xf32, #tpu.memory_space<vmem>>[vector<16xi32>, vector<16xi32>], vector<16xf32>,
        %add3A_868 = arith.constant 12 : i32
        %add3A_869 = arith.addi %mul3A_617, %add3A_868 : i32
        %get3A_870 = arith.index_cast %add3A_869 : i32 to index
        %get3A_871 = arith.constant 16 : index
        %get3A_872 = tpu.vector_load %arg7[%get3A_870, %get3A_871] {strides = array<i32>} : memref<256x32xf32, #tpu.memory_space<vmem>>, vector<16xf32>,
        %mul3A_873 = arith.constant 5.65685415 : f32
        %mul3A_874 = vector.broadcast %mul3A_873 : f32 to vector<16xf32>
        %mul3A_875 = arith.mulf %get3A_872, %mul3A_874 : vector<16xf32>
        tpu.vector_store_idx %arg12[%add3A_5, %add3A_859], %mul3A_875 : memref<32x264xf32, #tpu.memory_space<vmem>>[vector<16xi32>, vector<16xi32>], vector<16xf32>,
        %broadcast_in_dim3A_876 = arith.constant 13 : i32
        %broadcast_in_dim3A_877 = vector.broadcast %broadcast_in_dim3A_876 : i32 to vector<16xi32>
        %add3A_878 = vector.broadcast %mul3A_617 : i32 to vector<16xi32>
        %add3A_879 = arith.addi %broadcast_in_dim3A_877, %add3A_878 : vector<16xi32>
        %add3A_880 = arith.constant 13 : i32
        %add3A_881 = arith.addi %mul3A_617, %add3A_880 : i32
        %get3A_882 = arith.index_cast %add3A_881 : i32 to index
        %get3A_883 = arith.constant 0 : index
        %get3A_884 = tpu.vector_load %arg7[%get3A_882, %get3A_883] {strides = array<i32>} : memref<256x32xf32, #tpu.memory_space<vmem>>, vector<16xf32>,
        %mul3A_885 = arith.constant 5.65685415 : f32
        %mul3A_886 = vector.broadcast %mul3A_885 : f32 to vector<16xf32>
        %mul3A_887 = arith.mulf %get3A_884, %mul3A_886 : vector<16xf32>
        tpu.vector_store_idx %arg12[%iota3A, %add3A_879], %mul3A_887 : memref<32x264xf32, #tpu.memory_space<vmem>>[vector<16xi32>, vector<16xi32>], vector<16xf32>,
        %add3A_888 = arith.constant 13 : i32
        %add3A_889 = arith.addi %mul3A_617, %add3A_888 : i32
        %get3A_890 = arith.index_cast %add3A_889 : i32 to index
        %get3A_891 = arith.constant 16 : index
        %get3A_892 = tpu.vector_load %arg7[%get3A_890, %get3A_891] {strides = array<i32>} : memref<256x32xf32, #tpu.memory_space<vmem>>, vector<16xf32>,
        %mul3A_893 = arith.constant 5.65685415 : f32
        %mul3A_894 = vector.broadcast %mul3A_893 : f32 to vector<16xf32>
        %mul3A_895 = arith.mulf %get3A_892, %mul3A_894 : vector<16xf32>
        tpu.vector_store_idx %arg12[%add3A_5, %add3A_879], %mul3A_895 : memref<32x264xf32, #tpu.memory_space<vmem>>[vector<16xi32>, vector<16xi32>], vector<16xf32>,
        %broadcast_in_dim3A_896 = arith.constant 14 : i32
        %broadcast_in_dim3A_897 = vector.broadcast %broadcast_in_dim3A_896 : i32 to vector<16xi32>
        %add3A_898 = vector.broadcast %mul3A_617 : i32 to vector<16xi32>
        %add3A_899 = arith.addi %broadcast_in_dim3A_897, %add3A_898 : vector<16xi32>
        %add3A_900 = arith.constant 14 : i32
        %add3A_901 = arith.addi %mul3A_617, %add3A_900 : i32
        %get3A_902 = arith.index_cast %add3A_901 : i32 to index
        %get3A_903 = arith.constant 0 : index
        %get3A_904 = tpu.vector_load %arg7[%get3A_902, %get3A_903] {strides = array<i32>} : memref<256x32xf32, #tpu.memory_space<vmem>>, vector<16xf32>,
        %mul3A_905 = arith.constant 5.65685415 : f32
        %mul3A_906 = vector.broadcast %mul3A_905 : f32 to vector<16xf32>
        %mul3A_907 = arith.mulf %get3A_904, %mul3A_906 : vector<16xf32>
        tpu.vector_store_idx %arg12[%iota3A, %add3A_899], %mul3A_907 : memref<32x264xf32, #tpu.memory_space<vmem>>[vector<16xi32>, vector<16xi32>], vector<16xf32>,
        %add3A_908 = arith.constant 14 : i32
        %add3A_909 = arith.addi %mul3A_617, %add3A_908 : i32
        %get3A_910 = arith.index_cast %add3A_909 : i32 to index
        %get3A_911 = arith.constant 16 : index
        %get3A_912 = tpu.vector_load %arg7[%get3A_910, %get3A_911] {strides = array<i32>} : memref<256x32xf32, #tpu.memory_space<vmem>>, vector<16xf32>,
        %mul3A_913 = arith.constant 5.65685415 : f32
        %mul3A_914 = vector.broadcast %mul3A_913 : f32 to vector<16xf32>
        %mul3A_915 = arith.mulf %get3A_912, %mul3A_914 : vector<16xf32>
        tpu.vector_store_idx %arg12[%add3A_5, %add3A_899], %mul3A_915 : memref<32x264xf32, #tpu.memory_space<vmem>>[vector<16xi32>, vector<16xi32>], vector<16xf32>,
        %broadcast_in_dim3A_916 = arith.constant 15 : i32
        %broadcast_in_dim3A_917 = vector.broadcast %broadcast_in_dim3A_916 : i32 to vector<16xi32>
        %add3A_918 = vector.broadcast %mul3A_617 : i32 to vector<16xi32>
        %add3A_919 = arith.addi %broadcast_in_dim3A_917, %add3A_918 : vector<16xi32>
        %add3A_920 = arith.constant 15 : i32
        %add3A_921 = arith.addi %mul3A_617, %add3A_920 : i32
        %get3A_922 = arith.index_cast %add3A_921 : i32 to index
        %get3A_923 = arith.constant 0 : index
        %get3A_924 = tpu.vector_load %arg7[%get3A_922, %get3A_923] {strides = array<i32>} : memref<256x32xf32, #tpu.memory_space<vmem>>, vector<16xf32>,
        %mul3A_925 = arith.constant 5.65685415 : f32
        %mul3A_926 = vector.broadcast %mul3A_925 : f32 to vector<16xf32>
        %mul3A_927 = arith.mulf %get3A_924, %mul3A_926 : vector<16xf32>
        tpu.vector_store_idx %arg12[%iota3A, %add3A_919], %mul3A_927 : memref<32x264xf32, #tpu.memory_space<vmem>>[vector<16xi32>, vector<16xi32>], vector<16xf32>,
        %add3A_928 = arith.constant 15 : i32
        %add3A_929 = arith.addi %mul3A_617, %add3A_928 : i32
        %get3A_930 = arith.index_cast %add3A_929 : i32 to index
        %get3A_931 = arith.constant 16 : index
        %get3A_932 = tpu.vector_load %arg7[%get3A_930, %get3A_931] {strides = array<i32>} : memref<256x32xf32, #tpu.memory_space<vmem>>, vector<16xf32>,
        %mul3A_933 = arith.constant 5.65685415 : f32
        %mul3A_934 = vector.broadcast %mul3A_933 : f32 to vector<16xf32>
        %mul3A_935 = arith.mulf %get3A_932, %mul3A_934 : vector<16xf32>
        tpu.vector_store_idx %arg12[%add3A_5, %add3A_919], %mul3A_935 : memref<32x264xf32, #tpu.memory_space<vmem>>[vector<16xi32>, vector<16xi32>], vector<16xf32>,
      }
      %scan3A_273 = arith.constant 16 : i32
      %add3A_274 = arith.addi %mul3A_2, %add3A_248 : i32
      %jit3A_275 = arith.constant 64 : i32
      %div3A_276 = arith.divsi %add3A_274, %jit3A_275 : i32
      %sign3A_277 = arith.constant 0 : i32
      %sign3A_278 = arith.cmpi sgt, %add3A_274, %sign3A_277 : i32
      %sign3A_279 = arith.extui %sign3A_278 : i1 to i32
      %sign3A_280 = arith.constant 0 : i32
      %sign3A_281 = arith.cmpi slt, %add3A_274, %sign3A_280 : i32
      %sign3A_282 = arith.extui %sign3A_281 : i1 to i32
      %sign3A_283 = arith.subi %sign3A_279, %sign3A_282 : i32
      %sign3A_284 = arith.constant 0 : i32
      %sign3A_285 = arith.cmpi sgt, %jit3A_275, %sign3A_284 : i32
      %sign3A_286 = arith.extui %sign3A_285 : i1 to i32
      %sign3A_287 = arith.constant 0 : i32
      %sign3A_288 = arith.cmpi slt, %jit3A_275, %sign3A_287 : i32
      %sign3A_289 = arith.extui %sign3A_288 : i1 to i32
      %sign3A_290 = arith.subi %sign3A_286, %sign3A_289 : i32
      %ne3A_291 = arith.cmpi ne, %sign3A_283, %sign3A_290 : i32
      %rem3A_292 = arith.remsi %add3A_274, %jit3A_275 : i32
      %ne3A_293 = arith.constant 0 : i32
      %ne3A_294 = arith.cmpi ne, %rem3A_292, %ne3A_293 : i32
      %and3A_295 = arith.andi %ne3A_291, %ne3A_294 : i1
      %sub3A_296 = arith.constant 1 : i32
      %sub3A_297 = arith.subi %div3A_276, %sub3A_296 : i32
      %select_n3A_298 = arith.select %and3A_295, %sub3A_297, %div3A_276 : i32
      %jit3A_299 = arith.constant 64 : i32
      %eq3A_300 = arith.constant 0 : i32
      %eq3A_301 = arith.cmpi eq, %jit3A_299, %eq3A_300 : i32
      %jit3A_302 = arith.constant 1 : i32
      %select_n3A_303 = arith.select %eq3A_301, %jit3A_302, %jit3A_299 : i32
      %rem3A_304 = arith.remsi %add3A_274, %select_n3A_303 : i32
      %ne3A_305 = arith.constant 0 : i32
      %ne3A_306 = arith.cmpi ne, %rem3A_304, %ne3A_305 : i32
      %lt3A_307 = arith.constant 0 : i32
      %lt3A_308 = arith.cmpi slt, %rem3A_304, %lt3A_307 : i32
      %lt3A_309 = arith.constant 0 : i32
      %lt3A_310 = arith.cmpi slt, %select_n3A_303, %lt3A_309 : i32
      %ne3A_311 = arith.xori %lt3A_308, %lt3A_310 : i1
      %and3A_312 = arith.andi %ne3A_311, %ne3A_306 : i1
      %add3A_313 = arith.addi %rem3A_304, %select_n3A_303 : i32
      %select_n3A_314 = arith.select %and3A_312, %add3A_313, %rem3A_304 : i32
      %mul3A_315 = arith.constant 256 : i32
      %mul3A_316 = arith.muli %select_n3A_314, %mul3A_315 : i32
      %dma_start3A_317 = arith.constant 0 : i32
      %dma_start3A_318 = arith.constant 0 : i32
      %dma_start3A_319 = tpu.memref_slice %arg12[%dma_start3A_317, %dma_start3A_318] : memref<32x264xf32, #tpu.memory_space<vmem>> -> memref<32x256xf32, #tpu.memory_space<vmem>>
      %dma_start3A_320 = arith.constant 0 : i32
      %dma_start3A_321 = tpu.memref_slice %arg4[%select_n3A_298, %dma_start3A_320, %mul3A_316] : memref<50x32x16384xf32, #tpu.memory_space<hbm>> -> memref<1x32x256xf32, #tpu.memory_space<hbm>>
      %dma_start3A_322 = tpu.memref_squeeze %dma_start3A_321 : memref<1x32x256xf32, #tpu.memory_space<hbm>> -> memref<32x256xf32, #tpu.memory_space<hbm>>
      %dma_start3A_323 = arith.constant 0 : i32
      %dma_start3A_324 = tpu.memref_slice %arg4[%select_n3A_298, %dma_start3A_323, %mul3A_316] : memref<50x32x16384xf32, #tpu.memory_space<hbm>> -> memref<1x32x256xf32, #tpu.memory_space<hbm>>
      %dma_start3A_325 = tpu.memref_squeeze %dma_start3A_324 : memref<1x32x256xf32, #tpu.memory_space<hbm>> -> memref<32x256xf32, #tpu.memory_space<hbm>>
      %dma_start3A_326 = arith.constant 0 : i32
      %dma_start3A_327 = arith.constant 0 : i32
      %dma_start3A_328 = tpu.memref_slice %arg12[%dma_start3A_326, %dma_start3A_327] : memref<32x264xf32, #tpu.memory_space<vmem>> -> memref<32x256xf32, #tpu.memory_space<vmem>>
      tpu.enqueue_dma source(%dma_start3A_328 : memref<32x256xf32, #tpu.memory_space<vmem>>) target(%dma_start3A_325 : memref<32x256xf32, #tpu.memory_space<hbm>>) target_semaphore(%arg22 : memref<!tpu.dma_semaphore, #tpu.memory_space<semaphore_mem>>)
      %add3A_329 = arith.constant 5 : i32
      %add3A_330 = arith.addi %add3A_248, %add3A_329 : i32
      %sub3A_331 = arith.constant 1 : i32
      %sub3A_332 = arith.subi %add3A_330, %sub3A_331 : i32
      %lt3A_333 = arith.constant 100 : i32
      %lt3A_334 = arith.cmpi slt, %sub3A_332, %lt3A_333 : i32
      %convert_element_type3A_335 = arith.extui %lt3A_334 : i1 to i32
      %cond3A_336 = arith.constant 0 : i32
      %cond3A_337 = arith.cmpi ne, %convert_element_type3A_335, %cond3A_336 : i32
      scf.if %cond3A_337 {
        %gt3A = arith.constant 0 : i32
        %gt3A_611 = arith.cmpi sgt, %add3A_248, %gt3A : i32
        %convert_element_type3A_612 = arith.extui %gt3A_611 : i1 to i32
        %cond3A_613 = arith.constant 0 : i32
        %cond3A_614 = arith.cmpi ne, %convert_element_type3A_612, %cond3A_613 : i32
        scf.if %cond3A_614 {
          %dma_wait3A_645 = arith.constant 0 : i32
          %dma_wait3A_646 = arith.constant 0 : i32
          %dma_wait3A_647 = arith.constant 0 : i32
          %dma_wait3A_648 = tpu.memref_slice %arg11[%dma_wait3A_646, %dma_wait3A_647] : memref<32x264xf32, #tpu.memory_space<vmem>> -> memref<32x256xf32, #tpu.memory_space<vmem>>
          %dma_wait3A_649 = arith.constant 0 : i32
          %dma_wait3A_650 = arith.constant 0 : i32
          %dma_wait3A_651 = tpu.memref_slice %arg4[%dma_wait3A_645, %dma_wait3A_649, %dma_wait3A_650] : memref<50x32x16384xf32, #tpu.memory_space<hbm>> -> memref<1x32x256xf32, #tpu.memory_space<hbm>>
          %dma_wait3A_652 = tpu.memref_squeeze %dma_wait3A_651 : memref<1x32x256xf32, #tpu.memory_space<hbm>> -> memref<32x256xf32, #tpu.memory_space<hbm>>
          %dma_wait3A_653 = arith.constant 0 : i32
          %dma_wait3A_654 = arith.constant 0 : i32
          %dma_wait3A_655 = tpu.memref_slice %arg4[%dma_wait3A_645, %dma_wait3A_653, %dma_wait3A_654] : memref<50x32x16384xf32, #tpu.memory_space<hbm>> -> memref<1x32x256xf32, #tpu.memory_space<hbm>>
          %dma_wait3A_656 = tpu.memref_squeeze %dma_wait3A_655 : memref<1x32x256xf32, #tpu.memory_space<hbm>> -> memref<32x256xf32, #tpu.memory_space<hbm>>
          %dma_wait3A_657 = arith.constant 0 : i32
          %dma_wait3A_658 = arith.constant 0 : i32
          %dma_wait3A_659 = tpu.memref_slice %arg11[%dma_wait3A_657, %dma_wait3A_658] : memref<32x264xf32, #tpu.memory_space<vmem>> -> memref<32x256xf32, #tpu.memory_space<vmem>>
          tpu.wait_dma2 semaphore(%arg21 : memref<!tpu.dma_semaphore, #tpu.memory_space<semaphore_mem>>) src(%dma_wait3A_659 : memref<32x256xf32, #tpu.memory_space<vmem>>) dst(%dma_wait3A_656 : memref<32x256xf32, #tpu.memory_space<hbm>>)
        } else {
        }
        %add3A_615 = arith.constant 5 : i32
        %add3A_616 = arith.addi %add3A_248, %add3A_615 : i32
        %sub3A_617 = arith.constant 1 : i32
        %sub3A_618 = arith.subi %add3A_616, %sub3A_617 : i32
        %mul3A_619 = arith.constant 2 : i32
        %mul3A_620 = arith.muli %sub3A_618, %mul3A_619 : i32
        %add3A_621 = arith.constant 0 : i32
        %add3A_622 = arith.addi %mul3A_620, %add3A_621 : i32
        %dma_start3A_623 = arith.constant 0 : i32
        %dma_start3A_624 = arith.constant 0 : i32
        %dma_start3A_625 = tpu.memref_slice %arg6[%dma_start3A_623, %dma_start3A_624] : memref<256x32xf32, #tpu.memory_space<vmem>> -> memref<128x32xf32, #tpu.memory_space<vmem>>
        %dma_start3A_626 = arith.constant 0 : i32
        %dma_start3A_627 = tpu.memref_slice %arg5[%add3A_622, %dma_start3A_626] : memref<200x128xi32, #tpu.memory_space<vmem>> -> memref<1x128xi32, #tpu.memory_space<vmem>>
        %dma_start3A_628 = tpu.memref_squeeze %dma_start3A_627 : memref<1x128xi32, #tpu.memory_space<vmem>> -> memref<128xi32, #tpu.memory_space<vmem>>
        %dma_start3A_629 = arith.constant 0 : i32
        %dma_start3A_630 = arith.constant 0 : i32
        %dma_start3A_631 = tpu.memref_slice %arg2[%dma_start3A_629, %dma_start3A_630] : memref<4000000x32xf32, #tpu.memory_space<hbm>> -> memref<4000000x32xf32, #tpu.memory_space<hbm>>
        tpu.enqueue_indirect_dma source(%dma_start3A_631 : memref<4000000x32xf32, #tpu.memory_space<hbm>>) target(%dma_start3A_625 : memref<128x32xf32, #tpu.memory_space<vmem>>) offsets(%dma_start3A_628 : memref<128xi32, #tpu.memory_space<vmem>>) semaphore(%arg16 : memref<!tpu.dma_semaphore, #tpu.memory_space<semaphore_mem>>)
        %mul3A_632 = arith.constant 2 : i32
        %mul3A_633 = arith.muli %sub3A_618, %mul3A_632 : i32
        %add3A_634 = arith.constant 1 : i32
        %add3A_635 = arith.addi %mul3A_633, %add3A_634 : i32
        %dma_start3A_636 = arith.constant 128 : i32
        %dma_start3A_637 = arith.constant 0 : i32
        %dma_start3A_638 = tpu.memref_slice %arg6[%dma_start3A_636, %dma_start3A_637] : memref<256x32xf32, #tpu.memory_space<vmem>> -> memref<128x32xf32, #tpu.memory_space<vmem>>
        %dma_start3A_639 = arith.constant 0 : i32
        %dma_start3A_640 = tpu.memref_slice %arg5[%add3A_635, %dma_start3A_639] : memref<200x128xi32, #tpu.memory_space<vmem>> -> memref<1x128xi32, #tpu.memory_space<vmem>>
        %dma_start3A_641 = tpu.memref_squeeze %dma_start3A_640 : memref<1x128xi32, #tpu.memory_space<vmem>> -> memref<128xi32, #tpu.memory_space<vmem>>
        %dma_start3A_642 = arith.constant 0 : i32
        %dma_start3A_643 = arith.constant 0 : i32
        %dma_start3A_644 = tpu.memref_slice %arg2[%dma_start3A_642, %dma_start3A_643] : memref<4000000x32xf32, #tpu.memory_space<hbm>> -> memref<4000000x32xf32, #tpu.memory_space<hbm>>
        tpu.enqueue_indirect_dma source(%dma_start3A_644 : memref<4000000x32xf32, #tpu.memory_space<hbm>>) target(%dma_start3A_638 : memref<128x32xf32, #tpu.memory_space<vmem>>) offsets(%dma_start3A_641 : memref<128xi32, #tpu.memory_space<vmem>>) semaphore(%arg16 : memref<!tpu.dma_semaphore, #tpu.memory_space<semaphore_mem>>)
      } else {
      }
      %add3A_338 = arith.constant 2 : i32
      %add3A_339 = arith.addi %add3A_167, %add3A_338 : i32
      %dma_wait3A_340 = arith.constant 0 : i32
      %dma_wait3A_341 = arith.constant 0 : i32
      %dma_wait3A_342 = arith.constant 0 : i32
      %dma_wait3A_343 = tpu.memref_slice %arg8[%dma_wait3A_341, %dma_wait3A_342] : memref<256x32xf32, #tpu.memory_space<vmem>> -> memref<128x32xf32, #tpu.memory_space<vmem>>
      %dma_wait3A_344 = arith.constant 0 : i32
      %dma_wait3A_345 = tpu.memref_slice %arg5[%dma_wait3A_340, %dma_wait3A_344] : memref<200x128xi32, #tpu.memory_space<vmem>> -> memref<1x128xi32, #tpu.memory_space<vmem>>
      %dma_wait3A_346 = tpu.memref_squeeze %dma_wait3A_345 : memref<1x128xi32, #tpu.memory_space<vmem>> -> memref<128xi32, #tpu.memory_space<vmem>>
      %dma_wait3A_347 = arith.constant 0 : i32
      %dma_wait3A_348 = arith.constant 0 : i32
      %dma_wait3A_349 = tpu.memref_slice %arg2[%dma_wait3A_347, %dma_wait3A_348] : memref<4000000x32xf32, #tpu.memory_space<hbm>> -> memref<4000000x32xf32, #tpu.memory_space<hbm>>
      tpu.wait_indirect_dma semaphore(%arg18 : memref<!tpu.dma_semaphore, #tpu.memory_space<semaphore_mem>>) src(%dma_wait3A_349 : memref<4000000x32xf32, #tpu.memory_space<hbm>>) dst(%dma_wait3A_343 : memref<128x32xf32, #tpu.memory_space<vmem>>)
      %dma_wait3A_350 = arith.constant 0 : i32
      %dma_wait3A_351 = arith.constant 128 : i32
      %dma_wait3A_352 = arith.constant 0 : i32
      %dma_wait3A_353 = tpu.memref_slice %arg8[%dma_wait3A_351, %dma_wait3A_352] : memref<256x32xf32, #tpu.memory_space<vmem>> -> memref<128x32xf32, #tpu.memory_space<vmem>>
      %dma_wait3A_354 = arith.constant 0 : i32
      %dma_wait3A_355 = tpu.memref_slice %arg5[%dma_wait3A_350, %dma_wait3A_354] : memref<200x128xi32, #tpu.memory_space<vmem>> -> memref<1x128xi32, #tpu.memory_space<vmem>>
      %dma_wait3A_356 = tpu.memref_squeeze %dma_wait3A_355 : memref<1x128xi32, #tpu.memory_space<vmem>> -> memref<128xi32, #tpu.memory_space<vmem>>
      %dma_wait3A_357 = arith.constant 0 : i32
      %dma_wait3A_358 = arith.constant 0 : i32
      %dma_wait3A_359 = tpu.memref_slice %arg2[%dma_wait3A_357, %dma_wait3A_358] : memref<4000000x32xf32, #tpu.memory_space<hbm>> -> memref<4000000x32xf32, #tpu.memory_space<hbm>>
      tpu.wait_indirect_dma semaphore(%arg18 : memref<!tpu.dma_semaphore, #tpu.memory_space<semaphore_mem>>) src(%dma_wait3A_359 : memref<4000000x32xf32, #tpu.memory_space<hbm>>) dst(%dma_wait3A_353 : memref<128x32xf32, #tpu.memory_space<vmem>>)
      %scan3A_360 = arith.constant 0 : i32
      %scan3A_361 = arith.constant 16 : i32
      %scan3A_362 = arith.addi %scan3A_360, %scan3A_361 : i32
      %scan3A_363 = arith.constant 1 : i32
      scf.for %scan3A_611 = %scan3A_360 to %scan3A_362 step %scan3A_363  : i32 {
        %mul3A_612 = arith.constant 1 : i32
        %mul3A_613 = arith.muli %scan3A_611, %mul3A_612 : i32
        %add3A_614 = arith.constant 0 : i32
        %add3A_615 = arith.addi %add3A_614, %mul3A_613 : i32
        %mul3A_616 = arith.constant 16 : i32
        %mul3A_617 = arith.muli %add3A_615, %mul3A_616 : i32
        %broadcast_in_dim3A = arith.constant 0 : i32
        %broadcast_in_dim3A_618 = vector.broadcast %broadcast_in_dim3A : i32 to vector<16xi32>
        %add3A_619 = vector.broadcast %mul3A_617 : i32 to vector<16xi32>
        %add3A_620 = arith.addi %broadcast_in_dim3A_618, %add3A_619 : vector<16xi32>
        %add3A_621 = arith.constant 0 : i32
        %add3A_622 = arith.addi %mul3A_617, %add3A_621 : i32
        %get3A = arith.index_cast %add3A_622 : i32 to index
        %get3A_623 = arith.constant 0 : index
        %get3A_624 = tpu.vector_load %arg8[%get3A, %get3A_623] {strides = array<i32>} : memref<256x32xf32, #tpu.memory_space<vmem>>, vector<16xf32>,
        %mul3A_625 = arith.constant 5.65685415 : f32
        %mul3A_626 = vector.broadcast %mul3A_625 : f32 to vector<16xf32>
        %mul3A_627 = arith.mulf %get3A_624, %mul3A_626 : vector<16xf32>
        tpu.vector_store_idx %arg13[%iota3A, %add3A_620], %mul3A_627 : memref<32x264xf32, #tpu.memory_space<vmem>>[vector<16xi32>, vector<16xi32>], vector<16xf32>,
        %add3A_628 = arith.constant 0 : i32
        %add3A_629 = arith.addi %mul3A_617, %add3A_628 : i32
        %get3A_630 = arith.index_cast %add3A_629 : i32 to index
        %get3A_631 = arith.constant 16 : index
        %get3A_632 = tpu.vector_load %arg8[%get3A_630, %get3A_631] {strides = array<i32>} : memref<256x32xf32, #tpu.memory_space<vmem>>, vector<16xf32>,
        %mul3A_633 = arith.constant 5.65685415 : f32
        %mul3A_634 = vector.broadcast %mul3A_633 : f32 to vector<16xf32>
        %mul3A_635 = arith.mulf %get3A_632, %mul3A_634 : vector<16xf32>
        tpu.vector_store_idx %arg13[%add3A_5, %add3A_620], %mul3A_635 : memref<32x264xf32, #tpu.memory_space<vmem>>[vector<16xi32>, vector<16xi32>], vector<16xf32>,
        %broadcast_in_dim3A_636 = arith.constant 1 : i32
        %broadcast_in_dim3A_637 = vector.broadcast %broadcast_in_dim3A_636 : i32 to vector<16xi32>
        %add3A_638 = vector.broadcast %mul3A_617 : i32 to vector<16xi32>
        %add3A_639 = arith.addi %broadcast_in_dim3A_637, %add3A_638 : vector<16xi32>
        %add3A_640 = arith.constant 1 : i32
        %add3A_641 = arith.addi %mul3A_617, %add3A_640 : i32
        %get3A_642 = arith.index_cast %add3A_641 : i32 to index
        %get3A_643 = arith.constant 0 : index
        %get3A_644 = tpu.vector_load %arg8[%get3A_642, %get3A_643] {strides = array<i32>} : memref<256x32xf32, #tpu.memory_space<vmem>>, vector<16xf32>,
        %mul3A_645 = arith.constant 5.65685415 : f32
        %mul3A_646 = vector.broadcast %mul3A_645 : f32 to vector<16xf32>
        %mul3A_647 = arith.mulf %get3A_644, %mul3A_646 : vector<16xf32>
        tpu.vector_store_idx %arg13[%iota3A, %add3A_639], %mul3A_647 : memref<32x264xf32, #tpu.memory_space<vmem>>[vector<16xi32>, vector<16xi32>], vector<16xf32>,
        %add3A_648 = arith.constant 1 : i32
        %add3A_649 = arith.addi %mul3A_617, %add3A_648 : i32
        %get3A_650 = arith.index_cast %add3A_649 : i32 to index
        %get3A_651 = arith.constant 16 : index
        %get3A_652 = tpu.vector_load %arg8[%get3A_650, %get3A_651] {strides = array<i32>} : memref<256x32xf32, #tpu.memory_space<vmem>>, vector<16xf32>,
        %mul3A_653 = arith.constant 5.65685415 : f32
        %mul3A_654 = vector.broadcast %mul3A_653 : f32 to vector<16xf32>
        %mul3A_655 = arith.mulf %get3A_652, %mul3A_654 : vector<16xf32>
        tpu.vector_store_idx %arg13[%add3A_5, %add3A_639], %mul3A_655 : memref<32x264xf32, #tpu.memory_space<vmem>>[vector<16xi32>, vector<16xi32>], vector<16xf32>,
        %broadcast_in_dim3A_656 = arith.constant 2 : i32
        %broadcast_in_dim3A_657 = vector.broadcast %broadcast_in_dim3A_656 : i32 to vector<16xi32>
        %add3A_658 = vector.broadcast %mul3A_617 : i32 to vector<16xi32>
        %add3A_659 = arith.addi %broadcast_in_dim3A_657, %add3A_658 : vector<16xi32>
        %add3A_660 = arith.constant 2 : i32
        %add3A_661 = arith.addi %mul3A_617, %add3A_660 : i32
        %get3A_662 = arith.index_cast %add3A_661 : i32 to index
        %get3A_663 = arith.constant 0 : index
        %get3A_664 = tpu.vector_load %arg8[%get3A_662, %get3A_663] {strides = array<i32>} : memref<256x32xf32, #tpu.memory_space<vmem>>, vector<16xf32>,
        %mul3A_665 = arith.constant 5.65685415 : f32
        %mul3A_666 = vector.broadcast %mul3A_665 : f32 to vector<16xf32>
        %mul3A_667 = arith.mulf %get3A_664, %mul3A_666 : vector<16xf32>
        tpu.vector_store_idx %arg13[%iota3A, %add3A_659], %mul3A_667 : memref<32x264xf32, #tpu.memory_space<vmem>>[vector<16xi32>, vector<16xi32>], vector<16xf32>,
        %add3A_668 = arith.constant 2 : i32
        %add3A_669 = arith.addi %mul3A_617, %add3A_668 : i32
        %get3A_670 = arith.index_cast %add3A_669 : i32 to index
        %get3A_671 = arith.constant 16 : index
        %get3A_672 = tpu.vector_load %arg8[%get3A_670, %get3A_671] {strides = array<i32>} : memref<256x32xf32, #tpu.memory_space<vmem>>, vector<16xf32>,
        %mul3A_673 = arith.constant 5.65685415 : f32
        %mul3A_674 = vector.broadcast %mul3A_673 : f32 to vector<16xf32>
        %mul3A_675 = arith.mulf %get3A_672, %mul3A_674 : vector<16xf32>
        tpu.vector_store_idx %arg13[%add3A_5, %add3A_659], %mul3A_675 : memref<32x264xf32, #tpu.memory_space<vmem>>[vector<16xi32>, vector<16xi32>], vector<16xf32>,
        %broadcast_in_dim3A_676 = arith.constant 3 : i32
        %broadcast_in_dim3A_677 = vector.broadcast %broadcast_in_dim3A_676 : i32 to vector<16xi32>
        %add3A_678 = vector.broadcast %mul3A_617 : i32 to vector<16xi32>
        %add3A_679 = arith.addi %broadcast_in_dim3A_677, %add3A_678 : vector<16xi32>
        %add3A_680 = arith.constant 3 : i32
        %add3A_681 = arith.addi %mul3A_617, %add3A_680 : i32
        %get3A_682 = arith.index_cast %add3A_681 : i32 to index
        %get3A_683 = arith.constant 0 : index
        %get3A_684 = tpu.vector_load %arg8[%get3A_682, %get3A_683] {strides = array<i32>} : memref<256x32xf32, #tpu.memory_space<vmem>>, vector<16xf32>,
        %mul3A_685 = arith.constant 5.65685415 : f32
        %mul3A_686 = vector.broadcast %mul3A_685 : f32 to vector<16xf32>
        %mul3A_687 = arith.mulf %get3A_684, %mul3A_686 : vector<16xf32>
        tpu.vector_store_idx %arg13[%iota3A, %add3A_679], %mul3A_687 : memref<32x264xf32, #tpu.memory_space<vmem>>[vector<16xi32>, vector<16xi32>], vector<16xf32>,
        %add3A_688 = arith.constant 3 : i32
        %add3A_689 = arith.addi %mul3A_617, %add3A_688 : i32
        %get3A_690 = arith.index_cast %add3A_689 : i32 to index
        %get3A_691 = arith.constant 16 : index
        %get3A_692 = tpu.vector_load %arg8[%get3A_690, %get3A_691] {strides = array<i32>} : memref<256x32xf32, #tpu.memory_space<vmem>>, vector<16xf32>,
        %mul3A_693 = arith.constant 5.65685415 : f32
        %mul3A_694 = vector.broadcast %mul3A_693 : f32 to vector<16xf32>
        %mul3A_695 = arith.mulf %get3A_692, %mul3A_694 : vector<16xf32>
        tpu.vector_store_idx %arg13[%add3A_5, %add3A_679], %mul3A_695 : memref<32x264xf32, #tpu.memory_space<vmem>>[vector<16xi32>, vector<16xi32>], vector<16xf32>,
        %broadcast_in_dim3A_696 = arith.constant 4 : i32
        %broadcast_in_dim3A_697 = vector.broadcast %broadcast_in_dim3A_696 : i32 to vector<16xi32>
        %add3A_698 = vector.broadcast %mul3A_617 : i32 to vector<16xi32>
        %add3A_699 = arith.addi %broadcast_in_dim3A_697, %add3A_698 : vector<16xi32>
        %add3A_700 = arith.constant 4 : i32
        %add3A_701 = arith.addi %mul3A_617, %add3A_700 : i32
        %get3A_702 = arith.index_cast %add3A_701 : i32 to index
        %get3A_703 = arith.constant 0 : index
        %get3A_704 = tpu.vector_load %arg8[%get3A_702, %get3A_703] {strides = array<i32>} : memref<256x32xf32, #tpu.memory_space<vmem>>, vector<16xf32>,
        %mul3A_705 = arith.constant 5.65685415 : f32
        %mul3A_706 = vector.broadcast %mul3A_705 : f32 to vector<16xf32>
        %mul3A_707 = arith.mulf %get3A_704, %mul3A_706 : vector<16xf32>
        tpu.vector_store_idx %arg13[%iota3A, %add3A_699], %mul3A_707 : memref<32x264xf32, #tpu.memory_space<vmem>>[vector<16xi32>, vector<16xi32>], vector<16xf32>,
        %add3A_708 = arith.constant 4 : i32
        %add3A_709 = arith.addi %mul3A_617, %add3A_708 : i32
        %get3A_710 = arith.index_cast %add3A_709 : i32 to index
        %get3A_711 = arith.constant 16 : index
        %get3A_712 = tpu.vector_load %arg8[%get3A_710, %get3A_711] {strides = array<i32>} : memref<256x32xf32, #tpu.memory_space<vmem>>, vector<16xf32>,
        %mul3A_713 = arith.constant 5.65685415 : f32
        %mul3A_714 = vector.broadcast %mul3A_713 : f32 to vector<16xf32>
        %mul3A_715 = arith.mulf %get3A_712, %mul3A_714 : vector<16xf32>
        tpu.vector_store_idx %arg13[%add3A_5, %add3A_699], %mul3A_715 : memref<32x264xf32, #tpu.memory_space<vmem>>[vector<16xi32>, vector<16xi32>], vector<16xf32>,
        %broadcast_in_dim3A_716 = arith.constant 5 : i32
        %broadcast_in_dim3A_717 = vector.broadcast %broadcast_in_dim3A_716 : i32 to vector<16xi32>
        %add3A_718 = vector.broadcast %mul3A_617 : i32 to vector<16xi32>
        %add3A_719 = arith.addi %broadcast_in_dim3A_717, %add3A_718 : vector<16xi32>
        %add3A_720 = arith.constant 5 : i32
        %add3A_721 = arith.addi %mul3A_617, %add3A_720 : i32
        %get3A_722 = arith.index_cast %add3A_721 : i32 to index
        %get3A_723 = arith.constant 0 : index
        %get3A_724 = tpu.vector_load %arg8[%get3A_722, %get3A_723] {strides = array<i32>} : memref<256x32xf32, #tpu.memory_space<vmem>>, vector<16xf32>,
        %mul3A_725 = arith.constant 5.65685415 : f32
        %mul3A_726 = vector.broadcast %mul3A_725 : f32 to vector<16xf32>
        %mul3A_727 = arith.mulf %get3A_724, %mul3A_726 : vector<16xf32>
        tpu.vector_store_idx %arg13[%iota3A, %add3A_719], %mul3A_727 : memref<32x264xf32, #tpu.memory_space<vmem>>[vector<16xi32>, vector<16xi32>], vector<16xf32>,
        %add3A_728 = arith.constant 5 : i32
        %add3A_729 = arith.addi %mul3A_617, %add3A_728 : i32
        %get3A_730 = arith.index_cast %add3A_729 : i32 to index
        %get3A_731 = arith.constant 16 : index
        %get3A_732 = tpu.vector_load %arg8[%get3A_730, %get3A_731] {strides = array<i32>} : memref<256x32xf32, #tpu.memory_space<vmem>>, vector<16xf32>,
        %mul3A_733 = arith.constant 5.65685415 : f32
        %mul3A_734 = vector.broadcast %mul3A_733 : f32 to vector<16xf32>
        %mul3A_735 = arith.mulf %get3A_732, %mul3A_734 : vector<16xf32>
        tpu.vector_store_idx %arg13[%add3A_5, %add3A_719], %mul3A_735 : memref<32x264xf32, #tpu.memory_space<vmem>>[vector<16xi32>, vector<16xi32>], vector<16xf32>,
        %broadcast_in_dim3A_736 = arith.constant 6 : i32
        %broadcast_in_dim3A_737 = vector.broadcast %broadcast_in_dim3A_736 : i32 to vector<16xi32>
        %add3A_738 = vector.broadcast %mul3A_617 : i32 to vector<16xi32>
        %add3A_739 = arith.addi %broadcast_in_dim3A_737, %add3A_738 : vector<16xi32>
        %add3A_740 = arith.constant 6 : i32
        %add3A_741 = arith.addi %mul3A_617, %add3A_740 : i32
        %get3A_742 = arith.index_cast %add3A_741 : i32 to index
        %get3A_743 = arith.constant 0 : index
        %get3A_744 = tpu.vector_load %arg8[%get3A_742, %get3A_743] {strides = array<i32>} : memref<256x32xf32, #tpu.memory_space<vmem>>, vector<16xf32>,
        %mul3A_745 = arith.constant 5.65685415 : f32
        %mul3A_746 = vector.broadcast %mul3A_745 : f32 to vector<16xf32>
        %mul3A_747 = arith.mulf %get3A_744, %mul3A_746 : vector<16xf32>
        tpu.vector_store_idx %arg13[%iota3A, %add3A_739], %mul3A_747 : memref<32x264xf32, #tpu.memory_space<vmem>>[vector<16xi32>, vector<16xi32>], vector<16xf32>,
        %add3A_748 = arith.constant 6 : i32
        %add3A_749 = arith.addi %mul3A_617, %add3A_748 : i32
        %get3A_750 = arith.index_cast %add3A_749 : i32 to index
        %get3A_751 = arith.constant 16 : index
        %get3A_752 = tpu.vector_load %arg8[%get3A_750, %get3A_751] {strides = array<i32>} : memref<256x32xf32, #tpu.memory_space<vmem>>, vector<16xf32>,
        %mul3A_753 = arith.constant 5.65685415 : f32
        %mul3A_754 = vector.broadcast %mul3A_753 : f32 to vector<16xf32>
        %mul3A_755 = arith.mulf %get3A_752, %mul3A_754 : vector<16xf32>
        tpu.vector_store_idx %arg13[%add3A_5, %add3A_739], %mul3A_755 : memref<32x264xf32, #tpu.memory_space<vmem>>[vector<16xi32>, vector<16xi32>], vector<16xf32>,
        %broadcast_in_dim3A_756 = arith.constant 7 : i32
        %broadcast_in_dim3A_757 = vector.broadcast %broadcast_in_dim3A_756 : i32 to vector<16xi32>
        %add3A_758 = vector.broadcast %mul3A_617 : i32 to vector<16xi32>
        %add3A_759 = arith.addi %broadcast_in_dim3A_757, %add3A_758 : vector<16xi32>
        %add3A_760 = arith.constant 7 : i32
        %add3A_761 = arith.addi %mul3A_617, %add3A_760 : i32
        %get3A_762 = arith.index_cast %add3A_761 : i32 to index
        %get3A_763 = arith.constant 0 : index
        %get3A_764 = tpu.vector_load %arg8[%get3A_762, %get3A_763] {strides = array<i32>} : memref<256x32xf32, #tpu.memory_space<vmem>>, vector<16xf32>,
        %mul3A_765 = arith.constant 5.65685415 : f32
        %mul3A_766 = vector.broadcast %mul3A_765 : f32 to vector<16xf32>
        %mul3A_767 = arith.mulf %get3A_764, %mul3A_766 : vector<16xf32>
        tpu.vector_store_idx %arg13[%iota3A, %add3A_759], %mul3A_767 : memref<32x264xf32, #tpu.memory_space<vmem>>[vector<16xi32>, vector<16xi32>], vector<16xf32>,
        %add3A_768 = arith.constant 7 : i32
        %add3A_769 = arith.addi %mul3A_617, %add3A_768 : i32
        %get3A_770 = arith.index_cast %add3A_769 : i32 to index
        %get3A_771 = arith.constant 16 : index
        %get3A_772 = tpu.vector_load %arg8[%get3A_770, %get3A_771] {strides = array<i32>} : memref<256x32xf32, #tpu.memory_space<vmem>>, vector<16xf32>,
        %mul3A_773 = arith.constant 5.65685415 : f32
        %mul3A_774 = vector.broadcast %mul3A_773 : f32 to vector<16xf32>
        %mul3A_775 = arith.mulf %get3A_772, %mul3A_774 : vector<16xf32>
        tpu.vector_store_idx %arg13[%add3A_5, %add3A_759], %mul3A_775 : memref<32x264xf32, #tpu.memory_space<vmem>>[vector<16xi32>, vector<16xi32>], vector<16xf32>,
        %broadcast_in_dim3A_776 = arith.constant 8 : i32
        %broadcast_in_dim3A_777 = vector.broadcast %broadcast_in_dim3A_776 : i32 to vector<16xi32>
        %add3A_778 = vector.broadcast %mul3A_617 : i32 to vector<16xi32>
        %add3A_779 = arith.addi %broadcast_in_dim3A_777, %add3A_778 : vector<16xi32>
        %add3A_780 = arith.constant 8 : i32
        %add3A_781 = arith.addi %mul3A_617, %add3A_780 : i32
        %get3A_782 = arith.index_cast %add3A_781 : i32 to index
        %get3A_783 = arith.constant 0 : index
        %get3A_784 = tpu.vector_load %arg8[%get3A_782, %get3A_783] {strides = array<i32>} : memref<256x32xf32, #tpu.memory_space<vmem>>, vector<16xf32>,
        %mul3A_785 = arith.constant 5.65685415 : f32
        %mul3A_786 = vector.broadcast %mul3A_785 : f32 to vector<16xf32>
        %mul3A_787 = arith.mulf %get3A_784, %mul3A_786 : vector<16xf32>
        tpu.vector_store_idx %arg13[%iota3A, %add3A_779], %mul3A_787 : memref<32x264xf32, #tpu.memory_space<vmem>>[vector<16xi32>, vector<16xi32>], vector<16xf32>,
        %add3A_788 = arith.constant 8 : i32
        %add3A_789 = arith.addi %mul3A_617, %add3A_788 : i32
        %get3A_790 = arith.index_cast %add3A_789 : i32 to index
        %get3A_791 = arith.constant 16 : index
        %get3A_792 = tpu.vector_load %arg8[%get3A_790, %get3A_791] {strides = array<i32>} : memref<256x32xf32, #tpu.memory_space<vmem>>, vector<16xf32>,
        %mul3A_793 = arith.constant 5.65685415 : f32
        %mul3A_794 = vector.broadcast %mul3A_793 : f32 to vector<16xf32>
        %mul3A_795 = arith.mulf %get3A_792, %mul3A_794 : vector<16xf32>
        tpu.vector_store_idx %arg13[%add3A_5, %add3A_779], %mul3A_795 : memref<32x264xf32, #tpu.memory_space<vmem>>[vector<16xi32>, vector<16xi32>], vector<16xf32>,
        %broadcast_in_dim3A_796 = arith.constant 9 : i32
        %broadcast_in_dim3A_797 = vector.broadcast %broadcast_in_dim3A_796 : i32 to vector<16xi32>
        %add3A_798 = vector.broadcast %mul3A_617 : i32 to vector<16xi32>
        %add3A_799 = arith.addi %broadcast_in_dim3A_797, %add3A_798 : vector<16xi32>
        %add3A_800 = arith.constant 9 : i32
        %add3A_801 = arith.addi %mul3A_617, %add3A_800 : i32
        %get3A_802 = arith.index_cast %add3A_801 : i32 to index
        %get3A_803 = arith.constant 0 : index
        %get3A_804 = tpu.vector_load %arg8[%get3A_802, %get3A_803] {strides = array<i32>} : memref<256x32xf32, #tpu.memory_space<vmem>>, vector<16xf32>,
        %mul3A_805 = arith.constant 5.65685415 : f32
        %mul3A_806 = vector.broadcast %mul3A_805 : f32 to vector<16xf32>
        %mul3A_807 = arith.mulf %get3A_804, %mul3A_806 : vector<16xf32>
        tpu.vector_store_idx %arg13[%iota3A, %add3A_799], %mul3A_807 : memref<32x264xf32, #tpu.memory_space<vmem>>[vector<16xi32>, vector<16xi32>], vector<16xf32>,
        %add3A_808 = arith.constant 9 : i32
        %add3A_809 = arith.addi %mul3A_617, %add3A_808 : i32
        %get3A_810 = arith.index_cast %add3A_809 : i32 to index
        %get3A_811 = arith.constant 16 : index
        %get3A_812 = tpu.vector_load %arg8[%get3A_810, %get3A_811] {strides = array<i32>} : memref<256x32xf32, #tpu.memory_space<vmem>>, vector<16xf32>,
        %mul3A_813 = arith.constant 5.65685415 : f32
        %mul3A_814 = vector.broadcast %mul3A_813 : f32 to vector<16xf32>
        %mul3A_815 = arith.mulf %get3A_812, %mul3A_814 : vector<16xf32>
        tpu.vector_store_idx %arg13[%add3A_5, %add3A_799], %mul3A_815 : memref<32x264xf32, #tpu.memory_space<vmem>>[vector<16xi32>, vector<16xi32>], vector<16xf32>,
        %broadcast_in_dim3A_816 = arith.constant 10 : i32
        %broadcast_in_dim3A_817 = vector.broadcast %broadcast_in_dim3A_816 : i32 to vector<16xi32>
        %add3A_818 = vector.broadcast %mul3A_617 : i32 to vector<16xi32>
        %add3A_819 = arith.addi %broadcast_in_dim3A_817, %add3A_818 : vector<16xi32>
        %add3A_820 = arith.constant 10 : i32
        %add3A_821 = arith.addi %mul3A_617, %add3A_820 : i32
        %get3A_822 = arith.index_cast %add3A_821 : i32 to index
        %get3A_823 = arith.constant 0 : index
        %get3A_824 = tpu.vector_load %arg8[%get3A_822, %get3A_823] {strides = array<i32>} : memref<256x32xf32, #tpu.memory_space<vmem>>, vector<16xf32>,
        %mul3A_825 = arith.constant 5.65685415 : f32
        %mul3A_826 = vector.broadcast %mul3A_825 : f32 to vector<16xf32>
        %mul3A_827 = arith.mulf %get3A_824, %mul3A_826 : vector<16xf32>
        tpu.vector_store_idx %arg13[%iota3A, %add3A_819], %mul3A_827 : memref<32x264xf32, #tpu.memory_space<vmem>>[vector<16xi32>, vector<16xi32>], vector<16xf32>,
        %add3A_828 = arith.constant 10 : i32
        %add3A_829 = arith.addi %mul3A_617, %add3A_828 : i32
        %get3A_830 = arith.index_cast %add3A_829 : i32 to index
        %get3A_831 = arith.constant 16 : index
        %get3A_832 = tpu.vector_load %arg8[%get3A_830, %get3A_831] {strides = array<i32>} : memref<256x32xf32, #tpu.memory_space<vmem>>, vector<16xf32>,
        %mul3A_833 = arith.constant 5.65685415 : f32
        %mul3A_834 = vector.broadcast %mul3A_833 : f32 to vector<16xf32>
        %mul3A_835 = arith.mulf %get3A_832, %mul3A_834 : vector<16xf32>
        tpu.vector_store_idx %arg13[%add3A_5, %add3A_819], %mul3A_835 : memref<32x264xf32, #tpu.memory_space<vmem>>[vector<16xi32>, vector<16xi32>], vector<16xf32>,
        %broadcast_in_dim3A_836 = arith.constant 11 : i32
        %broadcast_in_dim3A_837 = vector.broadcast %broadcast_in_dim3A_836 : i32 to vector<16xi32>
        %add3A_838 = vector.broadcast %mul3A_617 : i32 to vector<16xi32>
        %add3A_839 = arith.addi %broadcast_in_dim3A_837, %add3A_838 : vector<16xi32>
        %add3A_840 = arith.constant 11 : i32
        %add3A_841 = arith.addi %mul3A_617, %add3A_840 : i32
        %get3A_842 = arith.index_cast %add3A_841 : i32 to index
        %get3A_843 = arith.constant 0 : index
        %get3A_844 = tpu.vector_load %arg8[%get3A_842, %get3A_843] {strides = array<i32>} : memref<256x32xf32, #tpu.memory_space<vmem>>, vector<16xf32>,
        %mul3A_845 = arith.constant 5.65685415 : f32
        %mul3A_846 = vector.broadcast %mul3A_845 : f32 to vector<16xf32>
        %mul3A_847 = arith.mulf %get3A_844, %mul3A_846 : vector<16xf32>
        tpu.vector_store_idx %arg13[%iota3A, %add3A_839], %mul3A_847 : memref<32x264xf32, #tpu.memory_space<vmem>>[vector<16xi32>, vector<16xi32>], vector<16xf32>,
        %add3A_848 = arith.constant 11 : i32
        %add3A_849 = arith.addi %mul3A_617, %add3A_848 : i32
        %get3A_850 = arith.index_cast %add3A_849 : i32 to index
        %get3A_851 = arith.constant 16 : index
        %get3A_852 = tpu.vector_load %arg8[%get3A_850, %get3A_851] {strides = array<i32>} : memref<256x32xf32, #tpu.memory_space<vmem>>, vector<16xf32>,
        %mul3A_853 = arith.constant 5.65685415 : f32
        %mul3A_854 = vector.broadcast %mul3A_853 : f32 to vector<16xf32>
        %mul3A_855 = arith.mulf %get3A_852, %mul3A_854 : vector<16xf32>
        tpu.vector_store_idx %arg13[%add3A_5, %add3A_839], %mul3A_855 : memref<32x264xf32, #tpu.memory_space<vmem>>[vector<16xi32>, vector<16xi32>], vector<16xf32>,
        %broadcast_in_dim3A_856 = arith.constant 12 : i32
        %broadcast_in_dim3A_857 = vector.broadcast %broadcast_in_dim3A_856 : i32 to vector<16xi32>
        %add3A_858 = vector.broadcast %mul3A_617 : i32 to vector<16xi32>
        %add3A_859 = arith.addi %broadcast_in_dim3A_857, %add3A_858 : vector<16xi32>
        %add3A_860 = arith.constant 12 : i32
        %add3A_861 = arith.addi %mul3A_617, %add3A_860 : i32
        %get3A_862 = arith.index_cast %add3A_861 : i32 to index
        %get3A_863 = arith.constant 0 : index
        %get3A_864 = tpu.vector_load %arg8[%get3A_862, %get3A_863] {strides = array<i32>} : memref<256x32xf32, #tpu.memory_space<vmem>>, vector<16xf32>,
        %mul3A_865 = arith.constant 5.65685415 : f32
        %mul3A_866 = vector.broadcast %mul3A_865 : f32 to vector<16xf32>
        %mul3A_867 = arith.mulf %get3A_864, %mul3A_866 : vector<16xf32>
        tpu.vector_store_idx %arg13[%iota3A, %add3A_859], %mul3A_867 : memref<32x264xf32, #tpu.memory_space<vmem>>[vector<16xi32>, vector<16xi32>], vector<16xf32>,
        %add3A_868 = arith.constant 12 : i32
        %add3A_869 = arith.addi %mul3A_617, %add3A_868 : i32
        %get3A_870 = arith.index_cast %add3A_869 : i32 to index
        %get3A_871 = arith.constant 16 : index
        %get3A_872 = tpu.vector_load %arg8[%get3A_870, %get3A_871] {strides = array<i32>} : memref<256x32xf32, #tpu.memory_space<vmem>>, vector<16xf32>,
        %mul3A_873 = arith.constant 5.65685415 : f32
        %mul3A_874 = vector.broadcast %mul3A_873 : f32 to vector<16xf32>
        %mul3A_875 = arith.mulf %get3A_872, %mul3A_874 : vector<16xf32>
        tpu.vector_store_idx %arg13[%add3A_5, %add3A_859], %mul3A_875 : memref<32x264xf32, #tpu.memory_space<vmem>>[vector<16xi32>, vector<16xi32>], vector<16xf32>,
        %broadcast_in_dim3A_876 = arith.constant 13 : i32
        %broadcast_in_dim3A_877 = vector.broadcast %broadcast_in_dim3A_876 : i32 to vector<16xi32>
        %add3A_878 = vector.broadcast %mul3A_617 : i32 to vector<16xi32>
        %add3A_879 = arith.addi %broadcast_in_dim3A_877, %add3A_878 : vector<16xi32>
        %add3A_880 = arith.constant 13 : i32
        %add3A_881 = arith.addi %mul3A_617, %add3A_880 : i32
        %get3A_882 = arith.index_cast %add3A_881 : i32 to index
        %get3A_883 = arith.constant 0 : index
        %get3A_884 = tpu.vector_load %arg8[%get3A_882, %get3A_883] {strides = array<i32>} : memref<256x32xf32, #tpu.memory_space<vmem>>, vector<16xf32>,
        %mul3A_885 = arith.constant 5.65685415 : f32
        %mul3A_886 = vector.broadcast %mul3A_885 : f32 to vector<16xf32>
        %mul3A_887 = arith.mulf %get3A_884, %mul3A_886 : vector<16xf32>
        tpu.vector_store_idx %arg13[%iota3A, %add3A_879], %mul3A_887 : memref<32x264xf32, #tpu.memory_space<vmem>>[vector<16xi32>, vector<16xi32>], vector<16xf32>,
        %add3A_888 = arith.constant 13 : i32
        %add3A_889 = arith.addi %mul3A_617, %add3A_888 : i32
        %get3A_890 = arith.index_cast %add3A_889 : i32 to index
        %get3A_891 = arith.constant 16 : index
        %get3A_892 = tpu.vector_load %arg8[%get3A_890, %get3A_891] {strides = array<i32>} : memref<256x32xf32, #tpu.memory_space<vmem>>, vector<16xf32>,
        %mul3A_893 = arith.constant 5.65685415 : f32
        %mul3A_894 = vector.broadcast %mul3A_893 : f32 to vector<16xf32>
        %mul3A_895 = arith.mulf %get3A_892, %mul3A_894 : vector<16xf32>
        tpu.vector_store_idx %arg13[%add3A_5, %add3A_879], %mul3A_895 : memref<32x264xf32, #tpu.memory_space<vmem>>[vector<16xi32>, vector<16xi32>], vector<16xf32>,
        %broadcast_in_dim3A_896 = arith.constant 14 : i32
        %broadcast_in_dim3A_897 = vector.broadcast %broadcast_in_dim3A_896 : i32 to vector<16xi32>
        %add3A_898 = vector.broadcast %mul3A_617 : i32 to vector<16xi32>
        %add3A_899 = arith.addi %broadcast_in_dim3A_897, %add3A_898 : vector<16xi32>
        %add3A_900 = arith.constant 14 : i32
        %add3A_901 = arith.addi %mul3A_617, %add3A_900 : i32
        %get3A_902 = arith.index_cast %add3A_901 : i32 to index
        %get3A_903 = arith.constant 0 : index
        %get3A_904 = tpu.vector_load %arg8[%get3A_902, %get3A_903] {strides = array<i32>} : memref<256x32xf32, #tpu.memory_space<vmem>>, vector<16xf32>,
        %mul3A_905 = arith.constant 5.65685415 : f32
        %mul3A_906 = vector.broadcast %mul3A_905 : f32 to vector<16xf32>
        %mul3A_907 = arith.mulf %get3A_904, %mul3A_906 : vector<16xf32>
        tpu.vector_store_idx %arg13[%iota3A, %add3A_899], %mul3A_907 : memref<32x264xf32, #tpu.memory_space<vmem>>[vector<16xi32>, vector<16xi32>], vector<16xf32>,
        %add3A_908 = arith.constant 14 : i32
        %add3A_909 = arith.addi %mul3A_617, %add3A_908 : i32
        %get3A_910 = arith.index_cast %add3A_909 : i32 to index
        %get3A_911 = arith.constant 16 : index
        %get3A_912 = tpu.vector_load %arg8[%get3A_910, %get3A_911] {strides = array<i32>} : memref<256x32xf32, #tpu.memory_space<vmem>>, vector<16xf32>,
        %mul3A_913 = arith.constant 5.65685415 : f32
        %mul3A_914 = vector.broadcast %mul3A_913 : f32 to vector<16xf32>
        %mul3A_915 = arith.mulf %get3A_912, %mul3A_914 : vector<16xf32>
        tpu.vector_store_idx %arg13[%add3A_5, %add3A_899], %mul3A_915 : memref<32x264xf32, #tpu.memory_space<vmem>>[vector<16xi32>, vector<16xi32>], vector<16xf32>,
        %broadcast_in_dim3A_916 = arith.constant 15 : i32
        %broadcast_in_dim3A_917 = vector.broadcast %broadcast_in_dim3A_916 : i32 to vector<16xi32>
        %add3A_918 = vector.broadcast %mul3A_617 : i32 to vector<16xi32>
        %add3A_919 = arith.addi %broadcast_in_dim3A_917, %add3A_918 : vector<16xi32>
        %add3A_920 = arith.constant 15 : i32
        %add3A_921 = arith.addi %mul3A_617, %add3A_920 : i32
        %get3A_922 = arith.index_cast %add3A_921 : i32 to index
        %get3A_923 = arith.constant 0 : index
        %get3A_924 = tpu.vector_load %arg8[%get3A_922, %get3A_923] {strides = array<i32>} : memref<256x32xf32, #tpu.memory_space<vmem>>, vector<16xf32>,
        %mul3A_925 = arith.constant 5.65685415 : f32
        %mul3A_926 = vector.broadcast %mul3A_925 : f32 to vector<16xf32>
        %mul3A_927 = arith.mulf %get3A_924, %mul3A_926 : vector<16xf32>
        tpu.vector_store_idx %arg13[%iota3A, %add3A_919], %mul3A_927 : memref<32x264xf32, #tpu.memory_space<vmem>>[vector<16xi32>, vector<16xi32>], vector<16xf32>,
        %add3A_928 = arith.constant 15 : i32
        %add3A_929 = arith.addi %mul3A_617, %add3A_928 : i32
        %get3A_930 = arith.index_cast %add3A_929 : i32 to index
        %get3A_931 = arith.constant 16 : index
        %get3A_932 = tpu.vector_load %arg8[%get3A_930, %get3A_931] {strides = array<i32>} : memref<256x32xf32, #tpu.memory_space<vmem>>, vector<16xf32>,
        %mul3A_933 = arith.constant 5.65685415 : f32
        %mul3A_934 = vector.broadcast %mul3A_933 : f32 to vector<16xf32>
        %mul3A_935 = arith.mulf %get3A_932, %mul3A_934 : vector<16xf32>
        tpu.vector_store_idx %arg13[%add3A_5, %add3A_919], %mul3A_935 : memref<32x264xf32, #tpu.memory_space<vmem>>[vector<16xi32>, vector<16xi32>], vector<16xf32>,
      }
      %scan3A_364 = arith.constant 16 : i32
      %add3A_365 = arith.addi %mul3A_2, %add3A_339 : i32
      %jit3A_366 = arith.constant 64 : i32
      %div3A_367 = arith.divsi %add3A_365, %jit3A_366 : i32
      %sign3A_368 = arith.constant 0 : i32
      %sign3A_369 = arith.cmpi sgt, %add3A_365, %sign3A_368 : i32
      %sign3A_370 = arith.extui %sign3A_369 : i1 to i32
      %sign3A_371 = arith.constant 0 : i32
      %sign3A_372 = arith.cmpi slt, %add3A_365, %sign3A_371 : i32
      %sign3A_373 = arith.extui %sign3A_372 : i1 to i32
      %sign3A_374 = arith.subi %sign3A_370, %sign3A_373 : i32
      %sign3A_375 = arith.constant 0 : i32
      %sign3A_376 = arith.cmpi sgt, %jit3A_366, %sign3A_375 : i32
      %sign3A_377 = arith.extui %sign3A_376 : i1 to i32
      %sign3A_378 = arith.constant 0 : i32
      %sign3A_379 = arith.cmpi slt, %jit3A_366, %sign3A_378 : i32
      %sign3A_380 = arith.extui %sign3A_379 : i1 to i32
      %sign3A_381 = arith.subi %sign3A_377, %sign3A_380 : i32
      %ne3A_382 = arith.cmpi ne, %sign3A_374, %sign3A_381 : i32
      %rem3A_383 = arith.remsi %add3A_365, %jit3A_366 : i32
      %ne3A_384 = arith.constant 0 : i32
      %ne3A_385 = arith.cmpi ne, %rem3A_383, %ne3A_384 : i32
      %and3A_386 = arith.andi %ne3A_382, %ne3A_385 : i1
      %sub3A_387 = arith.constant 1 : i32
      %sub3A_388 = arith.subi %div3A_367, %sub3A_387 : i32
      %select_n3A_389 = arith.select %and3A_386, %sub3A_388, %div3A_367 : i32
      %jit3A_390 = arith.constant 64 : i32
      %eq3A_391 = arith.constant 0 : i32
      %eq3A_392 = arith.cmpi eq, %jit3A_390, %eq3A_391 : i32
      %jit3A_393 = arith.constant 1 : i32
      %select_n3A_394 = arith.select %eq3A_392, %jit3A_393, %jit3A_390 : i32
      %rem3A_395 = arith.remsi %add3A_365, %select_n3A_394 : i32
      %ne3A_396 = arith.constant 0 : i32
      %ne3A_397 = arith.cmpi ne, %rem3A_395, %ne3A_396 : i32
      %lt3A_398 = arith.constant 0 : i32
      %lt3A_399 = arith.cmpi slt, %rem3A_395, %lt3A_398 : i32
      %lt3A_400 = arith.constant 0 : i32
      %lt3A_401 = arith.cmpi slt, %select_n3A_394, %lt3A_400 : i32
      %ne3A_402 = arith.xori %lt3A_399, %lt3A_401 : i1
      %and3A_403 = arith.andi %ne3A_402, %ne3A_397 : i1
      %add3A_404 = arith.addi %rem3A_395, %select_n3A_394 : i32
      %select_n3A_405 = arith.select %and3A_403, %add3A_404, %rem3A_395 : i32
      %mul3A_406 = arith.constant 256 : i32
      %mul3A_407 = arith.muli %select_n3A_405, %mul3A_406 : i32
      %dma_start3A_408 = arith.constant 0 : i32
      %dma_start3A_409 = arith.constant 0 : i32
      %dma_start3A_410 = tpu.memref_slice %arg13[%dma_start3A_408, %dma_start3A_409] : memref<32x264xf32, #tpu.memory_space<vmem>> -> memref<32x256xf32, #tpu.memory_space<vmem>>
      %dma_start3A_411 = arith.constant 0 : i32
      %dma_start3A_412 = tpu.memref_slice %arg4[%select_n3A_389, %dma_start3A_411, %mul3A_407] : memref<50x32x16384xf32, #tpu.memory_space<hbm>> -> memref<1x32x256xf32, #tpu.memory_space<hbm>>
      %dma_start3A_413 = tpu.memref_squeeze %dma_start3A_412 : memref<1x32x256xf32, #tpu.memory_space<hbm>> -> memref<32x256xf32, #tpu.memory_space<hbm>>
      %dma_start3A_414 = arith.constant 0 : i32
      %dma_start3A_415 = tpu.memref_slice %arg4[%select_n3A_389, %dma_start3A_414, %mul3A_407] : memref<50x32x16384xf32, #tpu.memory_space<hbm>> -> memref<1x32x256xf32, #tpu.memory_space<hbm>>
      %dma_start3A_416 = tpu.memref_squeeze %dma_start3A_415 : memref<1x32x256xf32, #tpu.memory_space<hbm>> -> memref<32x256xf32, #tpu.memory_space<hbm>>
      %dma_start3A_417 = arith.constant 0 : i32
      %dma_start3A_418 = arith.constant 0 : i32
      %dma_start3A_419 = tpu.memref_slice %arg13[%dma_start3A_417, %dma_start3A_418] : memref<32x264xf32, #tpu.memory_space<vmem>> -> memref<32x256xf32, #tpu.memory_space<vmem>>
      tpu.enqueue_dma source(%dma_start3A_419 : memref<32x256xf32, #tpu.memory_space<vmem>>) target(%dma_start3A_416 : memref<32x256xf32, #tpu.memory_space<hbm>>) target_semaphore(%arg23 : memref<!tpu.dma_semaphore, #tpu.memory_space<semaphore_mem>>)
      %add3A_420 = arith.constant 5 : i32
      %add3A_421 = arith.addi %add3A_339, %add3A_420 : i32
      %sub3A_422 = arith.constant 1 : i32
      %sub3A_423 = arith.subi %add3A_421, %sub3A_422 : i32
      %lt3A_424 = arith.constant 100 : i32
      %lt3A_425 = arith.cmpi slt, %sub3A_423, %lt3A_424 : i32
      %convert_element_type3A_426 = arith.extui %lt3A_425 : i1 to i32
      %cond3A_427 = arith.constant 0 : i32
      %cond3A_428 = arith.cmpi ne, %convert_element_type3A_426, %cond3A_427 : i32
      scf.if %cond3A_428 {
        %gt3A = arith.constant 0 : i32
        %gt3A_611 = arith.cmpi sgt, %add3A_339, %gt3A : i32
        %convert_element_type3A_612 = arith.extui %gt3A_611 : i1 to i32
        %cond3A_613 = arith.constant 0 : i32
        %cond3A_614 = arith.cmpi ne, %convert_element_type3A_612, %cond3A_613 : i32
        scf.if %cond3A_614 {
          %dma_wait3A_645 = arith.constant 0 : i32
          %dma_wait3A_646 = arith.constant 0 : i32
          %dma_wait3A_647 = arith.constant 0 : i32
          %dma_wait3A_648 = tpu.memref_slice %arg12[%dma_wait3A_646, %dma_wait3A_647] : memref<32x264xf32, #tpu.memory_space<vmem>> -> memref<32x256xf32, #tpu.memory_space<vmem>>
          %dma_wait3A_649 = arith.constant 0 : i32
          %dma_wait3A_650 = arith.constant 0 : i32
          %dma_wait3A_651 = tpu.memref_slice %arg4[%dma_wait3A_645, %dma_wait3A_649, %dma_wait3A_650] : memref<50x32x16384xf32, #tpu.memory_space<hbm>> -> memref<1x32x256xf32, #tpu.memory_space<hbm>>
          %dma_wait3A_652 = tpu.memref_squeeze %dma_wait3A_651 : memref<1x32x256xf32, #tpu.memory_space<hbm>> -> memref<32x256xf32, #tpu.memory_space<hbm>>
          %dma_wait3A_653 = arith.constant 0 : i32
          %dma_wait3A_654 = arith.constant 0 : i32
          %dma_wait3A_655 = tpu.memref_slice %arg4[%dma_wait3A_645, %dma_wait3A_653, %dma_wait3A_654] : memref<50x32x16384xf32, #tpu.memory_space<hbm>> -> memref<1x32x256xf32, #tpu.memory_space<hbm>>
          %dma_wait3A_656 = tpu.memref_squeeze %dma_wait3A_655 : memref<1x32x256xf32, #tpu.memory_space<hbm>> -> memref<32x256xf32, #tpu.memory_space<hbm>>
          %dma_wait3A_657 = arith.constant 0 : i32
          %dma_wait3A_658 = arith.constant 0 : i32
          %dma_wait3A_659 = tpu.memref_slice %arg12[%dma_wait3A_657, %dma_wait3A_658] : memref<32x264xf32, #tpu.memory_space<vmem>> -> memref<32x256xf32, #tpu.memory_space<vmem>>
          tpu.wait_dma2 semaphore(%arg22 : memref<!tpu.dma_semaphore, #tpu.memory_space<semaphore_mem>>) src(%dma_wait3A_659 : memref<32x256xf32, #tpu.memory_space<vmem>>) dst(%dma_wait3A_656 : memref<32x256xf32, #tpu.memory_space<hbm>>)
        } else {
        }
        %add3A_615 = arith.constant 5 : i32
        %add3A_616 = arith.addi %add3A_339, %add3A_615 : i32
        %sub3A_617 = arith.constant 1 : i32
        %sub3A_618 = arith.subi %add3A_616, %sub3A_617 : i32
        %mul3A_619 = arith.constant 2 : i32
        %mul3A_620 = arith.muli %sub3A_618, %mul3A_619 : i32
        %add3A_621 = arith.constant 0 : i32
        %add3A_622 = arith.addi %mul3A_620, %add3A_621 : i32
        %dma_start3A_623 = arith.constant 0 : i32
        %dma_start3A_624 = arith.constant 0 : i32
        %dma_start3A_625 = tpu.memref_slice %arg7[%dma_start3A_623, %dma_start3A_624] : memref<256x32xf32, #tpu.memory_space<vmem>> -> memref<128x32xf32, #tpu.memory_space<vmem>>
        %dma_start3A_626 = arith.constant 0 : i32
        %dma_start3A_627 = tpu.memref_slice %arg5[%add3A_622, %dma_start3A_626] : memref<200x128xi32, #tpu.memory_space<vmem>> -> memref<1x128xi32, #tpu.memory_space<vmem>>
        %dma_start3A_628 = tpu.memref_squeeze %dma_start3A_627 : memref<1x128xi32, #tpu.memory_space<vmem>> -> memref<128xi32, #tpu.memory_space<vmem>>
        %dma_start3A_629 = arith.constant 0 : i32
        %dma_start3A_630 = arith.constant 0 : i32
        %dma_start3A_631 = tpu.memref_slice %arg2[%dma_start3A_629, %dma_start3A_630] : memref<4000000x32xf32, #tpu.memory_space<hbm>> -> memref<4000000x32xf32, #tpu.memory_space<hbm>>
        tpu.enqueue_indirect_dma source(%dma_start3A_631 : memref<4000000x32xf32, #tpu.memory_space<hbm>>) target(%dma_start3A_625 : memref<128x32xf32, #tpu.memory_space<vmem>>) offsets(%dma_start3A_628 : memref<128xi32, #tpu.memory_space<vmem>>) semaphore(%arg17 : memref<!tpu.dma_semaphore, #tpu.memory_space<semaphore_mem>>)
        %mul3A_632 = arith.constant 2 : i32
        %mul3A_633 = arith.muli %sub3A_618, %mul3A_632 : i32
        %add3A_634 = arith.constant 1 : i32
        %add3A_635 = arith.addi %mul3A_633, %add3A_634 : i32
        %dma_start3A_636 = arith.constant 128 : i32
        %dma_start3A_637 = arith.constant 0 : i32
        %dma_start3A_638 = tpu.memref_slice %arg7[%dma_start3A_636, %dma_start3A_637] : memref<256x32xf32, #tpu.memory_space<vmem>> -> memref<128x32xf32, #tpu.memory_space<vmem>>
        %dma_start3A_639 = arith.constant 0 : i32
        %dma_start3A_640 = tpu.memref_slice %arg5[%add3A_635, %dma_start3A_639] : memref<200x128xi32, #tpu.memory_space<vmem>> -> memref<1x128xi32, #tpu.memory_space<vmem>>
        %dma_start3A_641 = tpu.memref_squeeze %dma_start3A_640 : memref<1x128xi32, #tpu.memory_space<vmem>> -> memref<128xi32, #tpu.memory_space<vmem>>
        %dma_start3A_642 = arith.constant 0 : i32
        %dma_start3A_643 = arith.constant 0 : i32
        %dma_start3A_644 = tpu.memref_slice %arg2[%dma_start3A_642, %dma_start3A_643] : memref<4000000x32xf32, #tpu.memory_space<hbm>> -> memref<4000000x32xf32, #tpu.memory_space<hbm>>
        tpu.enqueue_indirect_dma source(%dma_start3A_644 : memref<4000000x32xf32, #tpu.memory_space<hbm>>) target(%dma_start3A_638 : memref<128x32xf32, #tpu.memory_space<vmem>>) offsets(%dma_start3A_641 : memref<128xi32, #tpu.memory_space<vmem>>) semaphore(%arg17 : memref<!tpu.dma_semaphore, #tpu.memory_space<semaphore_mem>>)
      } else {
      }
      %add3A_429 = arith.constant 3 : i32
      %add3A_430 = arith.addi %add3A_167, %add3A_429 : i32
      %dma_wait3A_431 = arith.constant 0 : i32
      %dma_wait3A_432 = arith.constant 0 : i32
      %dma_wait3A_433 = arith.constant 0 : i32
      %dma_wait3A_434 = tpu.memref_slice %arg9[%dma_wait3A_432, %dma_wait3A_433] : memref<256x32xf32, #tpu.memory_space<vmem>> -> memref<128x32xf32, #tpu.memory_space<vmem>>
      %dma_wait3A_435 = arith.constant 0 : i32
      %dma_wait3A_436 = tpu.memref_slice %arg5[%dma_wait3A_431, %dma_wait3A_435] : memref<200x128xi32, #tpu.memory_space<vmem>> -> memref<1x128xi32, #tpu.memory_space<vmem>>
      %dma_wait3A_437 = tpu.memref_squeeze %dma_wait3A_436 : memref<1x128xi32, #tpu.memory_space<vmem>> -> memref<128xi32, #tpu.memory_space<vmem>>
      %dma_wait3A_438 = arith.constant 0 : i32
      %dma_wait3A_439 = arith.constant 0 : i32
      %dma_wait3A_440 = tpu.memref_slice %arg2[%dma_wait3A_438, %dma_wait3A_439] : memref<4000000x32xf32, #tpu.memory_space<hbm>> -> memref<4000000x32xf32, #tpu.memory_space<hbm>>
      tpu.wait_indirect_dma semaphore(%arg19 : memref<!tpu.dma_semaphore, #tpu.memory_space<semaphore_mem>>) src(%dma_wait3A_440 : memref<4000000x32xf32, #tpu.memory_space<hbm>>) dst(%dma_wait3A_434 : memref<128x32xf32, #tpu.memory_space<vmem>>)
      %dma_wait3A_441 = arith.constant 0 : i32
      %dma_wait3A_442 = arith.constant 128 : i32
      %dma_wait3A_443 = arith.constant 0 : i32
      %dma_wait3A_444 = tpu.memref_slice %arg9[%dma_wait3A_442, %dma_wait3A_443] : memref<256x32xf32, #tpu.memory_space<vmem>> -> memref<128x32xf32, #tpu.memory_space<vmem>>
      %dma_wait3A_445 = arith.constant 0 : i32
      %dma_wait3A_446 = tpu.memref_slice %arg5[%dma_wait3A_441, %dma_wait3A_445] : memref<200x128xi32, #tpu.memory_space<vmem>> -> memref<1x128xi32, #tpu.memory_space<vmem>>
      %dma_wait3A_447 = tpu.memref_squeeze %dma_wait3A_446 : memref<1x128xi32, #tpu.memory_space<vmem>> -> memref<128xi32, #tpu.memory_space<vmem>>
      %dma_wait3A_448 = arith.constant 0 : i32
      %dma_wait3A_449 = arith.constant 0 : i32
      %dma_wait3A_450 = tpu.memref_slice %arg2[%dma_wait3A_448, %dma_wait3A_449] : memref<4000000x32xf32, #tpu.memory_space<hbm>> -> memref<4000000x32xf32, #tpu.memory_space<hbm>>
      tpu.wait_indirect_dma semaphore(%arg19 : memref<!tpu.dma_semaphore, #tpu.memory_space<semaphore_mem>>) src(%dma_wait3A_450 : memref<4000000x32xf32, #tpu.memory_space<hbm>>) dst(%dma_wait3A_444 : memref<128x32xf32, #tpu.memory_space<vmem>>)
      %scan3A_451 = arith.constant 0 : i32
      %scan3A_452 = arith.constant 16 : i32
      %scan3A_453 = arith.addi %scan3A_451, %scan3A_452 : i32
      %scan3A_454 = arith.constant 1 : i32
      scf.for %scan3A_611 = %scan3A_451 to %scan3A_453 step %scan3A_454  : i32 {
        %mul3A_612 = arith.constant 1 : i32
        %mul3A_613 = arith.muli %scan3A_611, %mul3A_612 : i32
        %add3A_614 = arith.constant 0 : i32
        %add3A_615 = arith.addi %add3A_614, %mul3A_613 : i32
        %mul3A_616 = arith.constant 16 : i32
        %mul3A_617 = arith.muli %add3A_615, %mul3A_616 : i32
        %broadcast_in_dim3A = arith.constant 0 : i32
        %broadcast_in_dim3A_618 = vector.broadcast %broadcast_in_dim3A : i32 to vector<16xi32>
        %add3A_619 = vector.broadcast %mul3A_617 : i32 to vector<16xi32>
        %add3A_620 = arith.addi %broadcast_in_dim3A_618, %add3A_619 : vector<16xi32>
        %add3A_621 = arith.constant 0 : i32
        %add3A_622 = arith.addi %mul3A_617, %add3A_621 : i32
        %get3A = arith.index_cast %add3A_622 : i32 to index
        %get3A_623 = arith.constant 0 : index
        %get3A_624 = tpu.vector_load %arg9[%get3A, %get3A_623] {strides = array<i32>} : memref<256x32xf32, #tpu.memory_space<vmem>>, vector<16xf32>,
        %mul3A_625 = arith.constant 5.65685415 : f32
        %mul3A_626 = vector.broadcast %mul3A_625 : f32 to vector<16xf32>
        %mul3A_627 = arith.mulf %get3A_624, %mul3A_626 : vector<16xf32>
        tpu.vector_store_idx %arg14[%iota3A, %add3A_620], %mul3A_627 : memref<32x264xf32, #tpu.memory_space<vmem>>[vector<16xi32>, vector<16xi32>], vector<16xf32>,
        %add3A_628 = arith.constant 0 : i32
        %add3A_629 = arith.addi %mul3A_617, %add3A_628 : i32
        %get3A_630 = arith.index_cast %add3A_629 : i32 to index
        %get3A_631 = arith.constant 16 : index
        %get3A_632 = tpu.vector_load %arg9[%get3A_630, %get3A_631] {strides = array<i32>} : memref<256x32xf32, #tpu.memory_space<vmem>>, vector<16xf32>,
        %mul3A_633 = arith.constant 5.65685415 : f32
        %mul3A_634 = vector.broadcast %mul3A_633 : f32 to vector<16xf32>
        %mul3A_635 = arith.mulf %get3A_632, %mul3A_634 : vector<16xf32>
        tpu.vector_store_idx %arg14[%add3A_5, %add3A_620], %mul3A_635 : memref<32x264xf32, #tpu.memory_space<vmem>>[vector<16xi32>, vector<16xi32>], vector<16xf32>,
        %broadcast_in_dim3A_636 = arith.constant 1 : i32
        %broadcast_in_dim3A_637 = vector.broadcast %broadcast_in_dim3A_636 : i32 to vector<16xi32>
        %add3A_638 = vector.broadcast %mul3A_617 : i32 to vector<16xi32>
        %add3A_639 = arith.addi %broadcast_in_dim3A_637, %add3A_638 : vector<16xi32>
        %add3A_640 = arith.constant 1 : i32
        %add3A_641 = arith.addi %mul3A_617, %add3A_640 : i32
        %get3A_642 = arith.index_cast %add3A_641 : i32 to index
        %get3A_643 = arith.constant 0 : index
        %get3A_644 = tpu.vector_load %arg9[%get3A_642, %get3A_643] {strides = array<i32>} : memref<256x32xf32, #tpu.memory_space<vmem>>, vector<16xf32>,
        %mul3A_645 = arith.constant 5.65685415 : f32
        %mul3A_646 = vector.broadcast %mul3A_645 : f32 to vector<16xf32>
        %mul3A_647 = arith.mulf %get3A_644, %mul3A_646 : vector<16xf32>
        tpu.vector_store_idx %arg14[%iota3A, %add3A_639], %mul3A_647 : memref<32x264xf32, #tpu.memory_space<vmem>>[vector<16xi32>, vector<16xi32>], vector<16xf32>,
        %add3A_648 = arith.constant 1 : i32
        %add3A_649 = arith.addi %mul3A_617, %add3A_648 : i32
        %get3A_650 = arith.index_cast %add3A_649 : i32 to index
        %get3A_651 = arith.constant 16 : index
        %get3A_652 = tpu.vector_load %arg9[%get3A_650, %get3A_651] {strides = array<i32>} : memref<256x32xf32, #tpu.memory_space<vmem>>, vector<16xf32>,
        %mul3A_653 = arith.constant 5.65685415 : f32
        %mul3A_654 = vector.broadcast %mul3A_653 : f32 to vector<16xf32>
        %mul3A_655 = arith.mulf %get3A_652, %mul3A_654 : vector<16xf32>
        tpu.vector_store_idx %arg14[%add3A_5, %add3A_639], %mul3A_655 : memref<32x264xf32, #tpu.memory_space<vmem>>[vector<16xi32>, vector<16xi32>], vector<16xf32>,
        %broadcast_in_dim3A_656 = arith.constant 2 : i32
        %broadcast_in_dim3A_657 = vector.broadcast %broadcast_in_dim3A_656 : i32 to vector<16xi32>
        %add3A_658 = vector.broadcast %mul3A_617 : i32 to vector<16xi32>
        %add3A_659 = arith.addi %broadcast_in_dim3A_657, %add3A_658 : vector<16xi32>
        %add3A_660 = arith.constant 2 : i32
        %add3A_661 = arith.addi %mul3A_617, %add3A_660 : i32
        %get3A_662 = arith.index_cast %add3A_661 : i32 to index
        %get3A_663 = arith.constant 0 : index
        %get3A_664 = tpu.vector_load %arg9[%get3A_662, %get3A_663] {strides = array<i32>} : memref<256x32xf32, #tpu.memory_space<vmem>>, vector<16xf32>,
        %mul3A_665 = arith.constant 5.65685415 : f32
        %mul3A_666 = vector.broadcast %mul3A_665 : f32 to vector<16xf32>
        %mul3A_667 = arith.mulf %get3A_664, %mul3A_666 : vector<16xf32>
        tpu.vector_store_idx %arg14[%iota3A, %add3A_659], %mul3A_667 : memref<32x264xf32, #tpu.memory_space<vmem>>[vector<16xi32>, vector<16xi32>], vector<16xf32>,
        %add3A_668 = arith.constant 2 : i32
        %add3A_669 = arith.addi %mul3A_617, %add3A_668 : i32
        %get3A_670 = arith.index_cast %add3A_669 : i32 to index
        %get3A_671 = arith.constant 16 : index
        %get3A_672 = tpu.vector_load %arg9[%get3A_670, %get3A_671] {strides = array<i32>} : memref<256x32xf32, #tpu.memory_space<vmem>>, vector<16xf32>,
        %mul3A_673 = arith.constant 5.65685415 : f32
        %mul3A_674 = vector.broadcast %mul3A_673 : f32 to vector<16xf32>
        %mul3A_675 = arith.mulf %get3A_672, %mul3A_674 : vector<16xf32>
        tpu.vector_store_idx %arg14[%add3A_5, %add3A_659], %mul3A_675 : memref<32x264xf32, #tpu.memory_space<vmem>>[vector<16xi32>, vector<16xi32>], vector<16xf32>,
        %broadcast_in_dim3A_676 = arith.constant 3 : i32
        %broadcast_in_dim3A_677 = vector.broadcast %broadcast_in_dim3A_676 : i32 to vector<16xi32>
        %add3A_678 = vector.broadcast %mul3A_617 : i32 to vector<16xi32>
        %add3A_679 = arith.addi %broadcast_in_dim3A_677, %add3A_678 : vector<16xi32>
        %add3A_680 = arith.constant 3 : i32
        %add3A_681 = arith.addi %mul3A_617, %add3A_680 : i32
        %get3A_682 = arith.index_cast %add3A_681 : i32 to index
        %get3A_683 = arith.constant 0 : index
        %get3A_684 = tpu.vector_load %arg9[%get3A_682, %get3A_683] {strides = array<i32>} : memref<256x32xf32, #tpu.memory_space<vmem>>, vector<16xf32>,
        %mul3A_685 = arith.constant 5.65685415 : f32
        %mul3A_686 = vector.broadcast %mul3A_685 : f32 to vector<16xf32>
        %mul3A_687 = arith.mulf %get3A_684, %mul3A_686 : vector<16xf32>
        tpu.vector_store_idx %arg14[%iota3A, %add3A_679], %mul3A_687 : memref<32x264xf32, #tpu.memory_space<vmem>>[vector<16xi32>, vector<16xi32>], vector<16xf32>,
        %add3A_688 = arith.constant 3 : i32
        %add3A_689 = arith.addi %mul3A_617, %add3A_688 : i32
        %get3A_690 = arith.index_cast %add3A_689 : i32 to index
        %get3A_691 = arith.constant 16 : index
        %get3A_692 = tpu.vector_load %arg9[%get3A_690, %get3A_691] {strides = array<i32>} : memref<256x32xf32, #tpu.memory_space<vmem>>, vector<16xf32>,
        %mul3A_693 = arith.constant 5.65685415 : f32
        %mul3A_694 = vector.broadcast %mul3A_693 : f32 to vector<16xf32>
        %mul3A_695 = arith.mulf %get3A_692, %mul3A_694 : vector<16xf32>
        tpu.vector_store_idx %arg14[%add3A_5, %add3A_679], %mul3A_695 : memref<32x264xf32, #tpu.memory_space<vmem>>[vector<16xi32>, vector<16xi32>], vector<16xf32>,
        %broadcast_in_dim3A_696 = arith.constant 4 : i32
        %broadcast_in_dim3A_697 = vector.broadcast %broadcast_in_dim3A_696 : i32 to vector<16xi32>
        %add3A_698 = vector.broadcast %mul3A_617 : i32 to vector<16xi32>
        %add3A_699 = arith.addi %broadcast_in_dim3A_697, %add3A_698 : vector<16xi32>
        %add3A_700 = arith.constant 4 : i32
        %add3A_701 = arith.addi %mul3A_617, %add3A_700 : i32
        %get3A_702 = arith.index_cast %add3A_701 : i32 to index
        %get3A_703 = arith.constant 0 : index
        %get3A_704 = tpu.vector_load %arg9[%get3A_702, %get3A_703] {strides = array<i32>} : memref<256x32xf32, #tpu.memory_space<vmem>>, vector<16xf32>,
        %mul3A_705 = arith.constant 5.65685415 : f32
        %mul3A_706 = vector.broadcast %mul3A_705 : f32 to vector<16xf32>
        %mul3A_707 = arith.mulf %get3A_704, %mul3A_706 : vector<16xf32>
        tpu.vector_store_idx %arg14[%iota3A, %add3A_699], %mul3A_707 : memref<32x264xf32, #tpu.memory_space<vmem>>[vector<16xi32>, vector<16xi32>], vector<16xf32>,
        %add3A_708 = arith.constant 4 : i32
        %add3A_709 = arith.addi %mul3A_617, %add3A_708 : i32
        %get3A_710 = arith.index_cast %add3A_709 : i32 to index
        %get3A_711 = arith.constant 16 : index
        %get3A_712 = tpu.vector_load %arg9[%get3A_710, %get3A_711] {strides = array<i32>} : memref<256x32xf32, #tpu.memory_space<vmem>>, vector<16xf32>,
        %mul3A_713 = arith.constant 5.65685415 : f32
        %mul3A_714 = vector.broadcast %mul3A_713 : f32 to vector<16xf32>
        %mul3A_715 = arith.mulf %get3A_712, %mul3A_714 : vector<16xf32>
        tpu.vector_store_idx %arg14[%add3A_5, %add3A_699], %mul3A_715 : memref<32x264xf32, #tpu.memory_space<vmem>>[vector<16xi32>, vector<16xi32>], vector<16xf32>,
        %broadcast_in_dim3A_716 = arith.constant 5 : i32
        %broadcast_in_dim3A_717 = vector.broadcast %broadcast_in_dim3A_716 : i32 to vector<16xi32>
        %add3A_718 = vector.broadcast %mul3A_617 : i32 to vector<16xi32>
        %add3A_719 = arith.addi %broadcast_in_dim3A_717, %add3A_718 : vector<16xi32>
        %add3A_720 = arith.constant 5 : i32
        %add3A_721 = arith.addi %mul3A_617, %add3A_720 : i32
        %get3A_722 = arith.index_cast %add3A_721 : i32 to index
        %get3A_723 = arith.constant 0 : index
        %get3A_724 = tpu.vector_load %arg9[%get3A_722, %get3A_723] {strides = array<i32>} : memref<256x32xf32, #tpu.memory_space<vmem>>, vector<16xf32>,
        %mul3A_725 = arith.constant 5.65685415 : f32
        %mul3A_726 = vector.broadcast %mul3A_725 : f32 to vector<16xf32>
        %mul3A_727 = arith.mulf %get3A_724, %mul3A_726 : vector<16xf32>
        tpu.vector_store_idx %arg14[%iota3A, %add3A_719], %mul3A_727 : memref<32x264xf32, #tpu.memory_space<vmem>>[vector<16xi32>, vector<16xi32>], vector<16xf32>,
        %add3A_728 = arith.constant 5 : i32
        %add3A_729 = arith.addi %mul3A_617, %add3A_728 : i32
        %get3A_730 = arith.index_cast %add3A_729 : i32 to index
        %get3A_731 = arith.constant 16 : index
        %get3A_732 = tpu.vector_load %arg9[%get3A_730, %get3A_731] {strides = array<i32>} : memref<256x32xf32, #tpu.memory_space<vmem>>, vector<16xf32>,
        %mul3A_733 = arith.constant 5.65685415 : f32
        %mul3A_734 = vector.broadcast %mul3A_733 : f32 to vector<16xf32>
        %mul3A_735 = arith.mulf %get3A_732, %mul3A_734 : vector<16xf32>
        tpu.vector_store_idx %arg14[%add3A_5, %add3A_719], %mul3A_735 : memref<32x264xf32, #tpu.memory_space<vmem>>[vector<16xi32>, vector<16xi32>], vector<16xf32>,
        %broadcast_in_dim3A_736 = arith.constant 6 : i32
        %broadcast_in_dim3A_737 = vector.broadcast %broadcast_in_dim3A_736 : i32 to vector<16xi32>
        %add3A_738 = vector.broadcast %mul3A_617 : i32 to vector<16xi32>
        %add3A_739 = arith.addi %broadcast_in_dim3A_737, %add3A_738 : vector<16xi32>
        %add3A_740 = arith.constant 6 : i32
        %add3A_741 = arith.addi %mul3A_617, %add3A_740 : i32
        %get3A_742 = arith.index_cast %add3A_741 : i32 to index
        %get3A_743 = arith.constant 0 : index
        %get3A_744 = tpu.vector_load %arg9[%get3A_742, %get3A_743] {strides = array<i32>} : memref<256x32xf32, #tpu.memory_space<vmem>>, vector<16xf32>,
        %mul3A_745 = arith.constant 5.65685415 : f32
        %mul3A_746 = vector.broadcast %mul3A_745 : f32 to vector<16xf32>
        %mul3A_747 = arith.mulf %get3A_744, %mul3A_746 : vector<16xf32>
        tpu.vector_store_idx %arg14[%iota3A, %add3A_739], %mul3A_747 : memref<32x264xf32, #tpu.memory_space<vmem>>[vector<16xi32>, vector<16xi32>], vector<16xf32>,
        %add3A_748 = arith.constant 6 : i32
        %add3A_749 = arith.addi %mul3A_617, %add3A_748 : i32
        %get3A_750 = arith.index_cast %add3A_749 : i32 to index
        %get3A_751 = arith.constant 16 : index
        %get3A_752 = tpu.vector_load %arg9[%get3A_750, %get3A_751] {strides = array<i32>} : memref<256x32xf32, #tpu.memory_space<vmem>>, vector<16xf32>,
        %mul3A_753 = arith.constant 5.65685415 : f32
        %mul3A_754 = vector.broadcast %mul3A_753 : f32 to vector<16xf32>
        %mul3A_755 = arith.mulf %get3A_752, %mul3A_754 : vector<16xf32>
        tpu.vector_store_idx %arg14[%add3A_5, %add3A_739], %mul3A_755 : memref<32x264xf32, #tpu.memory_space<vmem>>[vector<16xi32>, vector<16xi32>], vector<16xf32>,
        %broadcast_in_dim3A_756 = arith.constant 7 : i32
        %broadcast_in_dim3A_757 = vector.broadcast %broadcast_in_dim3A_756 : i32 to vector<16xi32>
        %add3A_758 = vector.broadcast %mul3A_617 : i32 to vector<16xi32>
        %add3A_759 = arith.addi %broadcast_in_dim3A_757, %add3A_758 : vector<16xi32>
        %add3A_760 = arith.constant 7 : i32
        %add3A_761 = arith.addi %mul3A_617, %add3A_760 : i32
        %get3A_762 = arith.index_cast %add3A_761 : i32 to index
        %get3A_763 = arith.constant 0 : index
        %get3A_764 = tpu.vector_load %arg9[%get3A_762, %get3A_763] {strides = array<i32>} : memref<256x32xf32, #tpu.memory_space<vmem>>, vector<16xf32>,
        %mul3A_765 = arith.constant 5.65685415 : f32
        %mul3A_766 = vector.broadcast %mul3A_765 : f32 to vector<16xf32>
        %mul3A_767 = arith.mulf %get3A_764, %mul3A_766 : vector<16xf32>
        tpu.vector_store_idx %arg14[%iota3A, %add3A_759], %mul3A_767 : memref<32x264xf32, #tpu.memory_space<vmem>>[vector<16xi32>, vector<16xi32>], vector<16xf32>,
        %add3A_768 = arith.constant 7 : i32
        %add3A_769 = arith.addi %mul3A_617, %add3A_768 : i32
        %get3A_770 = arith.index_cast %add3A_769 : i32 to index
        %get3A_771 = arith.constant 16 : index
        %get3A_772 = tpu.vector_load %arg9[%get3A_770, %get3A_771] {strides = array<i32>} : memref<256x32xf32, #tpu.memory_space<vmem>>, vector<16xf32>,
        %mul3A_773 = arith.constant 5.65685415 : f32
        %mul3A_774 = vector.broadcast %mul3A_773 : f32 to vector<16xf32>
        %mul3A_775 = arith.mulf %get3A_772, %mul3A_774 : vector<16xf32>
        tpu.vector_store_idx %arg14[%add3A_5, %add3A_759], %mul3A_775 : memref<32x264xf32, #tpu.memory_space<vmem>>[vector<16xi32>, vector<16xi32>], vector<16xf32>,
        %broadcast_in_dim3A_776 = arith.constant 8 : i32
        %broadcast_in_dim3A_777 = vector.broadcast %broadcast_in_dim3A_776 : i32 to vector<16xi32>
        %add3A_778 = vector.broadcast %mul3A_617 : i32 to vector<16xi32>
        %add3A_779 = arith.addi %broadcast_in_dim3A_777, %add3A_778 : vector<16xi32>
        %add3A_780 = arith.constant 8 : i32
        %add3A_781 = arith.addi %mul3A_617, %add3A_780 : i32
        %get3A_782 = arith.index_cast %add3A_781 : i32 to index
        %get3A_783 = arith.constant 0 : index
        %get3A_784 = tpu.vector_load %arg9[%get3A_782, %get3A_783] {strides = array<i32>} : memref<256x32xf32, #tpu.memory_space<vmem>>, vector<16xf32>,
        %mul3A_785 = arith.constant 5.65685415 : f32
        %mul3A_786 = vector.broadcast %mul3A_785 : f32 to vector<16xf32>
        %mul3A_787 = arith.mulf %get3A_784, %mul3A_786 : vector<16xf32>
        tpu.vector_store_idx %arg14[%iota3A, %add3A_779], %mul3A_787 : memref<32x264xf32, #tpu.memory_space<vmem>>[vector<16xi32>, vector<16xi32>], vector<16xf32>,
        %add3A_788 = arith.constant 8 : i32
        %add3A_789 = arith.addi %mul3A_617, %add3A_788 : i32
        %get3A_790 = arith.index_cast %add3A_789 : i32 to index
        %get3A_791 = arith.constant 16 : index
        %get3A_792 = tpu.vector_load %arg9[%get3A_790, %get3A_791] {strides = array<i32>} : memref<256x32xf32, #tpu.memory_space<vmem>>, vector<16xf32>,
        %mul3A_793 = arith.constant 5.65685415 : f32
        %mul3A_794 = vector.broadcast %mul3A_793 : f32 to vector<16xf32>
        %mul3A_795 = arith.mulf %get3A_792, %mul3A_794 : vector<16xf32>
        tpu.vector_store_idx %arg14[%add3A_5, %add3A_779], %mul3A_795 : memref<32x264xf32, #tpu.memory_space<vmem>>[vector<16xi32>, vector<16xi32>], vector<16xf32>,
        %broadcast_in_dim3A_796 = arith.constant 9 : i32
        %broadcast_in_dim3A_797 = vector.broadcast %broadcast_in_dim3A_796 : i32 to vector<16xi32>
        %add3A_798 = vector.broadcast %mul3A_617 : i32 to vector<16xi32>
        %add3A_799 = arith.addi %broadcast_in_dim3A_797, %add3A_798 : vector<16xi32>
        %add3A_800 = arith.constant 9 : i32
        %add3A_801 = arith.addi %mul3A_617, %add3A_800 : i32
        %get3A_802 = arith.index_cast %add3A_801 : i32 to index
        %get3A_803 = arith.constant 0 : index
        %get3A_804 = tpu.vector_load %arg9[%get3A_802, %get3A_803] {strides = array<i32>} : memref<256x32xf32, #tpu.memory_space<vmem>>, vector<16xf32>,
        %mul3A_805 = arith.constant 5.65685415 : f32
        %mul3A_806 = vector.broadcast %mul3A_805 : f32 to vector<16xf32>
        %mul3A_807 = arith.mulf %get3A_804, %mul3A_806 : vector<16xf32>
        tpu.vector_store_idx %arg14[%iota3A, %add3A_799], %mul3A_807 : memref<32x264xf32, #tpu.memory_space<vmem>>[vector<16xi32>, vector<16xi32>], vector<16xf32>,
        %add3A_808 = arith.constant 9 : i32
        %add3A_809 = arith.addi %mul3A_617, %add3A_808 : i32
        %get3A_810 = arith.index_cast %add3A_809 : i32 to index
        %get3A_811 = arith.constant 16 : index
        %get3A_812 = tpu.vector_load %arg9[%get3A_810, %get3A_811] {strides = array<i32>} : memref<256x32xf32, #tpu.memory_space<vmem>>, vector<16xf32>,
        %mul3A_813 = arith.constant 5.65685415 : f32
        %mul3A_814 = vector.broadcast %mul3A_813 : f32 to vector<16xf32>
        %mul3A_815 = arith.mulf %get3A_812, %mul3A_814 : vector<16xf32>
        tpu.vector_store_idx %arg14[%add3A_5, %add3A_799], %mul3A_815 : memref<32x264xf32, #tpu.memory_space<vmem>>[vector<16xi32>, vector<16xi32>], vector<16xf32>,
        %broadcast_in_dim3A_816 = arith.constant 10 : i32
        %broadcast_in_dim3A_817 = vector.broadcast %broadcast_in_dim3A_816 : i32 to vector<16xi32>
        %add3A_818 = vector.broadcast %mul3A_617 : i32 to vector<16xi32>
        %add3A_819 = arith.addi %broadcast_in_dim3A_817, %add3A_818 : vector<16xi32>
        %add3A_820 = arith.constant 10 : i32
        %add3A_821 = arith.addi %mul3A_617, %add3A_820 : i32
        %get3A_822 = arith.index_cast %add3A_821 : i32 to index
        %get3A_823 = arith.constant 0 : index
        %get3A_824 = tpu.vector_load %arg9[%get3A_822, %get3A_823] {strides = array<i32>} : memref<256x32xf32, #tpu.memory_space<vmem>>, vector<16xf32>,
        %mul3A_825 = arith.constant 5.65685415 : f32
        %mul3A_826 = vector.broadcast %mul3A_825 : f32 to vector<16xf32>
        %mul3A_827 = arith.mulf %get3A_824, %mul3A_826 : vector<16xf32>
        tpu.vector_store_idx %arg14[%iota3A, %add3A_819], %mul3A_827 : memref<32x264xf32, #tpu.memory_space<vmem>>[vector<16xi32>, vector<16xi32>], vector<16xf32>,
        %add3A_828 = arith.constant 10 : i32
        %add3A_829 = arith.addi %mul3A_617, %add3A_828 : i32
        %get3A_830 = arith.index_cast %add3A_829 : i32 to index
        %get3A_831 = arith.constant 16 : index
        %get3A_832 = tpu.vector_load %arg9[%get3A_830, %get3A_831] {strides = array<i32>} : memref<256x32xf32, #tpu.memory_space<vmem>>, vector<16xf32>,
        %mul3A_833 = arith.constant 5.65685415 : f32
        %mul3A_834 = vector.broadcast %mul3A_833 : f32 to vector<16xf32>
        %mul3A_835 = arith.mulf %get3A_832, %mul3A_834 : vector<16xf32>
        tpu.vector_store_idx %arg14[%add3A_5, %add3A_819], %mul3A_835 : memref<32x264xf32, #tpu.memory_space<vmem>>[vector<16xi32>, vector<16xi32>], vector<16xf32>,
        %broadcast_in_dim3A_836 = arith.constant 11 : i32
        %broadcast_in_dim3A_837 = vector.broadcast %broadcast_in_dim3A_836 : i32 to vector<16xi32>
        %add3A_838 = vector.broadcast %mul3A_617 : i32 to vector<16xi32>
        %add3A_839 = arith.addi %broadcast_in_dim3A_837, %add3A_838 : vector<16xi32>
        %add3A_840 = arith.constant 11 : i32
        %add3A_841 = arith.addi %mul3A_617, %add3A_840 : i32
        %get3A_842 = arith.index_cast %add3A_841 : i32 to index
        %get3A_843 = arith.constant 0 : index
        %get3A_844 = tpu.vector_load %arg9[%get3A_842, %get3A_843] {strides = array<i32>} : memref<256x32xf32, #tpu.memory_space<vmem>>, vector<16xf32>,
        %mul3A_845 = arith.constant 5.65685415 : f32
        %mul3A_846 = vector.broadcast %mul3A_845 : f32 to vector<16xf32>
        %mul3A_847 = arith.mulf %get3A_844, %mul3A_846 : vector<16xf32>
        tpu.vector_store_idx %arg14[%iota3A, %add3A_839], %mul3A_847 : memref<32x264xf32, #tpu.memory_space<vmem>>[vector<16xi32>, vector<16xi32>], vector<16xf32>,
        %add3A_848 = arith.constant 11 : i32
        %add3A_849 = arith.addi %mul3A_617, %add3A_848 : i32
        %get3A_850 = arith.index_cast %add3A_849 : i32 to index
        %get3A_851 = arith.constant 16 : index
        %get3A_852 = tpu.vector_load %arg9[%get3A_850, %get3A_851] {strides = array<i32>} : memref<256x32xf32, #tpu.memory_space<vmem>>, vector<16xf32>,
        %mul3A_853 = arith.constant 5.65685415 : f32
        %mul3A_854 = vector.broadcast %mul3A_853 : f32 to vector<16xf32>
        %mul3A_855 = arith.mulf %get3A_852, %mul3A_854 : vector<16xf32>
        tpu.vector_store_idx %arg14[%add3A_5, %add3A_839], %mul3A_855 : memref<32x264xf32, #tpu.memory_space<vmem>>[vector<16xi32>, vector<16xi32>], vector<16xf32>,
        %broadcast_in_dim3A_856 = arith.constant 12 : i32
        %broadcast_in_dim3A_857 = vector.broadcast %broadcast_in_dim3A_856 : i32 to vector<16xi32>
        %add3A_858 = vector.broadcast %mul3A_617 : i32 to vector<16xi32>
        %add3A_859 = arith.addi %broadcast_in_dim3A_857, %add3A_858 : vector<16xi32>
        %add3A_860 = arith.constant 12 : i32
        %add3A_861 = arith.addi %mul3A_617, %add3A_860 : i32
        %get3A_862 = arith.index_cast %add3A_861 : i32 to index
        %get3A_863 = arith.constant 0 : index
        %get3A_864 = tpu.vector_load %arg9[%get3A_862, %get3A_863] {strides = array<i32>} : memref<256x32xf32, #tpu.memory_space<vmem>>, vector<16xf32>,
        %mul3A_865 = arith.constant 5.65685415 : f32
        %mul3A_866 = vector.broadcast %mul3A_865 : f32 to vector<16xf32>
        %mul3A_867 = arith.mulf %get3A_864, %mul3A_866 : vector<16xf32>
        tpu.vector_store_idx %arg14[%iota3A, %add3A_859], %mul3A_867 : memref<32x264xf32, #tpu.memory_space<vmem>>[vector<16xi32>, vector<16xi32>], vector<16xf32>,
        %add3A_868 = arith.constant 12 : i32
        %add3A_869 = arith.addi %mul3A_617, %add3A_868 : i32
        %get3A_870 = arith.index_cast %add3A_869 : i32 to index
        %get3A_871 = arith.constant 16 : index
        %get3A_872 = tpu.vector_load %arg9[%get3A_870, %get3A_871] {strides = array<i32>} : memref<256x32xf32, #tpu.memory_space<vmem>>, vector<16xf32>,
        %mul3A_873 = arith.constant 5.65685415 : f32
        %mul3A_874 = vector.broadcast %mul3A_873 : f32 to vector<16xf32>
        %mul3A_875 = arith.mulf %get3A_872, %mul3A_874 : vector<16xf32>
        tpu.vector_store_idx %arg14[%add3A_5, %add3A_859], %mul3A_875 : memref<32x264xf32, #tpu.memory_space<vmem>>[vector<16xi32>, vector<16xi32>], vector<16xf32>,
        %broadcast_in_dim3A_876 = arith.constant 13 : i32
        %broadcast_in_dim3A_877 = vector.broadcast %broadcast_in_dim3A_876 : i32 to vector<16xi32>
        %add3A_878 = vector.broadcast %mul3A_617 : i32 to vector<16xi32>
        %add3A_879 = arith.addi %broadcast_in_dim3A_877, %add3A_878 : vector<16xi32>
        %add3A_880 = arith.constant 13 : i32
        %add3A_881 = arith.addi %mul3A_617, %add3A_880 : i32
        %get3A_882 = arith.index_cast %add3A_881 : i32 to index
        %get3A_883 = arith.constant 0 : index
        %get3A_884 = tpu.vector_load %arg9[%get3A_882, %get3A_883] {strides = array<i32>} : memref<256x32xf32, #tpu.memory_space<vmem>>, vector<16xf32>,
        %mul3A_885 = arith.constant 5.65685415 : f32
        %mul3A_886 = vector.broadcast %mul3A_885 : f32 to vector<16xf32>
        %mul3A_887 = arith.mulf %get3A_884, %mul3A_886 : vector<16xf32>
        tpu.vector_store_idx %arg14[%iota3A, %add3A_879], %mul3A_887 : memref<32x264xf32, #tpu.memory_space<vmem>>[vector<16xi32>, vector<16xi32>], vector<16xf32>,
        %add3A_888 = arith.constant 13 : i32
        %add3A_889 = arith.addi %mul3A_617, %add3A_888 : i32
        %get3A_890 = arith.index_cast %add3A_889 : i32 to index
        %get3A_891 = arith.constant 16 : index
        %get3A_892 = tpu.vector_load %arg9[%get3A_890, %get3A_891] {strides = array<i32>} : memref<256x32xf32, #tpu.memory_space<vmem>>, vector<16xf32>,
        %mul3A_893 = arith.constant 5.65685415 : f32
        %mul3A_894 = vector.broadcast %mul3A_893 : f32 to vector<16xf32>
        %mul3A_895 = arith.mulf %get3A_892, %mul3A_894 : vector<16xf32>
        tpu.vector_store_idx %arg14[%add3A_5, %add3A_879], %mul3A_895 : memref<32x264xf32, #tpu.memory_space<vmem>>[vector<16xi32>, vector<16xi32>], vector<16xf32>,
        %broadcast_in_dim3A_896 = arith.constant 14 : i32
        %broadcast_in_dim3A_897 = vector.broadcast %broadcast_in_dim3A_896 : i32 to vector<16xi32>
        %add3A_898 = vector.broadcast %mul3A_617 : i32 to vector<16xi32>
        %add3A_899 = arith.addi %broadcast_in_dim3A_897, %add3A_898 : vector<16xi32>
        %add3A_900 = arith.constant 14 : i32
        %add3A_901 = arith.addi %mul3A_617, %add3A_900 : i32
        %get3A_902 = arith.index_cast %add3A_901 : i32 to index
        %get3A_903 = arith.constant 0 : index
        %get3A_904 = tpu.vector_load %arg9[%get3A_902, %get3A_903] {strides = array<i32>} : memref<256x32xf32, #tpu.memory_space<vmem>>, vector<16xf32>,
        %mul3A_905 = arith.constant 5.65685415 : f32
        %mul3A_906 = vector.broadcast %mul3A_905 : f32 to vector<16xf32>
        %mul3A_907 = arith.mulf %get3A_904, %mul3A_906 : vector<16xf32>
        tpu.vector_store_idx %arg14[%iota3A, %add3A_899], %mul3A_907 : memref<32x264xf32, #tpu.memory_space<vmem>>[vector<16xi32>, vector<16xi32>], vector<16xf32>,
        %add3A_908 = arith.constant 14 : i32
        %add3A_909 = arith.addi %mul3A_617, %add3A_908 : i32
        %get3A_910 = arith.index_cast %add3A_909 : i32 to index
        %get3A_911 = arith.constant 16 : index
        %get3A_912 = tpu.vector_load %arg9[%get3A_910, %get3A_911] {strides = array<i32>} : memref<256x32xf32, #tpu.memory_space<vmem>>, vector<16xf32>,
        %mul3A_913 = arith.constant 5.65685415 : f32
        %mul3A_914 = vector.broadcast %mul3A_913 : f32 to vector<16xf32>
        %mul3A_915 = arith.mulf %get3A_912, %mul3A_914 : vector<16xf32>
        tpu.vector_store_idx %arg14[%add3A_5, %add3A_899], %mul3A_915 : memref<32x264xf32, #tpu.memory_space<vmem>>[vector<16xi32>, vector<16xi32>], vector<16xf32>,
        %broadcast_in_dim3A_916 = arith.constant 15 : i32
        %broadcast_in_dim3A_917 = vector.broadcast %broadcast_in_dim3A_916 : i32 to vector<16xi32>
        %add3A_918 = vector.broadcast %mul3A_617 : i32 to vector<16xi32>
        %add3A_919 = arith.addi %broadcast_in_dim3A_917, %add3A_918 : vector<16xi32>
        %add3A_920 = arith.constant 15 : i32
        %add3A_921 = arith.addi %mul3A_617, %add3A_920 : i32
        %get3A_922 = arith.index_cast %add3A_921 : i32 to index
        %get3A_923 = arith.constant 0 : index
        %get3A_924 = tpu.vector_load %arg9[%get3A_922, %get3A_923] {strides = array<i32>} : memref<256x32xf32, #tpu.memory_space<vmem>>, vector<16xf32>,
        %mul3A_925 = arith.constant 5.65685415 : f32
        %mul3A_926 = vector.broadcast %mul3A_925 : f32 to vector<16xf32>
        %mul3A_927 = arith.mulf %get3A_924, %mul3A_926 : vector<16xf32>
        tpu.vector_store_idx %arg14[%iota3A, %add3A_919], %mul3A_927 : memref<32x264xf32, #tpu.memory_space<vmem>>[vector<16xi32>, vector<16xi32>], vector<16xf32>,
        %add3A_928 = arith.constant 15 : i32
        %add3A_929 = arith.addi %mul3A_617, %add3A_928 : i32
        %get3A_930 = arith.index_cast %add3A_929 : i32 to index
        %get3A_931 = arith.constant 16 : index
        %get3A_932 = tpu.vector_load %arg9[%get3A_930, %get3A_931] {strides = array<i32>} : memref<256x32xf32, #tpu.memory_space<vmem>>, vector<16xf32>,
        %mul3A_933 = arith.constant 5.65685415 : f32
        %mul3A_934 = vector.broadcast %mul3A_933 : f32 to vector<16xf32>
        %mul3A_935 = arith.mulf %get3A_932, %mul3A_934 : vector<16xf32>
        tpu.vector_store_idx %arg14[%add3A_5, %add3A_919], %mul3A_935 : memref<32x264xf32, #tpu.memory_space<vmem>>[vector<16xi32>, vector<16xi32>], vector<16xf32>,
      }
      %scan3A_455 = arith.constant 16 : i32
      %add3A_456 = arith.addi %mul3A_2, %add3A_430 : i32
      %jit3A_457 = arith.constant 64 : i32
      %div3A_458 = arith.divsi %add3A_456, %jit3A_457 : i32
      %sign3A_459 = arith.constant 0 : i32
      %sign3A_460 = arith.cmpi sgt, %add3A_456, %sign3A_459 : i32
      %sign3A_461 = arith.extui %sign3A_460 : i1 to i32
      %sign3A_462 = arith.constant 0 : i32
      %sign3A_463 = arith.cmpi slt, %add3A_456, %sign3A_462 : i32
      %sign3A_464 = arith.extui %sign3A_463 : i1 to i32
      %sign3A_465 = arith.subi %sign3A_461, %sign3A_464 : i32
      %sign3A_466 = arith.constant 0 : i32
      %sign3A_467 = arith.cmpi sgt, %jit3A_457, %sign3A_466 : i32
      %sign3A_468 = arith.extui %sign3A_467 : i1 to i32
      %sign3A_469 = arith.constant 0 : i32
      %sign3A_470 = arith.cmpi slt, %jit3A_457, %sign3A_469 : i32
      %sign3A_471 = arith.extui %sign3A_470 : i1 to i32
      %sign3A_472 = arith.subi %sign3A_468, %sign3A_471 : i32
      %ne3A_473 = arith.cmpi ne, %sign3A_465, %sign3A_472 : i32
      %rem3A_474 = arith.remsi %add3A_456, %jit3A_457 : i32
      %ne3A_475 = arith.constant 0 : i32
      %ne3A_476 = arith.cmpi ne, %rem3A_474, %ne3A_475 : i32
      %and3A_477 = arith.andi %ne3A_473, %ne3A_476 : i1
      %sub3A_478 = arith.constant 1 : i32
      %sub3A_479 = arith.subi %div3A_458, %sub3A_478 : i32
      %select_n3A_480 = arith.select %and3A_477, %sub3A_479, %div3A_458 : i32
      %jit3A_481 = arith.constant 64 : i32
      %eq3A_482 = arith.constant 0 : i32
      %eq3A_483 = arith.cmpi eq, %jit3A_481, %eq3A_482 : i32
      %jit3A_484 = arith.constant 1 : i32
      %select_n3A_485 = arith.select %eq3A_483, %jit3A_484, %jit3A_481 : i32
      %rem3A_486 = arith.remsi %add3A_456, %select_n3A_485 : i32
      %ne3A_487 = arith.constant 0 : i32
      %ne3A_488 = arith.cmpi ne, %rem3A_486, %ne3A_487 : i32
      %lt3A_489 = arith.constant 0 : i32
      %lt3A_490 = arith.cmpi slt, %rem3A_486, %lt3A_489 : i32
      %lt3A_491 = arith.constant 0 : i32
      %lt3A_492 = arith.cmpi slt, %select_n3A_485, %lt3A_491 : i32
      %ne3A_493 = arith.xori %lt3A_490, %lt3A_492 : i1
      %and3A_494 = arith.andi %ne3A_493, %ne3A_488 : i1
      %add3A_495 = arith.addi %rem3A_486, %select_n3A_485 : i32
      %select_n3A_496 = arith.select %and3A_494, %add3A_495, %rem3A_486 : i32
      %mul3A_497 = arith.constant 256 : i32
      %mul3A_498 = arith.muli %select_n3A_496, %mul3A_497 : i32
      %dma_start3A_499 = arith.constant 0 : i32
      %dma_start3A_500 = arith.constant 0 : i32
      %dma_start3A_501 = tpu.memref_slice %arg14[%dma_start3A_499, %dma_start3A_500] : memref<32x264xf32, #tpu.memory_space<vmem>> -> memref<32x256xf32, #tpu.memory_space<vmem>>
      %dma_start3A_502 = arith.constant 0 : i32
      %dma_start3A_503 = tpu.memref_slice %arg4[%select_n3A_480, %dma_start3A_502, %mul3A_498] : memref<50x32x16384xf32, #tpu.memory_space<hbm>> -> memref<1x32x256xf32, #tpu.memory_space<hbm>>
      %dma_start3A_504 = tpu.memref_squeeze %dma_start3A_503 : memref<1x32x256xf32, #tpu.memory_space<hbm>> -> memref<32x256xf32, #tpu.memory_space<hbm>>
      %dma_start3A_505 = arith.constant 0 : i32
      %dma_start3A_506 = tpu.memref_slice %arg4[%select_n3A_480, %dma_start3A_505, %mul3A_498] : memref<50x32x16384xf32, #tpu.memory_space<hbm>> -> memref<1x32x256xf32, #tpu.memory_space<hbm>>
      %dma_start3A_507 = tpu.memref_squeeze %dma_start3A_506 : memref<1x32x256xf32, #tpu.memory_space<hbm>> -> memref<32x256xf32, #tpu.memory_space<hbm>>
      %dma_start3A_508 = arith.constant 0 : i32
      %dma_start3A_509 = arith.constant 0 : i32
      %dma_start3A_510 = tpu.memref_slice %arg14[%dma_start3A_508, %dma_start3A_509] : memref<32x264xf32, #tpu.memory_space<vmem>> -> memref<32x256xf32, #tpu.memory_space<vmem>>
      tpu.enqueue_dma source(%dma_start3A_510 : memref<32x256xf32, #tpu.memory_space<vmem>>) target(%dma_start3A_507 : memref<32x256xf32, #tpu.memory_space<hbm>>) target_semaphore(%arg24 : memref<!tpu.dma_semaphore, #tpu.memory_space<semaphore_mem>>)
      %add3A_511 = arith.constant 5 : i32
      %add3A_512 = arith.addi %add3A_430, %add3A_511 : i32
      %sub3A_513 = arith.constant 1 : i32
      %sub3A_514 = arith.subi %add3A_512, %sub3A_513 : i32
      %lt3A_515 = arith.constant 100 : i32
      %lt3A_516 = arith.cmpi slt, %sub3A_514, %lt3A_515 : i32
      %convert_element_type3A_517 = arith.extui %lt3A_516 : i1 to i32
      %cond3A_518 = arith.constant 0 : i32
      %cond3A_519 = arith.cmpi ne, %convert_element_type3A_517, %cond3A_518 : i32
      scf.if %cond3A_519 {
        %gt3A = arith.constant 0 : i32
        %gt3A_611 = arith.cmpi sgt, %add3A_430, %gt3A : i32
        %convert_element_type3A_612 = arith.extui %gt3A_611 : i1 to i32
        %cond3A_613 = arith.constant 0 : i32
        %cond3A_614 = arith.cmpi ne, %convert_element_type3A_612, %cond3A_613 : i32
        scf.if %cond3A_614 {
          %dma_wait3A_645 = arith.constant 0 : i32
          %dma_wait3A_646 = arith.constant 0 : i32
          %dma_wait3A_647 = arith.constant 0 : i32
          %dma_wait3A_648 = tpu.memref_slice %arg13[%dma_wait3A_646, %dma_wait3A_647] : memref<32x264xf32, #tpu.memory_space<vmem>> -> memref<32x256xf32, #tpu.memory_space<vmem>>
          %dma_wait3A_649 = arith.constant 0 : i32
          %dma_wait3A_650 = arith.constant 0 : i32
          %dma_wait3A_651 = tpu.memref_slice %arg4[%dma_wait3A_645, %dma_wait3A_649, %dma_wait3A_650] : memref<50x32x16384xf32, #tpu.memory_space<hbm>> -> memref<1x32x256xf32, #tpu.memory_space<hbm>>
          %dma_wait3A_652 = tpu.memref_squeeze %dma_wait3A_651 : memref<1x32x256xf32, #tpu.memory_space<hbm>> -> memref<32x256xf32, #tpu.memory_space<hbm>>
          %dma_wait3A_653 = arith.constant 0 : i32
          %dma_wait3A_654 = arith.constant 0 : i32
          %dma_wait3A_655 = tpu.memref_slice %arg4[%dma_wait3A_645, %dma_wait3A_653, %dma_wait3A_654] : memref<50x32x16384xf32, #tpu.memory_space<hbm>> -> memref<1x32x256xf32, #tpu.memory_space<hbm>>
          %dma_wait3A_656 = tpu.memref_squeeze %dma_wait3A_655 : memref<1x32x256xf32, #tpu.memory_space<hbm>> -> memref<32x256xf32, #tpu.memory_space<hbm>>
          %dma_wait3A_657 = arith.constant 0 : i32
          %dma_wait3A_658 = arith.constant 0 : i32
          %dma_wait3A_659 = tpu.memref_slice %arg13[%dma_wait3A_657, %dma_wait3A_658] : memref<32x264xf32, #tpu.memory_space<vmem>> -> memref<32x256xf32, #tpu.memory_space<vmem>>
          tpu.wait_dma2 semaphore(%arg23 : memref<!tpu.dma_semaphore, #tpu.memory_space<semaphore_mem>>) src(%dma_wait3A_659 : memref<32x256xf32, #tpu.memory_space<vmem>>) dst(%dma_wait3A_656 : memref<32x256xf32, #tpu.memory_space<hbm>>)
        } else {
        }
        %add3A_615 = arith.constant 5 : i32
        %add3A_616 = arith.addi %add3A_430, %add3A_615 : i32
        %sub3A_617 = arith.constant 1 : i32
        %sub3A_618 = arith.subi %add3A_616, %sub3A_617 : i32
        %mul3A_619 = arith.constant 2 : i32
        %mul3A_620 = arith.muli %sub3A_618, %mul3A_619 : i32
        %add3A_621 = arith.constant 0 : i32
        %add3A_622 = arith.addi %mul3A_620, %add3A_621 : i32
        %dma_start3A_623 = arith.constant 0 : i32
        %dma_start3A_624 = arith.constant 0 : i32
        %dma_start3A_625 = tpu.memref_slice %arg8[%dma_start3A_623, %dma_start3A_624] : memref<256x32xf32, #tpu.memory_space<vmem>> -> memref<128x32xf32, #tpu.memory_space<vmem>>
        %dma_start3A_626 = arith.constant 0 : i32
        %dma_start3A_627 = tpu.memref_slice %arg5[%add3A_622, %dma_start3A_626] : memref<200x128xi32, #tpu.memory_space<vmem>> -> memref<1x128xi32, #tpu.memory_space<vmem>>
        %dma_start3A_628 = tpu.memref_squeeze %dma_start3A_627 : memref<1x128xi32, #tpu.memory_space<vmem>> -> memref<128xi32, #tpu.memory_space<vmem>>
        %dma_start3A_629 = arith.constant 0 : i32
        %dma_start3A_630 = arith.constant 0 : i32
        %dma_start3A_631 = tpu.memref_slice %arg2[%dma_start3A_629, %dma_start3A_630] : memref<4000000x32xf32, #tpu.memory_space<hbm>> -> memref<4000000x32xf32, #tpu.memory_space<hbm>>
        tpu.enqueue_indirect_dma source(%dma_start3A_631 : memref<4000000x32xf32, #tpu.memory_space<hbm>>) target(%dma_start3A_625 : memref<128x32xf32, #tpu.memory_space<vmem>>) offsets(%dma_start3A_628 : memref<128xi32, #tpu.memory_space<vmem>>) semaphore(%arg18 : memref<!tpu.dma_semaphore, #tpu.memory_space<semaphore_mem>>)
        %mul3A_632 = arith.constant 2 : i32
        %mul3A_633 = arith.muli %sub3A_618, %mul3A_632 : i32
        %add3A_634 = arith.constant 1 : i32
        %add3A_635 = arith.addi %mul3A_633, %add3A_634 : i32
        %dma_start3A_636 = arith.constant 128 : i32
        %dma_start3A_637 = arith.constant 0 : i32
        %dma_start3A_638 = tpu.memref_slice %arg8[%dma_start3A_636, %dma_start3A_637] : memref<256x32xf32, #tpu.memory_space<vmem>> -> memref<128x32xf32, #tpu.memory_space<vmem>>
        %dma_start3A_639 = arith.constant 0 : i32
        %dma_start3A_640 = tpu.memref_slice %arg5[%add3A_635, %dma_start3A_639] : memref<200x128xi32, #tpu.memory_space<vmem>> -> memref<1x128xi32, #tpu.memory_space<vmem>>
        %dma_start3A_641 = tpu.memref_squeeze %dma_start3A_640 : memref<1x128xi32, #tpu.memory_space<vmem>> -> memref<128xi32, #tpu.memory_space<vmem>>
        %dma_start3A_642 = arith.constant 0 : i32
        %dma_start3A_643 = arith.constant 0 : i32
        %dma_start3A_644 = tpu.memref_slice %arg2[%dma_start3A_642, %dma_start3A_643] : memref<4000000x32xf32, #tpu.memory_space<hbm>> -> memref<4000000x32xf32, #tpu.memory_space<hbm>>
        tpu.enqueue_indirect_dma source(%dma_start3A_644 : memref<4000000x32xf32, #tpu.memory_space<hbm>>) target(%dma_start3A_638 : memref<128x32xf32, #tpu.memory_space<vmem>>) offsets(%dma_start3A_641 : memref<128xi32, #tpu.memory_space<vmem>>) semaphore(%arg18 : memref<!tpu.dma_semaphore, #tpu.memory_space<semaphore_mem>>)
      } else {
      }
      %add3A_520 = arith.constant 4 : i32
      %add3A_521 = arith.addi %add3A_167, %add3A_520 : i32
      %dma_wait3A_522 = arith.constant 0 : i32
      %dma_wait3A_523 = arith.constant 0 : i32
      %dma_wait3A_524 = arith.constant 0 : i32
      %dma_wait3A_525 = tpu.memref_slice %arg10[%dma_wait3A_523, %dma_wait3A_524] : memref<256x32xf32, #tpu.memory_space<vmem>> -> memref<128x32xf32, #tpu.memory_space<vmem>>
      %dma_wait3A_526 = arith.constant 0 : i32
      %dma_wait3A_527 = tpu.memref_slice %arg5[%dma_wait3A_522, %dma_wait3A_526] : memref<200x128xi32, #tpu.memory_space<vmem>> -> memref<1x128xi32, #tpu.memory_space<vmem>>
      %dma_wait3A_528 = tpu.memref_squeeze %dma_wait3A_527 : memref<1x128xi32, #tpu.memory_space<vmem>> -> memref<128xi32, #tpu.memory_space<vmem>>
      %dma_wait3A_529 = arith.constant 0 : i32
      %dma_wait3A_530 = arith.constant 0 : i32
      %dma_wait3A_531 = tpu.memref_slice %arg2[%dma_wait3A_529, %dma_wait3A_530] : memref<4000000x32xf32, #tpu.memory_space<hbm>> -> memref<4000000x32xf32, #tpu.memory_space<hbm>>
      tpu.wait_indirect_dma semaphore(%arg20 : memref<!tpu.dma_semaphore, #tpu.memory_space<semaphore_mem>>) src(%dma_wait3A_531 : memref<4000000x32xf32, #tpu.memory_space<hbm>>) dst(%dma_wait3A_525 : memref<128x32xf32, #tpu.memory_space<vmem>>)
      %dma_wait3A_532 = arith.constant 0 : i32
      %dma_wait3A_533 = arith.constant 128 : i32
      %dma_wait3A_534 = arith.constant 0 : i32
      %dma_wait3A_535 = tpu.memref_slice %arg10[%dma_wait3A_533, %dma_wait3A_534] : memref<256x32xf32, #tpu.memory_space<vmem>> -> memref<128x32xf32, #tpu.memory_space<vmem>>
      %dma_wait3A_536 = arith.constant 0 : i32
      %dma_wait3A_537 = tpu.memref_slice %arg5[%dma_wait3A_532, %dma_wait3A_536] : memref<200x128xi32, #tpu.memory_space<vmem>> -> memref<1x128xi32, #tpu.memory_space<vmem>>
      %dma_wait3A_538 = tpu.memref_squeeze %dma_wait3A_537 : memref<1x128xi32, #tpu.memory_space<vmem>> -> memref<128xi32, #tpu.memory_space<vmem>>
      %dma_wait3A_539 = arith.constant 0 : i32
      %dma_wait3A_540 = arith.constant 0 : i32
      %dma_wait3A_541 = tpu.memref_slice %arg2[%dma_wait3A_539, %dma_wait3A_540] : memref<4000000x32xf32, #tpu.memory_space<hbm>> -> memref<4000000x32xf32, #tpu.memory_space<hbm>>
      tpu.wait_indirect_dma semaphore(%arg20 : memref<!tpu.dma_semaphore, #tpu.memory_space<semaphore_mem>>) src(%dma_wait3A_541 : memref<4000000x32xf32, #tpu.memory_space<hbm>>) dst(%dma_wait3A_535 : memref<128x32xf32, #tpu.memory_space<vmem>>)
      %scan3A_542 = arith.constant 0 : i32
      %scan3A_543 = arith.constant 16 : i32
      %scan3A_544 = arith.addi %scan3A_542, %scan3A_543 : i32
      %scan3A_545 = arith.constant 1 : i32
      scf.for %scan3A_611 = %scan3A_542 to %scan3A_544 step %scan3A_545  : i32 {
        %mul3A_612 = arith.constant 1 : i32
        %mul3A_613 = arith.muli %scan3A_611, %mul3A_612 : i32
        %add3A_614 = arith.constant 0 : i32
        %add3A_615 = arith.addi %add3A_614, %mul3A_613 : i32
        %mul3A_616 = arith.constant 16 : i32
        %mul3A_617 = arith.muli %add3A_615, %mul3A_616 : i32
        %broadcast_in_dim3A = arith.constant 0 : i32
        %broadcast_in_dim3A_618 = vector.broadcast %broadcast_in_dim3A : i32 to vector<16xi32>
        %add3A_619 = vector.broadcast %mul3A_617 : i32 to vector<16xi32>
        %add3A_620 = arith.addi %broadcast_in_dim3A_618, %add3A_619 : vector<16xi32>
        %add3A_621 = arith.constant 0 : i32
        %add3A_622 = arith.addi %mul3A_617, %add3A_621 : i32
        %get3A = arith.index_cast %add3A_622 : i32 to index
        %get3A_623 = arith.constant 0 : index
        %get3A_624 = tpu.vector_load %arg10[%get3A, %get3A_623] {strides = array<i32>} : memref<256x32xf32, #tpu.memory_space<vmem>>, vector<16xf32>,
        %mul3A_625 = arith.constant 5.65685415 : f32
        %mul3A_626 = vector.broadcast %mul3A_625 : f32 to vector<16xf32>
        %mul3A_627 = arith.mulf %get3A_624, %mul3A_626 : vector<16xf32>
        tpu.vector_store_idx %arg15[%iota3A, %add3A_620], %mul3A_627 : memref<32x264xf32, #tpu.memory_space<vmem>>[vector<16xi32>, vector<16xi32>], vector<16xf32>,
        %add3A_628 = arith.constant 0 : i32
        %add3A_629 = arith.addi %mul3A_617, %add3A_628 : i32
        %get3A_630 = arith.index_cast %add3A_629 : i32 to index
        %get3A_631 = arith.constant 16 : index
        %get3A_632 = tpu.vector_load %arg10[%get3A_630, %get3A_631] {strides = array<i32>} : memref<256x32xf32, #tpu.memory_space<vmem>>, vector<16xf32>,
        %mul3A_633 = arith.constant 5.65685415 : f32
        %mul3A_634 = vector.broadcast %mul3A_633 : f32 to vector<16xf32>
        %mul3A_635 = arith.mulf %get3A_632, %mul3A_634 : vector<16xf32>
        tpu.vector_store_idx %arg15[%add3A_5, %add3A_620], %mul3A_635 : memref<32x264xf32, #tpu.memory_space<vmem>>[vector<16xi32>, vector<16xi32>], vector<16xf32>,
        %broadcast_in_dim3A_636 = arith.constant 1 : i32
        %broadcast_in_dim3A_637 = vector.broadcast %broadcast_in_dim3A_636 : i32 to vector<16xi32>
        %add3A_638 = vector.broadcast %mul3A_617 : i32 to vector<16xi32>
        %add3A_639 = arith.addi %broadcast_in_dim3A_637, %add3A_638 : vector<16xi32>
        %add3A_640 = arith.constant 1 : i32
        %add3A_641 = arith.addi %mul3A_617, %add3A_640 : i32
        %get3A_642 = arith.index_cast %add3A_641 : i32 to index
        %get3A_643 = arith.constant 0 : index
        %get3A_644 = tpu.vector_load %arg10[%get3A_642, %get3A_643] {strides = array<i32>} : memref<256x32xf32, #tpu.memory_space<vmem>>, vector<16xf32>,
        %mul3A_645 = arith.constant 5.65685415 : f32
        %mul3A_646 = vector.broadcast %mul3A_645 : f32 to vector<16xf32>
        %mul3A_647 = arith.mulf %get3A_644, %mul3A_646 : vector<16xf32>
        tpu.vector_store_idx %arg15[%iota3A, %add3A_639], %mul3A_647 : memref<32x264xf32, #tpu.memory_space<vmem>>[vector<16xi32>, vector<16xi32>], vector<16xf32>,
        %add3A_648 = arith.constant 1 : i32
        %add3A_649 = arith.addi %mul3A_617, %add3A_648 : i32
        %get3A_650 = arith.index_cast %add3A_649 : i32 to index
        %get3A_651 = arith.constant 16 : index
        %get3A_652 = tpu.vector_load %arg10[%get3A_650, %get3A_651] {strides = array<i32>} : memref<256x32xf32, #tpu.memory_space<vmem>>, vector<16xf32>,
        %mul3A_653 = arith.constant 5.65685415 : f32
        %mul3A_654 = vector.broadcast %mul3A_653 : f32 to vector<16xf32>
        %mul3A_655 = arith.mulf %get3A_652, %mul3A_654 : vector<16xf32>
        tpu.vector_store_idx %arg15[%add3A_5, %add3A_639], %mul3A_655 : memref<32x264xf32, #tpu.memory_space<vmem>>[vector<16xi32>, vector<16xi32>], vector<16xf32>,
        %broadcast_in_dim3A_656 = arith.constant 2 : i32
        %broadcast_in_dim3A_657 = vector.broadcast %broadcast_in_dim3A_656 : i32 to vector<16xi32>
        %add3A_658 = vector.broadcast %mul3A_617 : i32 to vector<16xi32>
        %add3A_659 = arith.addi %broadcast_in_dim3A_657, %add3A_658 : vector<16xi32>
        %add3A_660 = arith.constant 2 : i32
        %add3A_661 = arith.addi %mul3A_617, %add3A_660 : i32
        %get3A_662 = arith.index_cast %add3A_661 : i32 to index
        %get3A_663 = arith.constant 0 : index
        %get3A_664 = tpu.vector_load %arg10[%get3A_662, %get3A_663] {strides = array<i32>} : memref<256x32xf32, #tpu.memory_space<vmem>>, vector<16xf32>,
        %mul3A_665 = arith.constant 5.65685415 : f32
        %mul3A_666 = vector.broadcast %mul3A_665 : f32 to vector<16xf32>
        %mul3A_667 = arith.mulf %get3A_664, %mul3A_666 : vector<16xf32>
        tpu.vector_store_idx %arg15[%iota3A, %add3A_659], %mul3A_667 : memref<32x264xf32, #tpu.memory_space<vmem>>[vector<16xi32>, vector<16xi32>], vector<16xf32>,
        %add3A_668 = arith.constant 2 : i32
        %add3A_669 = arith.addi %mul3A_617, %add3A_668 : i32
        %get3A_670 = arith.index_cast %add3A_669 : i32 to index
        %get3A_671 = arith.constant 16 : index
        %get3A_672 = tpu.vector_load %arg10[%get3A_670, %get3A_671] {strides = array<i32>} : memref<256x32xf32, #tpu.memory_space<vmem>>, vector<16xf32>,
        %mul3A_673 = arith.constant 5.65685415 : f32
        %mul3A_674 = vector.broadcast %mul3A_673 : f32 to vector<16xf32>
        %mul3A_675 = arith.mulf %get3A_672, %mul3A_674 : vector<16xf32>
        tpu.vector_store_idx %arg15[%add3A_5, %add3A_659], %mul3A_675 : memref<32x264xf32, #tpu.memory_space<vmem>>[vector<16xi32>, vector<16xi32>], vector<16xf32>,
        %broadcast_in_dim3A_676 = arith.constant 3 : i32
        %broadcast_in_dim3A_677 = vector.broadcast %broadcast_in_dim3A_676 : i32 to vector<16xi32>
        %add3A_678 = vector.broadcast %mul3A_617 : i32 to vector<16xi32>
        %add3A_679 = arith.addi %broadcast_in_dim3A_677, %add3A_678 : vector<16xi32>
        %add3A_680 = arith.constant 3 : i32
        %add3A_681 = arith.addi %mul3A_617, %add3A_680 : i32
        %get3A_682 = arith.index_cast %add3A_681 : i32 to index
        %get3A_683 = arith.constant 0 : index
        %get3A_684 = tpu.vector_load %arg10[%get3A_682, %get3A_683] {strides = array<i32>} : memref<256x32xf32, #tpu.memory_space<vmem>>, vector<16xf32>,
        %mul3A_685 = arith.constant 5.65685415 : f32
        %mul3A_686 = vector.broadcast %mul3A_685 : f32 to vector<16xf32>
        %mul3A_687 = arith.mulf %get3A_684, %mul3A_686 : vector<16xf32>
        tpu.vector_store_idx %arg15[%iota3A, %add3A_679], %mul3A_687 : memref<32x264xf32, #tpu.memory_space<vmem>>[vector<16xi32>, vector<16xi32>], vector<16xf32>,
        %add3A_688 = arith.constant 3 : i32
        %add3A_689 = arith.addi %mul3A_617, %add3A_688 : i32
        %get3A_690 = arith.index_cast %add3A_689 : i32 to index
        %get3A_691 = arith.constant 16 : index
        %get3A_692 = tpu.vector_load %arg10[%get3A_690, %get3A_691] {strides = array<i32>} : memref<256x32xf32, #tpu.memory_space<vmem>>, vector<16xf32>,
        %mul3A_693 = arith.constant 5.65685415 : f32
        %mul3A_694 = vector.broadcast %mul3A_693 : f32 to vector<16xf32>
        %mul3A_695 = arith.mulf %get3A_692, %mul3A_694 : vector<16xf32>
        tpu.vector_store_idx %arg15[%add3A_5, %add3A_679], %mul3A_695 : memref<32x264xf32, #tpu.memory_space<vmem>>[vector<16xi32>, vector<16xi32>], vector<16xf32>,
        %broadcast_in_dim3A_696 = arith.constant 4 : i32
        %broadcast_in_dim3A_697 = vector.broadcast %broadcast_in_dim3A_696 : i32 to vector<16xi32>
        %add3A_698 = vector.broadcast %mul3A_617 : i32 to vector<16xi32>
        %add3A_699 = arith.addi %broadcast_in_dim3A_697, %add3A_698 : vector<16xi32>
        %add3A_700 = arith.constant 4 : i32
        %add3A_701 = arith.addi %mul3A_617, %add3A_700 : i32
        %get3A_702 = arith.index_cast %add3A_701 : i32 to index
        %get3A_703 = arith.constant 0 : index
        %get3A_704 = tpu.vector_load %arg10[%get3A_702, %get3A_703] {strides = array<i32>} : memref<256x32xf32, #tpu.memory_space<vmem>>, vector<16xf32>,
        %mul3A_705 = arith.constant 5.65685415 : f32
        %mul3A_706 = vector.broadcast %mul3A_705 : f32 to vector<16xf32>
        %mul3A_707 = arith.mulf %get3A_704, %mul3A_706 : vector<16xf32>
        tpu.vector_store_idx %arg15[%iota3A, %add3A_699], %mul3A_707 : memref<32x264xf32, #tpu.memory_space<vmem>>[vector<16xi32>, vector<16xi32>], vector<16xf32>,
        %add3A_708 = arith.constant 4 : i32
        %add3A_709 = arith.addi %mul3A_617, %add3A_708 : i32
        %get3A_710 = arith.index_cast %add3A_709 : i32 to index
        %get3A_711 = arith.constant 16 : index
        %get3A_712 = tpu.vector_load %arg10[%get3A_710, %get3A_711] {strides = array<i32>} : memref<256x32xf32, #tpu.memory_space<vmem>>, vector<16xf32>,
        %mul3A_713 = arith.constant 5.65685415 : f32
        %mul3A_714 = vector.broadcast %mul3A_713 : f32 to vector<16xf32>
        %mul3A_715 = arith.mulf %get3A_712, %mul3A_714 : vector<16xf32>
        tpu.vector_store_idx %arg15[%add3A_5, %add3A_699], %mul3A_715 : memref<32x264xf32, #tpu.memory_space<vmem>>[vector<16xi32>, vector<16xi32>], vector<16xf32>,
        %broadcast_in_dim3A_716 = arith.constant 5 : i32
        %broadcast_in_dim3A_717 = vector.broadcast %broadcast_in_dim3A_716 : i32 to vector<16xi32>
        %add3A_718 = vector.broadcast %mul3A_617 : i32 to vector<16xi32>
        %add3A_719 = arith.addi %broadcast_in_dim3A_717, %add3A_718 : vector<16xi32>
        %add3A_720 = arith.constant 5 : i32
        %add3A_721 = arith.addi %mul3A_617, %add3A_720 : i32
        %get3A_722 = arith.index_cast %add3A_721 : i32 to index
        %get3A_723 = arith.constant 0 : index
        %get3A_724 = tpu.vector_load %arg10[%get3A_722, %get3A_723] {strides = array<i32>} : memref<256x32xf32, #tpu.memory_space<vmem>>, vector<16xf32>,
        %mul3A_725 = arith.constant 5.65685415 : f32
        %mul3A_726 = vector.broadcast %mul3A_725 : f32 to vector<16xf32>
        %mul3A_727 = arith.mulf %get3A_724, %mul3A_726 : vector<16xf32>
        tpu.vector_store_idx %arg15[%iota3A, %add3A_719], %mul3A_727 : memref<32x264xf32, #tpu.memory_space<vmem>>[vector<16xi32>, vector<16xi32>], vector<16xf32>,
        %add3A_728 = arith.constant 5 : i32
        %add3A_729 = arith.addi %mul3A_617, %add3A_728 : i32
        %get3A_730 = arith.index_cast %add3A_729 : i32 to index
        %get3A_731 = arith.constant 16 : index
        %get3A_732 = tpu.vector_load %arg10[%get3A_730, %get3A_731] {strides = array<i32>} : memref<256x32xf32, #tpu.memory_space<vmem>>, vector<16xf32>,
        %mul3A_733 = arith.constant 5.65685415 : f32
        %mul3A_734 = vector.broadcast %mul3A_733 : f32 to vector<16xf32>
        %mul3A_735 = arith.mulf %get3A_732, %mul3A_734 : vector<16xf32>
        tpu.vector_store_idx %arg15[%add3A_5, %add3A_719], %mul3A_735 : memref<32x264xf32, #tpu.memory_space<vmem>>[vector<16xi32>, vector<16xi32>], vector<16xf32>,
        %broadcast_in_dim3A_736 = arith.constant 6 : i32
        %broadcast_in_dim3A_737 = vector.broadcast %broadcast_in_dim3A_736 : i32 to vector<16xi32>
        %add3A_738 = vector.broadcast %mul3A_617 : i32 to vector<16xi32>
        %add3A_739 = arith.addi %broadcast_in_dim3A_737, %add3A_738 : vector<16xi32>
        %add3A_740 = arith.constant 6 : i32
        %add3A_741 = arith.addi %mul3A_617, %add3A_740 : i32
        %get3A_742 = arith.index_cast %add3A_741 : i32 to index
        %get3A_743 = arith.constant 0 : index
        %get3A_744 = tpu.vector_load %arg10[%get3A_742, %get3A_743] {strides = array<i32>} : memref<256x32xf32, #tpu.memory_space<vmem>>, vector<16xf32>,
        %mul3A_745 = arith.constant 5.65685415 : f32
        %mul3A_746 = vector.broadcast %mul3A_745 : f32 to vector<16xf32>
        %mul3A_747 = arith.mulf %get3A_744, %mul3A_746 : vector<16xf32>
        tpu.vector_store_idx %arg15[%iota3A, %add3A_739], %mul3A_747 : memref<32x264xf32, #tpu.memory_space<vmem>>[vector<16xi32>, vector<16xi32>], vector<16xf32>,
        %add3A_748 = arith.constant 6 : i32
        %add3A_749 = arith.addi %mul3A_617, %add3A_748 : i32
        %get3A_750 = arith.index_cast %add3A_749 : i32 to index
        %get3A_751 = arith.constant 16 : index
        %get3A_752 = tpu.vector_load %arg10[%get3A_750, %get3A_751] {strides = array<i32>} : memref<256x32xf32, #tpu.memory_space<vmem>>, vector<16xf32>,
        %mul3A_753 = arith.constant 5.65685415 : f32
        %mul3A_754 = vector.broadcast %mul3A_753 : f32 to vector<16xf32>
        %mul3A_755 = arith.mulf %get3A_752, %mul3A_754 : vector<16xf32>
        tpu.vector_store_idx %arg15[%add3A_5, %add3A_739], %mul3A_755 : memref<32x264xf32, #tpu.memory_space<vmem>>[vector<16xi32>, vector<16xi32>], vector<16xf32>,
        %broadcast_in_dim3A_756 = arith.constant 7 : i32
        %broadcast_in_dim3A_757 = vector.broadcast %broadcast_in_dim3A_756 : i32 to vector<16xi32>
        %add3A_758 = vector.broadcast %mul3A_617 : i32 to vector<16xi32>
        %add3A_759 = arith.addi %broadcast_in_dim3A_757, %add3A_758 : vector<16xi32>
        %add3A_760 = arith.constant 7 : i32
        %add3A_761 = arith.addi %mul3A_617, %add3A_760 : i32
        %get3A_762 = arith.index_cast %add3A_761 : i32 to index
        %get3A_763 = arith.constant 0 : index
        %get3A_764 = tpu.vector_load %arg10[%get3A_762, %get3A_763] {strides = array<i32>} : memref<256x32xf32, #tpu.memory_space<vmem>>, vector<16xf32>,
        %mul3A_765 = arith.constant 5.65685415 : f32
        %mul3A_766 = vector.broadcast %mul3A_765 : f32 to vector<16xf32>
        %mul3A_767 = arith.mulf %get3A_764, %mul3A_766 : vector<16xf32>
        tpu.vector_store_idx %arg15[%iota3A, %add3A_759], %mul3A_767 : memref<32x264xf32, #tpu.memory_space<vmem>>[vector<16xi32>, vector<16xi32>], vector<16xf32>,
        %add3A_768 = arith.constant 7 : i32
        %add3A_769 = arith.addi %mul3A_617, %add3A_768 : i32
        %get3A_770 = arith.index_cast %add3A_769 : i32 to index
        %get3A_771 = arith.constant 16 : index
        %get3A_772 = tpu.vector_load %arg10[%get3A_770, %get3A_771] {strides = array<i32>} : memref<256x32xf32, #tpu.memory_space<vmem>>, vector<16xf32>,
        %mul3A_773 = arith.constant 5.65685415 : f32
        %mul3A_774 = vector.broadcast %mul3A_773 : f32 to vector<16xf32>
        %mul3A_775 = arith.mulf %get3A_772, %mul3A_774 : vector<16xf32>
        tpu.vector_store_idx %arg15[%add3A_5, %add3A_759], %mul3A_775 : memref<32x264xf32, #tpu.memory_space<vmem>>[vector<16xi32>, vector<16xi32>], vector<16xf32>,
        %broadcast_in_dim3A_776 = arith.constant 8 : i32
        %broadcast_in_dim3A_777 = vector.broadcast %broadcast_in_dim3A_776 : i32 to vector<16xi32>
        %add3A_778 = vector.broadcast %mul3A_617 : i32 to vector<16xi32>
        %add3A_779 = arith.addi %broadcast_in_dim3A_777, %add3A_778 : vector<16xi32>
        %add3A_780 = arith.constant 8 : i32
        %add3A_781 = arith.addi %mul3A_617, %add3A_780 : i32
        %get3A_782 = arith.index_cast %add3A_781 : i32 to index
        %get3A_783 = arith.constant 0 : index
        %get3A_784 = tpu.vector_load %arg10[%get3A_782, %get3A_783] {strides = array<i32>} : memref<256x32xf32, #tpu.memory_space<vmem>>, vector<16xf32>,
        %mul3A_785 = arith.constant 5.65685415 : f32
        %mul3A_786 = vector.broadcast %mul3A_785 : f32 to vector<16xf32>
        %mul3A_787 = arith.mulf %get3A_784, %mul3A_786 : vector<16xf32>
        tpu.vector_store_idx %arg15[%iota3A, %add3A_779], %mul3A_787 : memref<32x264xf32, #tpu.memory_space<vmem>>[vector<16xi32>, vector<16xi32>], vector<16xf32>,
        %add3A_788 = arith.constant 8 : i32
        %add3A_789 = arith.addi %mul3A_617, %add3A_788 : i32
        %get3A_790 = arith.index_cast %add3A_789 : i32 to index
        %get3A_791 = arith.constant 16 : index
        %get3A_792 = tpu.vector_load %arg10[%get3A_790, %get3A_791] {strides = array<i32>} : memref<256x32xf32, #tpu.memory_space<vmem>>, vector<16xf32>,
        %mul3A_793 = arith.constant 5.65685415 : f32
        %mul3A_794 = vector.broadcast %mul3A_793 : f32 to vector<16xf32>
        %mul3A_795 = arith.mulf %get3A_792, %mul3A_794 : vector<16xf32>
        tpu.vector_store_idx %arg15[%add3A_5, %add3A_779], %mul3A_795 : memref<32x264xf32, #tpu.memory_space<vmem>>[vector<16xi32>, vector<16xi32>], vector<16xf32>,
        %broadcast_in_dim3A_796 = arith.constant 9 : i32
        %broadcast_in_dim3A_797 = vector.broadcast %broadcast_in_dim3A_796 : i32 to vector<16xi32>
        %add3A_798 = vector.broadcast %mul3A_617 : i32 to vector<16xi32>
        %add3A_799 = arith.addi %broadcast_in_dim3A_797, %add3A_798 : vector<16xi32>
        %add3A_800 = arith.constant 9 : i32
        %add3A_801 = arith.addi %mul3A_617, %add3A_800 : i32
        %get3A_802 = arith.index_cast %add3A_801 : i32 to index
        %get3A_803 = arith.constant 0 : index
        %get3A_804 = tpu.vector_load %arg10[%get3A_802, %get3A_803] {strides = array<i32>} : memref<256x32xf32, #tpu.memory_space<vmem>>, vector<16xf32>,
        %mul3A_805 = arith.constant 5.65685415 : f32
        %mul3A_806 = vector.broadcast %mul3A_805 : f32 to vector<16xf32>
        %mul3A_807 = arith.mulf %get3A_804, %mul3A_806 : vector<16xf32>
        tpu.vector_store_idx %arg15[%iota3A, %add3A_799], %mul3A_807 : memref<32x264xf32, #tpu.memory_space<vmem>>[vector<16xi32>, vector<16xi32>], vector<16xf32>,
        %add3A_808 = arith.constant 9 : i32
        %add3A_809 = arith.addi %mul3A_617, %add3A_808 : i32
        %get3A_810 = arith.index_cast %add3A_809 : i32 to index
        %get3A_811 = arith.constant 16 : index
        %get3A_812 = tpu.vector_load %arg10[%get3A_810, %get3A_811] {strides = array<i32>} : memref<256x32xf32, #tpu.memory_space<vmem>>, vector<16xf32>,
        %mul3A_813 = arith.constant 5.65685415 : f32
        %mul3A_814 = vector.broadcast %mul3A_813 : f32 to vector<16xf32>
        %mul3A_815 = arith.mulf %get3A_812, %mul3A_814 : vector<16xf32>
        tpu.vector_store_idx %arg15[%add3A_5, %add3A_799], %mul3A_815 : memref<32x264xf32, #tpu.memory_space<vmem>>[vector<16xi32>, vector<16xi32>], vector<16xf32>,
        %broadcast_in_dim3A_816 = arith.constant 10 : i32
        %broadcast_in_dim3A_817 = vector.broadcast %broadcast_in_dim3A_816 : i32 to vector<16xi32>
        %add3A_818 = vector.broadcast %mul3A_617 : i32 to vector<16xi32>
        %add3A_819 = arith.addi %broadcast_in_dim3A_817, %add3A_818 : vector<16xi32>
        %add3A_820 = arith.constant 10 : i32
        %add3A_821 = arith.addi %mul3A_617, %add3A_820 : i32
        %get3A_822 = arith.index_cast %add3A_821 : i32 to index
        %get3A_823 = arith.constant 0 : index
        %get3A_824 = tpu.vector_load %arg10[%get3A_822, %get3A_823] {strides = array<i32>} : memref<256x32xf32, #tpu.memory_space<vmem>>, vector<16xf32>,
        %mul3A_825 = arith.constant 5.65685415 : f32
        %mul3A_826 = vector.broadcast %mul3A_825 : f32 to vector<16xf32>
        %mul3A_827 = arith.mulf %get3A_824, %mul3A_826 : vector<16xf32>
        tpu.vector_store_idx %arg15[%iota3A, %add3A_819], %mul3A_827 : memref<32x264xf32, #tpu.memory_space<vmem>>[vector<16xi32>, vector<16xi32>], vector<16xf32>,
        %add3A_828 = arith.constant 10 : i32
        %add3A_829 = arith.addi %mul3A_617, %add3A_828 : i32
        %get3A_830 = arith.index_cast %add3A_829 : i32 to index
        %get3A_831 = arith.constant 16 : index
        %get3A_832 = tpu.vector_load %arg10[%get3A_830, %get3A_831] {strides = array<i32>} : memref<256x32xf32, #tpu.memory_space<vmem>>, vector<16xf32>,
        %mul3A_833 = arith.constant 5.65685415 : f32
        %mul3A_834 = vector.broadcast %mul3A_833 : f32 to vector<16xf32>
        %mul3A_835 = arith.mulf %get3A_832, %mul3A_834 : vector<16xf32>
        tpu.vector_store_idx %arg15[%add3A_5, %add3A_819], %mul3A_835 : memref<32x264xf32, #tpu.memory_space<vmem>>[vector<16xi32>, vector<16xi32>], vector<16xf32>,
        %broadcast_in_dim3A_836 = arith.constant 11 : i32
        %broadcast_in_dim3A_837 = vector.broadcast %broadcast_in_dim3A_836 : i32 to vector<16xi32>
        %add3A_838 = vector.broadcast %mul3A_617 : i32 to vector<16xi32>
        %add3A_839 = arith.addi %broadcast_in_dim3A_837, %add3A_838 : vector<16xi32>
        %add3A_840 = arith.constant 11 : i32
        %add3A_841 = arith.addi %mul3A_617, %add3A_840 : i32
        %get3A_842 = arith.index_cast %add3A_841 : i32 to index
        %get3A_843 = arith.constant 0 : index
        %get3A_844 = tpu.vector_load %arg10[%get3A_842, %get3A_843] {strides = array<i32>} : memref<256x32xf32, #tpu.memory_space<vmem>>, vector<16xf32>,
        %mul3A_845 = arith.constant 5.65685415 : f32
        %mul3A_846 = vector.broadcast %mul3A_845 : f32 to vector<16xf32>
        %mul3A_847 = arith.mulf %get3A_844, %mul3A_846 : vector<16xf32>
        tpu.vector_store_idx %arg15[%iota3A, %add3A_839], %mul3A_847 : memref<32x264xf32, #tpu.memory_space<vmem>>[vector<16xi32>, vector<16xi32>], vector<16xf32>,
        %add3A_848 = arith.constant 11 : i32
        %add3A_849 = arith.addi %mul3A_617, %add3A_848 : i32
        %get3A_850 = arith.index_cast %add3A_849 : i32 to index
        %get3A_851 = arith.constant 16 : index
        %get3A_852 = tpu.vector_load %arg10[%get3A_850, %get3A_851] {strides = array<i32>} : memref<256x32xf32, #tpu.memory_space<vmem>>, vector<16xf32>,
        %mul3A_853 = arith.constant 5.65685415 : f32
        %mul3A_854 = vector.broadcast %mul3A_853 : f32 to vector<16xf32>
        %mul3A_855 = arith.mulf %get3A_852, %mul3A_854 : vector<16xf32>
        tpu.vector_store_idx %arg15[%add3A_5, %add3A_839], %mul3A_855 : memref<32x264xf32, #tpu.memory_space<vmem>>[vector<16xi32>, vector<16xi32>], vector<16xf32>,
        %broadcast_in_dim3A_856 = arith.constant 12 : i32
        %broadcast_in_dim3A_857 = vector.broadcast %broadcast_in_dim3A_856 : i32 to vector<16xi32>
        %add3A_858 = vector.broadcast %mul3A_617 : i32 to vector<16xi32>
        %add3A_859 = arith.addi %broadcast_in_dim3A_857, %add3A_858 : vector<16xi32>
        %add3A_860 = arith.constant 12 : i32
        %add3A_861 = arith.addi %mul3A_617, %add3A_860 : i32
        %get3A_862 = arith.index_cast %add3A_861 : i32 to index
        %get3A_863 = arith.constant 0 : index
        %get3A_864 = tpu.vector_load %arg10[%get3A_862, %get3A_863] {strides = array<i32>} : memref<256x32xf32, #tpu.memory_space<vmem>>, vector<16xf32>,
        %mul3A_865 = arith.constant 5.65685415 : f32
        %mul3A_866 = vector.broadcast %mul3A_865 : f32 to vector<16xf32>
        %mul3A_867 = arith.mulf %get3A_864, %mul3A_866 : vector<16xf32>
        tpu.vector_store_idx %arg15[%iota3A, %add3A_859], %mul3A_867 : memref<32x264xf32, #tpu.memory_space<vmem>>[vector<16xi32>, vector<16xi32>], vector<16xf32>,
        %add3A_868 = arith.constant 12 : i32
        %add3A_869 = arith.addi %mul3A_617, %add3A_868 : i32
        %get3A_870 = arith.index_cast %add3A_869 : i32 to index
        %get3A_871 = arith.constant 16 : index
        %get3A_872 = tpu.vector_load %arg10[%get3A_870, %get3A_871] {strides = array<i32>} : memref<256x32xf32, #tpu.memory_space<vmem>>, vector<16xf32>,
        %mul3A_873 = arith.constant 5.65685415 : f32
        %mul3A_874 = vector.broadcast %mul3A_873 : f32 to vector<16xf32>
        %mul3A_875 = arith.mulf %get3A_872, %mul3A_874 : vector<16xf32>
        tpu.vector_store_idx %arg15[%add3A_5, %add3A_859], %mul3A_875 : memref<32x264xf32, #tpu.memory_space<vmem>>[vector<16xi32>, vector<16xi32>], vector<16xf32>,
        %broadcast_in_dim3A_876 = arith.constant 13 : i32
        %broadcast_in_dim3A_877 = vector.broadcast %broadcast_in_dim3A_876 : i32 to vector<16xi32>
        %add3A_878 = vector.broadcast %mul3A_617 : i32 to vector<16xi32>
        %add3A_879 = arith.addi %broadcast_in_dim3A_877, %add3A_878 : vector<16xi32>
        %add3A_880 = arith.constant 13 : i32
        %add3A_881 = arith.addi %mul3A_617, %add3A_880 : i32
        %get3A_882 = arith.index_cast %add3A_881 : i32 to index
        %get3A_883 = arith.constant 0 : index
        %get3A_884 = tpu.vector_load %arg10[%get3A_882, %get3A_883] {strides = array<i32>} : memref<256x32xf32, #tpu.memory_space<vmem>>, vector<16xf32>,
        %mul3A_885 = arith.constant 5.65685415 : f32
        %mul3A_886 = vector.broadcast %mul3A_885 : f32 to vector<16xf32>
        %mul3A_887 = arith.mulf %get3A_884, %mul3A_886 : vector<16xf32>
        tpu.vector_store_idx %arg15[%iota3A, %add3A_879], %mul3A_887 : memref<32x264xf32, #tpu.memory_space<vmem>>[vector<16xi32>, vector<16xi32>], vector<16xf32>,
        %add3A_888 = arith.constant 13 : i32
        %add3A_889 = arith.addi %mul3A_617, %add3A_888 : i32
        %get3A_890 = arith.index_cast %add3A_889 : i32 to index
        %get3A_891 = arith.constant 16 : index
        %get3A_892 = tpu.vector_load %arg10[%get3A_890, %get3A_891] {strides = array<i32>} : memref<256x32xf32, #tpu.memory_space<vmem>>, vector<16xf32>,
        %mul3A_893 = arith.constant 5.65685415 : f32
        %mul3A_894 = vector.broadcast %mul3A_893 : f32 to vector<16xf32>
        %mul3A_895 = arith.mulf %get3A_892, %mul3A_894 : vector<16xf32>
        tpu.vector_store_idx %arg15[%add3A_5, %add3A_879], %mul3A_895 : memref<32x264xf32, #tpu.memory_space<vmem>>[vector<16xi32>, vector<16xi32>], vector<16xf32>,
        %broadcast_in_dim3A_896 = arith.constant 14 : i32
        %broadcast_in_dim3A_897 = vector.broadcast %broadcast_in_dim3A_896 : i32 to vector<16xi32>
        %add3A_898 = vector.broadcast %mul3A_617 : i32 to vector<16xi32>
        %add3A_899 = arith.addi %broadcast_in_dim3A_897, %add3A_898 : vector<16xi32>
        %add3A_900 = arith.constant 14 : i32
        %add3A_901 = arith.addi %mul3A_617, %add3A_900 : i32
        %get3A_902 = arith.index_cast %add3A_901 : i32 to index
        %get3A_903 = arith.constant 0 : index
        %get3A_904 = tpu.vector_load %arg10[%get3A_902, %get3A_903] {strides = array<i32>} : memref<256x32xf32, #tpu.memory_space<vmem>>, vector<16xf32>,
        %mul3A_905 = arith.constant 5.65685415 : f32
        %mul3A_906 = vector.broadcast %mul3A_905 : f32 to vector<16xf32>
        %mul3A_907 = arith.mulf %get3A_904, %mul3A_906 : vector<16xf32>
        tpu.vector_store_idx %arg15[%iota3A, %add3A_899], %mul3A_907 : memref<32x264xf32, #tpu.memory_space<vmem>>[vector<16xi32>, vector<16xi32>], vector<16xf32>,
        %add3A_908 = arith.constant 14 : i32
        %add3A_909 = arith.addi %mul3A_617, %add3A_908 : i32
        %get3A_910 = arith.index_cast %add3A_909 : i32 to index
        %get3A_911 = arith.constant 16 : index
        %get3A_912 = tpu.vector_load %arg10[%get3A_910, %get3A_911] {strides = array<i32>} : memref<256x32xf32, #tpu.memory_space<vmem>>, vector<16xf32>,
        %mul3A_913 = arith.constant 5.65685415 : f32
        %mul3A_914 = vector.broadcast %mul3A_913 : f32 to vector<16xf32>
        %mul3A_915 = arith.mulf %get3A_912, %mul3A_914 : vector<16xf32>
        tpu.vector_store_idx %arg15[%add3A_5, %add3A_899], %mul3A_915 : memref<32x264xf32, #tpu.memory_space<vmem>>[vector<16xi32>, vector<16xi32>], vector<16xf32>,
        %broadcast_in_dim3A_916 = arith.constant 15 : i32
        %broadcast_in_dim3A_917 = vector.broadcast %broadcast_in_dim3A_916 : i32 to vector<16xi32>
        %add3A_918 = vector.broadcast %mul3A_617 : i32 to vector<16xi32>
        %add3A_919 = arith.addi %broadcast_in_dim3A_917, %add3A_918 : vector<16xi32>
        %add3A_920 = arith.constant 15 : i32
        %add3A_921 = arith.addi %mul3A_617, %add3A_920 : i32
        %get3A_922 = arith.index_cast %add3A_921 : i32 to index
        %get3A_923 = arith.constant 0 : index
        %get3A_924 = tpu.vector_load %arg10[%get3A_922, %get3A_923] {strides = array<i32>} : memref<256x32xf32, #tpu.memory_space<vmem>>, vector<16xf32>,
        %mul3A_925 = arith.constant 5.65685415 : f32
        %mul3A_926 = vector.broadcast %mul3A_925 : f32 to vector<16xf32>
        %mul3A_927 = arith.mulf %get3A_924, %mul3A_926 : vector<16xf32>
        tpu.vector_store_idx %arg15[%iota3A, %add3A_919], %mul3A_927 : memref<32x264xf32, #tpu.memory_space<vmem>>[vector<16xi32>, vector<16xi32>], vector<16xf32>,
        %add3A_928 = arith.constant 15 : i32
        %add3A_929 = arith.addi %mul3A_617, %add3A_928 : i32
        %get3A_930 = arith.index_cast %add3A_929 : i32 to index
        %get3A_931 = arith.constant 16 : index
        %get3A_932 = tpu.vector_load %arg10[%get3A_930, %get3A_931] {strides = array<i32>} : memref<256x32xf32, #tpu.memory_space<vmem>>, vector<16xf32>,
        %mul3A_933 = arith.constant 5.65685415 : f32
        %mul3A_934 = vector.broadcast %mul3A_933 : f32 to vector<16xf32>
        %mul3A_935 = arith.mulf %get3A_932, %mul3A_934 : vector<16xf32>
        tpu.vector_store_idx %arg15[%add3A_5, %add3A_919], %mul3A_935 : memref<32x264xf32, #tpu.memory_space<vmem>>[vector<16xi32>, vector<16xi32>], vector<16xf32>,
      }
      %scan3A_546 = arith.constant 16 : i32
      %add3A_547 = arith.addi %mul3A_2, %add3A_521 : i32
      %jit3A_548 = arith.constant 64 : i32
      %div3A_549 = arith.divsi %add3A_547, %jit3A_548 : i32
      %sign3A_550 = arith.constant 0 : i32
      %sign3A_551 = arith.cmpi sgt, %add3A_547, %sign3A_550 : i32
      %sign3A_552 = arith.extui %sign3A_551 : i1 to i32
      %sign3A_553 = arith.constant 0 : i32
      %sign3A_554 = arith.cmpi slt, %add3A_547, %sign3A_553 : i32
      %sign3A_555 = arith.extui %sign3A_554 : i1 to i32
      %sign3A_556 = arith.subi %sign3A_552, %sign3A_555 : i32
      %sign3A_557 = arith.constant 0 : i32
      %sign3A_558 = arith.cmpi sgt, %jit3A_548, %sign3A_557 : i32
      %sign3A_559 = arith.extui %sign3A_558 : i1 to i32
      %sign3A_560 = arith.constant 0 : i32
      %sign3A_561 = arith.cmpi slt, %jit3A_548, %sign3A_560 : i32
      %sign3A_562 = arith.extui %sign3A_561 : i1 to i32
      %sign3A_563 = arith.subi %sign3A_559, %sign3A_562 : i32
      %ne3A_564 = arith.cmpi ne, %sign3A_556, %sign3A_563 : i32
      %rem3A_565 = arith.remsi %add3A_547, %jit3A_548 : i32
      %ne3A_566 = arith.constant 0 : i32
      %ne3A_567 = arith.cmpi ne, %rem3A_565, %ne3A_566 : i32
      %and3A_568 = arith.andi %ne3A_564, %ne3A_567 : i1
      %sub3A_569 = arith.constant 1 : i32
      %sub3A_570 = arith.subi %div3A_549, %sub3A_569 : i32
      %select_n3A_571 = arith.select %and3A_568, %sub3A_570, %div3A_549 : i32
      %jit3A_572 = arith.constant 64 : i32
      %eq3A_573 = arith.constant 0 : i32
      %eq3A_574 = arith.cmpi eq, %jit3A_572, %eq3A_573 : i32
      %jit3A_575 = arith.constant 1 : i32
      %select_n3A_576 = arith.select %eq3A_574, %jit3A_575, %jit3A_572 : i32
      %rem3A_577 = arith.remsi %add3A_547, %select_n3A_576 : i32
      %ne3A_578 = arith.constant 0 : i32
      %ne3A_579 = arith.cmpi ne, %rem3A_577, %ne3A_578 : i32
      %lt3A_580 = arith.constant 0 : i32
      %lt3A_581 = arith.cmpi slt, %rem3A_577, %lt3A_580 : i32
      %lt3A_582 = arith.constant 0 : i32
      %lt3A_583 = arith.cmpi slt, %select_n3A_576, %lt3A_582 : i32
      %ne3A_584 = arith.xori %lt3A_581, %lt3A_583 : i1
      %and3A_585 = arith.andi %ne3A_584, %ne3A_579 : i1
      %add3A_586 = arith.addi %rem3A_577, %select_n3A_576 : i32
      %select_n3A_587 = arith.select %and3A_585, %add3A_586, %rem3A_577 : i32
      %mul3A_588 = arith.constant 256 : i32
      %mul3A_589 = arith.muli %select_n3A_587, %mul3A_588 : i32
      %dma_start3A_590 = arith.constant 0 : i32
      %dma_start3A_591 = arith.constant 0 : i32
      %dma_start3A_592 = tpu.memref_slice %arg15[%dma_start3A_590, %dma_start3A_591] : memref<32x264xf32, #tpu.memory_space<vmem>> -> memref<32x256xf32, #tpu.memory_space<vmem>>
      %dma_start3A_593 = arith.constant 0 : i32
      %dma_start3A_594 = tpu.memref_slice %arg4[%select_n3A_571, %dma_start3A_593, %mul3A_589] : memref<50x32x16384xf32, #tpu.memory_space<hbm>> -> memref<1x32x256xf32, #tpu.memory_space<hbm>>
      %dma_start3A_595 = tpu.memref_squeeze %dma_start3A_594 : memref<1x32x256xf32, #tpu.memory_space<hbm>> -> memref<32x256xf32, #tpu.memory_space<hbm>>
      %dma_start3A_596 = arith.constant 0 : i32
      %dma_start3A_597 = tpu.memref_slice %arg4[%select_n3A_571, %dma_start3A_596, %mul3A_589] : memref<50x32x16384xf32, #tpu.memory_space<hbm>> -> memref<1x32x256xf32, #tpu.memory_space<hbm>>
      %dma_start3A_598 = tpu.memref_squeeze %dma_start3A_597 : memref<1x32x256xf32, #tpu.memory_space<hbm>> -> memref<32x256xf32, #tpu.memory_space<hbm>>
      %dma_start3A_599 = arith.constant 0 : i32
      %dma_start3A_600 = arith.constant 0 : i32
      %dma_start3A_601 = tpu.memref_slice %arg15[%dma_start3A_599, %dma_start3A_600] : memref<32x264xf32, #tpu.memory_space<vmem>> -> memref<32x256xf32, #tpu.memory_space<vmem>>
      tpu.enqueue_dma source(%dma_start3A_601 : memref<32x256xf32, #tpu.memory_space<vmem>>) target(%dma_start3A_598 : memref<32x256xf32, #tpu.memory_space<hbm>>) target_semaphore(%arg25 : memref<!tpu.dma_semaphore, #tpu.memory_space<semaphore_mem>>)
      %add3A_602 = arith.constant 5 : i32
      %add3A_603 = arith.addi %add3A_521, %add3A_602 : i32
      %sub3A_604 = arith.constant 1 : i32
      %sub3A_605 = arith.subi %add3A_603, %sub3A_604 : i32
      %lt3A_606 = arith.constant 100 : i32
      %lt3A_607 = arith.cmpi slt, %sub3A_605, %lt3A_606 : i32
      %convert_element_type3A_608 = arith.extui %lt3A_607 : i1 to i32
      %cond3A_609 = arith.constant 0 : i32
      %cond3A_610 = arith.cmpi ne, %convert_element_type3A_608, %cond3A_609 : i32
      scf.if %cond3A_610 {
        %gt3A = arith.constant 0 : i32
        %gt3A_611 = arith.cmpi sgt, %add3A_521, %gt3A : i32
        %convert_element_type3A_612 = arith.extui %gt3A_611 : i1 to i32
        %cond3A_613 = arith.constant 0 : i32
        %cond3A_614 = arith.cmpi ne, %convert_element_type3A_612, %cond3A_613 : i32
        scf.if %cond3A_614 {
          %dma_wait3A_645 = arith.constant 0 : i32
          %dma_wait3A_646 = arith.constant 0 : i32
          %dma_wait3A_647 = arith.constant 0 : i32
          %dma_wait3A_648 = tpu.memref_slice %arg14[%dma_wait3A_646, %dma_wait3A_647] : memref<32x264xf32, #tpu.memory_space<vmem>> -> memref<32x256xf32, #tpu.memory_space<vmem>>
          %dma_wait3A_649 = arith.constant 0 : i32
          %dma_wait3A_650 = arith.constant 0 : i32
          %dma_wait3A_651 = tpu.memref_slice %arg4[%dma_wait3A_645, %dma_wait3A_649, %dma_wait3A_650] : memref<50x32x16384xf32, #tpu.memory_space<hbm>> -> memref<1x32x256xf32, #tpu.memory_space<hbm>>
          %dma_wait3A_652 = tpu.memref_squeeze %dma_wait3A_651 : memref<1x32x256xf32, #tpu.memory_space<hbm>> -> memref<32x256xf32, #tpu.memory_space<hbm>>
          %dma_wait3A_653 = arith.constant 0 : i32
          %dma_wait3A_654 = arith.constant 0 : i32
          %dma_wait3A_655 = tpu.memref_slice %arg4[%dma_wait3A_645, %dma_wait3A_653, %dma_wait3A_654] : memref<50x32x16384xf32, #tpu.memory_space<hbm>> -> memref<1x32x256xf32, #tpu.memory_space<hbm>>
          %dma_wait3A_656 = tpu.memref_squeeze %dma_wait3A_655 : memref<1x32x256xf32, #tpu.memory_space<hbm>> -> memref<32x256xf32, #tpu.memory_space<hbm>>
          %dma_wait3A_657 = arith.constant 0 : i32
          %dma_wait3A_658 = arith.constant 0 : i32
          %dma_wait3A_659 = tpu.memref_slice %arg14[%dma_wait3A_657, %dma_wait3A_658] : memref<32x264xf32, #tpu.memory_space<vmem>> -> memref<32x256xf32, #tpu.memory_space<vmem>>
          tpu.wait_dma2 semaphore(%arg24 : memref<!tpu.dma_semaphore, #tpu.memory_space<semaphore_mem>>) src(%dma_wait3A_659 : memref<32x256xf32, #tpu.memory_space<vmem>>) dst(%dma_wait3A_656 : memref<32x256xf32, #tpu.memory_space<hbm>>)
        } else {
        }
        %add3A_615 = arith.constant 5 : i32
        %add3A_616 = arith.addi %add3A_521, %add3A_615 : i32
        %sub3A_617 = arith.constant 1 : i32
        %sub3A_618 = arith.subi %add3A_616, %sub3A_617 : i32
        %mul3A_619 = arith.constant 2 : i32
        %mul3A_620 = arith.muli %sub3A_618, %mul3A_619 : i32
        %add3A_621 = arith.constant 0 : i32
        %add3A_622 = arith.addi %mul3A_620, %add3A_621 : i32
        %dma_start3A_623 = arith.constant 0 : i32
        %dma_start3A_624 = arith.constant 0 : i32
        %dma_start3A_625 = tpu.memref_slice %arg9[%dma_start3A_623, %dma_start3A_624] : memref<256x32xf32, #tpu.memory_space<vmem>> -> memref<128x32xf32, #tpu.memory_space<vmem>>
        %dma_start3A_626 = arith.constant 0 : i32
        %dma_start3A_627 = tpu.memref_slice %arg5[%add3A_622, %dma_start3A_626] : memref<200x128xi32, #tpu.memory_space<vmem>> -> memref<1x128xi32, #tpu.memory_space<vmem>>
        %dma_start3A_628 = tpu.memref_squeeze %dma_start3A_627 : memref<1x128xi32, #tpu.memory_space<vmem>> -> memref<128xi32, #tpu.memory_space<vmem>>
        %dma_start3A_629 = arith.constant 0 : i32
        %dma_start3A_630 = arith.constant 0 : i32
        %dma_start3A_631 = tpu.memref_slice %arg2[%dma_start3A_629, %dma_start3A_630] : memref<4000000x32xf32, #tpu.memory_space<hbm>> -> memref<4000000x32xf32, #tpu.memory_space<hbm>>
        tpu.enqueue_indirect_dma source(%dma_start3A_631 : memref<4000000x32xf32, #tpu.memory_space<hbm>>) target(%dma_start3A_625 : memref<128x32xf32, #tpu.memory_space<vmem>>) offsets(%dma_start3A_628 : memref<128xi32, #tpu.memory_space<vmem>>) semaphore(%arg19 : memref<!tpu.dma_semaphore, #tpu.memory_space<semaphore_mem>>)
        %mul3A_632 = arith.constant 2 : i32
        %mul3A_633 = arith.muli %sub3A_618, %mul3A_632 : i32
        %add3A_634 = arith.constant 1 : i32
        %add3A_635 = arith.addi %mul3A_633, %add3A_634 : i32
        %dma_start3A_636 = arith.constant 128 : i32
        %dma_start3A_637 = arith.constant 0 : i32
        %dma_start3A_638 = tpu.memref_slice %arg9[%dma_start3A_636, %dma_start3A_637] : memref<256x32xf32, #tpu.memory_space<vmem>> -> memref<128x32xf32, #tpu.memory_space<vmem>>
        %dma_start3A_639 = arith.constant 0 : i32
        %dma_start3A_640 = tpu.memref_slice %arg5[%add3A_635, %dma_start3A_639] : memref<200x128xi32, #tpu.memory_space<vmem>> -> memref<1x128xi32, #tpu.memory_space<vmem>>
        %dma_start3A_641 = tpu.memref_squeeze %dma_start3A_640 : memref<1x128xi32, #tpu.memory_space<vmem>> -> memref<128xi32, #tpu.memory_space<vmem>>
        %dma_start3A_642 = arith.constant 0 : i32
        %dma_start3A_643 = arith.constant 0 : i32
        %dma_start3A_644 = tpu.memref_slice %arg2[%dma_start3A_642, %dma_start3A_643] : memref<4000000x32xf32, #tpu.memory_space<hbm>> -> memref<4000000x32xf32, #tpu.memory_space<hbm>>
        tpu.enqueue_indirect_dma source(%dma_start3A_644 : memref<4000000x32xf32, #tpu.memory_space<hbm>>) target(%dma_start3A_638 : memref<128x32xf32, #tpu.memory_space<vmem>>) offsets(%dma_start3A_641 : memref<128xi32, #tpu.memory_space<vmem>>) semaphore(%arg19 : memref<!tpu.dma_semaphore, #tpu.memory_space<semaphore_mem>>)
      } else {
      }
    }
    %scan3A_88 = arith.constant 20 : i32
    %dma_wait3A = arith.constant 0 : i32
    %dma_wait3A_89 = arith.constant 0 : i32
    %dma_wait3A_90 = arith.constant 0 : i32
    %dma_wait3A_91 = tpu.memref_slice %arg11[%dma_wait3A_89, %dma_wait3A_90] : memref<32x264xf32, #tpu.memory_space<vmem>> -> memref<32x256xf32, #tpu.memory_space<vmem>>
    %dma_wait3A_92 = arith.constant 0 : i32
    %dma_wait3A_93 = arith.constant 0 : i32
    %dma_wait3A_94 = tpu.memref_slice %arg4[%dma_wait3A, %dma_wait3A_92, %dma_wait3A_93] : memref<50x32x16384xf32, #tpu.memory_space<hbm>> -> memref<1x32x256xf32, #tpu.memory_space<hbm>>
    %dma_wait3A_95 = tpu.memref_squeeze %dma_wait3A_94 : memref<1x32x256xf32, #tpu.memory_space<hbm>> -> memref<32x256xf32, #tpu.memory_space<hbm>>
    %dma_wait3A_96 = arith.constant 0 : i32
    %dma_wait3A_97 = arith.constant 0 : i32
    %dma_wait3A_98 = tpu.memref_slice %arg4[%dma_wait3A, %dma_wait3A_96, %dma_wait3A_97] : memref<50x32x16384xf32, #tpu.memory_space<hbm>> -> memref<1x32x256xf32, #tpu.memory_space<hbm>>
    %dma_wait3A_99 = tpu.memref_squeeze %dma_wait3A_98 : memref<1x32x256xf32, #tpu.memory_space<hbm>> -> memref<32x256xf32, #tpu.memory_space<hbm>>
    %dma_wait3A_100 = arith.constant 0 : i32
    %dma_wait3A_101 = arith.constant 0 : i32
    %dma_wait3A_102 = tpu.memref_slice %arg11[%dma_wait3A_100, %dma_wait3A_101] : memref<32x264xf32, #tpu.memory_space<vmem>> -> memref<32x256xf32, #tpu.memory_space<vmem>>
    tpu.wait_dma2 semaphore(%arg21 : memref<!tpu.dma_semaphore, #tpu.memory_space<semaphore_mem>>) src(%dma_wait3A_102 : memref<32x256xf32, #tpu.memory_space<vmem>>) dst(%dma_wait3A_99 : memref<32x256xf32, #tpu.memory_space<hbm>>)
    %dma_wait3A_103 = arith.constant 0 : i32
    %dma_wait3A_104 = arith.constant 0 : i32
    %dma_wait3A_105 = arith.constant 0 : i32
    %dma_wait3A_106 = tpu.memref_slice %arg12[%dma_wait3A_104, %dma_wait3A_105] : memref<32x264xf32, #tpu.memory_space<vmem>> -> memref<32x256xf32, #tpu.memory_space<vmem>>
    %dma_wait3A_107 = arith.constant 0 : i32
    %dma_wait3A_108 = arith.constant 0 : i32
    %dma_wait3A_109 = tpu.memref_slice %arg4[%dma_wait3A_103, %dma_wait3A_107, %dma_wait3A_108] : memref<50x32x16384xf32, #tpu.memory_space<hbm>> -> memref<1x32x256xf32, #tpu.memory_space<hbm>>
    %dma_wait3A_110 = tpu.memref_squeeze %dma_wait3A_109 : memref<1x32x256xf32, #tpu.memory_space<hbm>> -> memref<32x256xf32, #tpu.memory_space<hbm>>
    %dma_wait3A_111 = arith.constant 0 : i32
    %dma_wait3A_112 = arith.constant 0 : i32
    %dma_wait3A_113 = tpu.memref_slice %arg4[%dma_wait3A_103, %dma_wait3A_111, %dma_wait3A_112] : memref<50x32x16384xf32, #tpu.memory_space<hbm>> -> memref<1x32x256xf32, #tpu.memory_space<hbm>>
    %dma_wait3A_114 = tpu.memref_squeeze %dma_wait3A_113 : memref<1x32x256xf32, #tpu.memory_space<hbm>> -> memref<32x256xf32, #tpu.memory_space<hbm>>
    %dma_wait3A_115 = arith.constant 0 : i32
    %dma_wait3A_116 = arith.constant 0 : i32
    %dma_wait3A_117 = tpu.memref_slice %arg12[%dma_wait3A_115, %dma_wait3A_116] : memref<32x264xf32, #tpu.memory_space<vmem>> -> memref<32x256xf32, #tpu.memory_space<vmem>>
    tpu.wait_dma2 semaphore(%arg22 : memref<!tpu.dma_semaphore, #tpu.memory_space<semaphore_mem>>) src(%dma_wait3A_117 : memref<32x256xf32, #tpu.memory_space<vmem>>) dst(%dma_wait3A_114 : memref<32x256xf32, #tpu.memory_space<hbm>>)
    %dma_wait3A_118 = arith.constant 0 : i32
    %dma_wait3A_119 = arith.constant 0 : i32
    %dma_wait3A_120 = arith.constant 0 : i32
    %dma_wait3A_121 = tpu.memref_slice %arg13[%dma_wait3A_119, %dma_wait3A_120] : memref<32x264xf32, #tpu.memory_space<vmem>> -> memref<32x256xf32, #tpu.memory_space<vmem>>
    %dma_wait3A_122 = arith.constant 0 : i32
    %dma_wait3A_123 = arith.constant 0 : i32
    %dma_wait3A_124 = tpu.memref_slice %arg4[%dma_wait3A_118, %dma_wait3A_122, %dma_wait3A_123] : memref<50x32x16384xf32, #tpu.memory_space<hbm>> -> memref<1x32x256xf32, #tpu.memory_space<hbm>>
    %dma_wait3A_125 = tpu.memref_squeeze %dma_wait3A_124 : memref<1x32x256xf32, #tpu.memory_space<hbm>> -> memref<32x256xf32, #tpu.memory_space<hbm>>
    %dma_wait3A_126 = arith.constant 0 : i32
    %dma_wait3A_127 = arith.constant 0 : i32
    %dma_wait3A_128 = tpu.memref_slice %arg4[%dma_wait3A_118, %dma_wait3A_126, %dma_wait3A_127] : memref<50x32x16384xf32, #tpu.memory_space<hbm>> -> memref<1x32x256xf32, #tpu.memory_space<hbm>>
    %dma_wait3A_129 = tpu.memref_squeeze %dma_wait3A_128 : memref<1x32x256xf32, #tpu.memory_space<hbm>> -> memref<32x256xf32, #tpu.memory_space<hbm>>
    %dma_wait3A_130 = arith.constant 0 : i32
    %dma_wait3A_131 = arith.constant 0 : i32
    %dma_wait3A_132 = tpu.memref_slice %arg13[%dma_wait3A_130, %dma_wait3A_131] : memref<32x264xf32, #tpu.memory_space<vmem>> -> memref<32x256xf32, #tpu.memory_space<vmem>>
    tpu.wait_dma2 semaphore(%arg23 : memref<!tpu.dma_semaphore, #tpu.memory_space<semaphore_mem>>) src(%dma_wait3A_132 : memref<32x256xf32, #tpu.memory_space<vmem>>) dst(%dma_wait3A_129 : memref<32x256xf32, #tpu.memory_space<hbm>>)
    %dma_wait3A_133 = arith.constant 0 : i32
    %dma_wait3A_134 = arith.constant 0 : i32
    %dma_wait3A_135 = arith.constant 0 : i32
    %dma_wait3A_136 = tpu.memref_slice %arg14[%dma_wait3A_134, %dma_wait3A_135] : memref<32x264xf32, #tpu.memory_space<vmem>> -> memref<32x256xf32, #tpu.memory_space<vmem>>
    %dma_wait3A_137 = arith.constant 0 : i32
    %dma_wait3A_138 = arith.constant 0 : i32
    %dma_wait3A_139 = tpu.memref_slice %arg4[%dma_wait3A_133, %dma_wait3A_137, %dma_wait3A_138] : memref<50x32x16384xf32, #tpu.memory_space<hbm>> -> memref<1x32x256xf32, #tpu.memory_space<hbm>>
    %dma_wait3A_140 = tpu.memref_squeeze %dma_wait3A_139 : memref<1x32x256xf32, #tpu.memory_space<hbm>> -> memref<32x256xf32, #tpu.memory_space<hbm>>
    %dma_wait3A_141 = arith.constant 0 : i32
    %dma_wait3A_142 = arith.constant 0 : i32
    %dma_wait3A_143 = tpu.memref_slice %arg4[%dma_wait3A_133, %dma_wait3A_141, %dma_wait3A_142] : memref<50x32x16384xf32, #tpu.memory_space<hbm>> -> memref<1x32x256xf32, #tpu.memory_space<hbm>>
    %dma_wait3A_144 = tpu.memref_squeeze %dma_wait3A_143 : memref<1x32x256xf32, #tpu.memory_space<hbm>> -> memref<32x256xf32, #tpu.memory_space<hbm>>
    %dma_wait3A_145 = arith.constant 0 : i32
    %dma_wait3A_146 = arith.constant 0 : i32
    %dma_wait3A_147 = tpu.memref_slice %arg14[%dma_wait3A_145, %dma_wait3A_146] : memref<32x264xf32, #tpu.memory_space<vmem>> -> memref<32x256xf32, #tpu.memory_space<vmem>>
    tpu.wait_dma2 semaphore(%arg24 : memref<!tpu.dma_semaphore, #tpu.memory_space<semaphore_mem>>) src(%dma_wait3A_147 : memref<32x256xf32, #tpu.memory_space<vmem>>) dst(%dma_wait3A_144 : memref<32x256xf32, #tpu.memory_space<hbm>>)
    %dma_wait3A_148 = arith.constant 0 : i32
    %dma_wait3A_149 = arith.constant 0 : i32
    %dma_wait3A_150 = arith.constant 0 : i32
    %dma_wait3A_151 = tpu.memref_slice %arg15[%dma_wait3A_149, %dma_wait3A_150] : memref<32x264xf32, #tpu.memory_space<vmem>> -> memref<32x256xf32, #tpu.memory_space<vmem>>
    %dma_wait3A_152 = arith.constant 0 : i32
    %dma_wait3A_153 = arith.constant 0 : i32
    %dma_wait3A_154 = tpu.memref_slice %arg4[%dma_wait3A_148, %dma_wait3A_152, %dma_wait3A_153] : memref<50x32x16384xf32, #tpu.memory_space<hbm>> -> memref<1x32x256xf32, #tpu.memory_space<hbm>>
    %dma_wait3A_155 = tpu.memref_squeeze %dma_wait3A_154 : memref<1x32x256xf32, #tpu.memory_space<hbm>> -> memref<32x256xf32, #tpu.memory_space<hbm>>
    %dma_wait3A_156 = arith.constant 0 : i32
    %dma_wait3A_157 = arith.constant 0 : i32
    %dma_wait3A_158 = tpu.memref_slice %arg4[%dma_wait3A_148, %dma_wait3A_156, %dma_wait3A_157] : memref<50x32x16384xf32, #tpu.memory_space<hbm>> -> memref<1x32x256xf32, #tpu.memory_space<hbm>>
    %dma_wait3A_159 = tpu.memref_squeeze %dma_wait3A_158 : memref<1x32x256xf32, #tpu.memory_space<hbm>> -> memref<32x256xf32, #tpu.memory_space<hbm>>
    %dma_wait3A_160 = arith.constant 0 : i32
    %dma_wait3A_161 = arith.constant 0 : i32
    %dma_wait3A_162 = tpu.memref_slice %arg15[%dma_wait3A_160, %dma_wait3A_161] : memref<32x264xf32, #tpu.memory_space<vmem>> -> memref<32x256xf32, #tpu.memory_space<vmem>>
    tpu.wait_dma2 semaphore(%arg25 : memref<!tpu.dma_semaphore, #tpu.memory_space<semaphore_mem>>) src(%dma_wait3A_162 : memref<32x256xf32, #tpu.memory_space<vmem>>) dst(%dma_wait3A_159 : memref<32x256xf32, #tpu.memory_space<hbm>>)
    return
  }
}

</mosaic_0001>

<sc_bundles>
// kernel: kernel.3.cloned.1.call-start
scs
__scs_entry_jumppad:
0x0: {  	(pc) =	sbr.rel $0x88, $3  }
0x1: {  	(tag) =	ssettag $0x0;
	lr =	simm.s32 $0x1  }
0x2: {  	[smem:$0x3F9F] =	sst lr;
	_ =	strace $0xD0000000  }
0x3: {  	_ = 	snop  }
0x4: {  	_ = 	snop  }
0x5: {  	_ = 	snop  }
0x6: {  	_ = 	snop  }
0x7: {  	_ = 	snop  }
__scs_overlays_trampoline_lowered:
0x8: {  	[smem:$0x3FAE] =	sst s0  }
0x9: {  	[smem:$0x3FAF] =	sst s1  }
0xa: {  	[smem:$0x3FB0] =	sst s2  }
0xb: {  	[smem:$0x3FB1] =	sst s3  }
0xc: {  	[smem:$0x3FB2] =	sst s4  }
0xd: {  	[smem:$0x3FB3] =	sst s5  }
0xe: {  	[smem:$0x3FB4] =	sst s6  }
0xf: {  	[smem:$0x3FB5] =	sst s7  }
0x10: {  	[smem:$0x3FB6] =	sst s8  }
0x11: {  	[smem:$0x3FB7] =	sst s9;
	s0 =	simm.s32 @!p0 $0x0  }
0x12: {  	s1 =	sld [smem:$0x3F9D];
	s0 =	simm.s32 @p0 $0x1  }
0x13: {  	[smem:$0x3FB8] =	sst s0;
	s0 =	simm.s32 @!p1 $0x0  }
0x14: {  	s2 =	sld [smem:$0x3F9C];
	s0 =	simm.s32 @p1 $0x1  }
0x15: {  	[smem:$0x3FB9] =	sst s0;
	s0 =	simm.s32 @!p2 $0x0  }
0x16: {  	s3 =	sld [smem:$0x3FDB];
	s0 =	simm.s32 @p2 $0x1  }
0x17: {  	s4 =	simm.s32 $0x1BF5;
	[smem:$0x3FBB] =	sst s0  }
0x18: {  	s0 =	sld [smem:$0x3F9E];
	_ =	swait.ge [sflag:s4], $0x0  }
0x19: {  	s7 =	sld [smem:$0x3F9F]  }
0x1a: {  	s8 =	sadd.s32 $0xFFFFE003, lr  }
0x1b: {  	s9 =	sadd.s32 $0xFFFFFEF7, lr;
	s5 =	simm.s32 $0xFFFFFFFF;
	p2 =	slt.u32 s8, $0xFFFFF086  }
0x1c: {  	p1 =	slt.u32 s9, $0xF7A;
	s5 =	simm.s32 @!p2 $0x0  }
0x1d: {  	s5 =	simm.s32 @p1 $0x1;
	p0 =	seq.s32 s7, s2  }
0x1e: {  	s7 =	smul.u32 @!p0 $0xF7A, s2;
	p2 =	seq.s32 @!p0 s5, $0x0  }
0x1f: {  	s9 =	smul.u32 $0xF7A, s1;
	s8 =	simm.s32 @!p0 $0x1BF5;
	p2 =	por !p2, p0  }
0x20: {  	[sflag:s8] =	ssyncset.s32 @!p0 $0xFFFFF086;
	s6 =	sadd.s32 @!p0 s3, s7;
	s7 =	simm.s32 @!p0 $0x108  }
0x21: {  	s3 =	sadd.s32 s3, s9;
	s6 =	sadd.s32 @!p0 $0x88, s6;
	s7 =	simm.s32 @p2 $0x1082  }
0x22: {  	[simem:s7], [sflag:s8] =	dma.local @!p0 [hbm:s6], $0xF7A  }
0x23: {  	s9 =	sor.u32 $0xD0000000, s2;
	s6 =	simm.s32 $0x108;
	_ =	swait.ge @!p0 [sflag:s8], $0x0  }
0x24: {  	s3 =	sadd.s32 $0x88, s3;
	s6 =	simm.s32 @!p1 $0x1082;
	[sflag:s4] =	ssyncset.s32 $0xFFFFF086  }
0x25: {  	[simem:s6], [sflag:s4] =	dma.local [hbm:s3], $0xF7A  }
0x26: {  	[smem:$0x3F9F] =	sst s1;
	(tag) =	ssettag s2;
	_ =	strace s9  }
0x27: {  	s1 =	sld [smem:$0x3FAF]  }
0x28: {  	s2 =	sld [smem:$0x3FB0]  }
0x29: {  	s4 =	sld [smem:$0x3FB2]  }
0x2a: {  	p0 =	seq.s32 s5, $0x0;
	s5 =	sld [smem:$0x3FB3]  }
0x2b: {  	s6 =	sld [smem:$0x3FB4]  }
0x2c: {  	s7 =	sld [smem:$0x3FB5]  }
0x2d: {  	s3 =	simm.s32 $0x108;
	s8 =	sld [smem:$0x3FB6]  }
0x2e: {  	s3 =	simm.s32 @!p0 $0x1082;
	s9 =	sld [smem:$0x3FB7]  }
0x2f: {  	lr =	sadd.s32 s0, s3;
	s0 =	sld [smem:$0x3FAE]  }
0x30: {  	s3 =	sld [smem:$0x3FB1]  }
0x31: {  	[smem:$0x3FBA] =	sst s10  }
0x32: {  	s10 =	sld [smem:$0x3FB8];
	_ =	sdelay $0x3  }
0x33: {  	p0 =	seq.s32 s10, $0x1;
	s10 =	sld [smem:$0x3FBA];
	_ =	sdelay $0x3  }
0x34: {  	[smem:$0x3FBA] =	sst s10  }
0x35: {  	s10 =	sld [smem:$0x3FB9];
	_ =	sdelay $0x3  }
0x36: {  	p1 =	seq.s32 s10, $0x1;
	s10 =	sld [smem:$0x3FBA];
	_ =	sdelay $0x3  }
0x37: {  	[smem:$0x3FBA] =	sst s10  }
0x38: {  	s10 =	sld [smem:$0x3FBB]  }
0x39: {  	_ = 	snop;
	(pc) =	sbr.ind lr, $3  }
0x3a: {  	_ = 	snop  }
0x3b: {  	_ = 	snop  }
0x3c: {  	p2 =	seq.s32 s10, $0x1;
	s10 =	sld [smem:$0x3FBA]  }
0x3d: {  	_ =	shalt  }
0x3e: {  	_ =	shalt  }
0x3f: {  	_ =	shalt  }
0x40: {  	_ =	shalt  }
0x41: {  	_ =	shalt  }
0x42: {  	_ =	shalt  }
0x43: {  	_ =	shalt  }
0x44: {  	_ =	shalt  }
0x45: {  	_ =	shalt  }
0x46: {  	_ =	shalt  }
0x47: {  	_ =	shalt  }
0x48: {  	_ =	shalt  }
0x49: {  	_ =	shalt  }
0x4a: {  	_ =	shalt  }
0x4b: {  	_ =	shalt  }
0x4c: {  	_ =	shalt  }
0x4d: {  	_ =	shalt  }
0x4e: {  	_ =	shalt  }
0x4f: {  	_ =	shalt  }
0x50: {  	_ =	shalt  }
0x51: {  	_ =	shalt  }
0x52: {  	_ =	shalt  }
0x53: {  	_ =	shalt  }
0x54: {  	_ =	shalt  }
0x55: {  	_ =	shalt  }
0x56: {  	_ =	shalt  }
0x57: {  	_ =	shalt  }
0x58: {  	_ =	shalt  }
0x59: {  	_ =	shalt  }
0x5a: {  	_ =	shalt  }
0x5b: {  	_ =	shalt  }
0x5c: {  	_ =	shalt  }
0x5d: {  	_ =	shalt  }
0x5e: {  	_ =	shalt  }
0x5f: {  	_ =	shalt  }
0x60: {  	_ =	shalt  }
0x61: {  	_ =	shalt  }
0x62: {  	_ =	shalt  }
0x63: {  	_ =	shalt  }
0x64: {  	_ =	shalt  }
0x65: {  	_ =	shalt  }
0x66: {  	_ =	shalt  }
0x67: {  	_ =	shalt  }
0x68: {  	_ =	shalt  }
0x69: {  	_ =	shalt  }
0x6a: {  	_ =	shalt  }
0x6b: {  	_ =	shalt  }
0x6c: {  	_ =	shalt  }
0x6d: {  	_ =	shalt  }
0x6e: {  	_ =	shalt  }
0x6f: {  	_ =	shalt  }
0x70: {  	_ =	shalt  }
0x71: {  	_ =	shalt  }
0x72: {  	_ =	shalt  }
0x73: {  	_ =	shalt  }
0x74: {  	_ =	shalt  }
0x75: {  	_ =	shalt  }
0x76: {  	_ =	shalt  }
0x77: {  	_ =	shalt  }
0x78: {  	_ =	shalt  }
0x79: {  	_ =	shalt  }
0x7a: {  	_ =	shalt  }
0x7b: {  	_ =	shalt  }
0x7c: {  	_ =	shalt  }
0x7d: {  	_ =	shalt  }
0x7e: {  	_ =	shalt  }
0x7f: {  	_ =	shalt  }
0x80: {  	_ =	shalt  }
0x81: {  	_ =	shalt  }
0x82: {  	_ =	shalt  }
0x83: {  	_ =	shalt  }
0x84: {  	_ =	shalt  }
0x85: {  	_ =	shalt  }
0x86: {  	_ =	shalt  }
0x87: {  	_ =	shalt  }
.Lfunc_end0:
.L_simem_size_0:
called_computation.1_lowered:
.L_overlay_start_0:
0x88: {  	s2 =	sld [smem:$0x3FD9]  }
0x89: {  	s3 =	sld [smem:$0x3FFE];
	_ =	sdelay $0x1  }
0x8a: {  	s1 =	srdreg.scid  }
0x8b: {  	s0 =	sand.u32 $0x1, s1  }
0x8c: {  	s17 =	sshll.u32 s0, $0xA;
	s2 =	sadd.s32 s3, s2  }
0x8d: {  	s2 =	sadd.s32 s2, s17  }
0x8e: {  	[smem:$0x3FC6] =	sst s2  }
0x8f: {  	_ = 	snop  }
0x90: {  	s2 =	sld [smem:$0x3FD0];
	(tm) =	ssettm $0x1  }
0x91: {  	s18 =	sld [smem:$0x3FFB];
	_ =	sdelay $0x3  }
0x92: {  	_ =	strace s18  }
0x93: {  	s3 =	sld [smem:$0x3FFC];
	_ =	sdelay $0x3  }
0x94: {  	_ =	strace s3  }
0x95: {  	s3 =	sld [smem:$0x3FFD];
	_ =	sdelay $0x3  }
0x96: {  	_ =	strace s3  }
0x97: {  	_ =	strace $0x8FFFFFFF  }
0x98: {  	s19 =	sld [smem:$0x3FDB];
	_ =	sdelay $0x1  }
0x99: {  	s4 =	simm.s32 $_scs_section_size  }
0x9a: {  	s5 =	simm.s32 $_size__tile_overlayer_lowered;
	s6 =	simm.s32 $_tile_overlayer_lowered  }
0x9b: {  	s22 =	simm.s32 $0x1BFF;
	s21 =	sshll.u32 s6, $0x1;
	s3 =	sadd.s32 s4, s19  }
0x9c: {  	s7 =	simm.s32 $0x0;
	s20 =	sshll.u32 s5, $0x1;
	s5 =	sadd.s32 s21, s3  }
0x9d: {  	[timem:s7], [sflag:s22] =	dma.local [hbm:s5], s20  }
0x9e: {  	_ =	swait.ge [sflag:s22], s20  }
0x9f: {  	s4 =	ssub.s32 $0x0, s20;
	[sflag:s22] =	ssyncset.done $0x0  }
0xa0: {  	[sflag:s22] =	ssyncadd.s32 s4;
	_ =	sdelay $0x1  }
0xa1: {  	s23 =	simm.s32 $0x1B8B  }
0xa2: {  	_ =	swait.ge [sflag:s23], $0x1  }
0xa3: {  	[sflag:s23] =	ssyncset.done $0x0  }
0xa4: {  	s25 =	simm.s32 $0x1B8E;
	s24 =	sld [smem:$0x3FFE];
	[sflag:s23] =	ssyncadd.s32 $0xFFFFFFFF  }
0xa5: {  	s26 =	simm.s32 $execute0_lowered;
	[smem:$0x3FD2] =	sst s25  }
0xa6: {  	s5 =	sshll.u32 s26, $0x1;
	_ =	strace $0x80000049;
	[dreg:$0x1] =	wrdreg $0xFFFFFFFF  }
0xa7: {  	s28 =	simm.s32 $_size_execute0_lowered;
	s3 =	sadd.s32 s3, s5;
	[dreg:$0x0] =	wrdreg $0x0  }
0xa8: {  	s5 =	sshll.u32 s28, $0x1;
	[dreg:$0x2] =	wrdreg s3  }
0xa9: {  	[dreg:$0x3] =	wrdreg s5  }
0xaa: {  	[dreg:$0x4] =	wrdreg $0xC0  }
0xab: {  	_ =	task [dreg:s7], $0x5FFFF  }
0xac: {  	[dreg:$0x1] =	wrdreg $0xFFFFFFFF  }
0xad: {  	[dreg:$0x0] =	wrdreg $0x60  }
0xae: {  	[dreg:$0x2] =	wrdreg s24  }
0xaf: {  	[dreg:$0x3] =	wrdreg s2  }
0xb0: {  	[dreg:$0x4] =	wrdreg $0x9  }
0xb1: {  	_ =	task.clear_ibuf [dreg:s7], $0x5FFFF;
	_ =	strace $0x90000049  }
0xb2: {  	s29 =	simm.s32 $0x9;
	_ =	strace $0x8000004B  }
0xb3: {  	_ =	swait.ge [sflag:s29], $0x1  }
0xb4: {  	[sflag:s29] =	ssyncadd.s32 $0xFFFFFFFF  }
0xb5: {  	_ =	strace $0x9000004B  }
0xb6: {  	_ =	sfence  }
0xb7: {  	s30 =	sld [smem:$0x0];
	_ =	sdelay $0x2  }
0xb8: {  	s31 =	sshll.u32 s1, $0xD;
	s1 =	sshrl.u32 s1, $0x2  }
0xb9: {  	s3 =	sand.u32 $0x4000, s31;
	s1 =	sadd.s32 s1, s30  }
0xba: {  	s0 =	sor.u32 s3, s0;
	s1 =	sshll.u32 s1, $0x11  }
0xbb: {  	s0 =	sor.u32 s1, s0  }
0xbc: {  	s0 =	sadd.s32 $0x8F2B, s0  }
0xbd: {  	[sflag:s0] =	ssyncadd.remote.s32 $0x1  }
0xbe: {  	_ =	sfence.sel $0xFFFF  }
0xbf: {  	[dreg:$0x0] =	wrdreg $0xFFFFFFFF;
	(pc) =	sbr.abs _section_cstart, $3  }
0xc0: {  	[dreg:$0x1] =	wrdreg $0xFFFFFFFF  }
0xc1: {  	_ =	task.clear_ibuf [dreg:s7], $0x2FFFF;
	_ =	strace $0x9FFFFFFF  }
0xc2: {  	(tm) =	ssettm $0x7FFFFFFF  }
0xc3: {  	_ =	shalt  }
tec
execute0_lowered:
.L_overlay_start_1:
0x0: {  	(tag) =	ssettag $0x1  }
0x1: {  	s0 =	rddreg [dreg:$0x0]  }
0x2: {  	s1 =	srdreg.scid;
	s2 =	stileid.u32;
	v0 =	vlaneseq.u32  }
0x3: {  	s6 =	rddreg [dreg:$0x1];
	s12 =	simm.s32 $0x80;
	s24 =	simm.s32 $0xC400;
	v0 =	vmul.u32 $0x108, v0  }
0x4: {  	s28 =	simm.s32 $0x1;
	s29 =	simm.s32 $0x10400;
	s30 =	simm.s32 $0xE400  }
0x5: {  	s31 =	simm.s32 $0xF400;
	s13 =	simm.s32 $0x3;
	s14 =	simm.s32 $0x14600;
	v1 =	vadd.s32 $0x1080, v0  }
0x6: {  	s15 =	simm.s32 $0x4;
	s16 =	simm.s32 $0x16700;
	s17 =	simm.s32 $0x5;
	v2 =	vor.u32 $0x1, v0;
	v3 =	vadd.s32 $0x1081, v0;
	v4 =	vor.u32 $0x2, v0  }
0x7: {  	s18 =	simm.s32 $0x18800;
	s1 =	sand.u32 $0x1, s1;
	s3 =	sshll.u32 s2, $0x1;
	v5 =	vadd.s32 $0x1082, v0;
	v6 =	vor.u32 $0x3, v0;
	v7 =	vadd.s32 $0x1083, v0  }
0x8: {  	s22 =	simm.s32 $0x9;
	s2 =	simm.s32 $0x0;
	s4 =	sor.u32 s1, s3;
	v8 =	vor.u32 $0x4, v0;
	v9 =	vadd.s32 $0x1084, v0;
	v10 =	vor.u32 $0x5, v0  }
0x9: {  	s5 =	sadd.s32 $0xA00, s0;
	[smem:$0x7FF] =	sst s2;
	s3 =	smul.u32 $0x64, s4;
	v11 =	vadd.s32 $0x1085, v0;
	v12 =	vor.u32 $0x6, v0;
	v13 =	vadd.s32 $0x1086, v0  }
0xa: {  	s1 =	ssub.s32 $0x2, s1;
	_ =	strace $0x8000004A;
	s8 =	smul.u32 $0xC80, s4;
	v14 =	vor.u32 $0x7, v0;
	v15 =	vadd.s32 $0x1087, v0;
	v16 =	vadd.s32 $0x8, v0  }
.Ltmp0:
0xb: {  	s7 =	sshrl.u32 s1, $0x1;
	s4 =	sadd.s32 $0xF42E00, s0;
	v17 =	vadd.s32 $0x1088, v0;
	v18 =	vadd.s32 $0x9, v0;
	v19 =	vadd.s32 $0x1089, v0;
	(pc) =	sbr.rel .LBB2_1-.Ltmp0, $4  }
0xc: {  	v20 =	vadd.s32 $0xA, v0;
	v21 =	vadd.s32 $0x108A, v0;
	v22 =	vadd.s32 $0xB, v0;
	s25 =	ssub.s32 s1, s7;
	s1 =	simm.s32 $0x2;
	s26 =	sadd.s32 s6, s8  }
0xd: {  	v23 =	vadd.s32 $0x108B, v0;
	v24 =	vadd.s32 $0xC, v0;
	v25 =	vadd.s32 $0x108C, v0;
	s7 =	sor.u32 $0x1, s3;
	s8 =	sor.u32 $0x2, s3;
	s9 =	sor.u32 $0x3, s3  }
0xe: {  	v26 =	vadd.s32 $0xD, v0;
	v27 =	vadd.s32 $0x108D, v0;
	v28 =	vadd.s32 $0xE, v0;
	s0 =	smax.u32 s25, $0x1;
	s25 =	simm.s32 $0x0;
	[dreg:$0x3] =	wrdreg s26  }
0xf: {  	v29 =	vadd.s32 $0x108E, v0;
	v30 =	vadd.s32 $0xF, v0;
	v31 =	vadd.s32 $0x108F, v0;
	[dreg:$0x4] =	wrdreg s0;
	s26 =	simm.s32 $0xD400;
	s0 =	simm.s32 $0x12500  }
.LBB2_24:
0x10: {  	s6 =	simm.s32 $0x6  }
0x11: {  	_ =	swait.ge [sflag:s6], $0x2000  }
0x12: {  	[sflag:s6] =	ssyncset.done $0x0  }
0x13: {  	s20 =	simm.s32 $0x7;
	[sflag:s6] =	ssyncadd.s32 $0xFFFFE000  }
0x14: {  	_ =	swait.ge [sflag:s20], $0x2000  }
0x15: {  	[sflag:s20] =	ssyncset.done $0x0  }
0x16: {  	s21 =	simm.s32 $0x8;
	[sflag:s20] =	ssyncadd.s32 $0xFFFFE000  }
0x17: {  	_ =	swait.ge [sflag:s21], $0x2000  }
0x18: {  	[sflag:s21] =	ssyncset.done $0x0  }
0x19: {  	[sflag:s21] =	ssyncadd.s32 $0xFFFFE000  }
0x1a: {  	_ =	swait.ge [sflag:s22], $0x2000  }
0x1b: {  	[sflag:s22] =	ssyncset.done $0x0  }
0x1c: {  	s10 =	simm.s32 $0xA;
	[sflag:s22] =	ssyncadd.s32 $0xFFFFE000  }
0x1d: {  	_ =	swait.ge [sflag:s10], $0x2000  }
0x1e: {  	s25 =	sadd.s32 $0x1, s25;
	s23 =	rddreg [dreg:$0x4]  }
0x1f: {  	p0 =	sne.s32 s25, s23  }
.Ltmp1:
0x20: {  	_ = 	snop;
	(pc) =	sbr.rel @!p0 .LBB2_25-.Ltmp1, $3  }
0x21: {  	_ =	sdelay $0x1  }
0x22: {  	[sflag:s10] =	ssyncset.done $0x0  }
0x23: {  	[sflag:s10] =	ssyncadd.s32 $0xFFFFE000  }
.LBB2_1:
0x24: {  	s6 =	rddreg [dreg:$0x3];
	s10 =	simm.s32 $0xB  }
0x25: {  	[tilespmem:s2], [sflag:$0xB] =	stream.linear.gather [hbm4b:s6+s2], $0x6400, $0x38;
	[tilespmem:$0x1A900] =	vst v63  }
0x26: {  	_ =	swait.ge [sflag:s10], $0x6400  }
0x27: {  	[sflag:s10] =	ssyncset.done $0x0  }
0x28: {  	s11 =	simm.s32 $0x6400;
	[sflag:s10] =	ssyncadd.s32 $0xFFFF9C00  }
0x29: {  	[tilespmem:s11], [sflag:$0x1] =	stream.indirect.gather [hbm4b:s4+s12], $0x20, s2, s12, $0xb8;
	[tilespmem:$0x1A900] =	vst v63  }
0x2a: {  	s19 =	simm.s32 $0x7400  }
0x2b: {  	[tilespmem:s19], [sflag:$0x1] =	stream.indirect.gather [hbm4b:s4+s12], $0x20, s12, s12, $0xb8;
	[tilespmem:$0x1A900] =	vst v63  }
0x2c: {  	s20 =	simm.s32 $0x100;
	s10 =	simm.s32 $0x8400  }
0x2d: {  	[tilespmem:s10], [sflag:$0x2] =	stream.indirect.gather [hbm4b:s4+s12], $0x20, s20, s12, $0xb8;
	[tilespmem:$0x1A900] =	vst v63  }
0x2e: {  	s21 =	simm.s32 $0x180;
	s23 =	simm.s32 $0x9400  }
0x2f: {  	[tilespmem:s23], [sflag:$0x2] =	stream.indirect.gather [hbm4b:s4+s12], $0x20, s21, s12, $0xb8;
	[tilespmem:$0x1A900] =	vst v63  }
0x30: {  	s11 =	simm.s32 $0xA400;
	s10 =	simm.s32 $0x200  }
0x31: {  	[tilespmem:s11], [sflag:$0x3] =	stream.indirect.gather [hbm4b:s4+s12], $0x20, s10, s12, $0xb8;
	[tilespmem:$0x1A900] =	vst v63  }
0x32: {  	s19 =	simm.s32 $0x280;
	s20 =	simm.s32 $0xB400  }
0x33: {  	[tilespmem:s20], [sflag:$0x3] =	stream.indirect.gather [hbm4b:s4+s12], $0x20, s19, s12, $0xb8;
	[tilespmem:$0x1A900] =	vst v63  }
0x34: {  	s21 =	simm.s32 $0x300  }
0x35: {  	[tilespmem:s24], [sflag:$0x4] =	stream.indirect.gather [hbm4b:s4+s12], $0x20, s21, s12, $0xb8;
	[tilespmem:$0x1A900] =	vst v63  }
0x36: {  	s6 =	simm.s32 $0x0;
	s23 =	simm.s32 $0x380  }
0x37: {  	[tilespmem:s26], [sflag:$0x4] =	stream.indirect.gather [hbm4b:s4+s12], $0x20, s23, s12, $0xb8;
	[tilespmem:$0x1A900] =	vst v63  }
.LBB2_2:
0x38: {  	_ =	swait.ge [sflag:s28], $0x1000  }
0x39: {  	[sflag:s28] =	ssyncset.done $0x0  }
0x3a: {  	[sflag:s28] =	ssyncadd.s32 $0xFFFFF000  }
0x3b: {  	_ =	swait.ge [sflag:s28], $0x1000  }
0x3c: {  	[sflag:s28] =	ssyncset.done $0x0  }
0x3d: {  	s10 =	simm.s32 $0x6500;
	[sflag:s28] =	ssyncadd.s32 $0xFFFFF000  }
0x3e: {  	v32 =	vld [tilespmem:s10+$0xFFFFFF00]  }
0x3f: {  	s19 =	simm.s32 $0x0  }
0x40: {  	v33 =	vadd.s32 s19, v0;
	_ =	sdelay $0x2  }
0x41: {  	v32 =	vmul.f32 $5.656854150e+00, v32;
	_ =	sdelay $0x1  }
0x42: {  	[tilespmem:v33+s29+$0x0] =	vst.idx.msk $0xffff, v32  }
0x43: {  	v32 =	vld [tilespmem:s10+$0xFFFFFF10];
	_ =	sdelay $0x1  }
0x44: {  	v62 =	vadd.s32 s19, v1;
	_ =	sdelay $0x2  }
0x45: {  	v32 =	vmul.f32 $5.656854150e+00, v32;
	_ =	sdelay $0x1  }
0x46: {  	[tilespmem:v62+s29+$0x0] =	vst.idx.msk $0xffff, v32  }
0x47: {  	v32 =	vld [tilespmem:s10+$0xFFFFFF20];
	_ =	sdelay $0x1  }
0x48: {  	v63 =	vadd.s32 s19, v2;
	_ =	sdelay $0x2  }
0x49: {  	v32 =	vmul.f32 $5.656854150e+00, v32;
	_ =	sdelay $0x1  }
0x4a: {  	[tilespmem:v63+s29+$0x0] =	vst.idx.msk $0xffff, v32  }
0x4b: {  	v32 =	vld [tilespmem:s10+$0xFFFFFF30];
	_ =	sdelay $0x1  }
0x4c: {  	v36 =	vadd.s32 s19, v3;
	_ =	sdelay $0x2  }
0x4d: {  	v32 =	vmul.f32 $5.656854150e+00, v32;
	_ =	sdelay $0x1  }
0x4e: {  	[tilespmem:v36+s29+$0x0] =	vst.idx.msk $0xffff, v32  }
0x4f: {  	v32 =	vld [tilespmem:s10+$0xFFFFFF40];
	_ =	sdelay $0x1  }
0x50: {  	v37 =	vadd.s32 s19, v4;
	_ =	sdelay $0x2  }
0x51: {  	v32 =	vmul.f32 $5.656854150e+00, v32;
	_ =	sdelay $0x1  }
0x52: {  	[tilespmem:v37+s29+$0x0] =	vst.idx.msk $0xffff, v32  }
0x53: {  	v32 =	vld [tilespmem:s10+$0xFFFFFF50];
	_ =	sdelay $0x1  }
0x54: {  	v38 =	vadd.s32 s19, v5;
	_ =	sdelay $0x2  }
0x55: {  	v32 =	vmul.f32 $5.656854150e+00, v32;
	_ =	sdelay $0x1  }
0x56: {  	[tilespmem:v38+s29+$0x0] =	vst.idx.msk $0xffff, v32  }
0x57: {  	v32 =	vld [tilespmem:s10+$0xFFFFFF60];
	_ =	sdelay $0x1  }
0x58: {  	v39 =	vadd.s32 s19, v6;
	_ =	sdelay $0x2  }
0x59: {  	v32 =	vmul.f32 $5.656854150e+00, v32;
	_ =	sdelay $0x1  }
0x5a: {  	[tilespmem:v39+s29+$0x0] =	vst.idx.msk $0xffff, v32  }
0x5b: {  	v32 =	vld [tilespmem:s10+$0xFFFFFF70];
	_ =	sdelay $0x1  }
0x5c: {  	v40 =	vadd.s32 s19, v7;
	_ =	sdelay $0x2  }
0x5d: {  	v32 =	vmul.f32 $5.656854150e+00, v32;
	_ =	sdelay $0x1  }
0x5e: {  	[tilespmem:v40+s29+$0x0] =	vst.idx.msk $0xffff, v32  }
0x5f: {  	v32 =	vld [tilespmem:s10+$0xFFFFFF80];
	_ =	sdelay $0x1  }
0x60: {  	v41 =	vadd.s32 s19, v8;
	_ =	sdelay $0x2  }
0x61: {  	v32 =	vmul.f32 $5.656854150e+00, v32;
	_ =	sdelay $0x1  }
0x62: {  	[tilespmem:v41+s29+$0x0] =	vst.idx.msk $0xffff, v32  }
0x63: {  	v32 =	vld [tilespmem:s10+$0xFFFFFF90];
	_ =	sdelay $0x1  }
0x64: {  	v42 =	vadd.s32 s19, v9;
	_ =	sdelay $0x2  }
0x65: {  	v32 =	vmul.f32 $5.656854150e+00, v32;
	_ =	sdelay $0x1  }
0x66: {  	[tilespmem:v42+s29+$0x0] =	vst.idx.msk $0xffff, v32  }
0x67: {  	v32 =	vld [tilespmem:s10+$0xFFFFFFA0];
	_ =	sdelay $0x1  }
0x68: {  	v43 =	vadd.s32 s19, v10;
	_ =	sdelay $0x2  }
0x69: {  	v32 =	vmul.f32 $5.656854150e+00, v32;
	_ =	sdelay $0x1  }
0x6a: {  	[tilespmem:v43+s29+$0x0] =	vst.idx.msk $0xffff, v32  }
0x6b: {  	v32 =	vld [tilespmem:s10+$0xFFFFFFB0];
	_ =	sdelay $0x1  }
0x6c: {  	v44 =	vadd.s32 s19, v11;
	_ =	sdelay $0x2  }
0x6d: {  	v32 =	vmul.f32 $5.656854150e+00, v32;
	_ =	sdelay $0x1  }
0x6e: {  	[tilespmem:v44+s29+$0x0] =	vst.idx.msk $0xffff, v32  }
0x6f: {  	v32 =	vld [tilespmem:s10+$0xFFFFFFC0];
	_ =	sdelay $0x1  }
0x70: {  	v45 =	vadd.s32 s19, v12;
	_ =	sdelay $0x2  }
0x71: {  	v32 =	vmul.f32 $5.656854150e+00, v32;
	_ =	sdelay $0x1  }
0x72: {  	[tilespmem:v45+s29+$0x0] =	vst.idx.msk $0xffff, v32  }
0x73: {  	v32 =	vld [tilespmem:s10+$0xFFFFFFD0];
	_ =	sdelay $0x1  }
0x74: {  	v46 =	vadd.s32 s19, v13;
	_ =	sdelay $0x2  }
0x75: {  	v32 =	vmul.f32 $5.656854150e+00, v32;
	_ =	sdelay $0x1  }
0x76: {  	[tilespmem:v46+s29+$0x0] =	vst.idx.msk $0xffff, v32  }
0x77: {  	v32 =	vld [tilespmem:s10+$0xFFFFFFE0];
	_ =	sdelay $0x1  }
0x78: {  	v47 =	vadd.s32 s19, v14;
	_ =	sdelay $0x2  }
0x79: {  	v32 =	vmul.f32 $5.656854150e+00, v32;
	_ =	sdelay $0x1  }
0x7a: {  	[tilespmem:v47+s29+$0x0] =	vst.idx.msk $0xffff, v32  }
0x7b: {  	v32 =	vld [tilespmem:s10+$0xFFFFFFF0];
	_ =	sdelay $0x1  }
0x7c: {  	v48 =	vadd.s32 s19, v15;
	_ =	sdelay $0x2  }
0x7d: {  	v32 =	vmul.f32 $5.656854150e+00, v32;
	_ =	sdelay $0x1  }
0x7e: {  	[tilespmem:v48+s29+$0x0] =	vst.idx.msk $0xffff, v32  }
0x7f: {  	v32 =	vld [tilespmem:s10+$0x0];
	_ =	sdelay $0x1  }
0x80: {  	v49 =	vadd.s32 s19, v16;
	_ =	sdelay $0x2  }
0x81: {  	v32 =	vmul.f32 $5.656854150e+00, v32;
	_ =	sdelay $0x1  }
0x82: {  	[tilespmem:v49+s29+$0x0] =	vst.idx.msk $0xffff, v32  }
0x83: {  	v32 =	vld [tilespmem:s10+$0x10];
	_ =	sdelay $0x1  }
0x84: {  	v50 =	vadd.s32 s19, v17;
	_ =	sdelay $0x2  }
0x85: {  	v32 =	vmul.f32 $5.656854150e+00, v32;
	_ =	sdelay $0x1  }
0x86: {  	[tilespmem:v50+s29+$0x0] =	vst.idx.msk $0xffff, v32  }
0x87: {  	v32 =	vld [tilespmem:s10+$0x20];
	_ =	sdelay $0x1  }
0x88: {  	v51 =	vadd.s32 s19, v18;
	_ =	sdelay $0x2  }
0x89: {  	v32 =	vmul.f32 $5.656854150e+00, v32;
	_ =	sdelay $0x1  }
0x8a: {  	[tilespmem:v51+s29+$0x0] =	vst.idx.msk $0xffff, v32  }
0x8b: {  	v32 =	vld [tilespmem:s10+$0x30];
	_ =	sdelay $0x1  }
0x8c: {  	v52 =	vadd.s32 s19, v19;
	_ =	sdelay $0x2  }
0x8d: {  	v32 =	vmul.f32 $5.656854150e+00, v32;
	_ =	sdelay $0x1  }
0x8e: {  	[tilespmem:v52+s29+$0x0] =	vst.idx.msk $0xffff, v32  }
0x8f: {  	v32 =	vld [tilespmem:s10+$0x40];
	_ =	sdelay $0x1  }
0x90: {  	v53 =	vadd.s32 s19, v20;
	_ =	sdelay $0x2  }
0x91: {  	v32 =	vmul.f32 $5.656854150e+00, v32;
	_ =	sdelay $0x1  }
0x92: {  	[tilespmem:v53+s29+$0x0] =	vst.idx.msk $0xffff, v32  }
0x93: {  	v32 =	vld [tilespmem:s10+$0x50];
	_ =	sdelay $0x1  }
0x94: {  	v54 =	vadd.s32 s19, v21;
	_ =	sdelay $0x2  }
0x95: {  	v32 =	vmul.f32 $5.656854150e+00, v32;
	_ =	sdelay $0x1  }
0x96: {  	[tilespmem:v54+s29+$0x0] =	vst.idx.msk $0xffff, v32  }
0x97: {  	v32 =	vld [tilespmem:s10+$0x60];
	_ =	sdelay $0x1  }
0x98: {  	v55 =	vadd.s32 s19, v22;
	_ =	sdelay $0x2  }
0x99: {  	v32 =	vmul.f32 $5.656854150e+00, v32;
	_ =	sdelay $0x1  }
0x9a: {  	[tilespmem:v55+s29+$0x0] =	vst.idx.msk $0xffff, v32  }
0x9b: {  	v32 =	vld [tilespmem:s10+$0x70];
	_ =	sdelay $0x1  }
0x9c: {  	v56 =	vadd.s32 s19, v23;
	_ =	sdelay $0x2  }
0x9d: {  	v32 =	vmul.f32 $5.656854150e+00, v32;
	_ =	sdelay $0x1  }
0x9e: {  	[tilespmem:v56+s29+$0x0] =	vst.idx.msk $0xffff, v32  }
0x9f: {  	v32 =	vld [tilespmem:s10+$0x80];
	_ =	sdelay $0x1  }
0xa0: {  	v57 =	vadd.s32 s19, v24;
	_ =	sdelay $0x2  }
0xa1: {  	v32 =	vmul.f32 $5.656854150e+00, v32;
	_ =	sdelay $0x1  }
0xa2: {  	[tilespmem:v57+s29+$0x0] =	vst.idx.msk $0xffff, v32  }
0xa3: {  	v32 =	vld [tilespmem:s10+$0x90];
	_ =	sdelay $0x1  }
0xa4: {  	v58 =	vadd.s32 s19, v25;
	_ =	sdelay $0x2  }
0xa5: {  	v32 =	vmul.f32 $5.656854150e+00, v32;
	_ =	sdelay $0x1  }
0xa6: {  	[tilespmem:v58+s29+$0x0] =	vst.idx.msk $0xffff, v32  }
0xa7: {  	v32 =	vld [tilespmem:s10+$0xA0];
	_ =	sdelay $0x1  }
0xa8: {  	v59 =	vadd.s32 s19, v26;
	_ =	sdelay $0x2  }
0xa9: {  	v32 =	vmul.f32 $5.656854150e+00, v32;
	_ =	sdelay $0x1  }
0xaa: {  	[tilespmem:v59+s29+$0x0] =	vst.idx.msk $0xffff, v32  }
0xab: {  	v32 =	vld [tilespmem:s10+$0xB0];
	_ =	sdelay $0x1  }
0xac: {  	v60 =	vadd.s32 s19, v27;
	_ =	sdelay $0x2  }
0xad: {  	v32 =	vmul.f32 $5.656854150e+00, v32;
	_ =	sdelay $0x1  }
0xae: {  	[tilespmem:v60+s29+$0x0] =	vst.idx.msk $0xffff, v32  }
0xaf: {  	v32 =	vld [tilespmem:s10+$0xC0];
	_ =	sdelay $0x1  }
0xb0: {  	v61 =	vadd.s32 s19, v28;
	_ =	sdelay $0x2  }
0xb1: {  	v32 =	vmul.f32 $5.656854150e+00, v32;
	_ =	sdelay $0x1  }
0xb2: {  	[tilespmem:v61+s29+$0x0] =	vst.idx.msk $0xffff, v32  }
0xb3: {  	v32 =	vld [tilespmem:s10+$0xD0];
	_ =	sdelay $0x1  }
0xb4: {  	v62 =	vadd.s32 s19, v29;
	_ =	sdelay $0x2  }
0xb5: {  	v32 =	vmul.f32 $5.656854150e+00, v32;
	_ =	sdelay $0x1  }
0xb6: {  	[tilespmem:v62+s29+$0x0] =	vst.idx.msk $0xffff, v32  }
0xb7: {  	v32 =	vld [tilespmem:s10+$0xE0];
	_ =	sdelay $0x1  }
0xb8: {  	v63 =	vadd.s32 s19, v30;
	_ =	sdelay $0x2  }
0xb9: {  	v32 =	vmul.f32 $5.656854150e+00, v32;
	_ =	sdelay $0x1  }
0xba: {  	[tilespmem:v63+s29+$0x0] =	vst.idx.msk $0xffff, v32  }
0xbb: {  	v33 =	vld [tilespmem:s10+$0xF0];
	_ =	sdelay $0x1  }
0xbc: {  	v32 =	vadd.s32 s19, v31;
	_ =	sdelay $0x2  }
0xbd: {  	s11 =	simm.s32 $0x10;
	v33 =	vmul.f32 $5.656854150e+00, v33  }
.LBB2_3:
0xbe: {  	p0 =	sne.s32 s11, $0xF0  }
0xbf: {  	s10 =	sadd.s32 $0x200, s10;
	s19 =	smov.u32 s11;
	s11 =	sadd.s32 $0x10, s11;
	[tilespmem:v32+s29+$0x0] =	vst.idx.msk $0xffff, v33  }
0xc0: {  	v32 =	vld [tilespmem:s10+$0xFFFFFF00];
	_ =	sdelay $0x1  }
0xc1: {  	v33 =	vadd.s32 s19, v0;
	_ =	sdelay $0x2  }
0xc2: {  	v32 =	vmul.f32 $5.656854150e+00, v32;
	_ =	sdelay $0x1  }
0xc3: {  	[tilespmem:v33+s29+$0x0] =	vst.idx.msk $0xffff, v32  }
0xc4: {  	v32 =	vld [tilespmem:s10+$0xFFFFFF10];
	_ =	sdelay $0x1  }
0xc5: {  	v33 =	vadd.s32 s19, v1;
	_ =	sdelay $0x2  }
0xc6: {  	v32 =	vmul.f32 $5.656854150e+00, v32;
	_ =	sdelay $0x1  }
0xc7: {  	[tilespmem:v33+s29+$0x0] =	vst.idx.msk $0xffff, v32  }
0xc8: {  	v32 =	vld [tilespmem:s10+$0xFFFFFF20];
	_ =	sdelay $0x1  }
0xc9: {  	v33 =	vadd.s32 s19, v2;
	_ =	sdelay $0x2  }
0xca: {  	v32 =	vmul.f32 $5.656854150e+00, v32;
	_ =	sdelay $0x1  }
0xcb: {  	[tilespmem:v33+s29+$0x0] =	vst.idx.msk $0xffff, v32  }
0xcc: {  	v32 =	vld [tilespmem:s10+$0xFFFFFF30];
	_ =	sdelay $0x1  }
0xcd: {  	v33 =	vadd.s32 s19, v3;
	_ =	sdelay $0x2  }
0xce: {  	v32 =	vmul.f32 $5.656854150e+00, v32;
	_ =	sdelay $0x1  }
0xcf: {  	[tilespmem:v33+s29+$0x0] =	vst.idx.msk $0xffff, v32  }
0xd0: {  	v32 =	vld [tilespmem:s10+$0xFFFFFF40];
	_ =	sdelay $0x1  }
0xd1: {  	v33 =	vadd.s32 s19, v4;
	_ =	sdelay $0x2  }
0xd2: {  	v32 =	vmul.f32 $5.656854150e+00, v32;
	_ =	sdelay $0x1  }
0xd3: {  	[tilespmem:v33+s29+$0x0] =	vst.idx.msk $0xffff, v32  }
0xd4: {  	v32 =	vld [tilespmem:s10+$0xFFFFFF50];
	_ =	sdelay $0x1  }
0xd5: {  	v33 =	vadd.s32 s19, v5;
	_ =	sdelay $0x2  }
0xd6: {  	v32 =	vmul.f32 $5.656854150e+00, v32;
	_ =	sdelay $0x1  }
0xd7: {  	[tilespmem:v33+s29+$0x0] =	vst.idx.msk $0xffff, v32  }
0xd8: {  	v32 =	vld [tilespmem:s10+$0xFFFFFF60];
	_ =	sdelay $0x1  }
0xd9: {  	v33 =	vadd.s32 s19, v6;
	_ =	sdelay $0x2  }
0xda: {  	v32 =	vmul.f32 $5.656854150e+00, v32;
	_ =	sdelay $0x1  }
0xdb: {  	[tilespmem:v33+s29+$0x0] =	vst.idx.msk $0xffff, v32  }
0xdc: {  	v32 =	vld [tilespmem:s10+$0xFFFFFF70];
	_ =	sdelay $0x1  }
0xdd: {  	v33 =	vadd.s32 s19, v7;
	_ =	sdelay $0x2  }
0xde: {  	v32 =	vmul.f32 $5.656854150e+00, v32;
	_ =	sdelay $0x1  }
0xdf: {  	[tilespmem:v33+s29+$0x0] =	vst.idx.msk $0xffff, v32  }
0xe0: {  	v32 =	vld [tilespmem:s10+$0xFFFFFF80];
	_ =	sdelay $0x1  }
0xe1: {  	v33 =	vadd.s32 s19, v8;
	_ =	sdelay $0x2  }
0xe2: {  	v32 =	vmul.f32 $5.656854150e+00, v32;
	_ =	sdelay $0x1  }
0xe3: {  	[tilespmem:v33+s29+$0x0] =	vst.idx.msk $0xffff, v32  }
0xe4: {  	v32 =	vld [tilespmem:s10+$0xFFFFFF90];
	_ =	sdelay $0x1  }
0xe5: {  	v33 =	vadd.s32 s19, v9;
	_ =	sdelay $0x2  }
0xe6: {  	v32 =	vmul.f32 $5.656854150e+00, v32;
	_ =	sdelay $0x1  }
0xe7: {  	[tilespmem:v33+s29+$0x0] =	vst.idx.msk $0xffff, v32  }
0xe8: {  	v32 =	vld [tilespmem:s10+$0xFFFFFFA0];
	_ =	sdelay $0x1  }
0xe9: {  	v33 =	vadd.s32 s19, v10;
	_ =	sdelay $0x2  }
0xea: {  	v32 =	vmul.f32 $5.656854150e+00, v32;
	_ =	sdelay $0x1  }
0xeb: {  	[tilespmem:v33+s29+$0x0] =	vst.idx.msk $0xffff, v32  }
0xec: {  	v32 =	vld [tilespmem:s10+$0xFFFFFFB0];
	_ =	sdelay $0x1  }
0xed: {  	v33 =	vadd.s32 s19, v11;
	_ =	sdelay $0x2  }
0xee: {  	v32 =	vmul.f32 $5.656854150e+00, v32;
	_ =	sdelay $0x1  }
0xef: {  	[tilespmem:v33+s29+$0x0] =	vst.idx.msk $0xffff, v32  }
0xf0: {  	v32 =	vld [tilespmem:s10+$0xFFFFFFC0];
	_ =	sdelay $0x1  }
0xf1: {  	v33 =	vadd.s32 s19, v12;
	_ =	sdelay $0x2  }
0xf2: {  	v32 =	vmul.f32 $5.656854150e+00, v32;
	_ =	sdelay $0x1  }
0xf3: {  	[tilespmem:v33+s29+$0x0] =	vst.idx.msk $0xffff, v32  }
0xf4: {  	v32 =	vld [tilespmem:s10+$0xFFFFFFD0];
	_ =	sdelay $0x1  }
0xf5: {  	v33 =	vadd.s32 s19, v13;
	_ =	sdelay $0x2  }
0xf6: {  	v32 =	vmul.f32 $5.656854150e+00, v32;
	_ =	sdelay $0x1  }
0xf7: {  	[tilespmem:v33+s29+$0x0] =	vst.idx.msk $0xffff, v32  }
0xf8: {  	v32 =	vld [tilespmem:s10+$0xFFFFFFE0];
	_ =	sdelay $0x1  }
0xf9: {  	v33 =	vadd.s32 s19, v14;
	_ =	sdelay $0x2  }
0xfa: {  	v32 =	vmul.f32 $5.656854150e+00, v32;
	_ =	sdelay $0x1  }
0xfb: {  	[tilespmem:v33+s29+$0x0] =	vst.idx.msk $0xffff, v32  }
0xfc: {  	v32 =	vld [tilespmem:s10+$0xFFFFFFF0];
	_ =	sdelay $0x1  }
0xfd: {  	v33 =	vadd.s32 s19, v15;
	_ =	sdelay $0x2  }
0xfe: {  	v32 =	vmul.f32 $5.656854150e+00, v32;
	_ =	sdelay $0x1  }
0xff: {  	[tilespmem:v33+s29+$0x0] =	vst.idx.msk $0xffff, v32  }
0x100: {  	v32 =	vld [tilespmem:s10+$0x0];
	_ =	sdelay $0x1  }
0x101: {  	v33 =	vadd.s32 s19, v16;
	_ =	sdelay $0x2  }
0x102: {  	v32 =	vmul.f32 $5.656854150e+00, v32;
	_ =	sdelay $0x1  }
0x103: {  	[tilespmem:v33+s29+$0x0] =	vst.idx.msk $0xffff, v32  }
0x104: {  	v32 =	vld [tilespmem:s10+$0x10];
	_ =	sdelay $0x1  }
0x105: {  	v33 =	vadd.s32 s19, v17;
	_ =	sdelay $0x2  }
0x106: {  	v32 =	vmul.f32 $5.656854150e+00, v32;
	_ =	sdelay $0x1  }
0x107: {  	[tilespmem:v33+s29+$0x0] =	vst.idx.msk $0xffff, v32  }
0x108: {  	v32 =	vld [tilespmem:s10+$0x20];
	_ =	sdelay $0x1  }
0x109: {  	v33 =	vadd.s32 s19, v18;
	_ =	sdelay $0x2  }
0x10a: {  	v32 =	vmul.f32 $5.656854150e+00, v32;
	_ =	sdelay $0x1  }
0x10b: {  	[tilespmem:v33+s29+$0x0] =	vst.idx.msk $0xffff, v32  }
0x10c: {  	v32 =	vld [tilespmem:s10+$0x30];
	_ =	sdelay $0x1  }
0x10d: {  	v33 =	vadd.s32 s19, v19;
	_ =	sdelay $0x2  }
0x10e: {  	v32 =	vmul.f32 $5.656854150e+00, v32;
	_ =	sdelay $0x1  }
0x10f: {  	[tilespmem:v33+s29+$0x0] =	vst.idx.msk $0xffff, v32  }
0x110: {  	v32 =	vld [tilespmem:s10+$0x40];
	_ =	sdelay $0x1  }
0x111: {  	v33 =	vadd.s32 s19, v20;
	_ =	sdelay $0x2  }
0x112: {  	v32 =	vmul.f32 $5.656854150e+00, v32;
	_ =	sdelay $0x1  }
0x113: {  	[tilespmem:v33+s29+$0x0] =	vst.idx.msk $0xffff, v32  }
0x114: {  	v32 =	vld [tilespmem:s10+$0x50];
	_ =	sdelay $0x1  }
0x115: {  	v33 =	vadd.s32 s19, v21;
	_ =	sdelay $0x2  }
0x116: {  	v32 =	vmul.f32 $5.656854150e+00, v32;
	_ =	sdelay $0x1  }
0x117: {  	[tilespmem:v33+s29+$0x0] =	vst.idx.msk $0xffff, v32  }
0x118: {  	v32 =	vld [tilespmem:s10+$0x60];
	_ =	sdelay $0x1  }
0x119: {  	v33 =	vadd.s32 s19, v22;
	_ =	sdelay $0x2  }
0x11a: {  	v32 =	vmul.f32 $5.656854150e+00, v32;
	_ =	sdelay $0x1  }
0x11b: {  	[tilespmem:v33+s29+$0x0] =	vst.idx.msk $0xffff, v32  }
0x11c: {  	v32 =	vld [tilespmem:s10+$0x70];
	_ =	sdelay $0x1  }
0x11d: {  	v33 =	vadd.s32 s19, v23;
	_ =	sdelay $0x2  }
0x11e: {  	v32 =	vmul.f32 $5.656854150e+00, v32;
	_ =	sdelay $0x1  }
0x11f: {  	[tilespmem:v33+s29+$0x0] =	vst.idx.msk $0xffff, v32  }
0x120: {  	v32 =	vld [tilespmem:s10+$0x80];
	_ =	sdelay $0x1  }
0x121: {  	v33 =	vadd.s32 s19, v24;
	_ =	sdelay $0x2  }
0x122: {  	v32 =	vmul.f32 $5.656854150e+00, v32;
	_ =	sdelay $0x1  }
0x123: {  	[tilespmem:v33+s29+$0x0] =	vst.idx.msk $0xffff, v32  }
0x124: {  	v32 =	vld [tilespmem:s10+$0x90];
	_ =	sdelay $0x1  }
0x125: {  	v33 =	vadd.s32 s19, v25;
	_ =	sdelay $0x2  }
0x126: {  	v32 =	vmul.f32 $5.656854150e+00, v32;
	_ =	sdelay $0x1  }
0x127: {  	[tilespmem:v33+s29+$0x0] =	vst.idx.msk $0xffff, v32  }
0x128: {  	v32 =	vld [tilespmem:s10+$0xA0];
	_ =	sdelay $0x1  }
0x129: {  	v33 =	vadd.s32 s19, v26;
	_ =	sdelay $0x2  }
0x12a: {  	v32 =	vmul.f32 $5.656854150e+00, v32;
	_ =	sdelay $0x1  }
0x12b: {  	[tilespmem:v33+s29+$0x0] =	vst.idx.msk $0xffff, v32  }
0x12c: {  	v32 =	vld [tilespmem:s10+$0xB0];
	_ =	sdelay $0x1  }
0x12d: {  	v33 =	vadd.s32 s19, v27;
	_ =	sdelay $0x2  }
0x12e: {  	v32 =	vmul.f32 $5.656854150e+00, v32;
	_ =	sdelay $0x1  }
0x12f: {  	[tilespmem:v33+s29+$0x0] =	vst.idx.msk $0xffff, v32  }
0x130: {  	v32 =	vld [tilespmem:s10+$0xC0];
	_ =	sdelay $0x1  }
0x131: {  	v33 =	vadd.s32 s19, v28;
	_ =	sdelay $0x2  }
0x132: {  	v32 =	vmul.f32 $5.656854150e+00, v32;
	_ =	sdelay $0x1  }
0x133: {  	[tilespmem:v33+s29+$0x0] =	vst.idx.msk $0xffff, v32  }
0x134: {  	v32 =	vld [tilespmem:s10+$0xD0];
	_ =	sdelay $0x1  }
0x135: {  	v33 =	vadd.s32 s19, v29;
	_ =	sdelay $0x2  }
0x136: {  	v32 =	vmul.f32 $5.656854150e+00, v32;
	_ =	sdelay $0x1  }
0x137: {  	[tilespmem:v33+s29+$0x0] =	vst.idx.msk $0xffff, v32  }
0x138: {  	v32 =	vld [tilespmem:s10+$0xE0];
	_ =	sdelay $0x1  }
0x139: {  	v33 =	vadd.s32 s19, v30;
	_ =	sdelay $0x2  }
0x13a: {  	v32 =	vmul.f32 $5.656854150e+00, v32;
	_ =	sdelay $0x1  }
0x13b: {  	[tilespmem:v33+s29+$0x0] =	vst.idx.msk $0xffff, v32  }
0x13c: {  	v33 =	vld [tilespmem:s10+$0xF0]  }
.Ltmp2:
0x13d: {  	(pc) =	sbr.rel @p0 .LBB2_3-.Ltmp2, $2  }
0x13e: {  	v32 =	vadd.s32 s19, v31;
	_ =	sdelay $0x2  }
0x13f: {  	v33 =	vmul.f32 $5.656854150e+00, v33  }
0x140: {  	s11 =	smul.u32 $0x5, s6;
	_ =	sdelay $0x1  }
0x141: {  	s10 =	sadd.s32 s3, s11  }
0x142: {  	s19 =	sshll.u32 s10, $0x5  }
0x143: {  	s10 =	sshll.u32 s10, $0xA;
	s19 =	sand.u32 $0x7E0, s19  }
0x144: {  	s10 =	sand.u32 $0xFFF0000, s10;
	s19 =	sadd.s32 s5, s19  }
0x145: {  	s23 =	simm.s32 $0x10400;
	[tilespmem:v32+s29+$0x0] =	vst.idx.msk $0xffff, v33;
	s10 =	sadd.s32 s10, s19;
	s19 =	simm.s32 $0x420  }
0x146: {  	[hbm4b:s10+s2] =	stream.linear.scatter [tilespmem:s23], [sflag:$0x6], $0x100, $0x38;
	[tilespmem:$0x1A900] =	vst v63  }
.LBB2_5:
0x147: {  	p0 =	sne.s32 s19, $0x7FE0  }
.Ltmp3:
0x148: {  	_ = 	snop;
	(pc) =	sbr.rel @p0 .LBB2_5-.Ltmp3, $4  }
0x149: {  	_ = 	snop  }
0x14a: {  	s20 =	sshra.s32 s19, $0x2;
	s19 =	sadd.s32 $0x420, s19  }
0x14b: {  	s10 =	sadd.s32 $0x800, s10;
	s20 =	sadd.s32 $0x10400, s20  }
0x14c: {  	[hbm4b:s10+s2] =	stream.linear.scatter [tilespmem:s20], [sflag:$0x6], $0x100, $0x38;
	[tilespmem:$0x1A900] =	vst v63  }
0x14d: {  	p0 =	seq.s32 s6, $0x0  }
0x14e: {  	s19 =	simm.s32 @!p0 $0xA  }
0x14f: {  	s10 =	sadd.s32 $0x4, s11;
	_ =	swait.ge @!p0 [sflag:s19], $0x2000  }
0x150: {  	s20 =	sshll.u32 s10, $0x8;
	[sflag:s19] =	ssyncset.done @!p0 $0x0  }
0x151: {  	s23 =	sand.u32 $0x3FFFFF00, s20;
	[sflag:s19] =	ssyncadd.s32 @!p0 $0xFFFFE000  }
0x152: {  	[tilespmem:s30], [sflag:$0x5] =	stream.indirect.gather [hbm4b:s4+s12], $0x20, s23, s12, $0xb8;
	[tilespmem:$0x1A900] =	vst v63  }
0x153: {  	s19 =	sor.u32 $0x80, s23  }
0x154: {  	[tilespmem:s31], [sflag:$0x5] =	stream.indirect.gather [hbm4b:s4+s12], $0x20, s19, s12, $0xb8;
	[tilespmem:$0x1A900] =	vst v63  }
0x155: {  	_ =	swait.ge [sflag:s1], $0x1000  }
0x156: {  	[sflag:s1] =	ssyncset.done $0x0  }
0x157: {  	[sflag:s1] =	ssyncadd.s32 $0xFFFFF000  }
0x158: {  	_ =	swait.ge [sflag:s1], $0x1000  }
0x159: {  	[sflag:s1] =	ssyncset.done $0x0  }
0x15a: {  	s19 =	simm.s32 $0x8500;
	[sflag:s1] =	ssyncadd.s32 $0xFFFFF000  }
0x15b: {  	v32 =	vld [tilespmem:s19+$0xFFFFFF00]  }
0x15c: {  	s21 =	simm.s32 $0x0  }
0x15d: {  	v33 =	vadd.s32 s21, v0;
	_ =	sdelay $0x2  }
0x15e: {  	v32 =	vmul.f32 $5.656854150e+00, v32;
	_ =	sdelay $0x1  }
0x15f: {  	[tilespmem:v33+s0+$0x0] =	vst.idx.msk $0xffff, v32  }
0x160: {  	v32 =	vld [tilespmem:s19+$0xFFFFFF10];
	_ =	sdelay $0x1  }
0x161: {  	v62 =	vadd.s32 s21, v1;
	_ =	sdelay $0x2  }
0x162: {  	v32 =	vmul.f32 $5.656854150e+00, v32;
	_ =	sdelay $0x1  }
0x163: {  	[tilespmem:v62+s0+$0x0] =	vst.idx.msk $0xffff, v32  }
0x164: {  	v32 =	vld [tilespmem:s19+$0xFFFFFF20];
	_ =	sdelay $0x1  }
0x165: {  	v63 =	vadd.s32 s21, v2;
	_ =	sdelay $0x2  }
0x166: {  	v32 =	vmul.f32 $5.656854150e+00, v32;
	_ =	sdelay $0x1  }
0x167: {  	[tilespmem:v63+s0+$0x0] =	vst.idx.msk $0xffff, v32  }
0x168: {  	v32 =	vld [tilespmem:s19+$0xFFFFFF30];
	_ =	sdelay $0x1  }
0x169: {  	v36 =	vadd.s32 s21, v3;
	_ =	sdelay $0x2  }
0x16a: {  	v32 =	vmul.f32 $5.656854150e+00, v32;
	_ =	sdelay $0x1  }
0x16b: {  	[tilespmem:v36+s0+$0x0] =	vst.idx.msk $0xffff, v32  }
0x16c: {  	v32 =	vld [tilespmem:s19+$0xFFFFFF40];
	_ =	sdelay $0x1  }
0x16d: {  	v37 =	vadd.s32 s21, v4;
	_ =	sdelay $0x2  }
0x16e: {  	v32 =	vmul.f32 $5.656854150e+00, v32;
	_ =	sdelay $0x1  }
0x16f: {  	[tilespmem:v37+s0+$0x0] =	vst.idx.msk $0xffff, v32  }
0x170: {  	v32 =	vld [tilespmem:s19+$0xFFFFFF50];
	_ =	sdelay $0x1  }
0x171: {  	v38 =	vadd.s32 s21, v5;
	_ =	sdelay $0x2  }
0x172: {  	v32 =	vmul.f32 $5.656854150e+00, v32;
	_ =	sdelay $0x1  }
0x173: {  	[tilespmem:v38+s0+$0x0] =	vst.idx.msk $0xffff, v32  }
0x174: {  	v32 =	vld [tilespmem:s19+$0xFFFFFF60];
	_ =	sdelay $0x1  }
0x175: {  	v39 =	vadd.s32 s21, v6;
	_ =	sdelay $0x2  }
0x176: {  	v32 =	vmul.f32 $5.656854150e+00, v32;
	_ =	sdelay $0x1  }
0x177: {  	[tilespmem:v39+s0+$0x0] =	vst.idx.msk $0xffff, v32  }
0x178: {  	v32 =	vld [tilespmem:s19+$0xFFFFFF70];
	_ =	sdelay $0x1  }
0x179: {  	v40 =	vadd.s32 s21, v7;
	_ =	sdelay $0x2  }
0x17a: {  	v32 =	vmul.f32 $5.656854150e+00, v32;
	_ =	sdelay $0x1  }
0x17b: {  	[tilespmem:v40+s0+$0x0] =	vst.idx.msk $0xffff, v32  }
0x17c: {  	v32 =	vld [tilespmem:s19+$0xFFFFFF80];
	_ =	sdelay $0x1  }
0x17d: {  	v41 =	vadd.s32 s21, v8;
	_ =	sdelay $0x2  }
0x17e: {  	v32 =	vmul.f32 $5.656854150e+00, v32;
	_ =	sdelay $0x1  }
0x17f: {  	[tilespmem:v41+s0+$0x0] =	vst.idx.msk $0xffff, v32  }
0x180: {  	v32 =	vld [tilespmem:s19+$0xFFFFFF90];
	_ =	sdelay $0x1  }
0x181: {  	v42 =	vadd.s32 s21, v9;
	_ =	sdelay $0x2  }
0x182: {  	v32 =	vmul.f32 $5.656854150e+00, v32;
	_ =	sdelay $0x1  }
0x183: {  	[tilespmem:v42+s0+$0x0] =	vst.idx.msk $0xffff, v32  }
0x184: {  	v32 =	vld [tilespmem:s19+$0xFFFFFFA0];
	_ =	sdelay $0x1  }
0x185: {  	v43 =	vadd.s32 s21, v10;
	_ =	sdelay $0x2  }
0x186: {  	v32 =	vmul.f32 $5.656854150e+00, v32;
	_ =	sdelay $0x1  }
0x187: {  	[tilespmem:v43+s0+$0x0] =	vst.idx.msk $0xffff, v32  }
0x188: {  	v32 =	vld [tilespmem:s19+$0xFFFFFFB0];
	_ =	sdelay $0x1  }
0x189: {  	v44 =	vadd.s32 s21, v11;
	_ =	sdelay $0x2  }
0x18a: {  	v32 =	vmul.f32 $5.656854150e+00, v32;
	_ =	sdelay $0x1  }
0x18b: {  	[tilespmem:v44+s0+$0x0] =	vst.idx.msk $0xffff, v32  }
0x18c: {  	v32 =	vld [tilespmem:s19+$0xFFFFFFC0];
	_ =	sdelay $0x1  }
0x18d: {  	v45 =	vadd.s32 s21, v12;
	_ =	sdelay $0x2  }
0x18e: {  	v32 =	vmul.f32 $5.656854150e+00, v32;
	_ =	sdelay $0x1  }
0x18f: {  	[tilespmem:v45+s0+$0x0] =	vst.idx.msk $0xffff, v32  }
0x190: {  	v32 =	vld [tilespmem:s19+$0xFFFFFFD0];
	_ =	sdelay $0x1  }
0x191: {  	v46 =	vadd.s32 s21, v13;
	_ =	sdelay $0x2  }
0x192: {  	v32 =	vmul.f32 $5.656854150e+00, v32;
	_ =	sdelay $0x1  }
0x193: {  	[tilespmem:v46+s0+$0x0] =	vst.idx.msk $0xffff, v32  }
0x194: {  	v32 =	vld [tilespmem:s19+$0xFFFFFFE0];
	_ =	sdelay $0x1  }
0x195: {  	v47 =	vadd.s32 s21, v14;
	_ =	sdelay $0x2  }
0x196: {  	v32 =	vmul.f32 $5.656854150e+00, v32;
	_ =	sdelay $0x1  }
0x197: {  	[tilespmem:v47+s0+$0x0] =	vst.idx.msk $0xffff, v32  }
0x198: {  	v32 =	vld [tilespmem:s19+$0xFFFFFFF0];
	_ =	sdelay $0x1  }
0x199: {  	v48 =	vadd.s32 s21, v15;
	_ =	sdelay $0x2  }
0x19a: {  	v32 =	vmul.f32 $5.656854150e+00, v32;
	_ =	sdelay $0x1  }
0x19b: {  	[tilespmem:v48+s0+$0x0] =	vst.idx.msk $0xffff, v32  }
0x19c: {  	v32 =	vld [tilespmem:s19+$0x0];
	_ =	sdelay $0x1  }
0x19d: {  	v49 =	vadd.s32 s21, v16;
	_ =	sdelay $0x2  }
0x19e: {  	v32 =	vmul.f32 $5.656854150e+00, v32;
	_ =	sdelay $0x1  }
0x19f: {  	[tilespmem:v49+s0+$0x0] =	vst.idx.msk $0xffff, v32  }
0x1a0: {  	v32 =	vld [tilespmem:s19+$0x10];
	_ =	sdelay $0x1  }
0x1a1: {  	v50 =	vadd.s32 s21, v17;
	_ =	sdelay $0x2  }
0x1a2: {  	v32 =	vmul.f32 $5.656854150e+00, v32;
	_ =	sdelay $0x1  }
0x1a3: {  	[tilespmem:v50+s0+$0x0] =	vst.idx.msk $0xffff, v32  }
0x1a4: {  	v32 =	vld [tilespmem:s19+$0x20];
	_ =	sdelay $0x1  }
0x1a5: {  	v51 =	vadd.s32 s21, v18;
	_ =	sdelay $0x2  }
0x1a6: {  	v32 =	vmul.f32 $5.656854150e+00, v32;
	_ =	sdelay $0x1  }
0x1a7: {  	[tilespmem:v51+s0+$0x0] =	vst.idx.msk $0xffff, v32  }
0x1a8: {  	v32 =	vld [tilespmem:s19+$0x30];
	_ =	sdelay $0x1  }
0x1a9: {  	v52 =	vadd.s32 s21, v19;
	_ =	sdelay $0x2  }
0x1aa: {  	v32 =	vmul.f32 $5.656854150e+00, v32;
	_ =	sdelay $0x1  }
0x1ab: {  	[tilespmem:v52+s0+$0x0] =	vst.idx.msk $0xffff, v32  }
0x1ac: {  	v32 =	vld [tilespmem:s19+$0x40];
	_ =	sdelay $0x1  }
0x1ad: {  	v53 =	vadd.s32 s21, v20;
	_ =	sdelay $0x2  }
0x1ae: {  	v32 =	vmul.f32 $5.656854150e+00, v32;
	_ =	sdelay $0x1  }
0x1af: {  	[tilespmem:v53+s0+$0x0] =	vst.idx.msk $0xffff, v32  }
0x1b0: {  	v32 =	vld [tilespmem:s19+$0x50];
	_ =	sdelay $0x1  }
0x1b1: {  	v54 =	vadd.s32 s21, v21;
	_ =	sdelay $0x2  }
0x1b2: {  	v32 =	vmul.f32 $5.656854150e+00, v32;
	_ =	sdelay $0x1  }
0x1b3: {  	[tilespmem:v54+s0+$0x0] =	vst.idx.msk $0xffff, v32  }
0x1b4: {  	v32 =	vld [tilespmem:s19+$0x60];
	_ =	sdelay $0x1  }
0x1b5: {  	v55 =	vadd.s32 s21, v22;
	_ =	sdelay $0x2  }
0x1b6: {  	v32 =	vmul.f32 $5.656854150e+00, v32;
	_ =	sdelay $0x1  }
0x1b7: {  	[tilespmem:v55+s0+$0x0] =	vst.idx.msk $0xffff, v32  }
0x1b8: {  	v32 =	vld [tilespmem:s19+$0x70];
	_ =	sdelay $0x1  }
0x1b9: {  	v56 =	vadd.s32 s21, v23;
	_ =	sdelay $0x2  }
0x1ba: {  	v32 =	vmul.f32 $5.656854150e+00, v32;
	_ =	sdelay $0x1  }
0x1bb: {  	[tilespmem:v56+s0+$0x0] =	vst.idx.msk $0xffff, v32  }
0x1bc: {  	v32 =	vld [tilespmem:s19+$0x80];
	_ =	sdelay $0x1  }
0x1bd: {  	v57 =	vadd.s32 s21, v24;
	_ =	sdelay $0x2  }
0x1be: {  	v32 =	vmul.f32 $5.656854150e+00, v32;
	_ =	sdelay $0x1  }
0x1bf: {  	[tilespmem:v57+s0+$0x0] =	vst.idx.msk $0xffff, v32  }
0x1c0: {  	v32 =	vld [tilespmem:s19+$0x90];
	_ =	sdelay $0x1  }
0x1c1: {  	v58 =	vadd.s32 s21, v25;
	_ =	sdelay $0x2  }
0x1c2: {  	v32 =	vmul.f32 $5.656854150e+00, v32;
	_ =	sdelay $0x1  }
0x1c3: {  	[tilespmem:v58+s0+$0x0] =	vst.idx.msk $0xffff, v32  }
0x1c4: {  	v32 =	vld [tilespmem:s19+$0xA0];
	_ =	sdelay $0x1  }
0x1c5: {  	v59 =	vadd.s32 s21, v26;
	_ =	sdelay $0x2  }
0x1c6: {  	v32 =	vmul.f32 $5.656854150e+00, v32;
	_ =	sdelay $0x1  }
0x1c7: {  	[tilespmem:v59+s0+$0x0] =	vst.idx.msk $0xffff, v32  }
0x1c8: {  	v32 =	vld [tilespmem:s19+$0xB0];
	_ =	sdelay $0x1  }
0x1c9: {  	v60 =	vadd.s32 s21, v27;
	_ =	sdelay $0x2  }
0x1ca: {  	v32 =	vmul.f32 $5.656854150e+00, v32;
	_ =	sdelay $0x1  }
0x1cb: {  	[tilespmem:v60+s0+$0x0] =	vst.idx.msk $0xffff, v32  }
0x1cc: {  	v32 =	vld [tilespmem:s19+$0xC0];
	_ =	sdelay $0x1  }
0x1cd: {  	v61 =	vadd.s32 s21, v28;
	_ =	sdelay $0x2  }
0x1ce: {  	v32 =	vmul.f32 $5.656854150e+00, v32;
	_ =	sdelay $0x1  }
0x1cf: {  	[tilespmem:v61+s0+$0x0] =	vst.idx.msk $0xffff, v32  }
0x1d0: {  	v32 =	vld [tilespmem:s19+$0xD0];
	_ =	sdelay $0x1  }
0x1d1: {  	v62 =	vadd.s32 s21, v29;
	_ =	sdelay $0x2  }
0x1d2: {  	v32 =	vmul.f32 $5.656854150e+00, v32;
	_ =	sdelay $0x1  }
0x1d3: {  	[tilespmem:v62+s0+$0x0] =	vst.idx.msk $0xffff, v32  }
0x1d4: {  	v32 =	vld [tilespmem:s19+$0xE0];
	_ =	sdelay $0x1  }
0x1d5: {  	v63 =	vadd.s32 s21, v30;
	_ =	sdelay $0x2  }
0x1d6: {  	v32 =	vmul.f32 $5.656854150e+00, v32;
	_ =	sdelay $0x1  }
0x1d7: {  	[tilespmem:v63+s0+$0x0] =	vst.idx.msk $0xffff, v32  }
0x1d8: {  	v33 =	vld [tilespmem:s19+$0xF0];
	_ =	sdelay $0x1  }
0x1d9: {  	v32 =	vadd.s32 s21, v31;
	_ =	sdelay $0x2  }
0x1da: {  	s20 =	simm.s32 $0x10;
	v33 =	vmul.f32 $5.656854150e+00, v33  }
.LBB2_7:
0x1db: {  	p0 =	sne.s32 s20, $0xF0  }
0x1dc: {  	s19 =	sadd.s32 $0x200, s19;
	s21 =	smov.u32 s20;
	s20 =	sadd.s32 $0x10, s20;
	[tilespmem:v32+s0+$0x0] =	vst.idx.msk $0xffff, v33  }
0x1dd: {  	v32 =	vld [tilespmem:s19+$0xFFFFFF00];
	_ =	sdelay $0x1  }
0x1de: {  	v33 =	vadd.s32 s21, v0;
	_ =	sdelay $0x2  }
0x1df: {  	v32 =	vmul.f32 $5.656854150e+00, v32;
	_ =	sdelay $0x1  }
0x1e0: {  	[tilespmem:v33+s0+$0x0] =	vst.idx.msk $0xffff, v32  }
0x1e1: {  	v32 =	vld [tilespmem:s19+$0xFFFFFF10];
	_ =	sdelay $0x1  }
0x1e2: {  	v33 =	vadd.s32 s21, v1;
	_ =	sdelay $0x2  }
0x1e3: {  	v32 =	vmul.f32 $5.656854150e+00, v32;
	_ =	sdelay $0x1  }
0x1e4: {  	[tilespmem:v33+s0+$0x0] =	vst.idx.msk $0xffff, v32  }
0x1e5: {  	v32 =	vld [tilespmem:s19+$0xFFFFFF20];
	_ =	sdelay $0x1  }
0x1e6: {  	v33 =	vadd.s32 s21, v2;
	_ =	sdelay $0x2  }
0x1e7: {  	v32 =	vmul.f32 $5.656854150e+00, v32;
	_ =	sdelay $0x1  }
0x1e8: {  	[tilespmem:v33+s0+$0x0] =	vst.idx.msk $0xffff, v32  }
0x1e9: {  	v32 =	vld [tilespmem:s19+$0xFFFFFF30];
	_ =	sdelay $0x1  }
0x1ea: {  	v33 =	vadd.s32 s21, v3;
	_ =	sdelay $0x2  }
0x1eb: {  	v32 =	vmul.f32 $5.656854150e+00, v32;
	_ =	sdelay $0x1  }
0x1ec: {  	[tilespmem:v33+s0+$0x0] =	vst.idx.msk $0xffff, v32  }
0x1ed: {  	v32 =	vld [tilespmem:s19+$0xFFFFFF40];
	_ =	sdelay $0x1  }
0x1ee: {  	v33 =	vadd.s32 s21, v4;
	_ =	sdelay $0x2  }
0x1ef: {  	v32 =	vmul.f32 $5.656854150e+00, v32;
	_ =	sdelay $0x1  }
0x1f0: {  	[tilespmem:v33+s0+$0x0] =	vst.idx.msk $0xffff, v32  }
0x1f1: {  	v32 =	vld [tilespmem:s19+$0xFFFFFF50];
	_ =	sdelay $0x1  }
0x1f2: {  	v33 =	vadd.s32 s21, v5;
	_ =	sdelay $0x2  }
0x1f3: {  	v32 =	vmul.f32 $5.656854150e+00, v32;
	_ =	sdelay $0x1  }
0x1f4: {  	[tilespmem:v33+s0+$0x0] =	vst.idx.msk $0xffff, v32  }
0x1f5: {  	v32 =	vld [tilespmem:s19+$0xFFFFFF60];
	_ =	sdelay $0x1  }
0x1f6: {  	v33 =	vadd.s32 s21, v6;
	_ =	sdelay $0x2  }
0x1f7: {  	v32 =	vmul.f32 $5.656854150e+00, v32;
	_ =	sdelay $0x1  }
0x1f8: {  	[tilespmem:v33+s0+$0x0] =	vst.idx.msk $0xffff, v32  }
0x1f9: {  	v32 =	vld [tilespmem:s19+$0xFFFFFF70];
	_ =	sdelay $0x1  }
0x1fa: {  	v33 =	vadd.s32 s21, v7;
	_ =	sdelay $0x2  }
0x1fb: {  	v32 =	vmul.f32 $5.656854150e+00, v32;
	_ =	sdelay $0x1  }
0x1fc: {  	[tilespmem:v33+s0+$0x0] =	vst.idx.msk $0xffff, v32  }
0x1fd: {  	v32 =	vld [tilespmem:s19+$0xFFFFFF80];
	_ =	sdelay $0x1  }
0x1fe: {  	v33 =	vadd.s32 s21, v8;
	_ =	sdelay $0x2  }
0x1ff: {  	v32 =	vmul.f32 $5.656854150e+00, v32;
	_ =	sdelay $0x1  }
0x200: {  	[tilespmem:v33+s0+$0x0] =	vst.idx.msk $0xffff, v32  }
0x201: {  	v32 =	vld [tilespmem:s19+$0xFFFFFF90];
	_ =	sdelay $0x1  }
0x202: {  	v33 =	vadd.s32 s21, v9;
	_ =	sdelay $0x2  }
0x203: {  	v32 =	vmul.f32 $5.656854150e+00, v32;
	_ =	sdelay $0x1  }
0x204: {  	[tilespmem:v33+s0+$0x0] =	vst.idx.msk $0xffff, v32  }
0x205: {  	v32 =	vld [tilespmem:s19+$0xFFFFFFA0];
	_ =	sdelay $0x1  }
0x206: {  	v33 =	vadd.s32 s21, v10;
	_ =	sdelay $0x2  }
0x207: {  	v32 =	vmul.f32 $5.656854150e+00, v32;
	_ =	sdelay $0x1  }
0x208: {  	[tilespmem:v33+s0+$0x0] =	vst.idx.msk $0xffff, v32  }
0x209: {  	v32 =	vld [tilespmem:s19+$0xFFFFFFB0];
	_ =	sdelay $0x1  }
0x20a: {  	v33 =	vadd.s32 s21, v11;
	_ =	sdelay $0x2  }
0x20b: {  	v32 =	vmul.f32 $5.656854150e+00, v32;
	_ =	sdelay $0x1  }
0x20c: {  	[tilespmem:v33+s0+$0x0] =	vst.idx.msk $0xffff, v32  }
0x20d: {  	v32 =	vld [tilespmem:s19+$0xFFFFFFC0];
	_ =	sdelay $0x1  }
0x20e: {  	v33 =	vadd.s32 s21, v12;
	_ =	sdelay $0x2  }
0x20f: {  	v32 =	vmul.f32 $5.656854150e+00, v32;
	_ =	sdelay $0x1  }
0x210: {  	[tilespmem:v33+s0+$0x0] =	vst.idx.msk $0xffff, v32  }
0x211: {  	v32 =	vld [tilespmem:s19+$0xFFFFFFD0];
	_ =	sdelay $0x1  }
0x212: {  	v33 =	vadd.s32 s21, v13;
	_ =	sdelay $0x2  }
0x213: {  	v32 =	vmul.f32 $5.656854150e+00, v32;
	_ =	sdelay $0x1  }
0x214: {  	[tilespmem:v33+s0+$0x0] =	vst.idx.msk $0xffff, v32  }
0x215: {  	v32 =	vld [tilespmem:s19+$0xFFFFFFE0];
	_ =	sdelay $0x1  }
0x216: {  	v33 =	vadd.s32 s21, v14;
	_ =	sdelay $0x2  }
0x217: {  	v32 =	vmul.f32 $5.656854150e+00, v32;
	_ =	sdelay $0x1  }
0x218: {  	[tilespmem:v33+s0+$0x0] =	vst.idx.msk $0xffff, v32  }
0x219: {  	v32 =	vld [tilespmem:s19+$0xFFFFFFF0];
	_ =	sdelay $0x1  }
0x21a: {  	v33 =	vadd.s32 s21, v15;
	_ =	sdelay $0x2  }
0x21b: {  	v32 =	vmul.f32 $5.656854150e+00, v32;
	_ =	sdelay $0x1  }
0x21c: {  	[tilespmem:v33+s0+$0x0] =	vst.idx.msk $0xffff, v32  }
0x21d: {  	v32 =	vld [tilespmem:s19+$0x0];
	_ =	sdelay $0x1  }
0x21e: {  	v33 =	vadd.s32 s21, v16;
	_ =	sdelay $0x2  }
0x21f: {  	v32 =	vmul.f32 $5.656854150e+00, v32;
	_ =	sdelay $0x1  }
0x220: {  	[tilespmem:v33+s0+$0x0] =	vst.idx.msk $0xffff, v32  }
0x221: {  	v32 =	vld [tilespmem:s19+$0x10];
	_ =	sdelay $0x1  }
0x222: {  	v33 =	vadd.s32 s21, v17;
	_ =	sdelay $0x2  }
0x223: {  	v32 =	vmul.f32 $5.656854150e+00, v32;
	_ =	sdelay $0x1  }
0x224: {  	[tilespmem:v33+s0+$0x0] =	vst.idx.msk $0xffff, v32  }
0x225: {  	v32 =	vld [tilespmem:s19+$0x20];
	_ =	sdelay $0x1  }
0x226: {  	v33 =	vadd.s32 s21, v18;
	_ =	sdelay $0x2  }
0x227: {  	v32 =	vmul.f32 $5.656854150e+00, v32;
	_ =	sdelay $0x1  }
0x228: {  	[tilespmem:v33+s0+$0x0] =	vst.idx.msk $0xffff, v32  }
0x229: {  	v32 =	vld [tilespmem:s19+$0x30];
	_ =	sdelay $0x1  }
0x22a: {  	v33 =	vadd.s32 s21, v19;
	_ =	sdelay $0x2  }
0x22b: {  	v32 =	vmul.f32 $5.656854150e+00, v32;
	_ =	sdelay $0x1  }
0x22c: {  	[tilespmem:v33+s0+$0x0] =	vst.idx.msk $0xffff, v32  }
0x22d: {  	v32 =	vld [tilespmem:s19+$0x40];
	_ =	sdelay $0x1  }
0x22e: {  	v33 =	vadd.s32 s21, v20;
	_ =	sdelay $0x2  }
0x22f: {  	v32 =	vmul.f32 $5.656854150e+00, v32;
	_ =	sdelay $0x1  }
0x230: {  	[tilespmem:v33+s0+$0x0] =	vst.idx.msk $0xffff, v32  }
0x231: {  	v32 =	vld [tilespmem:s19+$0x50];
	_ =	sdelay $0x1  }
0x232: {  	v33 =	vadd.s32 s21, v21;
	_ =	sdelay $0x2  }
0x233: {  	v32 =	vmul.f32 $5.656854150e+00, v32;
	_ =	sdelay $0x1  }
0x234: {  	[tilespmem:v33+s0+$0x0] =	vst.idx.msk $0xffff, v32  }
0x235: {  	v32 =	vld [tilespmem:s19+$0x60];
	_ =	sdelay $0x1  }
0x236: {  	v33 =	vadd.s32 s21, v22;
	_ =	sdelay $0x2  }
0x237: {  	v32 =	vmul.f32 $5.656854150e+00, v32;
	_ =	sdelay $0x1  }
0x238: {  	[tilespmem:v33+s0+$0x0] =	vst.idx.msk $0xffff, v32  }
0x239: {  	v32 =	vld [tilespmem:s19+$0x70];
	_ =	sdelay $0x1  }
0x23a: {  	v33 =	vadd.s32 s21, v23;
	_ =	sdelay $0x2  }
0x23b: {  	v32 =	vmul.f32 $5.656854150e+00, v32;
	_ =	sdelay $0x1  }
0x23c: {  	[tilespmem:v33+s0+$0x0] =	vst.idx.msk $0xffff, v32  }
0x23d: {  	v32 =	vld [tilespmem:s19+$0x80];
	_ =	sdelay $0x1  }
0x23e: {  	v33 =	vadd.s32 s21, v24;
	_ =	sdelay $0x2  }
0x23f: {  	v32 =	vmul.f32 $5.656854150e+00, v32;
	_ =	sdelay $0x1  }
0x240: {  	[tilespmem:v33+s0+$0x0] =	vst.idx.msk $0xffff, v32  }
0x241: {  	v32 =	vld [tilespmem:s19+$0x90];
	_ =	sdelay $0x1  }
0x242: {  	v33 =	vadd.s32 s21, v25;
	_ =	sdelay $0x2  }
0x243: {  	v32 =	vmul.f32 $5.656854150e+00, v32;
	_ =	sdelay $0x1  }
0x244: {  	[tilespmem:v33+s0+$0x0] =	vst.idx.msk $0xffff, v32  }
0x245: {  	v32 =	vld [tilespmem:s19+$0xA0];
	_ =	sdelay $0x1  }
0x246: {  	v33 =	vadd.s32 s21, v26;
	_ =	sdelay $0x2  }
0x247: {  	v32 =	vmul.f32 $5.656854150e+00, v32;
	_ =	sdelay $0x1  }
0x248: {  	[tilespmem:v33+s0+$0x0] =	vst.idx.msk $0xffff, v32  }
0x249: {  	v32 =	vld [tilespmem:s19+$0xB0];
	_ =	sdelay $0x1  }
0x24a: {  	v33 =	vadd.s32 s21, v27;
	_ =	sdelay $0x2  }
0x24b: {  	v32 =	vmul.f32 $5.656854150e+00, v32;
	_ =	sdelay $0x1  }
0x24c: {  	[tilespmem:v33+s0+$0x0] =	vst.idx.msk $0xffff, v32  }
0x24d: {  	v32 =	vld [tilespmem:s19+$0xC0];
	_ =	sdelay $0x1  }
0x24e: {  	v33 =	vadd.s32 s21, v28;
	_ =	sdelay $0x2  }
0x24f: {  	v32 =	vmul.f32 $5.656854150e+00, v32;
	_ =	sdelay $0x1  }
0x250: {  	[tilespmem:v33+s0+$0x0] =	vst.idx.msk $0xffff, v32  }
0x251: {  	v32 =	vld [tilespmem:s19+$0xD0];
	_ =	sdelay $0x1  }
0x252: {  	v33 =	vadd.s32 s21, v29;
	_ =	sdelay $0x2  }
0x253: {  	v32 =	vmul.f32 $5.656854150e+00, v32;
	_ =	sdelay $0x1  }
0x254: {  	[tilespmem:v33+s0+$0x0] =	vst.idx.msk $0xffff, v32  }
0x255: {  	v32 =	vld [tilespmem:s19+$0xE0];
	_ =	sdelay $0x1  }
0x256: {  	v33 =	vadd.s32 s21, v30;
	_ =	sdelay $0x2  }
0x257: {  	v32 =	vmul.f32 $5.656854150e+00, v32;
	_ =	sdelay $0x1  }
0x258: {  	[tilespmem:v33+s0+$0x0] =	vst.idx.msk $0xffff, v32  }
0x259: {  	v33 =	vld [tilespmem:s19+$0xF0]  }
.Ltmp4:
0x25a: {  	(pc) =	sbr.rel @p0 .LBB2_7-.Ltmp4, $2  }
0x25b: {  	v32 =	vadd.s32 s21, v31;
	_ =	sdelay $0x2  }
0x25c: {  	v33 =	vmul.f32 $5.656854150e+00, v33  }
0x25d: {  	s19 =	sadd.s32 s11, s7  }
0x25e: {  	s20 =	sshll.u32 s19, $0x5  }
0x25f: {  	s19 =	sshll.u32 s19, $0xA;
	s20 =	sand.u32 $0x7E0, s20  }
0x260: {  	s19 =	sand.u32 $0xFFF0000, s19;
	s20 =	sadd.s32 s5, s20  }
0x261: {  	s23 =	simm.s32 $0x12500;
	[tilespmem:v32+s0+$0x0] =	vst.idx.msk $0xffff, v33;
	s19 =	sadd.s32 s19, s20;
	s20 =	simm.s32 $0x420  }
0x262: {  	[hbm4b:s19+s2] =	stream.linear.scatter [tilespmem:s23], [sflag:$0x7], $0x100, $0x38;
	[tilespmem:$0x1A900] =	vst v63  }
.LBB2_9:
0x263: {  	p0 =	sne.s32 s20, $0x7FE0  }
.Ltmp5:
0x264: {  	_ = 	snop;
	(pc) =	sbr.rel @p0 .LBB2_9-.Ltmp5, $4  }
0x265: {  	_ = 	snop  }
0x266: {  	s21 =	sshra.s32 s20, $0x2;
	s20 =	sadd.s32 $0x420, s20  }
0x267: {  	s19 =	sadd.s32 $0x800, s19;
	s21 =	sadd.s32 $0x12500, s21  }
0x268: {  	[hbm4b:s19+s2] =	stream.linear.scatter [tilespmem:s21], [sflag:$0x7], $0x100, $0x38;
	[tilespmem:$0x1A900] =	vst v63  }
0x269: {  	p0 =	seq.s32 s6, $0x13  }
0x26a: {  	s19 =	simm.s32 @!p0 $0x6  }
0x26b: {  	s20 =	smul.u32 @!p0 $0x1400, s6;
	_ =	swait.ge @!p0 [sflag:s19], $0x2000  }
0x26c: {  	[sflag:s19] =	ssyncset.done @!p0 $0x0  }
0x26d: {  	[sflag:s19] =	ssyncadd.s32 @!p0 $0xFFFFE000;
	s19 =	sshra.s32 @!p0 s20, $0x2  }
0x26e: {  	s21 =	simm.s32 @!p0 $0x80;
	s23 =	simm.s32 @!p0 $0x6400;
	s20 =	sadd.s32 @!p0 $0x500, s19  }
0x26f: {  	[tilespmem:s23], [sflag:$0x1] =	stream.indirect.gather @!p0 [hbm4b:s4+s21], $0x20, s20, s21, $0xb8;
	[tilespmem:$0x1A900] =	vst v63  }
0x270: {  	s20 =	sadd.s32 @!p0 $0x580, s19;
	s23 =	simm.s32 @!p0 $0x7400  }
0x271: {  	[tilespmem:s23], [sflag:$0x1] =	stream.indirect.gather @!p0 [hbm4b:s4+s21], $0x20, s20, s21, $0xb8;
	[tilespmem:$0x1A900] =	vst v63  }
0x272: {  	_ =	swait.ge [sflag:s13], $0x1000  }
0x273: {  	[sflag:s13] =	ssyncset.done $0x0  }
0x274: {  	[sflag:s13] =	ssyncadd.s32 $0xFFFFF000  }
0x275: {  	_ =	swait.ge [sflag:s13], $0x1000  }
0x276: {  	[sflag:s13] =	ssyncset.done $0x0  }
0x277: {  	s20 =	simm.s32 $0xA500;
	[sflag:s13] =	ssyncadd.s32 $0xFFFFF000  }
0x278: {  	v32 =	vld [tilespmem:s20+$0xFFFFFF00]  }
0x279: {  	s23 =	simm.s32 $0x0  }
0x27a: {  	v33 =	vadd.s32 s23, v0;
	_ =	sdelay $0x2  }
0x27b: {  	v32 =	vmul.f32 $5.656854150e+00, v32;
	_ =	sdelay $0x1  }
0x27c: {  	[tilespmem:v33+s14+$0x0] =	vst.idx.msk $0xffff, v32  }
0x27d: {  	v32 =	vld [tilespmem:s20+$0xFFFFFF10];
	_ =	sdelay $0x1  }
0x27e: {  	v62 =	vadd.s32 s23, v1;
	_ =	sdelay $0x2  }
0x27f: {  	v32 =	vmul.f32 $5.656854150e+00, v32;
	_ =	sdelay $0x1  }
0x280: {  	[tilespmem:v62+s14+$0x0] =	vst.idx.msk $0xffff, v32  }
0x281: {  	v32 =	vld [tilespmem:s20+$0xFFFFFF20];
	_ =	sdelay $0x1  }
0x282: {  	v63 =	vadd.s32 s23, v2;
	_ =	sdelay $0x2  }
0x283: {  	v32 =	vmul.f32 $5.656854150e+00, v32;
	_ =	sdelay $0x1  }
0x284: {  	[tilespmem:v63+s14+$0x0] =	vst.idx.msk $0xffff, v32  }
0x285: {  	v32 =	vld [tilespmem:s20+$0xFFFFFF30];
	_ =	sdelay $0x1  }
0x286: {  	v36 =	vadd.s32 s23, v3;
	_ =	sdelay $0x2  }
0x287: {  	v32 =	vmul.f32 $5.656854150e+00, v32;
	_ =	sdelay $0x1  }
0x288: {  	[tilespmem:v36+s14+$0x0] =	vst.idx.msk $0xffff, v32  }
0x289: {  	v32 =	vld [tilespmem:s20+$0xFFFFFF40];
	_ =	sdelay $0x1  }
0x28a: {  	v37 =	vadd.s32 s23, v4;
	_ =	sdelay $0x2  }
0x28b: {  	v32 =	vmul.f32 $5.656854150e+00, v32;
	_ =	sdelay $0x1  }
0x28c: {  	[tilespmem:v37+s14+$0x0] =	vst.idx.msk $0xffff, v32  }
0x28d: {  	v32 =	vld [tilespmem:s20+$0xFFFFFF50];
	_ =	sdelay $0x1  }
0x28e: {  	v38 =	vadd.s32 s23, v5;
	_ =	sdelay $0x2  }
0x28f: {  	v32 =	vmul.f32 $5.656854150e+00, v32;
	_ =	sdelay $0x1  }
0x290: {  	[tilespmem:v38+s14+$0x0] =	vst.idx.msk $0xffff, v32  }
0x291: {  	v32 =	vld [tilespmem:s20+$0xFFFFFF60];
	_ =	sdelay $0x1  }
0x292: {  	v39 =	vadd.s32 s23, v6;
	_ =	sdelay $0x2  }
0x293: {  	v32 =	vmul.f32 $5.656854150e+00, v32;
	_ =	sdelay $0x1  }
0x294: {  	[tilespmem:v39+s14+$0x0] =	vst.idx.msk $0xffff, v32  }
0x295: {  	v32 =	vld [tilespmem:s20+$0xFFFFFF70];
	_ =	sdelay $0x1  }
0x296: {  	v40 =	vadd.s32 s23, v7;
	_ =	sdelay $0x2  }
0x297: {  	v32 =	vmul.f32 $5.656854150e+00, v32;
	_ =	sdelay $0x1  }
0x298: {  	[tilespmem:v40+s14+$0x0] =	vst.idx.msk $0xffff, v32  }
0x299: {  	v32 =	vld [tilespmem:s20+$0xFFFFFF80];
	_ =	sdelay $0x1  }
0x29a: {  	v41 =	vadd.s32 s23, v8;
	_ =	sdelay $0x2  }
0x29b: {  	v32 =	vmul.f32 $5.656854150e+00, v32;
	_ =	sdelay $0x1  }
0x29c: {  	[tilespmem:v41+s14+$0x0] =	vst.idx.msk $0xffff, v32  }
0x29d: {  	v32 =	vld [tilespmem:s20+$0xFFFFFF90];
	_ =	sdelay $0x1  }
0x29e: {  	v42 =	vadd.s32 s23, v9;
	_ =	sdelay $0x2  }
0x29f: {  	v32 =	vmul.f32 $5.656854150e+00, v32;
	_ =	sdelay $0x1  }
0x2a0: {  	[tilespmem:v42+s14+$0x0] =	vst.idx.msk $0xffff, v32  }
0x2a1: {  	v32 =	vld [tilespmem:s20+$0xFFFFFFA0];
	_ =	sdelay $0x1  }
0x2a2: {  	v43 =	vadd.s32 s23, v10;
	_ =	sdelay $0x2  }
0x2a3: {  	v32 =	vmul.f32 $5.656854150e+00, v32;
	_ =	sdelay $0x1  }
0x2a4: {  	[tilespmem:v43+s14+$0x0] =	vst.idx.msk $0xffff, v32  }
0x2a5: {  	v32 =	vld [tilespmem:s20+$0xFFFFFFB0];
	_ =	sdelay $0x1  }
0x2a6: {  	v44 =	vadd.s32 s23, v11;
	_ =	sdelay $0x2  }
0x2a7: {  	v32 =	vmul.f32 $5.656854150e+00, v32;
	_ =	sdelay $0x1  }
0x2a8: {  	[tilespmem:v44+s14+$0x0] =	vst.idx.msk $0xffff, v32  }
0x2a9: {  	v32 =	vld [tilespmem:s20+$0xFFFFFFC0];
	_ =	sdelay $0x1  }
0x2aa: {  	v45 =	vadd.s32 s23, v12;
	_ =	sdelay $0x2  }
0x2ab: {  	v32 =	vmul.f32 $5.656854150e+00, v32;
	_ =	sdelay $0x1  }
0x2ac: {  	[tilespmem:v45+s14+$0x0] =	vst.idx.msk $0xffff, v32  }
0x2ad: {  	v32 =	vld [tilespmem:s20+$0xFFFFFFD0];
	_ =	sdelay $0x1  }
0x2ae: {  	v46 =	vadd.s32 s23, v13;
	_ =	sdelay $0x2  }
0x2af: {  	v32 =	vmul.f32 $5.656854150e+00, v32;
	_ =	sdelay $0x1  }
0x2b0: {  	[tilespmem:v46+s14+$0x0] =	vst.idx.msk $0xffff, v32  }
0x2b1: {  	v32 =	vld [tilespmem:s20+$0xFFFFFFE0];
	_ =	sdelay $0x1  }
0x2b2: {  	v47 =	vadd.s32 s23, v14;
	_ =	sdelay $0x2  }
0x2b3: {  	v32 =	vmul.f32 $5.656854150e+00, v32;
	_ =	sdelay $0x1  }
0x2b4: {  	[tilespmem:v47+s14+$0x0] =	vst.idx.msk $0xffff, v32  }
0x2b5: {  	v32 =	vld [tilespmem:s20+$0xFFFFFFF0];
	_ =	sdelay $0x1  }
0x2b6: {  	v48 =	vadd.s32 s23, v15;
	_ =	sdelay $0x2  }
0x2b7: {  	v32 =	vmul.f32 $5.656854150e+00, v32;
	_ =	sdelay $0x1  }
0x2b8: {  	[tilespmem:v48+s14+$0x0] =	vst.idx.msk $0xffff, v32  }
0x2b9: {  	v32 =	vld [tilespmem:s20+$0x0];
	_ =	sdelay $0x1  }
0x2ba: {  	v49 =	vadd.s32 s23, v16;
	_ =	sdelay $0x2  }
0x2bb: {  	v32 =	vmul.f32 $5.656854150e+00, v32;
	_ =	sdelay $0x1  }
0x2bc: {  	[tilespmem:v49+s14+$0x0] =	vst.idx.msk $0xffff, v32  }
0x2bd: {  	v32 =	vld [tilespmem:s20+$0x10];
	_ =	sdelay $0x1  }
0x2be: {  	v50 =	vadd.s32 s23, v17;
	_ =	sdelay $0x2  }
0x2bf: {  	v32 =	vmul.f32 $5.656854150e+00, v32;
	_ =	sdelay $0x1  }
0x2c0: {  	[tilespmem:v50+s14+$0x0] =	vst.idx.msk $0xffff, v32  }
0x2c1: {  	v32 =	vld [tilespmem:s20+$0x20];
	_ =	sdelay $0x1  }
0x2c2: {  	v51 =	vadd.s32 s23, v18;
	_ =	sdelay $0x2  }
0x2c3: {  	v32 =	vmul.f32 $5.656854150e+00, v32;
	_ =	sdelay $0x1  }
0x2c4: {  	[tilespmem:v51+s14+$0x0] =	vst.idx.msk $0xffff, v32  }
0x2c5: {  	v32 =	vld [tilespmem:s20+$0x30];
	_ =	sdelay $0x1  }
0x2c6: {  	v52 =	vadd.s32 s23, v19;
	_ =	sdelay $0x2  }
0x2c7: {  	v32 =	vmul.f32 $5.656854150e+00, v32;
	_ =	sdelay $0x1  }
0x2c8: {  	[tilespmem:v52+s14+$0x0] =	vst.idx.msk $0xffff, v32  }
0x2c9: {  	v32 =	vld [tilespmem:s20+$0x40];
	_ =	sdelay $0x1  }
0x2ca: {  	v53 =	vadd.s32 s23, v20;
	_ =	sdelay $0x2  }
0x2cb: {  	v32 =	vmul.f32 $5.656854150e+00, v32;
	_ =	sdelay $0x1  }
0x2cc: {  	[tilespmem:v53+s14+$0x0] =	vst.idx.msk $0xffff, v32  }
0x2cd: {  	v32 =	vld [tilespmem:s20+$0x50];
	_ =	sdelay $0x1  }
0x2ce: {  	v54 =	vadd.s32 s23, v21;
	_ =	sdelay $0x2  }
0x2cf: {  	v32 =	vmul.f32 $5.656854150e+00, v32;
	_ =	sdelay $0x1  }
0x2d0: {  	[tilespmem:v54+s14+$0x0] =	vst.idx.msk $0xffff, v32  }
0x2d1: {  	v32 =	vld [tilespmem:s20+$0x60];
	_ =	sdelay $0x1  }
0x2d2: {  	v55 =	vadd.s32 s23, v22;
	_ =	sdelay $0x2  }
0x2d3: {  	v32 =	vmul.f32 $5.656854150e+00, v32;
	_ =	sdelay $0x1  }
0x2d4: {  	[tilespmem:v55+s14+$0x0] =	vst.idx.msk $0xffff, v32  }
0x2d5: {  	v32 =	vld [tilespmem:s20+$0x70];
	_ =	sdelay $0x1  }
0x2d6: {  	v56 =	vadd.s32 s23, v23;
	_ =	sdelay $0x2  }
0x2d7: {  	v32 =	vmul.f32 $5.656854150e+00, v32;
	_ =	sdelay $0x1  }
0x2d8: {  	[tilespmem:v56+s14+$0x0] =	vst.idx.msk $0xffff, v32  }
0x2d9: {  	v32 =	vld [tilespmem:s20+$0x80];
	_ =	sdelay $0x1  }
0x2da: {  	v57 =	vadd.s32 s23, v24;
	_ =	sdelay $0x2  }
0x2db: {  	v32 =	vmul.f32 $5.656854150e+00, v32;
	_ =	sdelay $0x1  }
0x2dc: {  	[tilespmem:v57+s14+$0x0] =	vst.idx.msk $0xffff, v32  }
0x2dd: {  	v32 =	vld [tilespmem:s20+$0x90];
	_ =	sdelay $0x1  }
0x2de: {  	v58 =	vadd.s32 s23, v25;
	_ =	sdelay $0x2  }
0x2df: {  	v32 =	vmul.f32 $5.656854150e+00, v32;
	_ =	sdelay $0x1  }
0x2e0: {  	[tilespmem:v58+s14+$0x0] =	vst.idx.msk $0xffff, v32  }
0x2e1: {  	v32 =	vld [tilespmem:s20+$0xA0];
	_ =	sdelay $0x1  }
0x2e2: {  	v59 =	vadd.s32 s23, v26;
	_ =	sdelay $0x2  }
0x2e3: {  	v32 =	vmul.f32 $5.656854150e+00, v32;
	_ =	sdelay $0x1  }
0x2e4: {  	[tilespmem:v59+s14+$0x0] =	vst.idx.msk $0xffff, v32  }
0x2e5: {  	v32 =	vld [tilespmem:s20+$0xB0];
	_ =	sdelay $0x1  }
0x2e6: {  	v60 =	vadd.s32 s23, v27;
	_ =	sdelay $0x2  }
0x2e7: {  	v32 =	vmul.f32 $5.656854150e+00, v32;
	_ =	sdelay $0x1  }
0x2e8: {  	[tilespmem:v60+s14+$0x0] =	vst.idx.msk $0xffff, v32  }
0x2e9: {  	v32 =	vld [tilespmem:s20+$0xC0];
	_ =	sdelay $0x1  }
0x2ea: {  	v61 =	vadd.s32 s23, v28;
	_ =	sdelay $0x2  }
0x2eb: {  	v32 =	vmul.f32 $5.656854150e+00, v32;
	_ =	sdelay $0x1  }
0x2ec: {  	[tilespmem:v61+s14+$0x0] =	vst.idx.msk $0xffff, v32  }
0x2ed: {  	v32 =	vld [tilespmem:s20+$0xD0];
	_ =	sdelay $0x1  }
0x2ee: {  	v62 =	vadd.s32 s23, v29;
	_ =	sdelay $0x2  }
0x2ef: {  	v32 =	vmul.f32 $5.656854150e+00, v32;
	_ =	sdelay $0x1  }
0x2f0: {  	[tilespmem:v62+s14+$0x0] =	vst.idx.msk $0xffff, v32  }
0x2f1: {  	v32 =	vld [tilespmem:s20+$0xE0];
	_ =	sdelay $0x1  }
0x2f2: {  	v63 =	vadd.s32 s23, v30;
	_ =	sdelay $0x2  }
0x2f3: {  	v32 =	vmul.f32 $5.656854150e+00, v32;
	_ =	sdelay $0x1  }
0x2f4: {  	[tilespmem:v63+s14+$0x0] =	vst.idx.msk $0xffff, v32  }
0x2f5: {  	v33 =	vld [tilespmem:s20+$0xF0];
	_ =	sdelay $0x1  }
0x2f6: {  	v32 =	vadd.s32 s23, v31;
	_ =	sdelay $0x2  }
0x2f7: {  	s21 =	simm.s32 $0x10;
	v33 =	vmul.f32 $5.656854150e+00, v33  }
.LBB2_11:
0x2f8: {  	p1 =	sne.s32 s21, $0xF0  }
0x2f9: {  	s20 =	sadd.s32 $0x200, s20;
	s23 =	smov.u32 s21;
	s21 =	sadd.s32 $0x10, s21;
	[tilespmem:v32+s14+$0x0] =	vst.idx.msk $0xffff, v33  }
0x2fa: {  	v32 =	vld [tilespmem:s20+$0xFFFFFF00];
	_ =	sdelay $0x1  }
0x2fb: {  	v33 =	vadd.s32 s23, v0;
	_ =	sdelay $0x2  }
0x2fc: {  	v32 =	vmul.f32 $5.656854150e+00, v32;
	_ =	sdelay $0x1  }
0x2fd: {  	[tilespmem:v33+s14+$0x0] =	vst.idx.msk $0xffff, v32  }
0x2fe: {  	v32 =	vld [tilespmem:s20+$0xFFFFFF10];
	_ =	sdelay $0x1  }
0x2ff: {  	v33 =	vadd.s32 s23, v1;
	_ =	sdelay $0x2  }
0x300: {  	v32 =	vmul.f32 $5.656854150e+00, v32;
	_ =	sdelay $0x1  }
0x301: {  	[tilespmem:v33+s14+$0x0] =	vst.idx.msk $0xffff, v32  }
0x302: {  	v32 =	vld [tilespmem:s20+$0xFFFFFF20];
	_ =	sdelay $0x1  }
0x303: {  	v33 =	vadd.s32 s23, v2;
	_ =	sdelay $0x2  }
0x304: {  	v32 =	vmul.f32 $5.656854150e+00, v32;
	_ =	sdelay $0x1  }
0x305: {  	[tilespmem:v33+s14+$0x0] =	vst.idx.msk $0xffff, v32  }
0x306: {  	v32 =	vld [tilespmem:s20+$0xFFFFFF30];
	_ =	sdelay $0x1  }
0x307: {  	v33 =	vadd.s32 s23, v3;
	_ =	sdelay $0x2  }
0x308: {  	v32 =	vmul.f32 $5.656854150e+00, v32;
	_ =	sdelay $0x1  }
0x309: {  	[tilespmem:v33+s14+$0x0] =	vst.idx.msk $0xffff, v32  }
0x30a: {  	v32 =	vld [tilespmem:s20+$0xFFFFFF40];
	_ =	sdelay $0x1  }
0x30b: {  	v33 =	vadd.s32 s23, v4;
	_ =	sdelay $0x2  }
0x30c: {  	v32 =	vmul.f32 $5.656854150e+00, v32;
	_ =	sdelay $0x1  }
0x30d: {  	[tilespmem:v33+s14+$0x0] =	vst.idx.msk $0xffff, v32  }
0x30e: {  	v32 =	vld [tilespmem:s20+$0xFFFFFF50];
	_ =	sdelay $0x1  }
0x30f: {  	v33 =	vadd.s32 s23, v5;
	_ =	sdelay $0x2  }
0x310: {  	v32 =	vmul.f32 $5.656854150e+00, v32;
	_ =	sdelay $0x1  }
0x311: {  	[tilespmem:v33+s14+$0x0] =	vst.idx.msk $0xffff, v32  }
0x312: {  	v32 =	vld [tilespmem:s20+$0xFFFFFF60];
	_ =	sdelay $0x1  }
0x313: {  	v33 =	vadd.s32 s23, v6;
	_ =	sdelay $0x2  }
0x314: {  	v32 =	vmul.f32 $5.656854150e+00, v32;
	_ =	sdelay $0x1  }
0x315: {  	[tilespmem:v33+s14+$0x0] =	vst.idx.msk $0xffff, v32  }
0x316: {  	v32 =	vld [tilespmem:s20+$0xFFFFFF70];
	_ =	sdelay $0x1  }
0x317: {  	v33 =	vadd.s32 s23, v7;
	_ =	sdelay $0x2  }
0x318: {  	v32 =	vmul.f32 $5.656854150e+00, v32;
	_ =	sdelay $0x1  }
0x319: {  	[tilespmem:v33+s14+$0x0] =	vst.idx.msk $0xffff, v32  }
0x31a: {  	v32 =	vld [tilespmem:s20+$0xFFFFFF80];
	_ =	sdelay $0x1  }
0x31b: {  	v33 =	vadd.s32 s23, v8;
	_ =	sdelay $0x2  }
0x31c: {  	v32 =	vmul.f32 $5.656854150e+00, v32;
	_ =	sdelay $0x1  }
0x31d: {  	[tilespmem:v33+s14+$0x0] =	vst.idx.msk $0xffff, v32  }
0x31e: {  	v32 =	vld [tilespmem:s20+$0xFFFFFF90];
	_ =	sdelay $0x1  }
0x31f: {  	v33 =	vadd.s32 s23, v9;
	_ =	sdelay $0x2  }
0x320: {  	v32 =	vmul.f32 $5.656854150e+00, v32;
	_ =	sdelay $0x1  }
0x321: {  	[tilespmem:v33+s14+$0x0] =	vst.idx.msk $0xffff, v32  }
0x322: {  	v32 =	vld [tilespmem:s20+$0xFFFFFFA0];
	_ =	sdelay $0x1  }
0x323: {  	v33 =	vadd.s32 s23, v10;
	_ =	sdelay $0x2  }
0x324: {  	v32 =	vmul.f32 $5.656854150e+00, v32;
	_ =	sdelay $0x1  }
0x325: {  	[tilespmem:v33+s14+$0x0] =	vst.idx.msk $0xffff, v32  }
0x326: {  	v32 =	vld [tilespmem:s20+$0xFFFFFFB0];
	_ =	sdelay $0x1  }
0x327: {  	v33 =	vadd.s32 s23, v11;
	_ =	sdelay $0x2  }
0x328: {  	v32 =	vmul.f32 $5.656854150e+00, v32;
	_ =	sdelay $0x1  }
0x329: {  	[tilespmem:v33+s14+$0x0] =	vst.idx.msk $0xffff, v32  }
0x32a: {  	v32 =	vld [tilespmem:s20+$0xFFFFFFC0];
	_ =	sdelay $0x1  }
0x32b: {  	v33 =	vadd.s32 s23, v12;
	_ =	sdelay $0x2  }
0x32c: {  	v32 =	vmul.f32 $5.656854150e+00, v32;
	_ =	sdelay $0x1  }
0x32d: {  	[tilespmem:v33+s14+$0x0] =	vst.idx.msk $0xffff, v32  }
0x32e: {  	v32 =	vld [tilespmem:s20+$0xFFFFFFD0];
	_ =	sdelay $0x1  }
0x32f: {  	v33 =	vadd.s32 s23, v13;
	_ =	sdelay $0x2  }
0x330: {  	v32 =	vmul.f32 $5.656854150e+00, v32;
	_ =	sdelay $0x1  }
0x331: {  	[tilespmem:v33+s14+$0x0] =	vst.idx.msk $0xffff, v32  }
0x332: {  	v32 =	vld [tilespmem:s20+$0xFFFFFFE0];
	_ =	sdelay $0x1  }
0x333: {  	v33 =	vadd.s32 s23, v14;
	_ =	sdelay $0x2  }
0x334: {  	v32 =	vmul.f32 $5.656854150e+00, v32;
	_ =	sdelay $0x1  }
0x335: {  	[tilespmem:v33+s14+$0x0] =	vst.idx.msk $0xffff, v32  }
0x336: {  	v32 =	vld [tilespmem:s20+$0xFFFFFFF0];
	_ =	sdelay $0x1  }
0x337: {  	v33 =	vadd.s32 s23, v15;
	_ =	sdelay $0x2  }
0x338: {  	v32 =	vmul.f32 $5.656854150e+00, v32;
	_ =	sdelay $0x1  }
0x339: {  	[tilespmem:v33+s14+$0x0] =	vst.idx.msk $0xffff, v32  }
0x33a: {  	v32 =	vld [tilespmem:s20+$0x0];
	_ =	sdelay $0x1  }
0x33b: {  	v33 =	vadd.s32 s23, v16;
	_ =	sdelay $0x2  }
0x33c: {  	v32 =	vmul.f32 $5.656854150e+00, v32;
	_ =	sdelay $0x1  }
0x33d: {  	[tilespmem:v33+s14+$0x0] =	vst.idx.msk $0xffff, v32  }
0x33e: {  	v32 =	vld [tilespmem:s20+$0x10];
	_ =	sdelay $0x1  }
0x33f: {  	v33 =	vadd.s32 s23, v17;
	_ =	sdelay $0x2  }
0x340: {  	v32 =	vmul.f32 $5.656854150e+00, v32;
	_ =	sdelay $0x1  }
0x341: {  	[tilespmem:v33+s14+$0x0] =	vst.idx.msk $0xffff, v32  }
0x342: {  	v32 =	vld [tilespmem:s20+$0x20];
	_ =	sdelay $0x1  }
0x343: {  	v33 =	vadd.s32 s23, v18;
	_ =	sdelay $0x2  }
0x344: {  	v32 =	vmul.f32 $5.656854150e+00, v32;
	_ =	sdelay $0x1  }
0x345: {  	[tilespmem:v33+s14+$0x0] =	vst.idx.msk $0xffff, v32  }
0x346: {  	v32 =	vld [tilespmem:s20+$0x30];
	_ =	sdelay $0x1  }
0x347: {  	v33 =	vadd.s32 s23, v19;
	_ =	sdelay $0x2  }
0x348: {  	v32 =	vmul.f32 $5.656854150e+00, v32;
	_ =	sdelay $0x1  }
0x349: {  	[tilespmem:v33+s14+$0x0] =	vst.idx.msk $0xffff, v32  }
0x34a: {  	v32 =	vld [tilespmem:s20+$0x40];
	_ =	sdelay $0x1  }
0x34b: {  	v33 =	vadd.s32 s23, v20;
	_ =	sdelay $0x2  }
0x34c: {  	v32 =	vmul.f32 $5.656854150e+00, v32;
	_ =	sdelay $0x1  }
0x34d: {  	[tilespmem:v33+s14+$0x0] =	vst.idx.msk $0xffff, v32  }
0x34e: {  	v32 =	vld [tilespmem:s20+$0x50];
	_ =	sdelay $0x1  }
0x34f: {  	v33 =	vadd.s32 s23, v21;
	_ =	sdelay $0x2  }
0x350: {  	v32 =	vmul.f32 $5.656854150e+00, v32;
	_ =	sdelay $0x1  }
0x351: {  	[tilespmem:v33+s14+$0x0] =	vst.idx.msk $0xffff, v32  }
0x352: {  	v32 =	vld [tilespmem:s20+$0x60];
	_ =	sdelay $0x1  }
0x353: {  	v33 =	vadd.s32 s23, v22;
	_ =	sdelay $0x2  }
0x354: {  	v32 =	vmul.f32 $5.656854150e+00, v32;
	_ =	sdelay $0x1  }
0x355: {  	[tilespmem:v33+s14+$0x0] =	vst.idx.msk $0xffff, v32  }
0x356: {  	v32 =	vld [tilespmem:s20+$0x70];
	_ =	sdelay $0x1  }
0x357: {  	v33 =	vadd.s32 s23, v23;
	_ =	sdelay $0x2  }
0x358: {  	v32 =	vmul.f32 $5.656854150e+00, v32;
	_ =	sdelay $0x1  }
0x359: {  	[tilespmem:v33+s14+$0x0] =	vst.idx.msk $0xffff, v32  }
0x35a: {  	v32 =	vld [tilespmem:s20+$0x80];
	_ =	sdelay $0x1  }
0x35b: {  	v33 =	vadd.s32 s23, v24;
	_ =	sdelay $0x2  }
0x35c: {  	v32 =	vmul.f32 $5.656854150e+00, v32;
	_ =	sdelay $0x1  }
0x35d: {  	[tilespmem:v33+s14+$0x0] =	vst.idx.msk $0xffff, v32  }
0x35e: {  	v32 =	vld [tilespmem:s20+$0x90];
	_ =	sdelay $0x1  }
0x35f: {  	v33 =	vadd.s32 s23, v25;
	_ =	sdelay $0x2  }
0x360: {  	v32 =	vmul.f32 $5.656854150e+00, v32;
	_ =	sdelay $0x1  }
0x361: {  	[tilespmem:v33+s14+$0x0] =	vst.idx.msk $0xffff, v32  }
0x362: {  	v32 =	vld [tilespmem:s20+$0xA0];
	_ =	sdelay $0x1  }
0x363: {  	v33 =	vadd.s32 s23, v26;
	_ =	sdelay $0x2  }
0x364: {  	v32 =	vmul.f32 $5.656854150e+00, v32;
	_ =	sdelay $0x1  }
0x365: {  	[tilespmem:v33+s14+$0x0] =	vst.idx.msk $0xffff, v32  }
0x366: {  	v32 =	vld [tilespmem:s20+$0xB0];
	_ =	sdelay $0x1  }
0x367: {  	v33 =	vadd.s32 s23, v27;
	_ =	sdelay $0x2  }
0x368: {  	v32 =	vmul.f32 $5.656854150e+00, v32;
	_ =	sdelay $0x1  }
0x369: {  	[tilespmem:v33+s14+$0x0] =	vst.idx.msk $0xffff, v32  }
0x36a: {  	v32 =	vld [tilespmem:s20+$0xC0];
	_ =	sdelay $0x1  }
0x36b: {  	v33 =	vadd.s32 s23, v28;
	_ =	sdelay $0x2  }
0x36c: {  	v32 =	vmul.f32 $5.656854150e+00, v32;
	_ =	sdelay $0x1  }
0x36d: {  	[tilespmem:v33+s14+$0x0] =	vst.idx.msk $0xffff, v32  }
0x36e: {  	v32 =	vld [tilespmem:s20+$0xD0];
	_ =	sdelay $0x1  }
0x36f: {  	v33 =	vadd.s32 s23, v29;
	_ =	sdelay $0x2  }
0x370: {  	v32 =	vmul.f32 $5.656854150e+00, v32;
	_ =	sdelay $0x1  }
0x371: {  	[tilespmem:v33+s14+$0x0] =	vst.idx.msk $0xffff, v32  }
0x372: {  	v32 =	vld [tilespmem:s20+$0xE0];
	_ =	sdelay $0x1  }
0x373: {  	v33 =	vadd.s32 s23, v30;
	_ =	sdelay $0x2  }
0x374: {  	v32 =	vmul.f32 $5.656854150e+00, v32;
	_ =	sdelay $0x1  }
0x375: {  	[tilespmem:v33+s14+$0x0] =	vst.idx.msk $0xffff, v32  }
0x376: {  	v33 =	vld [tilespmem:s20+$0xF0]  }
.Ltmp6:
0x377: {  	(pc) =	sbr.rel @p1 .LBB2_11-.Ltmp6, $2  }
0x378: {  	v32 =	vadd.s32 s23, v31;
	_ =	sdelay $0x2  }
0x379: {  	v33 =	vmul.f32 $5.656854150e+00, v33  }
0x37a: {  	s20 =	sadd.s32 s11, s8  }
0x37b: {  	s21 =	sshll.u32 s20, $0x5  }
0x37c: {  	s20 =	sshll.u32 s20, $0xA;
	s21 =	sand.u32 $0x7E0, s21  }
0x37d: {  	s20 =	sand.u32 $0xFFF0000, s20;
	s21 =	sadd.s32 s5, s21  }
0x37e: {  	s23 =	simm.s32 $0x14600;
	[tilespmem:v32+s14+$0x0] =	vst.idx.msk $0xffff, v33;
	s20 =	sadd.s32 s20, s21;
	s21 =	simm.s32 $0x420  }
0x37f: {  	[hbm4b:s20+s2] =	stream.linear.scatter [tilespmem:s23], [sflag:$0x8], $0x100, $0x38;
	[tilespmem:$0x1A900] =	vst v63  }
.LBB2_13:
0x380: {  	p1 =	sne.s32 s21, $0x7FE0  }
.Ltmp7:
0x381: {  	_ = 	snop;
	(pc) =	sbr.rel @p1 .LBB2_13-.Ltmp7, $4  }
0x382: {  	_ = 	snop  }
0x383: {  	s23 =	sshra.s32 s21, $0x2;
	s21 =	sadd.s32 $0x420, s21  }
0x384: {  	s20 =	sadd.s32 $0x800, s20;
	s23 =	sadd.s32 $0x14600, s23  }
0x385: {  	[hbm4b:s20+s2] =	stream.linear.scatter [tilespmem:s23], [sflag:$0x8], $0x100, $0x38;
	[tilespmem:$0x1A900] =	vst v63  }
0x386: {  	s20 =	simm.s32 @!p0 $0x7  }
0x387: {  	_ =	swait.ge @!p0 [sflag:s20], $0x2000  }
0x388: {  	s21 =	simm.s32 @!p0 $0x80;
	[sflag:s20] =	ssyncset.done @!p0 $0x0  }
0x389: {  	s23 =	simm.s32 @!p0 $0x8400;
	[sflag:s20] =	ssyncadd.s32 @!p0 $0xFFFFE000;
	s20 =	sadd.s32 @!p0 $0x600, s19  }
0x38a: {  	[tilespmem:s23], [sflag:$0x2] =	stream.indirect.gather @!p0 [hbm4b:s4+s21], $0x20, s20, s21, $0xb8;
	[tilespmem:$0x1A900] =	vst v63  }
0x38b: {  	s20 =	sadd.s32 @!p0 $0x680, s19;
	s23 =	simm.s32 @!p0 $0x9400  }
0x38c: {  	[tilespmem:s23], [sflag:$0x2] =	stream.indirect.gather @!p0 [hbm4b:s4+s21], $0x20, s20, s21, $0xb8;
	[tilespmem:$0x1A900] =	vst v63  }
0x38d: {  	_ =	swait.ge [sflag:s15], $0x1000  }
0x38e: {  	[sflag:s15] =	ssyncset.done $0x0  }
0x38f: {  	[sflag:s15] =	ssyncadd.s32 $0xFFFFF000  }
0x390: {  	_ =	swait.ge [sflag:s15], $0x1000  }
0x391: {  	[sflag:s15] =	ssyncset.done $0x0  }
0x392: {  	s20 =	simm.s32 $0xC500;
	[sflag:s15] =	ssyncadd.s32 $0xFFFFF000  }
0x393: {  	v32 =	vld [tilespmem:s20+$0xFFFFFF00]  }
0x394: {  	s23 =	simm.s32 $0x0  }
0x395: {  	v33 =	vadd.s32 s23, v0;
	_ =	sdelay $0x2  }
0x396: {  	v32 =	vmul.f32 $5.656854150e+00, v32;
	_ =	sdelay $0x1  }
0x397: {  	[tilespmem:v33+s16+$0x0] =	vst.idx.msk $0xffff, v32  }
0x398: {  	v32 =	vld [tilespmem:s20+$0xFFFFFF10];
	_ =	sdelay $0x1  }
0x399: {  	v62 =	vadd.s32 s23, v1;
	_ =	sdelay $0x2  }
0x39a: {  	v32 =	vmul.f32 $5.656854150e+00, v32;
	_ =	sdelay $0x1  }
0x39b: {  	[tilespmem:v62+s16+$0x0] =	vst.idx.msk $0xffff, v32  }
0x39c: {  	v32 =	vld [tilespmem:s20+$0xFFFFFF20];
	_ =	sdelay $0x1  }
0x39d: {  	v63 =	vadd.s32 s23, v2;
	_ =	sdelay $0x2  }
0x39e: {  	v32 =	vmul.f32 $5.656854150e+00, v32;
	_ =	sdelay $0x1  }
0x39f: {  	[tilespmem:v63+s16+$0x0] =	vst.idx.msk $0xffff, v32  }
0x3a0: {  	v32 =	vld [tilespmem:s20+$0xFFFFFF30];
	_ =	sdelay $0x1  }
0x3a1: {  	v36 =	vadd.s32 s23, v3;
	_ =	sdelay $0x2  }
0x3a2: {  	v32 =	vmul.f32 $5.656854150e+00, v32;
	_ =	sdelay $0x1  }
0x3a3: {  	[tilespmem:v36+s16+$0x0] =	vst.idx.msk $0xffff, v32  }
0x3a4: {  	v32 =	vld [tilespmem:s20+$0xFFFFFF40];
	_ =	sdelay $0x1  }
0x3a5: {  	v37 =	vadd.s32 s23, v4;
	_ =	sdelay $0x2  }
0x3a6: {  	v32 =	vmul.f32 $5.656854150e+00, v32;
	_ =	sdelay $0x1  }
0x3a7: {  	[tilespmem:v37+s16+$0x0] =	vst.idx.msk $0xffff, v32  }
0x3a8: {  	v32 =	vld [tilespmem:s20+$0xFFFFFF50];
	_ =	sdelay $0x1  }
0x3a9: {  	v38 =	vadd.s32 s23, v5;
	_ =	sdelay $0x2  }
0x3aa: {  	v32 =	vmul.f32 $5.656854150e+00, v32;
	_ =	sdelay $0x1  }
0x3ab: {  	[tilespmem:v38+s16+$0x0] =	vst.idx.msk $0xffff, v32  }
0x3ac: {  	v32 =	vld [tilespmem:s20+$0xFFFFFF60];
	_ =	sdelay $0x1  }
0x3ad: {  	v39 =	vadd.s32 s23, v6;
	_ =	sdelay $0x2  }
0x3ae: {  	v32 =	vmul.f32 $5.656854150e+00, v32;
	_ =	sdelay $0x1  }
0x3af: {  	[tilespmem:v39+s16+$0x0] =	vst.idx.msk $0xffff, v32  }
0x3b0: {  	v32 =	vld [tilespmem:s20+$0xFFFFFF70];
	_ =	sdelay $0x1  }
0x3b1: {  	v40 =	vadd.s32 s23, v7;
	_ =	sdelay $0x2  }
0x3b2: {  	v32 =	vmul.f32 $5.656854150e+00, v32;
	_ =	sdelay $0x1  }
0x3b3: {  	[tilespmem:v40+s16+$0x0] =	vst.idx.msk $0xffff, v32  }
0x3b4: {  	v32 =	vld [tilespmem:s20+$0xFFFFFF80];
	_ =	sdelay $0x1  }
0x3b5: {  	v41 =	vadd.s32 s23, v8;
	_ =	sdelay $0x2  }
0x3b6: {  	v32 =	vmul.f32 $5.656854150e+00, v32;
	_ =	sdelay $0x1  }
0x3b7: {  	[tilespmem:v41+s16+$0x0] =	vst.idx.msk $0xffff, v32  }
0x3b8: {  	v32 =	vld [tilespmem:s20+$0xFFFFFF90];
	_ =	sdelay $0x1  }
0x3b9: {  	v42 =	vadd.s32 s23, v9;
	_ =	sdelay $0x2  }
0x3ba: {  	v32 =	vmul.f32 $5.656854150e+00, v32;
	_ =	sdelay $0x1  }
0x3bb: {  	[tilespmem:v42+s16+$0x0] =	vst.idx.msk $0xffff, v32  }
0x3bc: {  	v32 =	vld [tilespmem:s20+$0xFFFFFFA0];
	_ =	sdelay $0x1  }
0x3bd: {  	v43 =	vadd.s32 s23, v10;
	_ =	sdelay $0x2  }
0x3be: {  	v32 =	vmul.f32 $5.656854150e+00, v32;
	_ =	sdelay $0x1  }
0x3bf: {  	[tilespmem:v43+s16+$0x0] =	vst.idx.msk $0xffff, v32  }
0x3c0: {  	v32 =	vld [tilespmem:s20+$0xFFFFFFB0];
	_ =	sdelay $0x1  }
0x3c1: {  	v44 =	vadd.s32 s23, v11;
	_ =	sdelay $0x2  }
0x3c2: {  	v32 =	vmul.f32 $5.656854150e+00, v32;
	_ =	sdelay $0x1  }
0x3c3: {  	[tilespmem:v44+s16+$0x0] =	vst.idx.msk $0xffff, v32  }
0x3c4: {  	v32 =	vld [tilespmem:s20+$0xFFFFFFC0];
	_ =	sdelay $0x1  }
0x3c5: {  	v45 =	vadd.s32 s23, v12;
	_ =	sdelay $0x2  }
0x3c6: {  	v32 =	vmul.f32 $5.656854150e+00, v32;
	_ =	sdelay $0x1  }
0x3c7: {  	[tilespmem:v45+s16+$0x0] =	vst.idx.msk $0xffff, v32  }
0x3c8: {  	v32 =	vld [tilespmem:s20+$0xFFFFFFD0];
	_ =	sdelay $0x1  }
0x3c9: {  	v46 =	vadd.s32 s23, v13;
	_ =	sdelay $0x2  }
0x3ca: {  	v32 =	vmul.f32 $5.656854150e+00, v32;
	_ =	sdelay $0x1  }
0x3cb: {  	[tilespmem:v46+s16+$0x0] =	vst.idx.msk $0xffff, v32  }
0x3cc: {  	v32 =	vld [tilespmem:s20+$0xFFFFFFE0];
	_ =	sdelay $0x1  }
0x3cd: {  	v47 =	vadd.s32 s23, v14;
	_ =	sdelay $0x2  }
0x3ce: {  	v32 =	vmul.f32 $5.656854150e+00, v32;
	_ =	sdelay $0x1  }
0x3cf: {  	[tilespmem:v47+s16+$0x0] =	vst.idx.msk $0xffff, v32  }
0x3d0: {  	v32 =	vld [tilespmem:s20+$0xFFFFFFF0];
	_ =	sdelay $0x1  }
0x3d1: {  	v48 =	vadd.s32 s23, v15;
	_ =	sdelay $0x2  }
0x3d2: {  	v32 =	vmul.f32 $5.656854150e+00, v32;
	_ =	sdelay $0x1  }
0x3d3: {  	[tilespmem:v48+s16+$0x0] =	vst.idx.msk $0xffff, v32  }
0x3d4: {  	v32 =	vld [tilespmem:s20+$0x0];
	_ =	sdelay $0x1  }
0x3d5: {  	v49 =	vadd.s32 s23, v16;
	_ =	sdelay $0x2  }
0x3d6: {  	v32 =	vmul.f32 $5.656854150e+00, v32;
	_ =	sdelay $0x1  }
0x3d7: {  	[tilespmem:v49+s16+$0x0] =	vst.idx.msk $0xffff, v32  }
0x3d8: {  	v32 =	vld [tilespmem:s20+$0x10];
	_ =	sdelay $0x1  }
0x3d9: {  	v50 =	vadd.s32 s23, v17;
	_ =	sdelay $0x2  }
0x3da: {  	v32 =	vmul.f32 $5.656854150e+00, v32;
	_ =	sdelay $0x1  }
0x3db: {  	[tilespmem:v50+s16+$0x0] =	vst.idx.msk $0xffff, v32  }
0x3dc: {  	v32 =	vld [tilespmem:s20+$0x20];
	_ =	sdelay $0x1  }
0x3dd: {  	v51 =	vadd.s32 s23, v18;
	_ =	sdelay $0x2  }
0x3de: {  	v32 =	vmul.f32 $5.656854150e+00, v32;
	_ =	sdelay $0x1  }
0x3df: {  	[tilespmem:v51+s16+$0x0] =	vst.idx.msk $0xffff, v32  }
0x3e0: {  	v32 =	vld [tilespmem:s20+$0x30];
	_ =	sdelay $0x1  }
0x3e1: {  	v52 =	vadd.s32 s23, v19;
	_ =	sdelay $0x2  }
0x3e2: {  	v32 =	vmul.f32 $5.656854150e+00, v32;
	_ =	sdelay $0x1  }
0x3e3: {  	[tilespmem:v52+s16+$0x0] =	vst.idx.msk $0xffff, v32  }
0x3e4: {  	v32 =	vld [tilespmem:s20+$0x40];
	_ =	sdelay $0x1  }
0x3e5: {  	v53 =	vadd.s32 s23, v20;
	_ =	sdelay $0x2  }
0x3e6: {  	v32 =	vmul.f32 $5.656854150e+00, v32;
	_ =	sdelay $0x1  }
0x3e7: {  	[tilespmem:v53+s16+$0x0] =	vst.idx.msk $0xffff, v32  }
0x3e8: {  	v32 =	vld [tilespmem:s20+$0x50];
	_ =	sdelay $0x1  }
0x3e9: {  	v54 =	vadd.s32 s23, v21;
	_ =	sdelay $0x2  }
0x3ea: {  	v32 =	vmul.f32 $5.656854150e+00, v32;
	_ =	sdelay $0x1  }
0x3eb: {  	[tilespmem:v54+s16+$0x0] =	vst.idx.msk $0xffff, v32  }
0x3ec: {  	v32 =	vld [tilespmem:s20+$0x60];
	_ =	sdelay $0x1  }
0x3ed: {  	v55 =	vadd.s32 s23, v22;
	_ =	sdelay $0x2  }
0x3ee: {  	v32 =	vmul.f32 $5.656854150e+00, v32;
	_ =	sdelay $0x1  }
0x3ef: {  	[tilespmem:v55+s16+$0x0] =	vst.idx.msk $0xffff, v32  }
0x3f0: {  	v32 =	vld [tilespmem:s20+$0x70];
	_ =	sdelay $0x1  }
0x3f1: {  	v56 =	vadd.s32 s23, v23;
	_ =	sdelay $0x2  }
0x3f2: {  	v32 =	vmul.f32 $5.656854150e+00, v32;
	_ =	sdelay $0x1  }
0x3f3: {  	[tilespmem:v56+s16+$0x0] =	vst.idx.msk $0xffff, v32  }
0x3f4: {  	v32 =	vld [tilespmem:s20+$0x80];
	_ =	sdelay $0x1  }
0x3f5: {  	v57 =	vadd.s32 s23, v24;
	_ =	sdelay $0x2  }
0x3f6: {  	v32 =	vmul.f32 $5.656854150e+00, v32;
	_ =	sdelay $0x1  }
0x3f7: {  	[tilespmem:v57+s16+$0x0] =	vst.idx.msk $0xffff, v32  }
0x3f8: {  	v32 =	vld [tilespmem:s20+$0x90];
	_ =	sdelay $0x1  }
0x3f9: {  	v58 =	vadd.s32 s23, v25;
	_ =	sdelay $0x2  }
0x3fa: {  	v32 =	vmul.f32 $5.656854150e+00, v32;
	_ =	sdelay $0x1  }
0x3fb: {  	[tilespmem:v58+s16+$0x0] =	vst.idx.msk $0xffff, v32  }
0x3fc: {  	v32 =	vld [tilespmem:s20+$0xA0];
	_ =	sdelay $0x1  }
0x3fd: {  	v59 =	vadd.s32 s23, v26;
	_ =	sdelay $0x2  }
0x3fe: {  	v32 =	vmul.f32 $5.656854150e+00, v32;
	_ =	sdelay $0x1  }
0x3ff: {  	[tilespmem:v59+s16+$0x0] =	vst.idx.msk $0xffff, v32  }
0x400: {  	v32 =	vld [tilespmem:s20+$0xB0];
	_ =	sdelay $0x1  }
0x401: {  	v60 =	vadd.s32 s23, v27;
	_ =	sdelay $0x2  }
0x402: {  	v32 =	vmul.f32 $5.656854150e+00, v32;
	_ =	sdelay $0x1  }
0x403: {  	[tilespmem:v60+s16+$0x0] =	vst.idx.msk $0xffff, v32  }
0x404: {  	v32 =	vld [tilespmem:s20+$0xC0];
	_ =	sdelay $0x1  }
0x405: {  	v61 =	vadd.s32 s23, v28;
	_ =	sdelay $0x2  }
0x406: {  	v32 =	vmul.f32 $5.656854150e+00, v32;
	_ =	sdelay $0x1  }
0x407: {  	[tilespmem:v61+s16+$0x0] =	vst.idx.msk $0xffff, v32  }
0x408: {  	v32 =	vld [tilespmem:s20+$0xD0];
	_ =	sdelay $0x1  }
0x409: {  	v62 =	vadd.s32 s23, v29;
	_ =	sdelay $0x2  }
0x40a: {  	v32 =	vmul.f32 $5.656854150e+00, v32;
	_ =	sdelay $0x1  }
0x40b: {  	[tilespmem:v62+s16+$0x0] =	vst.idx.msk $0xffff, v32  }
0x40c: {  	v32 =	vld [tilespmem:s20+$0xE0];
	_ =	sdelay $0x1  }
0x40d: {  	v63 =	vadd.s32 s23, v30;
	_ =	sdelay $0x2  }
0x40e: {  	v32 =	vmul.f32 $5.656854150e+00, v32;
	_ =	sdelay $0x1  }
0x40f: {  	[tilespmem:v63+s16+$0x0] =	vst.idx.msk $0xffff, v32  }
0x410: {  	v33 =	vld [tilespmem:s20+$0xF0];
	_ =	sdelay $0x1  }
0x411: {  	v32 =	vadd.s32 s23, v31;
	_ =	sdelay $0x2  }
0x412: {  	s21 =	simm.s32 $0x10;
	v33 =	vmul.f32 $5.656854150e+00, v33  }
.LBB2_15:
0x413: {  	p1 =	sne.s32 s21, $0xF0  }
0x414: {  	s20 =	sadd.s32 $0x200, s20;
	s23 =	smov.u32 s21;
	s21 =	sadd.s32 $0x10, s21;
	[tilespmem:v32+s16+$0x0] =	vst.idx.msk $0xffff, v33  }
0x415: {  	v32 =	vld [tilespmem:s20+$0xFFFFFF00];
	_ =	sdelay $0x1  }
0x416: {  	v33 =	vadd.s32 s23, v0;
	_ =	sdelay $0x2  }
0x417: {  	v32 =	vmul.f32 $5.656854150e+00, v32;
	_ =	sdelay $0x1  }
0x418: {  	[tilespmem:v33+s16+$0x0] =	vst.idx.msk $0xffff, v32  }
0x419: {  	v32 =	vld [tilespmem:s20+$0xFFFFFF10];
	_ =	sdelay $0x1  }
0x41a: {  	v33 =	vadd.s32 s23, v1;
	_ =	sdelay $0x2  }
0x41b: {  	v32 =	vmul.f32 $5.656854150e+00, v32;
	_ =	sdelay $0x1  }
0x41c: {  	[tilespmem:v33+s16+$0x0] =	vst.idx.msk $0xffff, v32  }
0x41d: {  	v32 =	vld [tilespmem:s20+$0xFFFFFF20];
	_ =	sdelay $0x1  }
0x41e: {  	v33 =	vadd.s32 s23, v2;
	_ =	sdelay $0x2  }
0x41f: {  	v32 =	vmul.f32 $5.656854150e+00, v32;
	_ =	sdelay $0x1  }
0x420: {  	[tilespmem:v33+s16+$0x0] =	vst.idx.msk $0xffff, v32  }
0x421: {  	v32 =	vld [tilespmem:s20+$0xFFFFFF30];
	_ =	sdelay $0x1  }
0x422: {  	v33 =	vadd.s32 s23, v3;
	_ =	sdelay $0x2  }
0x423: {  	v32 =	vmul.f32 $5.656854150e+00, v32;
	_ =	sdelay $0x1  }
0x424: {  	[tilespmem:v33+s16+$0x0] =	vst.idx.msk $0xffff, v32  }
0x425: {  	v32 =	vld [tilespmem:s20+$0xFFFFFF40];
	_ =	sdelay $0x1  }
0x426: {  	v33 =	vadd.s32 s23, v4;
	_ =	sdelay $0x2  }
0x427: {  	v32 =	vmul.f32 $5.656854150e+00, v32;
	_ =	sdelay $0x1  }
0x428: {  	[tilespmem:v33+s16+$0x0] =	vst.idx.msk $0xffff, v32  }
0x429: {  	v32 =	vld [tilespmem:s20+$0xFFFFFF50];
	_ =	sdelay $0x1  }
0x42a: {  	v33 =	vadd.s32 s23, v5;
	_ =	sdelay $0x2  }
0x42b: {  	v32 =	vmul.f32 $5.656854150e+00, v32;
	_ =	sdelay $0x1  }
0x42c: {  	[tilespmem:v33+s16+$0x0] =	vst.idx.msk $0xffff, v32  }
0x42d: {  	v32 =	vld [tilespmem:s20+$0xFFFFFF60];
	_ =	sdelay $0x1  }
0x42e: {  	v33 =	vadd.s32 s23, v6;
	_ =	sdelay $0x2  }
0x42f: {  	v32 =	vmul.f32 $5.656854150e+00, v32;
	_ =	sdelay $0x1  }
0x430: {  	[tilespmem:v33+s16+$0x0] =	vst.idx.msk $0xffff, v32  }
0x431: {  	v32 =	vld [tilespmem:s20+$0xFFFFFF70];
	_ =	sdelay $0x1  }
0x432: {  	v33 =	vadd.s32 s23, v7;
	_ =	sdelay $0x2  }
0x433: {  	v32 =	vmul.f32 $5.656854150e+00, v32;
	_ =	sdelay $0x1  }
0x434: {  	[tilespmem:v33+s16+$0x0] =	vst.idx.msk $0xffff, v32  }
0x435: {  	v32 =	vld [tilespmem:s20+$0xFFFFFF80];
	_ =	sdelay $0x1  }
0x436: {  	v33 =	vadd.s32 s23, v8;
	_ =	sdelay $0x2  }
0x437: {  	v32 =	vmul.f32 $5.656854150e+00, v32;
	_ =	sdelay $0x1  }
0x438: {  	[tilespmem:v33+s16+$0x0] =	vst.idx.msk $0xffff, v32  }
0x439: {  	v32 =	vld [tilespmem:s20+$0xFFFFFF90];
	_ =	sdelay $0x1  }
0x43a: {  	v33 =	vadd.s32 s23, v9;
	_ =	sdelay $0x2  }
0x43b: {  	v32 =	vmul.f32 $5.656854150e+00, v32;
	_ =	sdelay $0x1  }
0x43c: {  	[tilespmem:v33+s16+$0x0] =	vst.idx.msk $0xffff, v32  }
0x43d: {  	v32 =	vld [tilespmem:s20+$0xFFFFFFA0];
	_ =	sdelay $0x1  }
0x43e: {  	v33 =	vadd.s32 s23, v10;
	_ =	sdelay $0x2  }
0x43f: {  	v32 =	vmul.f32 $5.656854150e+00, v32;
	_ =	sdelay $0x1  }
0x440: {  	[tilespmem:v33+s16+$0x0] =	vst.idx.msk $0xffff, v32  }
0x441: {  	v32 =	vld [tilespmem:s20+$0xFFFFFFB0];
	_ =	sdelay $0x1  }
0x442: {  	v33 =	vadd.s32 s23, v11;
	_ =	sdelay $0x2  }
0x443: {  	v32 =	vmul.f32 $5.656854150e+00, v32;
	_ =	sdelay $0x1  }
0x444: {  	[tilespmem:v33+s16+$0x0] =	vst.idx.msk $0xffff, v32  }
0x445: {  	v32 =	vld [tilespmem:s20+$0xFFFFFFC0];
	_ =	sdelay $0x1  }
0x446: {  	v33 =	vadd.s32 s23, v12;
	_ =	sdelay $0x2  }
0x447: {  	v32 =	vmul.f32 $5.656854150e+00, v32;
	_ =	sdelay $0x1  }
0x448: {  	[tilespmem:v33+s16+$0x0] =	vst.idx.msk $0xffff, v32  }
0x449: {  	v32 =	vld [tilespmem:s20+$0xFFFFFFD0];
	_ =	sdelay $0x1  }
0x44a: {  	v33 =	vadd.s32 s23, v13;
	_ =	sdelay $0x2  }
0x44b: {  	v32 =	vmul.f32 $5.656854150e+00, v32;
	_ =	sdelay $0x1  }
0x44c: {  	[tilespmem:v33+s16+$0x0] =	vst.idx.msk $0xffff, v32  }
0x44d: {  	v32 =	vld [tilespmem:s20+$0xFFFFFFE0];
	_ =	sdelay $0x1  }
0x44e: {  	v33 =	vadd.s32 s23, v14;
	_ =	sdelay $0x2  }
0x44f: {  	v32 =	vmul.f32 $5.656854150e+00, v32;
	_ =	sdelay $0x1  }
0x450: {  	[tilespmem:v33+s16+$0x0] =	vst.idx.msk $0xffff, v32  }
0x451: {  	v32 =	vld [tilespmem:s20+$0xFFFFFFF0];
	_ =	sdelay $0x1  }
0x452: {  	v33 =	vadd.s32 s23, v15;
	_ =	sdelay $0x2  }
0x453: {  	v32 =	vmul.f32 $5.656854150e+00, v32;
	_ =	sdelay $0x1  }
0x454: {  	[tilespmem:v33+s16+$0x0] =	vst.idx.msk $0xffff, v32  }
0x455: {  	v32 =	vld [tilespmem:s20+$0x0];
	_ =	sdelay $0x1  }
0x456: {  	v33 =	vadd.s32 s23, v16;
	_ =	sdelay $0x2  }
0x457: {  	v32 =	vmul.f32 $5.656854150e+00, v32;
	_ =	sdelay $0x1  }
0x458: {  	[tilespmem:v33+s16+$0x0] =	vst.idx.msk $0xffff, v32  }
0x459: {  	v32 =	vld [tilespmem:s20+$0x10];
	_ =	sdelay $0x1  }
0x45a: {  	v33 =	vadd.s32 s23, v17;
	_ =	sdelay $0x2  }
0x45b: {  	v32 =	vmul.f32 $5.656854150e+00, v32;
	_ =	sdelay $0x1  }
0x45c: {  	[tilespmem:v33+s16+$0x0] =	vst.idx.msk $0xffff, v32  }
0x45d: {  	v32 =	vld [tilespmem:s20+$0x20];
	_ =	sdelay $0x1  }
0x45e: {  	v33 =	vadd.s32 s23, v18;
	_ =	sdelay $0x2  }
0x45f: {  	v32 =	vmul.f32 $5.656854150e+00, v32;
	_ =	sdelay $0x1  }
0x460: {  	[tilespmem:v33+s16+$0x0] =	vst.idx.msk $0xffff, v32  }
0x461: {  	v32 =	vld [tilespmem:s20+$0x30];
	_ =	sdelay $0x1  }
0x462: {  	v33 =	vadd.s32 s23, v19;
	_ =	sdelay $0x2  }
0x463: {  	v32 =	vmul.f32 $5.656854150e+00, v32;
	_ =	sdelay $0x1  }
0x464: {  	[tilespmem:v33+s16+$0x0] =	vst.idx.msk $0xffff, v32  }
0x465: {  	v32 =	vld [tilespmem:s20+$0x40];
	_ =	sdelay $0x1  }
0x466: {  	v33 =	vadd.s32 s23, v20;
	_ =	sdelay $0x2  }
0x467: {  	v32 =	vmul.f32 $5.656854150e+00, v32;
	_ =	sdelay $0x1  }
0x468: {  	[tilespmem:v33+s16+$0x0] =	vst.idx.msk $0xffff, v32  }
0x469: {  	v32 =	vld [tilespmem:s20+$0x50];
	_ =	sdelay $0x1  }
0x46a: {  	v33 =	vadd.s32 s23, v21;
	_ =	sdelay $0x2  }
0x46b: {  	v32 =	vmul.f32 $5.656854150e+00, v32;
	_ =	sdelay $0x1  }
0x46c: {  	[tilespmem:v33+s16+$0x0] =	vst.idx.msk $0xffff, v32  }
0x46d: {  	v32 =	vld [tilespmem:s20+$0x60];
	_ =	sdelay $0x1  }
0x46e: {  	v33 =	vadd.s32 s23, v22;
	_ =	sdelay $0x2  }
0x46f: {  	v32 =	vmul.f32 $5.656854150e+00, v32;
	_ =	sdelay $0x1  }
0x470: {  	[tilespmem:v33+s16+$0x0] =	vst.idx.msk $0xffff, v32  }
0x471: {  	v32 =	vld [tilespmem:s20+$0x70];
	_ =	sdelay $0x1  }
0x472: {  	v33 =	vadd.s32 s23, v23;
	_ =	sdelay $0x2  }
0x473: {  	v32 =	vmul.f32 $5.656854150e+00, v32;
	_ =	sdelay $0x1  }
0x474: {  	[tilespmem:v33+s16+$0x0] =	vst.idx.msk $0xffff, v32  }
0x475: {  	v32 =	vld [tilespmem:s20+$0x80];
	_ =	sdelay $0x1  }
0x476: {  	v33 =	vadd.s32 s23, v24;
	_ =	sdelay $0x2  }
0x477: {  	v32 =	vmul.f32 $5.656854150e+00, v32;
	_ =	sdelay $0x1  }
0x478: {  	[tilespmem:v33+s16+$0x0] =	vst.idx.msk $0xffff, v32  }
0x479: {  	v32 =	vld [tilespmem:s20+$0x90];
	_ =	sdelay $0x1  }
0x47a: {  	v33 =	vadd.s32 s23, v25;
	_ =	sdelay $0x2  }
0x47b: {  	v32 =	vmul.f32 $5.656854150e+00, v32;
	_ =	sdelay $0x1  }
0x47c: {  	[tilespmem:v33+s16+$0x0] =	vst.idx.msk $0xffff, v32  }
0x47d: {  	v32 =	vld [tilespmem:s20+$0xA0];
	_ =	sdelay $0x1  }
0x47e: {  	v33 =	vadd.s32 s23, v26;
	_ =	sdelay $0x2  }
0x47f: {  	v32 =	vmul.f32 $5.656854150e+00, v32;
	_ =	sdelay $0x1  }
0x480: {  	[tilespmem:v33+s16+$0x0] =	vst.idx.msk $0xffff, v32  }
0x481: {  	v32 =	vld [tilespmem:s20+$0xB0];
	_ =	sdelay $0x1  }
0x482: {  	v33 =	vadd.s32 s23, v27;
	_ =	sdelay $0x2  }
0x483: {  	v32 =	vmul.f32 $5.656854150e+00, v32;
	_ =	sdelay $0x1  }
0x484: {  	[tilespmem:v33+s16+$0x0] =	vst.idx.msk $0xffff, v32  }
0x485: {  	v32 =	vld [tilespmem:s20+$0xC0];
	_ =	sdelay $0x1  }
0x486: {  	v33 =	vadd.s32 s23, v28;
	_ =	sdelay $0x2  }
0x487: {  	v32 =	vmul.f32 $5.656854150e+00, v32;
	_ =	sdelay $0x1  }
0x488: {  	[tilespmem:v33+s16+$0x0] =	vst.idx.msk $0xffff, v32  }
0x489: {  	v32 =	vld [tilespmem:s20+$0xD0];
	_ =	sdelay $0x1  }
0x48a: {  	v33 =	vadd.s32 s23, v29;
	_ =	sdelay $0x2  }
0x48b: {  	v32 =	vmul.f32 $5.656854150e+00, v32;
	_ =	sdelay $0x1  }
0x48c: {  	[tilespmem:v33+s16+$0x0] =	vst.idx.msk $0xffff, v32  }
0x48d: {  	v32 =	vld [tilespmem:s20+$0xE0];
	_ =	sdelay $0x1  }
0x48e: {  	v33 =	vadd.s32 s23, v30;
	_ =	sdelay $0x2  }
0x48f: {  	v32 =	vmul.f32 $5.656854150e+00, v32;
	_ =	sdelay $0x1  }
0x490: {  	[tilespmem:v33+s16+$0x0] =	vst.idx.msk $0xffff, v32  }
0x491: {  	v33 =	vld [tilespmem:s20+$0xF0]  }
.Ltmp8:
0x492: {  	(pc) =	sbr.rel @p1 .LBB2_15-.Ltmp8, $2  }
0x493: {  	v32 =	vadd.s32 s23, v31;
	_ =	sdelay $0x2  }
0x494: {  	v33 =	vmul.f32 $5.656854150e+00, v33  }
0x495: {  	s11 =	sadd.s32 s11, s9  }
0x496: {  	s20 =	sshll.u32 s11, $0x5  }
0x497: {  	s11 =	sshll.u32 s11, $0xA;
	s20 =	sand.u32 $0x7E0, s20  }
0x498: {  	s11 =	sand.u32 $0xFFF0000, s11;
	s20 =	sadd.s32 s5, s20  }
0x499: {  	s23 =	simm.s32 $0x16700;
	[tilespmem:v32+s16+$0x0] =	vst.idx.msk $0xffff, v33;
	s11 =	sadd.s32 s11, s20;
	s20 =	simm.s32 $0x420  }
0x49a: {  	[hbm4b:s11+s2] =	stream.linear.scatter [tilespmem:s23], [sflag:$0x9], $0x100, $0x38;
	[tilespmem:$0x1A900] =	vst v63  }
.LBB2_17:
0x49b: {  	p1 =	sne.s32 s20, $0x7FE0  }
.Ltmp9:
0x49c: {  	_ = 	snop;
	(pc) =	sbr.rel @p1 .LBB2_17-.Ltmp9, $4  }
0x49d: {  	_ = 	snop  }
0x49e: {  	s21 =	sshra.s32 s20, $0x2;
	s20 =	sadd.s32 $0x420, s20  }
0x49f: {  	s11 =	sadd.s32 $0x800, s11;
	s21 =	sadd.s32 $0x16700, s21  }
0x4a0: {  	[hbm4b:s11+s2] =	stream.linear.scatter [tilespmem:s21], [sflag:$0x9], $0x100, $0x38;
	[tilespmem:$0x1A900] =	vst v63  }
0x4a1: {  	s11 =	simm.s32 @!p0 $0x8  }
0x4a2: {  	_ =	swait.ge @!p0 [sflag:s11], $0x2000  }
0x4a3: {  	s20 =	simm.s32 @!p0 $0x80;
	[sflag:s11] =	ssyncset.done @!p0 $0x0  }
0x4a4: {  	s21 =	simm.s32 @!p0 $0xA400;
	[sflag:s11] =	ssyncadd.s32 @!p0 $0xFFFFE000;
	s11 =	sadd.s32 @!p0 $0x700, s19  }
0x4a5: {  	[tilespmem:s21], [sflag:$0x3] =	stream.indirect.gather @!p0 [hbm4b:s4+s20], $0x20, s11, s20, $0xb8;
	[tilespmem:$0x1A900] =	vst v63  }
0x4a6: {  	s11 =	sadd.s32 @!p0 $0x780, s19;
	s19 =	simm.s32 @!p0 $0xB400  }
0x4a7: {  	[tilespmem:s19], [sflag:$0x3] =	stream.indirect.gather @!p0 [hbm4b:s4+s20], $0x20, s11, s20, $0xb8;
	[tilespmem:$0x1A900] =	vst v63  }
0x4a8: {  	_ =	swait.ge [sflag:s17], $0x1000  }
0x4a9: {  	[sflag:s17] =	ssyncset.done $0x0  }
0x4aa: {  	[sflag:s17] =	ssyncadd.s32 $0xFFFFF000  }
0x4ab: {  	_ =	swait.ge [sflag:s17], $0x1000  }
0x4ac: {  	[sflag:s17] =	ssyncset.done $0x0  }
0x4ad: {  	s11 =	simm.s32 $0xE500;
	[sflag:s17] =	ssyncadd.s32 $0xFFFFF000  }
0x4ae: {  	v32 =	vld [tilespmem:s11+$0xFFFFFF00]  }
0x4af: {  	s23 =	simm.s32 $0x0  }
0x4b0: {  	v33 =	vadd.s32 s23, v0;
	_ =	sdelay $0x2  }
0x4b1: {  	v32 =	vmul.f32 $5.656854150e+00, v32;
	_ =	sdelay $0x1  }
0x4b2: {  	[tilespmem:v33+s18+$0x0] =	vst.idx.msk $0xffff, v32  }
0x4b3: {  	v32 =	vld [tilespmem:s11+$0xFFFFFF10];
	_ =	sdelay $0x1  }
0x4b4: {  	v62 =	vadd.s32 s23, v1;
	_ =	sdelay $0x2  }
0x4b5: {  	v32 =	vmul.f32 $5.656854150e+00, v32;
	_ =	sdelay $0x1  }
0x4b6: {  	[tilespmem:v62+s18+$0x0] =	vst.idx.msk $0xffff, v32  }
0x4b7: {  	v32 =	vld [tilespmem:s11+$0xFFFFFF20];
	_ =	sdelay $0x1  }
0x4b8: {  	v63 =	vadd.s32 s23, v2;
	_ =	sdelay $0x2  }
0x4b9: {  	v32 =	vmul.f32 $5.656854150e+00, v32;
	_ =	sdelay $0x1  }
0x4ba: {  	[tilespmem:v63+s18+$0x0] =	vst.idx.msk $0xffff, v32  }
0x4bb: {  	v32 =	vld [tilespmem:s11+$0xFFFFFF30];
	_ =	sdelay $0x1  }
0x4bc: {  	v36 =	vadd.s32 s23, v3;
	_ =	sdelay $0x2  }
0x4bd: {  	v32 =	vmul.f32 $5.656854150e+00, v32;
	_ =	sdelay $0x1  }
0x4be: {  	[tilespmem:v36+s18+$0x0] =	vst.idx.msk $0xffff, v32  }
0x4bf: {  	v32 =	vld [tilespmem:s11+$0xFFFFFF40];
	_ =	sdelay $0x1  }
0x4c0: {  	v37 =	vadd.s32 s23, v4;
	_ =	sdelay $0x2  }
0x4c1: {  	v32 =	vmul.f32 $5.656854150e+00, v32;
	_ =	sdelay $0x1  }
0x4c2: {  	[tilespmem:v37+s18+$0x0] =	vst.idx.msk $0xffff, v32  }
0x4c3: {  	v32 =	vld [tilespmem:s11+$0xFFFFFF50];
	_ =	sdelay $0x1  }
0x4c4: {  	v38 =	vadd.s32 s23, v5;
	_ =	sdelay $0x2  }
0x4c5: {  	v32 =	vmul.f32 $5.656854150e+00, v32;
	_ =	sdelay $0x1  }
0x4c6: {  	[tilespmem:v38+s18+$0x0] =	vst.idx.msk $0xffff, v32  }
0x4c7: {  	v32 =	vld [tilespmem:s11+$0xFFFFFF60];
	_ =	sdelay $0x1  }
0x4c8: {  	v39 =	vadd.s32 s23, v6;
	_ =	sdelay $0x2  }
0x4c9: {  	v32 =	vmul.f32 $5.656854150e+00, v32;
	_ =	sdelay $0x1  }
0x4ca: {  	[tilespmem:v39+s18+$0x0] =	vst.idx.msk $0xffff, v32  }
0x4cb: {  	v32 =	vld [tilespmem:s11+$0xFFFFFF70];
	_ =	sdelay $0x1  }
0x4cc: {  	v40 =	vadd.s32 s23, v7;
	_ =	sdelay $0x2  }
0x4cd: {  	v32 =	vmul.f32 $5.656854150e+00, v32;
	_ =	sdelay $0x1  }
0x4ce: {  	[tilespmem:v40+s18+$0x0] =	vst.idx.msk $0xffff, v32  }
0x4cf: {  	v32 =	vld [tilespmem:s11+$0xFFFFFF80];
	_ =	sdelay $0x1  }
0x4d0: {  	v41 =	vadd.s32 s23, v8;
	_ =	sdelay $0x2  }
0x4d1: {  	v32 =	vmul.f32 $5.656854150e+00, v32;
	_ =	sdelay $0x1  }
0x4d2: {  	[tilespmem:v41+s18+$0x0] =	vst.idx.msk $0xffff, v32  }
0x4d3: {  	v32 =	vld [tilespmem:s11+$0xFFFFFF90];
	_ =	sdelay $0x1  }
0x4d4: {  	v42 =	vadd.s32 s23, v9;
	_ =	sdelay $0x2  }
0x4d5: {  	v32 =	vmul.f32 $5.656854150e+00, v32;
	_ =	sdelay $0x1  }
0x4d6: {  	[tilespmem:v42+s18+$0x0] =	vst.idx.msk $0xffff, v32  }
0x4d7: {  	v32 =	vld [tilespmem:s11+$0xFFFFFFA0];
	_ =	sdelay $0x1  }
0x4d8: {  	v43 =	vadd.s32 s23, v10;
	_ =	sdelay $0x2  }
0x4d9: {  	v32 =	vmul.f32 $5.656854150e+00, v32;
	_ =	sdelay $0x1  }
0x4da: {  	[tilespmem:v43+s18+$0x0] =	vst.idx.msk $0xffff, v32  }
0x4db: {  	v32 =	vld [tilespmem:s11+$0xFFFFFFB0];
	_ =	sdelay $0x1  }
0x4dc: {  	v44 =	vadd.s32 s23, v11;
	_ =	sdelay $0x2  }
0x4dd: {  	v32 =	vmul.f32 $5.656854150e+00, v32;
	_ =	sdelay $0x1  }
0x4de: {  	[tilespmem:v44+s18+$0x0] =	vst.idx.msk $0xffff, v32  }
0x4df: {  	v32 =	vld [tilespmem:s11+$0xFFFFFFC0];
	_ =	sdelay $0x1  }
0x4e0: {  	v45 =	vadd.s32 s23, v12;
	_ =	sdelay $0x2  }
0x4e1: {  	v32 =	vmul.f32 $5.656854150e+00, v32;
	_ =	sdelay $0x1  }
0x4e2: {  	[tilespmem:v45+s18+$0x0] =	vst.idx.msk $0xffff, v32  }
0x4e3: {  	v32 =	vld [tilespmem:s11+$0xFFFFFFD0];
	_ =	sdelay $0x1  }
0x4e4: {  	v46 =	vadd.s32 s23, v13;
	_ =	sdelay $0x2  }
0x4e5: {  	v32 =	vmul.f32 $5.656854150e+00, v32;
	_ =	sdelay $0x1  }
0x4e6: {  	[tilespmem:v46+s18+$0x0] =	vst.idx.msk $0xffff, v32  }
0x4e7: {  	v32 =	vld [tilespmem:s11+$0xFFFFFFE0];
	_ =	sdelay $0x1  }
0x4e8: {  	v47 =	vadd.s32 s23, v14;
	_ =	sdelay $0x2  }
0x4e9: {  	v32 =	vmul.f32 $5.656854150e+00, v32;
	_ =	sdelay $0x1  }
0x4ea: {  	[tilespmem:v47+s18+$0x0] =	vst.idx.msk $0xffff, v32  }
0x4eb: {  	v32 =	vld [tilespmem:s11+$0xFFFFFFF0];
	_ =	sdelay $0x1  }
0x4ec: {  	v48 =	vadd.s32 s23, v15;
	_ =	sdelay $0x2  }
0x4ed: {  	v32 =	vmul.f32 $5.656854150e+00, v32;
	_ =	sdelay $0x1  }
0x4ee: {  	[tilespmem:v48+s18+$0x0] =	vst.idx.msk $0xffff, v32  }
0x4ef: {  	v32 =	vld [tilespmem:s11+$0x0];
	_ =	sdelay $0x1  }
0x4f0: {  	v49 =	vadd.s32 s23, v16;
	_ =	sdelay $0x2  }
0x4f1: {  	v32 =	vmul.f32 $5.656854150e+00, v32;
	_ =	sdelay $0x1  }
0x4f2: {  	[tilespmem:v49+s18+$0x0] =	vst.idx.msk $0xffff, v32  }
0x4f3: {  	v32 =	vld [tilespmem:s11+$0x10];
	_ =	sdelay $0x1  }
0x4f4: {  	v50 =	vadd.s32 s23, v17;
	_ =	sdelay $0x2  }
0x4f5: {  	v32 =	vmul.f32 $5.656854150e+00, v32;
	_ =	sdelay $0x1  }
0x4f6: {  	[tilespmem:v50+s18+$0x0] =	vst.idx.msk $0xffff, v32  }
0x4f7: {  	v32 =	vld [tilespmem:s11+$0x20];
	_ =	sdelay $0x1  }
0x4f8: {  	v51 =	vadd.s32 s23, v18;
	_ =	sdelay $0x2  }
0x4f9: {  	v32 =	vmul.f32 $5.656854150e+00, v32;
	_ =	sdelay $0x1  }
0x4fa: {  	[tilespmem:v51+s18+$0x0] =	vst.idx.msk $0xffff, v32  }
0x4fb: {  	v32 =	vld [tilespmem:s11+$0x30];
	_ =	sdelay $0x1  }
0x4fc: {  	v52 =	vadd.s32 s23, v19;
	_ =	sdelay $0x2  }
0x4fd: {  	v32 =	vmul.f32 $5.656854150e+00, v32;
	_ =	sdelay $0x1  }
0x4fe: {  	[tilespmem:v52+s18+$0x0] =	vst.idx.msk $0xffff, v32  }
0x4ff: {  	v32 =	vld [tilespmem:s11+$0x40];
	_ =	sdelay $0x1  }
0x500: {  	v53 =	vadd.s32 s23, v20;
	_ =	sdelay $0x2  }
0x501: {  	v32 =	vmul.f32 $5.656854150e+00, v32;
	_ =	sdelay $0x1  }
0x502: {  	[tilespmem:v53+s18+$0x0] =	vst.idx.msk $0xffff, v32  }
0x503: {  	v32 =	vld [tilespmem:s11+$0x50];
	_ =	sdelay $0x1  }
0x504: {  	v54 =	vadd.s32 s23, v21;
	_ =	sdelay $0x2  }
0x505: {  	v32 =	vmul.f32 $5.656854150e+00, v32;
	_ =	sdelay $0x1  }
0x506: {  	[tilespmem:v54+s18+$0x0] =	vst.idx.msk $0xffff, v32  }
0x507: {  	v32 =	vld [tilespmem:s11+$0x60];
	_ =	sdelay $0x1  }
0x508: {  	v55 =	vadd.s32 s23, v22;
	_ =	sdelay $0x2  }
0x509: {  	v32 =	vmul.f32 $5.656854150e+00, v32;
	_ =	sdelay $0x1  }
0x50a: {  	[tilespmem:v55+s18+$0x0] =	vst.idx.msk $0xffff, v32  }
0x50b: {  	v32 =	vld [tilespmem:s11+$0x70];
	_ =	sdelay $0x1  }
0x50c: {  	v56 =	vadd.s32 s23, v23;
	_ =	sdelay $0x2  }
0x50d: {  	v32 =	vmul.f32 $5.656854150e+00, v32;
	_ =	sdelay $0x1  }
0x50e: {  	[tilespmem:v56+s18+$0x0] =	vst.idx.msk $0xffff, v32  }
0x50f: {  	v32 =	vld [tilespmem:s11+$0x80];
	_ =	sdelay $0x1  }
0x510: {  	v57 =	vadd.s32 s23, v24;
	_ =	sdelay $0x2  }
0x511: {  	v32 =	vmul.f32 $5.656854150e+00, v32;
	_ =	sdelay $0x1  }
0x512: {  	[tilespmem:v57+s18+$0x0] =	vst.idx.msk $0xffff, v32  }
0x513: {  	v32 =	vld [tilespmem:s11+$0x90];
	_ =	sdelay $0x1  }
0x514: {  	v58 =	vadd.s32 s23, v25;
	_ =	sdelay $0x2  }
0x515: {  	v32 =	vmul.f32 $5.656854150e+00, v32;
	_ =	sdelay $0x1  }
0x516: {  	[tilespmem:v58+s18+$0x0] =	vst.idx.msk $0xffff, v32  }
0x517: {  	v32 =	vld [tilespmem:s11+$0xA0];
	_ =	sdelay $0x1  }
0x518: {  	v59 =	vadd.s32 s23, v26;
	_ =	sdelay $0x2  }
0x519: {  	v32 =	vmul.f32 $5.656854150e+00, v32;
	_ =	sdelay $0x1  }
0x51a: {  	[tilespmem:v59+s18+$0x0] =	vst.idx.msk $0xffff, v32  }
0x51b: {  	v32 =	vld [tilespmem:s11+$0xB0];
	_ =	sdelay $0x1  }
0x51c: {  	v60 =	vadd.s32 s23, v27;
	_ =	sdelay $0x2  }
0x51d: {  	v32 =	vmul.f32 $5.656854150e+00, v32;
	_ =	sdelay $0x1  }
0x51e: {  	[tilespmem:v60+s18+$0x0] =	vst.idx.msk $0xffff, v32  }
0x51f: {  	v32 =	vld [tilespmem:s11+$0xC0];
	_ =	sdelay $0x1  }
0x520: {  	v61 =	vadd.s32 s23, v28;
	_ =	sdelay $0x2  }
0x521: {  	v32 =	vmul.f32 $5.656854150e+00, v32;
	_ =	sdelay $0x1  }
0x522: {  	[tilespmem:v61+s18+$0x0] =	vst.idx.msk $0xffff, v32  }
0x523: {  	v32 =	vld [tilespmem:s11+$0xD0];
	_ =	sdelay $0x1  }
0x524: {  	v62 =	vadd.s32 s23, v29;
	_ =	sdelay $0x2  }
0x525: {  	v32 =	vmul.f32 $5.656854150e+00, v32;
	_ =	sdelay $0x1  }
0x526: {  	[tilespmem:v62+s18+$0x0] =	vst.idx.msk $0xffff, v32  }
0x527: {  	v32 =	vld [tilespmem:s11+$0xE0];
	_ =	sdelay $0x1  }
0x528: {  	v63 =	vadd.s32 s23, v30;
	_ =	sdelay $0x2  }
0x529: {  	v32 =	vmul.f32 $5.656854150e+00, v32;
	_ =	sdelay $0x1  }
0x52a: {  	[tilespmem:v63+s18+$0x0] =	vst.idx.msk $0xffff, v32  }
0x52b: {  	v33 =	vld [tilespmem:s11+$0xF0];
	_ =	sdelay $0x1  }
0x52c: {  	v32 =	vadd.s32 s23, v31;
	_ =	sdelay $0x2  }
0x52d: {  	s19 =	simm.s32 $0x10;
	v33 =	vmul.f32 $5.656854150e+00, v33  }
.LBB2_19:
0x52e: {  	p1 =	sne.s32 s19, $0xF0  }
0x52f: {  	s11 =	sadd.s32 $0x200, s11;
	s20 =	smov.u32 s19;
	s19 =	sadd.s32 $0x10, s19;
	[tilespmem:v32+s18+$0x0] =	vst.idx.msk $0xffff, v33  }
0x530: {  	v32 =	vld [tilespmem:s11+$0xFFFFFF00];
	_ =	sdelay $0x1  }
0x531: {  	v33 =	vadd.s32 s20, v0;
	_ =	sdelay $0x2  }
0x532: {  	v32 =	vmul.f32 $5.656854150e+00, v32;
	_ =	sdelay $0x1  }
0x533: {  	[tilespmem:v33+s18+$0x0] =	vst.idx.msk $0xffff, v32  }
0x534: {  	v32 =	vld [tilespmem:s11+$0xFFFFFF10];
	_ =	sdelay $0x1  }
0x535: {  	v33 =	vadd.s32 s20, v1;
	_ =	sdelay $0x2  }
0x536: {  	v32 =	vmul.f32 $5.656854150e+00, v32;
	_ =	sdelay $0x1  }
0x537: {  	[tilespmem:v33+s18+$0x0] =	vst.idx.msk $0xffff, v32  }
0x538: {  	v32 =	vld [tilespmem:s11+$0xFFFFFF20];
	_ =	sdelay $0x1  }
0x539: {  	v33 =	vadd.s32 s20, v2;
	_ =	sdelay $0x2  }
0x53a: {  	v32 =	vmul.f32 $5.656854150e+00, v32;
	_ =	sdelay $0x1  }
0x53b: {  	[tilespmem:v33+s18+$0x0] =	vst.idx.msk $0xffff, v32  }
0x53c: {  	v32 =	vld [tilespmem:s11+$0xFFFFFF30];
	_ =	sdelay $0x1  }
0x53d: {  	v33 =	vadd.s32 s20, v3;
	_ =	sdelay $0x2  }
0x53e: {  	v32 =	vmul.f32 $5.656854150e+00, v32;
	_ =	sdelay $0x1  }
0x53f: {  	[tilespmem:v33+s18+$0x0] =	vst.idx.msk $0xffff, v32  }
0x540: {  	v32 =	vld [tilespmem:s11+$0xFFFFFF40];
	_ =	sdelay $0x1  }
0x541: {  	v33 =	vadd.s32 s20, v4;
	_ =	sdelay $0x2  }
0x542: {  	v32 =	vmul.f32 $5.656854150e+00, v32;
	_ =	sdelay $0x1  }
0x543: {  	[tilespmem:v33+s18+$0x0] =	vst.idx.msk $0xffff, v32  }
0x544: {  	v32 =	vld [tilespmem:s11+$0xFFFFFF50];
	_ =	sdelay $0x1  }
0x545: {  	v33 =	vadd.s32 s20, v5;
	_ =	sdelay $0x2  }
0x546: {  	v32 =	vmul.f32 $5.656854150e+00, v32;
	_ =	sdelay $0x1  }
0x547: {  	[tilespmem:v33+s18+$0x0] =	vst.idx.msk $0xffff, v32  }
0x548: {  	v32 =	vld [tilespmem:s11+$0xFFFFFF60];
	_ =	sdelay $0x1  }
0x549: {  	v33 =	vadd.s32 s20, v6;
	_ =	sdelay $0x2  }
0x54a: {  	v32 =	vmul.f32 $5.656854150e+00, v32;
	_ =	sdelay $0x1  }
0x54b: {  	[tilespmem:v33+s18+$0x0] =	vst.idx.msk $0xffff, v32  }
0x54c: {  	v32 =	vld [tilespmem:s11+$0xFFFFFF70];
	_ =	sdelay $0x1  }
0x54d: {  	v33 =	vadd.s32 s20, v7;
	_ =	sdelay $0x2  }
0x54e: {  	v32 =	vmul.f32 $5.656854150e+00, v32;
	_ =	sdelay $0x1  }
0x54f: {  	[tilespmem:v33+s18+$0x0] =	vst.idx.msk $0xffff, v32  }
0x550: {  	v32 =	vld [tilespmem:s11+$0xFFFFFF80];
	_ =	sdelay $0x1  }
0x551: {  	v33 =	vadd.s32 s20, v8;
	_ =	sdelay $0x2  }
0x552: {  	v32 =	vmul.f32 $5.656854150e+00, v32;
	_ =	sdelay $0x1  }
0x553: {  	[tilespmem:v33+s18+$0x0] =	vst.idx.msk $0xffff, v32  }
0x554: {  	v32 =	vld [tilespmem:s11+$0xFFFFFF90];
	_ =	sdelay $0x1  }
0x555: {  	v33 =	vadd.s32 s20, v9;
	_ =	sdelay $0x2  }
0x556: {  	v32 =	vmul.f32 $5.656854150e+00, v32;
	_ =	sdelay $0x1  }
0x557: {  	[tilespmem:v33+s18+$0x0] =	vst.idx.msk $0xffff, v32  }
0x558: {  	v32 =	vld [tilespmem:s11+$0xFFFFFFA0];
	_ =	sdelay $0x1  }
0x559: {  	v33 =	vadd.s32 s20, v10;
	_ =	sdelay $0x2  }
0x55a: {  	v32 =	vmul.f32 $5.656854150e+00, v32;
	_ =	sdelay $0x1  }
0x55b: {  	[tilespmem:v33+s18+$0x0] =	vst.idx.msk $0xffff, v32  }
0x55c: {  	v32 =	vld [tilespmem:s11+$0xFFFFFFB0];
	_ =	sdelay $0x1  }
0x55d: {  	v33 =	vadd.s32 s20, v11;
	_ =	sdelay $0x2  }
0x55e: {  	v32 =	vmul.f32 $5.656854150e+00, v32;
	_ =	sdelay $0x1  }
0x55f: {  	[tilespmem:v33+s18+$0x0] =	vst.idx.msk $0xffff, v32  }
0x560: {  	v32 =	vld [tilespmem:s11+$0xFFFFFFC0];
	_ =	sdelay $0x1  }
0x561: {  	v33 =	vadd.s32 s20, v12;
	_ =	sdelay $0x2  }
0x562: {  	v32 =	vmul.f32 $5.656854150e+00, v32;
	_ =	sdelay $0x1  }
0x563: {  	[tilespmem:v33+s18+$0x0] =	vst.idx.msk $0xffff, v32  }
0x564: {  	v32 =	vld [tilespmem:s11+$0xFFFFFFD0];
	_ =	sdelay $0x1  }
0x565: {  	v33 =	vadd.s32 s20, v13;
	_ =	sdelay $0x2  }
0x566: {  	v32 =	vmul.f32 $5.656854150e+00, v32;
	_ =	sdelay $0x1  }
0x567: {  	[tilespmem:v33+s18+$0x0] =	vst.idx.msk $0xffff, v32  }
0x568: {  	v32 =	vld [tilespmem:s11+$0xFFFFFFE0];
	_ =	sdelay $0x1  }
0x569: {  	v33 =	vadd.s32 s20, v14;
	_ =	sdelay $0x2  }
0x56a: {  	v32 =	vmul.f32 $5.656854150e+00, v32;
	_ =	sdelay $0x1  }
0x56b: {  	[tilespmem:v33+s18+$0x0] =	vst.idx.msk $0xffff, v32  }
0x56c: {  	v32 =	vld [tilespmem:s11+$0xFFFFFFF0];
	_ =	sdelay $0x1  }
0x56d: {  	v33 =	vadd.s32 s20, v15;
	_ =	sdelay $0x2  }
0x56e: {  	v32 =	vmul.f32 $5.656854150e+00, v32;
	_ =	sdelay $0x1  }
0x56f: {  	[tilespmem:v33+s18+$0x0] =	vst.idx.msk $0xffff, v32  }
0x570: {  	v32 =	vld [tilespmem:s11+$0x0];
	_ =	sdelay $0x1  }
0x571: {  	v33 =	vadd.s32 s20, v16;
	_ =	sdelay $0x2  }
0x572: {  	v32 =	vmul.f32 $5.656854150e+00, v32;
	_ =	sdelay $0x1  }
0x573: {  	[tilespmem:v33+s18+$0x0] =	vst.idx.msk $0xffff, v32  }
0x574: {  	v32 =	vld [tilespmem:s11+$0x10];
	_ =	sdelay $0x1  }
0x575: {  	v33 =	vadd.s32 s20, v17;
	_ =	sdelay $0x2  }
0x576: {  	v32 =	vmul.f32 $5.656854150e+00, v32;
	_ =	sdelay $0x1  }
0x577: {  	[tilespmem:v33+s18+$0x0] =	vst.idx.msk $0xffff, v32  }
0x578: {  	v32 =	vld [tilespmem:s11+$0x20];
	_ =	sdelay $0x1  }
0x579: {  	v33 =	vadd.s32 s20, v18;
	_ =	sdelay $0x2  }
0x57a: {  	v32 =	vmul.f32 $5.656854150e+00, v32;
	_ =	sdelay $0x1  }
0x57b: {  	[tilespmem:v33+s18+$0x0] =	vst.idx.msk $0xffff, v32  }
0x57c: {  	v32 =	vld [tilespmem:s11+$0x30];
	_ =	sdelay $0x1  }
0x57d: {  	v33 =	vadd.s32 s20, v19;
	_ =	sdelay $0x2  }
0x57e: {  	v32 =	vmul.f32 $5.656854150e+00, v32;
	_ =	sdelay $0x1  }
0x57f: {  	[tilespmem:v33+s18+$0x0] =	vst.idx.msk $0xffff, v32  }
0x580: {  	v32 =	vld [tilespmem:s11+$0x40];
	_ =	sdelay $0x1  }
0x581: {  	v33 =	vadd.s32 s20, v20;
	_ =	sdelay $0x2  }
0x582: {  	v32 =	vmul.f32 $5.656854150e+00, v32;
	_ =	sdelay $0x1  }
0x583: {  	[tilespmem:v33+s18+$0x0] =	vst.idx.msk $0xffff, v32  }
0x584: {  	v32 =	vld [tilespmem:s11+$0x50];
	_ =	sdelay $0x1  }
0x585: {  	v33 =	vadd.s32 s20, v21;
	_ =	sdelay $0x2  }
0x586: {  	v32 =	vmul.f32 $5.656854150e+00, v32;
	_ =	sdelay $0x1  }
0x587: {  	[tilespmem:v33+s18+$0x0] =	vst.idx.msk $0xffff, v32  }
0x588: {  	v32 =	vld [tilespmem:s11+$0x60];
	_ =	sdelay $0x1  }
0x589: {  	v33 =	vadd.s32 s20, v22;
	_ =	sdelay $0x2  }
0x58a: {  	v32 =	vmul.f32 $5.656854150e+00, v32;
	_ =	sdelay $0x1  }
0x58b: {  	[tilespmem:v33+s18+$0x0] =	vst.idx.msk $0xffff, v32  }
0x58c: {  	v32 =	vld [tilespmem:s11+$0x70];
	_ =	sdelay $0x1  }
0x58d: {  	v33 =	vadd.s32 s20, v23;
	_ =	sdelay $0x2  }
0x58e: {  	v32 =	vmul.f32 $5.656854150e+00, v32;
	_ =	sdelay $0x1  }
0x58f: {  	[tilespmem:v33+s18+$0x0] =	vst.idx.msk $0xffff, v32  }
0x590: {  	v32 =	vld [tilespmem:s11+$0x80];
	_ =	sdelay $0x1  }
0x591: {  	v33 =	vadd.s32 s20, v24;
	_ =	sdelay $0x2  }
0x592: {  	v32 =	vmul.f32 $5.656854150e+00, v32;
	_ =	sdelay $0x1  }
0x593: {  	[tilespmem:v33+s18+$0x0] =	vst.idx.msk $0xffff, v32  }
0x594: {  	v32 =	vld [tilespmem:s11+$0x90];
	_ =	sdelay $0x1  }
0x595: {  	v33 =	vadd.s32 s20, v25;
	_ =	sdelay $0x2  }
0x596: {  	v32 =	vmul.f32 $5.656854150e+00, v32;
	_ =	sdelay $0x1  }
0x597: {  	[tilespmem:v33+s18+$0x0] =	vst.idx.msk $0xffff, v32  }
0x598: {  	v32 =	vld [tilespmem:s11+$0xA0];
	_ =	sdelay $0x1  }
0x599: {  	v33 =	vadd.s32 s20, v26;
	_ =	sdelay $0x2  }
0x59a: {  	v32 =	vmul.f32 $5.656854150e+00, v32;
	_ =	sdelay $0x1  }
0x59b: {  	[tilespmem:v33+s18+$0x0] =	vst.idx.msk $0xffff, v32  }
0x59c: {  	v32 =	vld [tilespmem:s11+$0xB0];
	_ =	sdelay $0x1  }
0x59d: {  	v33 =	vadd.s32 s20, v27;
	_ =	sdelay $0x2  }
0x59e: {  	v32 =	vmul.f32 $5.656854150e+00, v32;
	_ =	sdelay $0x1  }
0x59f: {  	[tilespmem:v33+s18+$0x0] =	vst.idx.msk $0xffff, v32  }
0x5a0: {  	v32 =	vld [tilespmem:s11+$0xC0];
	_ =	sdelay $0x1  }
0x5a1: {  	v33 =	vadd.s32 s20, v28;
	_ =	sdelay $0x2  }
0x5a2: {  	v32 =	vmul.f32 $5.656854150e+00, v32;
	_ =	sdelay $0x1  }
0x5a3: {  	[tilespmem:v33+s18+$0x0] =	vst.idx.msk $0xffff, v32  }
0x5a4: {  	v32 =	vld [tilespmem:s11+$0xD0];
	_ =	sdelay $0x1  }
0x5a5: {  	v33 =	vadd.s32 s20, v29;
	_ =	sdelay $0x2  }
0x5a6: {  	v32 =	vmul.f32 $5.656854150e+00, v32;
	_ =	sdelay $0x1  }
0x5a7: {  	[tilespmem:v33+s18+$0x0] =	vst.idx.msk $0xffff, v32  }
0x5a8: {  	v32 =	vld [tilespmem:s11+$0xE0];
	_ =	sdelay $0x1  }
0x5a9: {  	v33 =	vadd.s32 s20, v30;
	_ =	sdelay $0x2  }
0x5aa: {  	v32 =	vmul.f32 $5.656854150e+00, v32;
	_ =	sdelay $0x1  }
0x5ab: {  	[tilespmem:v33+s18+$0x0] =	vst.idx.msk $0xffff, v32  }
0x5ac: {  	v33 =	vld [tilespmem:s11+$0xF0]  }
.Ltmp10:
0x5ad: {  	(pc) =	sbr.rel @p1 .LBB2_19-.Ltmp10, $2  }
0x5ae: {  	v32 =	vadd.s32 s20, v31;
	_ =	sdelay $0x2  }
0x5af: {  	v33 =	vmul.f32 $5.656854150e+00, v33  }
0x5b0: {  	s10 =	sadd.s32 s3, s10  }
0x5b1: {  	s11 =	sshll.u32 s10, $0x5  }
0x5b2: {  	s10 =	sshll.u32 s10, $0xA;
	s11 =	sand.u32 $0x7E0, s11  }
0x5b3: {  	s10 =	sand.u32 $0xFFF0000, s10;
	s11 =	sadd.s32 s5, s11  }
0x5b4: {  	s23 =	simm.s32 $0x18800;
	[tilespmem:v32+s18+$0x0] =	vst.idx.msk $0xffff, v33;
	s10 =	sadd.s32 s10, s11;
	s11 =	simm.s32 $0x420  }
0x5b5: {  	[hbm4b:s10+s2] =	stream.linear.scatter [tilespmem:s23], [sflag:$0xA], $0x100, $0x38;
	[tilespmem:$0x1A900] =	vst v63  }
.LBB2_21:
0x5b6: {  	p1 =	sne.s32 s11, $0x7FE0  }
.Ltmp11:
0x5b7: {  	_ = 	snop;
	(pc) =	sbr.rel @p1 .LBB2_21-.Ltmp11, $4  }
0x5b8: {  	_ = 	snop  }
0x5b9: {  	s19 =	sshra.s32 s11, $0x2;
	s11 =	sadd.s32 $0x420, s11  }
0x5ba: {  	s10 =	sadd.s32 $0x800, s10;
	s19 =	sadd.s32 $0x18800, s19  }
0x5bb: {  	[hbm4b:s10+s2] =	stream.linear.scatter [tilespmem:s19], [sflag:$0xA], $0x100, $0x38;
	[tilespmem:$0x1A900] =	vst v63  }
.Ltmp12:
0x5bc: {  	(pc) =	sbr.rel @p0 .LBB2_24-.Ltmp12, $1  }
0x5bd: {  	_ =	sdelay $0x3  }
0x5be: {  	s10 =	smul.u32 $0x1400, s6  }
0x5bf: {  	_ =	swait.ge [sflag:s22], $0x2000  }
.Ltmp13:
0x5c0: {  	[sflag:s22] =	ssyncset.done $0x0;
	s10 =	sshra.s32 s10, $0x2;
	(pc) =	sbr.rel .LBB2_2-.Ltmp13, $4  }
0x5c1: {  	[sflag:s22] =	ssyncadd.s32 $0xFFFFE000;
	s11 =	sadd.s32 $0x800, s10  }
0x5c2: {  	[tilespmem:s24], [sflag:$0x4] =	stream.indirect.gather [hbm4b:s4+s12], $0x20, s11, s12, $0xb8;
	[tilespmem:$0x1A900] =	vst v63  }
0x5c3: {  	s6 =	sadd.s32 $0x1, s6;
	s10 =	sadd.s32 $0x880, s10  }
0x5c4: {  	[tilespmem:s26], [sflag:$0x4] =	stream.indirect.gather [hbm4b:s4+s12], $0x20, s10, s12, $0xb8;
	[tilespmem:$0x1A900] =	vst v63  }
.LBB2_25:
0x5c5: {  	_ =	sfence.sel $0x180000  }
0x5c6: {  	[bflag:$0x0] =	sbarrier.arrive $0xFFFF  }
0x5c7: {  	_ =	strace $0x9000004A  }
0x5c8: {  	s0 =	stileid.u32;
	[bflag:$0x2] =	sbarrier.arrive $0xFFFF  }
0x5c9: {  	p0 =	sne.s32 s0, $0x0;
	s0 =	rddreg [dreg:$0x2]  }
0x5ca: {  	s0 =	sadd.s32 @!p0 $0x100000, s0  }
0x5cb: {  	[sflag:s0] =	ssyncadd.tile.s32 @!p0 $0x1;
	_ =	shalt  }
.Lfunc_end2:
_tile_overlayer_lowered:
.L_overlay_start_2:
0x5cc: {  	(tag) =	ssettag $0x2  }
0x5cd: {  	s0 =	rddreg [dreg:$0x0];
	s2 =	stileid.u32  }
0x5ce: {  	s1 =	rddreg [dreg:$0x1];
	p0 =	sne.s32 s2, $0x0  }
0x5cf: {  	s3 =	rddreg [dreg:$0x2];
	[bflag:$0x3] =	sbarrier.arrive $0xFFFF;
	s2 =	simm.s32 @!p0 $0x1C0B  }
0x5d0: {  	[timem:s3], [sflag:s2] =	dma.local @!p0 [hbm:s0], s1  }
0x5d1: {  	s0 =	simm.s32 @!p0 $0xB  }
0x5d2: {  	_ =	swait.ge @!p0 [sflag:s0], s1  }
0x5d3: {  	s1 =	ssub.s32 @!p0 $0x0, s1;
	[sflag:s0] =	ssyncset.done @!p0 $0x0  }
0x5d4: {  	[sflag:s0] =	ssyncadd.s32 @!p0 s1  }
0x5d5: {  	[bflag:$0x3] =	sbarrier.arrive $0xFFFF  }
0x5d6: {  	_ =	shalt  }

// kernel: sparse-core-data-format-call.cloned.1.call-start
scs
called_computation_lowered:
.L_overlay_start_0:
0x0: {  	s2 =	sld [smem:$0x3FD9]  }
0x1: {  	s3 =	sld [smem:$0x3FFE];
	_ =	sdelay $0x1  }
0x2: {  	s1 =	srdreg.scid  }
0x3: {  	s0 =	sand.u32 $0x1, s1  }
0x4: {  	s18 =	sshll.u32 s0, $0xA;
	s2 =	sadd.s32 s3, s2  }
0x5: {  	s2 =	sadd.s32 s2, s18  }
0x6: {  	[smem:$0x3FC6] =	sst s2  }
0x7: {  	_ = 	snop  }
0x8: {  	s2 =	sld [smem:$0x3FC8];
	(tm) =	ssettm $0x1  }
0x9: {  	s19 =	sld [smem:$0x3FFB];
	_ =	sdelay $0x3  }
0xa: {  	_ =	strace s19  }
0xb: {  	s3 =	sld [smem:$0x3FFC];
	_ =	sdelay $0x3  }
0xc: {  	_ =	strace s3  }
0xd: {  	s3 =	sld [smem:$0x3FFD];
	_ =	sdelay $0x3  }
0xe: {  	_ =	strace s3  }
0xf: {  	_ =	strace $0x8FFFFFFF  }
0x10: {  	s20 =	sld [smem:$0x3FDB];
	_ =	sdelay $0x1  }
0x11: {  	s4 =	simm.s32 $_scs_section_size  }
0x12: {  	s5 =	simm.s32 $_size__tile_overlayer_lowered;
	s6 =	simm.s32 $_tile_overlayer_lowered  }
0x13: {  	s23 =	simm.s32 $0x1BFF;
	s22 =	sshll.u32 s6, $0x1;
	s3 =	sadd.s32 s4, s20  }
0x14: {  	s7 =	simm.s32 $0x0;
	s21 =	sshll.u32 s5, $0x1;
	s5 =	sadd.s32 s22, s3  }
0x15: {  	[timem:s7], [sflag:s23] =	dma.local [hbm:s5], s21  }
0x16: {  	_ =	swait.ge [sflag:s23], s21  }
0x17: {  	s4 =	ssub.s32 $0x0, s21;
	[sflag:s23] =	ssyncset.done $0x0  }
0x18: {  	[sflag:s23] =	ssyncadd.s32 s4;
	_ =	sdelay $0x1  }
0x19: {  	s24 =	simm.s32 $0x1B8B  }
0x1a: {  	_ =	swait.ge [sflag:s24], $0x1  }
0x1b: {  	[sflag:s24] =	ssyncset.done $0x0  }
0x1c: {  	s26 =	simm.s32 $0x1B8E;
	s25 =	sld [smem:$0x3FFE];
	[sflag:s24] =	ssyncadd.s32 $0xFFFFFFFF  }
0x1d: {  	s27 =	simm.s32 $execute0_lowered;
	[smem:$0x3FD2] =	sst s26  }
0x1e: {  	s5 =	sshll.u32 s27, $0x1;
	_ =	strace $0x80000046;
	[dreg:$0x1] =	wrdreg $0xFFFFFFFF  }
0x1f: {  	s28 =	simm.s32 $_size_execute0_lowered;
	s3 =	sadd.s32 s3, s5;
	[dreg:$0x0] =	wrdreg $0x0  }
0x20: {  	s5 =	sshll.u32 s28, $0x1;
	[dreg:$0x2] =	wrdreg s3  }
0x21: {  	[dreg:$0x3] =	wrdreg s5  }
0x22: {  	[dreg:$0x4] =	wrdreg $0xC0  }
0x23: {  	_ =	task [dreg:s7], $0x5FFFF  }
0x24: {  	[dreg:$0x1] =	wrdreg $0xFFFFFFFF  }
0x25: {  	[dreg:$0x0] =	wrdreg $0x60  }
0x26: {  	[dreg:$0x2] =	wrdreg s2  }
0x27: {  	[dreg:$0x3] =	wrdreg s25  }
0x28: {  	[dreg:$0x4] =	wrdreg $0x9  }
0x29: {  	_ =	task.clear_ibuf [dreg:s7], $0x5FFFF;
	_ =	strace $0x90000046  }
0x2a: {  	s29 =	simm.s32 $0x9;
	_ =	strace $0x80000048  }
0x2b: {  	_ =	swait.ge [sflag:s29], $0x1  }
0x2c: {  	[sflag:s29] =	ssyncadd.s32 $0xFFFFFFFF  }
0x2d: {  	_ =	strace $0x90000048  }
0x2e: {  	_ =	sfence  }
0x2f: {  	s30 =	sld [smem:$0x0];
	_ =	sdelay $0x2  }
0x30: {  	s31 =	sshll.u32 s1, $0xD;
	s1 =	sshrl.u32 s1, $0x2  }
0x31: {  	s3 =	sand.u32 $0x4000, s31;
	s1 =	sadd.s32 s1, s30  }
0x32: {  	s0 =	sor.u32 s3, s0;
	s1 =	sshll.u32 s1, $0x11  }
0x33: {  	s0 =	sor.u32 s1, s0  }
0x34: {  	s0 =	sadd.s32 $0x8F2B, s0  }
0x35: {  	[sflag:s0] =	ssyncadd.remote.s32 $0x1  }
0x36: {  	_ =	sfence.sel $0xFFFF  }
0x37: {  	[dreg:$0x0] =	wrdreg $0xFFFFFFFF;
	(pc) =	sbr.abs _section_cstart, $3  }
0x38: {  	[dreg:$0x1] =	wrdreg $0xFFFFFFFF  }
0x39: {  	_ =	task.clear_ibuf [dreg:s7], $0x2FFFF;
	_ =	strace $0x9FFFFFFF  }
0x3a: {  	(tm) =	ssettm $0x7FFFFFFF  }
0x3b: {  	_ =	shalt  }
tec
execute0_lowered:
.L_overlay_start_1:
0x0: {  	(tag) =	ssettag $0x1  }
0x1: {  	s0 =	srdreg.scid;
	s2 =	rddreg [dreg:$0x0]  }
0x2: {  	s5 =	rddreg [dreg:$0x1];
	s1 =	stileid.u32  }
0x3: {  	s4 =	simm.s32 $0x1;
	s6 =	simm.s32 $0x2;
	s15 =	simm.s32 $0x0  }
0x4: {  	p0 =	por $0x0, $0x0;
	s8 =	simm.s32 $0x80;
	s0 =	sshll.u32 s0, $0x4  }
0x5: {  	s14 =	simm.s32 $0x0;
	s9 =	simm.s32 $0x0;
	s3 =	sand.u32 $0x10, s0  }
.Ltmp0:
0x6: {  	s10 =	simm.s32 $0x0;
	s3 =	sor.u32 s1, s3;
	(pc) =	sbr.rel .LBB1_1-.Ltmp0, $4  }
0x7: {  	s0 =	rddreg [dreg:$0x2];
	_ =	strace $0x80000047;
	s3 =	sshll.u32 s3, $0x7  }
0x8: {  	s12 =	simm.s32 $0x0;
	[sflag:s4] =	ssyncpa.u1 $0x0;
	s7 =	ssub.s32 $0xF4200, s3  }
0x9: {  	s13 =	simm.s32 $0x0;
	[sflag:s6] =	ssyncpa.u1 $0x0;
	s6 =	sshrl.u32 s7, $0xC  }
0xa: {  	s5 =	sadd.s32 $0xA00, s5;
	s11 =	smov.u32 s3;
	s7 =	sadd.s32 $0x2, s6  }
.LBB1_5:
0xb: {  	p1 =	slt.u32 s13, $0x2  }
0xc: {  	s17 =	smov.u32 s15;
	p2 =	sgt.s32 @!p1 s15, $0xF41C0;
	s16 =	sshra.s32 @!p1 s15, $0x1F  }
0xd: {  	p3 =	sgt.s32 @!p1 s14, $0x60;
	s18 =	sshra.s32 @!p1 s14, $0x1F;
	p2 =	por !p2, p1  }
0xe: {  	s15 =	sand.u32 @!p1 s16, s15;
	p3 =	por !p3, p1;
	s16 =	smov.u32 s14  }
0xf: {  	s14 =	sand.u32 @!p1 s18, s14;
	s17 =	simm.s32 @p2 $0xF41C0;
	s16 =	simm.s32 @p3 $0x60  }
0x10: {  	s15 =	ssub.s32 @!p1 s17, s15;
	s14 =	ssub.s32 @!p1 s16, s14  }
0x11: {  	s18 =	smov.u32 s12;
	s16 =	sadd.s32 @!p1 $0xFFF0BE40, s15;
	s17 =	sadd.s32 @!p1 $0xFFFFFFA0, s14  }
0x12: {  	s15 =	ssub.s32 @!p1 $0xF4240, s15;
	p2 =	sgt.s32 @!p1 s16, $0x7F;
	p3 =	sgt.s32 @!p1 s17, $0x1F  }
0x13: {  	s14 =	ssub.s32 @!p1 $0x80, s14;
	p2 =	por !p2, p1;
	p3 =	por !p3, p1  }
0x14: {  	s16 =	sadd.s32 $0x1000, s11;
	s15 =	simm.s32 @!p2 $0x0;
	s14 =	simm.s32 @!p3 $0x0  }
0x15: {  	p2 =	sgt.s32 s16, $0xF423F;
	s14 =	smul.u32 @!p1 s14, s15;
	s15 =	sadd.s32 $0x20, s12  }
0x16: {  	s18 =	smov.u32 @p2 s15  }
0x17: {  	s16 =	smov.u32 @p2 s3;
	p2 =	sgt.s32 s18, $0x1F  }
0x18: {  	s18 =	simm.s32 @p2 $0x0;
	p2 =	sne.s32 s13, s7  }
.Ltmp1:
0x19: {  	p0 =	por !p0, !p0;
	s17 =	simm.s32 @!p1 $0x2;
	(pc) =	sbr.rel @!p2 .LBB1_6-.Ltmp1, $4  }
0x1a: {  	s15 =	smov.u32 s9;
	s9 =	smov.u32 s11;
	s14 =	sand.u32 @!p1 $0x3FFFFFFF, s14  }
0x1b: {  	s11 =	smov.u32 s16;
	_ =	swait.ge @!p1 [sflag:s17], s14;
	s19 =	ssub.s32 @!p1 $0x0, s14  }
0x1c: {  	s14 =	smov.u32 s10;
	s13 =	sadd.s32 $0x1, s13;
	[sflag:s17] =	ssyncset.done @!p1 $0x0  }
0x1d: {  	s10 =	smov.u32 s12;
	s12 =	smov.u32 s18;
	[sflag:s17] =	ssyncadd.s32 @!p1 s19  }
.LBB1_1:
0x1e: {  	p1 =	sgt.u32 s13, s6  }
0x1f: {  	s16 =	sshrl.u32 @!p1 s12, $0x3  }
0x20: {  	s17 =	sshll.u32 @!p1 s11, $0x3;
	s16 =	smul.u32 @!p1 $0x7A1400, s16  }
0x21: {  	s18 =	sshll.u32 @!p1 s12, $0x7;
	s17 =	sand.u32 @!p1 $0xFFFFFC00, s17  }
0x22: {  	s16 =	sadd.s32 @!p1 s16, s17;
	s17 =	sand.u32 @!p1 $0x380, s18  }
0x23: {  	s18 =	sand.u32 @!p1 $0x7F, s11;
	s16 =	sor.u32 @!p1 s17, s16  }
0x24: {  	s17 =	sor.u32 @!p1 s18, s16  }
0x25: {  	s18 =	smulhi.u32 @!p1 $0x218D6287, s17;
	_ =	sdelay $0x1  }
0x26: {  	s16 =	smulhi.u32 @!p1 $0x218D6287, s16;
	s18 =	sshrl.u32 @!p1 s18, $0x11  }
0x27: {  	s18 =	smul.u32 @!p1 $0xF4280, s18  }
0x28: {  	s19 =	sxor.u32 @!p1 $0xFFFFFFFF, s13;
	s16 =	sshrl.u32 @!p1 s16, $0x11  }
0x29: {  	s19 =	sshll.u32 @!p1 s19, $0xC;
	s16 =	sand.u32 @!p1 $0x1F, s16;
	s17 =	ssub.s32 @!p1 s17, s18  }
0x2a: {  	s16 =	smul.u32 @!p1 $0x1E850, s16;
	s18 =	sshrl.u32 @!p1 s17, $0x3;
	s17 =	sand.u32 @!p1 $0x7, s17  }
0x2b: {  	s19 =	sand.u32 @!p1 $0x1000, s19;
	s18 =	sadd.s32 @!p1 s2, s18;
	s17 =	sshll.u32 @!p1 s17, $0x12  }
0x2c: {  	s16 =	sadd.s32 @!p1 s16, s18;
	s17 =	sor.u32 @!p1 $0x400, s17;
	s18 =	simm.s32 @!p1 $0x7A1400  }
0x2d: {  	[tilespmem:s19], [sflag:$0x1] =	stream.strided.gather @!p1 [hbm4b:s16+s17], $0x1000, s18, s17, $0x38;
	[tilespmem:$0x4100] =	vst v63  }
0x2e: {  	p1 =	seq.s32 s13, $0x0  }
0x2f: {  	p2 =	sge.u32 @!p1 s13, s7  }
0x30: {  	p1 =	por p1, p2  }
.Ltmp2:
0x31: {  	_ = 	snop;
	(pc) =	sbr.rel @p1 .LBB1_5-.Ltmp2, $1  }
0x32: {  	_ =	sdelay $0x3  }
0x33: {  	s16 =	simm.s32 $0x1  }
0x34: {  	_ =	swait.ge [sflag:s4], $0x1000;
	s16 =	simm.s32 @!p0 $0x0  }
0x35: {  	[sflag:s4] =	ssyncset.done $0x0;
	s17 =	sshll.u32 s16, $0xC  }
0x36: {  	[sflag:s4] =	ssyncadd.s32 $0xFFFFF000;
	s17 =	sor.u32 $0x40, s17  }
0x37: {  	s16 =	smul.u32 $0x4200, s16;
	v0 =	vld [tilespmem:s17+$0x30]  }
0x38: {  	v1 =	vld [tilespmem:s17+$0xFFFFFFD0]  }
0x39: {  	s16 =	sshrl.u32 s16, $0x2;
	v5 =	vld [tilespmem:s17+$0xFFFFFFE0]  }
0x3a: {  	v6 =	vld [tilespmem:s17+$0xFFFFFFF0];
	s19 =	sor.u32 $0x2000, s16  }
0x3b: {  	s31 =	sand.u32 $0x1, s13;
	v4 =	vld [tilespmem:s17+$0x0];
	s18 =	sadd.s32 $0x0, s19  }
0x3c: {  	v3 =	vld [tilespmem:s17+$0x10];
	s16 =	smul.u32 $0x4200, s31;
	[tilespmem:s18+$0xE70 ss:$0x21] =	vst.msk $0xffff, v0  }
0x3d: {  	v2 =	vld [tilespmem:s17+$0x20];
	[tilespmem:s18+$0x210 ss:$0x21] =	vst.msk $0xffff, v1  }
0x3e: {  	s16 =	sshrl.u32 s16, $0x2;
	v1 =	vld [tilespmem:s17+$0xFFFFFFC0];
	[tilespmem:s18+$0x420 ss:$0x21] =	vst.msk $0xffff, v5;
	s17 =	sadd.s32 $0x80, s17  }
0x3f: {  	s20 =	simm.s32 $0x4;
	s21 =	simm.s32 $0x8;
	s16 =	sor.u32 $0x2000, s16;
	[tilespmem:s18+$0x630 ss:$0x21] =	vst.msk $0xffff, v6;
	v0 =	vld [tilespmem:s17+$0x30]  }
.LBB1_3:
0x40: {  	p1 =	sne.s32 s21, $0x7C;
	v5 =	vld [tilespmem:s17+$0xFFFFFFD0];
	[tilespmem:s18+$0x840 ss:$0x21] =	vst.msk $0xffff, v4  }
0x41: {  	v6 =	vld [tilespmem:s17+$0xFFFFFFE0];
	[tilespmem:s18+$0xA50 ss:$0x21] =	vst.msk $0xffff, v3  }
0x42: {  	s22 =	sshra.s32 s20, $0x2;
	s20 =	smov.u32 s21;
	v7 =	vld [tilespmem:s17+$0xFFFFFFF0];
	[tilespmem:s18+$0xC60 ss:$0x21] =	vst.msk $0xffff, v2  }
.Ltmp3:
0x43: {  	v4 =	vld [tilespmem:s17+$0x0];
	[tilespmem:s18+$0x0 ss:$0x21] =	vst.msk $0xffff, v1;
	s18 =	sadd.s32 s22, s19;
	(pc) =	sbr.rel @p1 .LBB1_3-.Ltmp3, $4  }
0x44: {  	v3 =	vld [tilespmem:s17+$0x10];
	[tilespmem:s18+$0xE70 ss:$0x21] =	vst.msk $0xffff, v0  }
0x45: {  	[tilespmem:s18+$0x210 ss:$0x21] =	vst.msk $0xffff, v5;
	v2 =	vld [tilespmem:s17+$0x20]  }
0x46: {  	v1 =	vld [tilespmem:s17+$0xFFFFFFC0];
	[tilespmem:s18+$0x420 ss:$0x21] =	vst.msk $0xffff, v6;
	s17 =	sadd.s32 $0x80, s17  }
0x47: {  	s21 =	sadd.s32 $0x4, s21;
	v0 =	vld [tilespmem:s17+$0x30];
	[tilespmem:s18+$0x630 ss:$0x21] =	vst.msk $0xffff, v7  }
0x48: {  	s21 =	sshll.u32 s9, $0x7;
	s22 =	sshll.u32 s10, $0x3;
	s20 =	sshra.s32 s20, $0x2  }
0x49: {  	p1 =	sgt.s32 s9, $0xF41C0;
	s30 =	sshra.s32 s9, $0x1F;
	s25 =	sshra.s32 s10, $0x1F  }
0x4a: {  	v5 =	vld [tilespmem:s17+$0xFFFFFFD0];
	s28 =	sshrl.u32 s10, $0x3;
	s23 =	sand.u32 $0xFFFFFC00, s21;
	s22 =	sand.u32 $0xFFFFFC00, s22  }
0x4b: {  	[tilespmem:s18+$0x840 ss:$0x21] =	vst.msk $0xffff, v4;
	v58 =	vld [tilespmem:s17+$0xFFFFFFE0];
	s21 =	sand.u32 $0x380, s21;
	s19 =	sadd.s32 s20, s19;
	s22 =	sadd.s32 s22, s23  }
0x4c: {  	v59 =	vld [tilespmem:s17+$0xFFFFFFF0];
	[tilespmem:s18+$0xA50 ss:$0x21] =	vst.msk $0xffff, v3;
	s29 =	sor.u32 s21, s22;
	s21 =	smov.u32 s9;
	s22 =	sand.u32 s30, s9  }
0x4d: {  	v60 =	vld [tilespmem:s17+$0x0];
	[tilespmem:s18+$0xC60 ss:$0x21] =	vst.msk $0xffff, v2;
	s30 =	sand.u32 $0x7, s10;
	s20 =	sshrl.u32 s29, $0x7;
	s21 =	simm.s32 @!p1 $0xF41C0  }
0x4e: {  	v61 =	vld [tilespmem:s17+$0x10];
	[tilespmem:s18+$0x0 ss:$0x21] =	vst.msk $0xffff, v1;
	p1 =	sgt.s32 s10, $0x60;
	s24 =	ssub.s32 s21, s22;
	s21 =	smov.u32 s10  }
0x4f: {  	v62 =	vld [tilespmem:s17+$0x20];
	[tilespmem:s19+$0xE70 ss:$0x21] =	vst.msk $0xffff, v0;
	s31 =	smulhi.u32 $0x218DEF5, s20;
	s22 =	sand.u32 s25, s10;
	s21 =	simm.s32 @!p1 $0x60  }
0x50: {  	v63 =	vld [tilespmem:s17+$0xFFFFFFC0];
	[tilespmem:s19+$0x210 ss:$0x21] =	vst.msk $0xffff, v5;
	s26 =	sadd.s32 $0xFFF0BE40, s24;
	s17 =	ssub.s32 $0xF4240, s24;
	s21 =	ssub.s32 s21, s22  }
0x51: {  	[tilespmem:s19+$0x420 ss:$0x21] =	vst.msk $0xffff, v58;
	s23 =	sshrl.u32 s31, $0xD;
	p1 =	sgt.s32 s26, $0x7F;
	s27 =	sadd.s32 $0xFFFFFFA0, s21  }
0x52: {  	[tilespmem:s19+$0x630 ss:$0x21] =	vst.msk $0xffff, v59;
	s23 =	smul.u32 $0xF4240, s23;
	s18 =	ssub.s32 $0x80, s21;
	p2 =	sgt.s32 s27, $0x1F  }
.Ltmp4:
0x53: {  	[tilespmem:s19+$0x840 ss:$0x21] =	vst.msk $0xffff, v60;
	s17 =	simm.s32 @p1 $0x0;
	s18 =	simm.s32 @p2 $0x0;
	(pc) =	sbr.rel .LBB1_5-.Ltmp4, $4  }
0x54: {  	s29 =	sand.u32 $0xF, s28;
	[tilespmem:s19+$0xA50 ss:$0x21] =	vst.msk $0xffff, v61;
	s20 =	ssub.s32 s20, s23;
	s17 =	smul.u32 s18, s17  }
0x55: {  	[tilespmem:s19+$0xC60 ss:$0x21] =	vst.msk $0xffff, v62;
	s21 =	sshll.u32 s30, $0x12;
	s20 =	sshll.u32 s20, $0x4;
	s18 =	sadd.s32 s5, s29  }
0x56: {  	[tilespmem:s19+$0x0 ss:$0x21] =	vst.msk $0xffff, v63;
	s31 =	sor.u32 $0x20, s21;
	s18 =	sadd.s32 s20, s18;
	s17 =	sand.u32 $0x3FFFFFFF, s17  }
0x57: {  	[hbm4b:s18+s31] =	stream.strided.scatter [tilespmem:s16], [sflag:$0x2], s17, s8, s31, $0x10;
	[tilespmem:$0x4100] =	vst v63  }
.LBB1_6:
0x58: {  	_ =	sfence.sel $0x180000  }
0x59: {  	s2 =	simm.s32 $0x1;
	[bflag:$0x0] =	sbarrier.arrive $0xFFFF  }
0x5a: {  	s31 =	simm.s32 $0x2;
	[sflag:s2] =	ssyncpa.u1 $0x1  }
0x5b: {  	[sflag:s31] =	ssyncpa.u1 $0x1  }
0x5c: {  	p0 =	sne.s32 s1, $0x0;
	_ =	strace $0x90000047  }
0x5d: {  	s0 =	sadd.s32 @!p0 $0x100000, s0;
	[bflag:$0x2] =	sbarrier.arrive $0xFFFF  }
0x5e: {  	[sflag:s0] =	ssyncadd.tile.s32 @!p0 $0x1;
	_ =	shalt  }
.Lfunc_end1:
_tile_overlayer_lowered:
.L_overlay_start_2:
0x5f: {  	(tag) =	ssettag $0x2  }
0x60: {  	s0 =	rddreg [dreg:$0x0];
	s2 =	stileid.u32  }
0x61: {  	s1 =	rddreg [dreg:$0x1];
	p0 =	sne.s32 s2, $0x0  }
0x62: {  	s3 =	rddreg [dreg:$0x2];
	[bflag:$0x3] =	sbarrier.arrive $0xFFFF;
	s2 =	simm.s32 @!p0 $0x1C01  }
0x63: {  	[timem:s3], [sflag:s2] =	dma.local @!p0 [hbm:s0], s1  }
0x64: {  	s0 =	simm.s32 @!p0 $0x1  }
0x65: {  	_ =	swait.ge @!p0 [sflag:s0], s1  }
0x66: {  	s1 =	ssub.s32 @!p0 $0x0, s1;
	[sflag:s0] =	ssyncset.done @!p0 $0x0  }
0x67: {  	[sflag:s0] =	ssyncadd.s32 @!p0 s1  }
0x68: {  	[bflag:$0x3] =	sbarrier.arrive $0xFFFF  }
0x69: {  	_ =	shalt  }

</sc_bundles>
